<compile_context>
chip_gen: v7x
topology: tpu7x:2x2x1
jax: 0.10.2.dev20260603
libtpu: 0.0.44.dev20260713+nightly
codegen_flags: <defaults>
</compile_context>

<pallas_src>
import functools

import jax
import jax.numpy as jnp
from jax import lax
from jax.experimental import pallas as pl
from jax.experimental.pallas import tpu as pltpu
from jax.experimental.pallas import tpu_sc as plsc

NS = 16
NC = 2
NW = NS * NC
CHUNK = 128


def _cdiv(a, b):
    return (a + b - 1) // b


def _sc_mesh():
    return plsc.VectorSubcoreMesh(core_axis_name="c", subcore_axis_name="s")


def _build_hist(e_pad, n_pad, k=8):
    cpt = e_pad // (NW * CHUNK)
    rpt = n_pad // NS
    groups = cpt // k

    @functools.partial(
        pl.kernel,
        mesh=_sc_mesh(),
        compiler_params=pltpu.CompilerParams(use_tc_tiling_on_sc=False),
        out_type=jax.ShapeDtypeStruct((NC, n_pad, 16), jnp.float32),
        scratch_types=[
            pltpu.VMEM((cpt, CHUNK), jnp.int32),
            pltpu.VMEM((CHUNK, 16), jnp.float32),
            pltpu.VMEM_SHARED((n_pad, 16), jnp.float32),
            pltpu.SemaphoreType.DMA,
        ],
    )
    def hist(dst_hbm, ones_hbm, zeros_hbm, out_hbm, dst_v, ones_v, deg_sh, ssem):
        c = lax.axis_index("c")
        s = lax.axis_index("s")
        wid = c * NS + s
        row0 = pl.multiple_of(s * rpt, 8)
        pltpu.sync_copy(dst_hbm.at[pl.ds(wid * cpt, cpt)], dst_v)
        pltpu.sync_copy(ones_hbm, ones_v)
        pltpu.sync_copy(zeros_hbm.at[pl.ds(row0, rpt)], deg_sh.at[pl.ds(row0, rpt)])
        plsc.subcore_barrier()

        def group(g, carry):
            hs = [pltpu.async_copy(ones_v, deg_sh.at[dst_v.at[g * k + b]],
                                   ssem, add=True)
                  for b in range(k)]
            for h in hs:
                h.wait()
            return carry

        lax.fori_loop(0, groups, group, 0)
        plsc.subcore_barrier()
        pltpu.sync_copy(deg_sh.at[pl.ds(row0, rpt)], out_hbm.at[c, pl.ds(row0, rpt)])

    return hist


def _build_prop(n_pad, d, k, phases, c0, c1):
    rpt = n_pad // NS
    slab0, slab1 = c0 // phases, c1 // phases
    g0, g1 = slab0 // k, slab1 // k
    assert g0 * k == slab0 and g1 * k == slab1
    slab = max(slab0, slab1)

    @functools.partial(
        pl.kernel,
        mesh=_sc_mesh(),
        compiler_params=pltpu.CompilerParams(use_tc_tiling_on_sc=False),
        out_type=jax.ShapeDtypeStruct((NC, n_pad, d), jnp.float32),
        scratch_types=[
            pltpu.VMEM((slab, CHUNK), jnp.int32),
            pltpu.VMEM((slab, CHUNK), jnp.int32),
            pltpu.VMEM((k, CHUNK, d), jnp.float32),
            pltpu.VMEM_SHARED((n_pad, d), jnp.float32),
            pltpu.SemaphoreType.DMA,
            pltpu.SemaphoreType.DMA,
        ],
    )
    def prop(y_hbm, src_hbm, dst_hbm, out_hbm,
             src_v, dst_v, rows_v, acc_sh, gsem, ssem):
        c = lax.axis_index("c")
        s = lax.axis_index("s")
        is0 = c == 0
        row0 = pl.multiple_of(s * rpt, 8)

        def zrow(i, carry):
            for j in range(d // 16):
                rows_v[0, i, pl.ds(j * 16, 16)] = jnp.zeros((16,), jnp.float32)
            return carry

        lax.fori_loop(0, CHUNK, zrow, 0)
        nfull, rem = rpt // CHUNK, rpt % CHUNK
        for q in range(nfull):
            pltpu.sync_copy(rows_v.at[0],
                            acc_sh.at[pl.ds(row0 + q * CHUNK, CHUNK)])
        if rem:
            pltpu.sync_copy(rows_v.at[0, pl.ds(0, rem)],
                            acc_sh.at[pl.ds(row0 + nfull * CHUNK, rem)])
        plsc.subcore_barrier()

        def group(g, carry):
            gh = [pltpu.async_copy(y_hbm.at[src_v.at[g * k + b]], rows_v.at[b], gsem)
                  for b in range(k)]
            sh = []
            for b in range(k):
                gh[b].wait()
                sh.append(pltpu.async_copy(rows_v.at[b],
                                           acc_sh.at[dst_v.at[g * k + b]],
                                           ssem, add=True))
            for h in sh:
                h.wait()
            return carry

        groups_ph = jnp.where(is0, g0, g1)
        for ph in range(phases):
            @pl.when(is0)
            def _():
                base = s * c0 + ph * slab0
                pltpu.sync_copy(src_hbm.at[pl.ds(base, slab0)],
                                src_v.at[pl.ds(0, slab0)])
                pltpu.sync_copy(dst_hbm.at[pl.ds(base, slab0)],
                                dst_v.at[pl.ds(0, slab0)])

            @pl.when(jnp.logical_not(is0))
            def _():
                base = NS * c0 + s * c1 + ph * slab1
                pltpu.sync_copy(src_hbm.at[pl.ds(base, slab1)],
                                src_v.at[pl.ds(0, slab1)])
                pltpu.sync_copy(dst_hbm.at[pl.ds(base, slab1)],
                                dst_v.at[pl.ds(0, slab1)])

            lax.fori_loop(0, groups_ph, group, 0)
        plsc.subcore_barrier()
        pltpu.sync_copy(acc_sh.at[pl.ds(row0, rpt)], out_hbm.at[c, pl.ds(row0, rpt)])

    return prop


_ROWS = 400


def _tc_stage1(x, w1, hist):
    n, d_in = x.shape
    d_h = w1.shape[1]

    def body(x_ref, w_ref, h_ref, y_ref, dis_ref):
        deg = h_ref[0, :, 0:1] + h_ref[1, :, 0:1] + 1.0
        dis = lax.rsqrt(deg)
        xw = jnp.dot(x_ref[...], w_ref[...], preferred_element_type=jnp.float32)
        y_ref[...] = xw * dis
        dis_ref[...] = dis

    return pl.pallas_call(
        body,
        grid=(n // _ROWS,),
        in_specs=[
            pl.BlockSpec((_ROWS, d_in), lambda i: (i, 0)),
            pl.BlockSpec((d_in, d_h), lambda i: (0, 0)),
            pl.BlockSpec((NC, _ROWS, 16), lambda i: (0, i, 0)),
        ],
        out_specs=[
            pl.BlockSpec((_ROWS, d_h), lambda i: (i, 0)),
            pl.BlockSpec((_ROWS, 1), lambda i: (i, 0)),
        ],
        out_shape=[
            jax.ShapeDtypeStruct((n, d_h), jnp.float32),
            jax.ShapeDtypeStruct((n, 1), jnp.float32),
        ],
    )(x, w1, hist)


def _tc_stage2(s1, y1, dis, b1, wcat):
    n, d_h = y1.shape
    d_c = wcat.shape[1]

    def body(s_ref, y_ref, dis_ref, b_ref, w_ref, y2_ref):
        t = s_ref[0] + s_ref[1] + y_ref[...]
        h = jnp.maximum(dis_ref[...] * t + b_ref[...], 0.0)
        hw = jnp.dot(h, w_ref[...], preferred_element_type=jnp.float32)
        y2_ref[...] = hw * dis_ref[...]

    return pl.pallas_call(
        body,
        grid=(n // _ROWS,),
        in_specs=[
            pl.BlockSpec((NC, _ROWS, d_h), lambda i: (0, i, 0)),
            pl.BlockSpec((_ROWS, d_h), lambda i: (i, 0)),
            pl.BlockSpec((_ROWS, 1), lambda i: (i, 0)),
            pl.BlockSpec((1, d_h), lambda i: (0, 0)),
            pl.BlockSpec((d_h, d_c), lambda i: (0, 0)),
        ],
        out_specs=pl.BlockSpec((_ROWS, d_c), lambda i: (i, 0)),
        out_shape=jax.ShapeDtypeStruct((n, d_c), jnp.float32),
    )(s1, y1, dis, b1, wcat)


def _tc_stage3(s2, y2, dis, bcat, d_lat):
    n, d_c = y2.shape

    def body(s_ref, y_ref, dis_ref, b_ref, mu_ref, lv_ref):
        out = dis_ref[...] * (s_ref[0] + s_ref[1] + y_ref[...]) + b_ref[...]
        mu_ref[...] = out[:, :d_lat]
        lv_ref[...] = out[:, d_lat:]

    return pl.pallas_call(
        body,
        grid=(n // _ROWS,),
        in_specs=[
            pl.BlockSpec((NC, _ROWS, d_c), lambda i: (0, i, 0)),
            pl.BlockSpec((_ROWS, d_c), lambda i: (i, 0)),
            pl.BlockSpec((_ROWS, 1), lambda i: (i, 0)),
            pl.BlockSpec((1, d_c), lambda i: (0, 0)),
        ],
        out_specs=[
            pl.BlockSpec((_ROWS, d_lat), lambda i: (i, 0)),
            pl.BlockSpec((_ROWS, d_lat), lambda i: (i, 0)),
        ],
        out_shape=[
            jax.ShapeDtypeStruct((n, d_lat), jnp.float32),
            jax.ShapeDtypeStruct((n, d_lat), jnp.float32),
        ],
    )(s2, y2, dis, bcat)


def kernel(x, edge_index, W1, b1, W_mu, b_mu, W_lv, b_lv):
    n, d_in = x.shape
    e = edge_index.shape[1]
    d_h = W1.shape[1]
    d_lat = W_mu.shape[1]
    d_c = 2 * d_lat

    cpt = _cdiv(e, NW * CHUNK * 8) * 8
    e_pad = NW * cpt * CHUNK
    n_pad = _cdiv(n + 1, NS * 8) * NS * 8
    pad = e_pad - e

    dummy = n + jnp.arange(pad, dtype=jnp.int32) % (n_pad - n)
    src = jnp.concatenate([edge_index[0], jnp.zeros((pad,), jnp.int32)])
    dst = jnp.concatenate([edge_index[1], dummy])
    src = src.reshape(NW * cpt, CHUNK)
    dst = dst.reshape(NW * cpt, CHUNK)

    ones16 = jnp.ones((CHUNK, 16), jnp.float32)
    z16 = jnp.zeros((n_pad, 16), jnp.float32)

    c0 = cpt * 2 - cpt // 10
    c1 = cpt // 10

    hist = _build_hist(e_pad, n_pad)(dst, ones16, z16)
    y1, dis = _tc_stage1(x, W1, hist)
    s1 = _build_prop(n_pad, d_h, k=2, phases=4, c0=c0, c1=c1)(y1, src, dst)

    wcat = jnp.concatenate([W_mu, W_lv], axis=1)
    bcat = jnp.concatenate([b_mu, b_lv]).reshape(1, d_c)
    y2 = _tc_stage2(s1, y1, dis, b1.reshape(1, d_h), wcat)
    s2 = _build_prop(n_pad, d_c, k=4, phases=2, c0=c0, c1=c1)(y2, src, dst)

    mu, lv = _tc_stage3(s2, y2, dis, bcat, d_lat)
    return mu, lv

# --- scband reference (transcript-rebuilt; emitter-appended) ---
"""Pipeline reference for scband-gcnencoder-54030688584367 (READ-ONLY COPY).

The authoritative reference and input builder live on the scoring server;
editing this copy changes nothing except your own understanding.
"""

import jax, jax.numpy as jnp
import numpy as np

N = 10000
E = 320000
D_IN = 128
D_H = 128
D_LAT = 32


def setup_inputs(seed: int = 0) -> dict:
    key = jax.random.key(seed)
    ks = jax.random.split(key, 8)
    x = jax.random.normal(ks[0], (N, D_IN), dtype=jnp.float32)
    edge_index = jax.random.randint(ks[1], (2, E), 0, N, dtype=jnp.int32)
    W1 = jax.random.normal(ks[2], (D_IN, D_H), dtype=jnp.float32) * 0.05
    b1 = jnp.zeros((D_H,), dtype=jnp.float32)
    W_mu = jax.random.normal(ks[3], (D_H, D_LAT), dtype=jnp.float32) * 0.05
    b_mu = jnp.zeros((D_LAT,), dtype=jnp.float32)
    W_lv = jax.random.normal(ks[4], (D_H, D_LAT), dtype=jnp.float32) * 0.05
    b_lv = jnp.zeros((D_LAT,), dtype=jnp.float32)
    return {"x": x, "edge_index": edge_index, "W1": W1, "b1": b1,
            "W_mu": W_mu, "b_mu": b_mu, "W_lv": W_lv, "b_lv": b_lv}


def gcn_conv(x, edge_index, W, b):
    # PyG GCNConv: add self-loops, symmetric normalization D^-1/2 (A+I) D^-1/2,
    # out = A_hat @ (x W) + b
    n = x.shape[0]
    loop = jnp.arange(n, dtype=edge_index.dtype)
    src = jnp.concatenate([edge_index[0], loop])
    dst = jnp.concatenate([edge_index[1], loop])
    xw = x @ W
    deg = jnp.zeros((n,), dtype=x.dtype).at[dst].add(jnp.ones_like(dst, dtype=x.dtype))
    deg_inv_sqrt = jnp.where(deg > 0, jax.lax.rsqrt(jnp.maximum(deg, 1e-12)), 0.0)
    norm = deg_inv_sqrt[src] * deg_inv_sqrt[dst]
    msg = xw[src] * norm[:, None]
    out = jnp.zeros((n, W.shape[1]), dtype=x.dtype).at[dst].add(msg)
    return out + b


def reference(x, edge_index, W1, b1, W_mu, b_mu, W_lv, b_lv):
    h = jax.nn.relu(gcn_conv(x, edge_index, W1, b1))
    # dropout p=0.0 -> identity
    mu = gcn_conv(h, edge_index, W_mu, b_mu)
    logvar = gcn_conv(h, edge_index, W_lv, b_lv)
    return (mu, logvar)

if __name__ == "__main__":
    import jax
    _d = setup_inputs()
    print(jax.jit(kernel)(*tuple(_d.values())))

</pallas_src>

<mosaic_0001>
#map = affine_map<(d0, d1) -> (0, 0)>
#map1 = affine_map<(d0, d1) -> (0, 0, 0)>
module attributes {stable_mosaic.version = 14 : i64} {
  func.func @prop(%arg0: i32, %arg1: i32, %arg2: memref<10000x128xf32, #tpu.memory_space<hbm>>, %arg3: memref<2560x128xi32, #tpu.memory_space<hbm>>, %arg4: memref<2560x128xi32, #tpu.memory_space<hbm>>, %arg5: memref<2x10112x128xf32, #tpu.memory_space<hbm>>, %arg6: memref<38x128xi32, #tpu.memory_space<vmem>>, %arg7: memref<38x128xi32, #tpu.memory_space<vmem>>, %arg8: memref<2x128x128xf32, #tpu.memory_space<vmem>>, %arg9: memref<10112x128xf32, #tpu.memory_space<vmem_shared>>, %arg10: memref<!tpu.dma_semaphore, #tpu.memory_space<semaphore_mem>>, %arg11: memref<!tpu.dma_semaphore, #tpu.memory_space<semaphore_mem>>) attributes {dimension_semantics = [#tpu.dimension_semantics<core_parallel>, #tpu.dimension_semantics<subcore_parallel>], iteration_bounds = array<i64: 2, 16>, scalar_prefetch = 0 : i64, scratch_operands = 6 : i64, tpu.core_type = #tpu.core_type<sc_vector_subcore>, window_params = [{transform_indices = #map}, {transform_indices = #map}, {transform_indices = #map}, {transform_indices = #map1}]} {
    %eq3A = arith.constant 0 : i32
    %eq3A_0 = arith.cmpi eq, %arg0, %eq3A : i32
    %mul3A = arith.constant 632 : i32
    %mul3A_1 = arith.muli %arg1, %mul3A : i32
    %multiple_of3A = tpu.assume_multiple %mul3A_1, 8 : i32
    %scan3A = arith.constant 0 : i32
    %scan3A_2 = arith.constant 0 : i32
    %scan3A_3 = arith.constant 128 : i32
    %scan3A_4 = arith.addi %scan3A_2, %scan3A_3 : i32
    %scan3A_5 = arith.constant 1 : i32
    scf.for %scan3A_90 = %scan3A_2 to %scan3A_4 step %scan3A_5  : i32 {
      %broadcast_in_dim3A = arith.constant 0.000000e+00 : f32
      %broadcast_in_dim3A_91 = vector.broadcast %broadcast_in_dim3A : f32 to vector<16xf32>
      %swap3A = arith.constant 0 : i32
      %swap3A_92 = arith.index_cast %swap3A : i32 to index
      %swap3A_93 = arith.index_cast %scan3A_90 : i32 to index
      %swap3A_94 = arith.constant 0 : index
      %swap3A_95 = tpu.vector_load %arg8[%swap3A_92, %swap3A_93, %swap3A_94] {strides = array<i32>} : memref<2x128x128xf32, #tpu.memory_space<vmem>>, vector<1x1x16xf32>,
      %swap3A_96 = vector.shape_cast %swap3A_95 : vector<1x1x16xf32> to vector<16xf32>
      %swap3A_97 = vector.shape_cast %broadcast_in_dim3A_91 : vector<16xf32> to vector<1x1x16xf32>
      tpu.vector_store %arg8[%swap3A_92, %swap3A_93, %swap3A_94], %swap3A_97 {strides = array<i32>} : memref<2x128x128xf32, #tpu.memory_space<vmem>>, vector<1x1x16xf32>,
      %broadcast_in_dim3A_98 = arith.constant 0.000000e+00 : f32
      %broadcast_in_dim3A_99 = vector.broadcast %broadcast_in_dim3A_98 : f32 to vector<16xf32>
      %swap3A_100 = arith.constant 0 : i32
      %swap3A_101 = arith.index_cast %swap3A_100 : i32 to index
      %swap3A_102 = arith.index_cast %scan3A_90 : i32 to index
      %swap3A_103 = arith.constant 16 : index
      %swap3A_104 = tpu.vector_load %arg8[%swap3A_101, %swap3A_102, %swap3A_103] {strides = array<i32>} : memref<2x128x128xf32, #tpu.memory_space<vmem>>, vector<1x1x16xf32>,
      %swap3A_105 = vector.shape_cast %swap3A_104 : vector<1x1x16xf32> to vector<16xf32>
      %swap3A_106 = vector.shape_cast %broadcast_in_dim3A_99 : vector<16xf32> to vector<1x1x16xf32>
      tpu.vector_store %arg8[%swap3A_101, %swap3A_102, %swap3A_103], %swap3A_106 {strides = array<i32>} : memref<2x128x128xf32, #tpu.memory_space<vmem>>, vector<1x1x16xf32>,
      %broadcast_in_dim3A_107 = arith.constant 0.000000e+00 : f32
      %broadcast_in_dim3A_108 = vector.broadcast %broadcast_in_dim3A_107 : f32 to vector<16xf32>
      %swap3A_109 = arith.constant 0 : i32
      %swap3A_110 = arith.index_cast %swap3A_109 : i32 to index
      %swap3A_111 = arith.index_cast %scan3A_90 : i32 to index
      %swap3A_112 = arith.constant 32 : index
      %swap3A_113 = tpu.vector_load %arg8[%swap3A_110, %swap3A_111, %swap3A_112] {strides = array<i32>} : memref<2x128x128xf32, #tpu.memory_space<vmem>>, vector<1x1x16xf32>,
      %swap3A_114 = vector.shape_cast %swap3A_113 : vector<1x1x16xf32> to vector<16xf32>
      %swap3A_115 = vector.shape_cast %broadcast_in_dim3A_108 : vector<16xf32> to vector<1x1x16xf32>
      tpu.vector_store %arg8[%swap3A_110, %swap3A_111, %swap3A_112], %swap3A_115 {strides = array<i32>} : memref<2x128x128xf32, #tpu.memory_space<vmem>>, vector<1x1x16xf32>,
      %broadcast_in_dim3A_116 = arith.constant 0.000000e+00 : f32
      %broadcast_in_dim3A_117 = vector.broadcast %broadcast_in_dim3A_116 : f32 to vector<16xf32>
      %swap3A_118 = arith.constant 0 : i32
      %swap3A_119 = arith.index_cast %swap3A_118 : i32 to index
      %swap3A_120 = arith.index_cast %scan3A_90 : i32 to index
      %swap3A_121 = arith.constant 48 : index
      %swap3A_122 = tpu.vector_load %arg8[%swap3A_119, %swap3A_120, %swap3A_121] {strides = array<i32>} : memref<2x128x128xf32, #tpu.memory_space<vmem>>, vector<1x1x16xf32>,
      %swap3A_123 = vector.shape_cast %swap3A_122 : vector<1x1x16xf32> to vector<16xf32>
      %swap3A_124 = vector.shape_cast %broadcast_in_dim3A_117 : vector<16xf32> to vector<1x1x16xf32>
      tpu.vector_store %arg8[%swap3A_119, %swap3A_120, %swap3A_121], %swap3A_124 {strides = array<i32>} : memref<2x128x128xf32, #tpu.memory_space<vmem>>, vector<1x1x16xf32>,
      %broadcast_in_dim3A_125 = arith.constant 0.000000e+00 : f32
      %broadcast_in_dim3A_126 = vector.broadcast %broadcast_in_dim3A_125 : f32 to vector<16xf32>
      %swap3A_127 = arith.constant 0 : i32
      %swap3A_128 = arith.index_cast %swap3A_127 : i32 to index
      %swap3A_129 = arith.index_cast %scan3A_90 : i32 to index
      %swap3A_130 = arith.constant 64 : index
      %swap3A_131 = tpu.vector_load %arg8[%swap3A_128, %swap3A_129, %swap3A_130] {strides = array<i32>} : memref<2x128x128xf32, #tpu.memory_space<vmem>>, vector<1x1x16xf32>,
      %swap3A_132 = vector.shape_cast %swap3A_131 : vector<1x1x16xf32> to vector<16xf32>
      %swap3A_133 = vector.shape_cast %broadcast_in_dim3A_126 : vector<16xf32> to vector<1x1x16xf32>
      tpu.vector_store %arg8[%swap3A_128, %swap3A_129, %swap3A_130], %swap3A_133 {strides = array<i32>} : memref<2x128x128xf32, #tpu.memory_space<vmem>>, vector<1x1x16xf32>,
      %broadcast_in_dim3A_134 = arith.constant 0.000000e+00 : f32
      %broadcast_in_dim3A_135 = vector.broadcast %broadcast_in_dim3A_134 : f32 to vector<16xf32>
      %swap3A_136 = arith.constant 0 : i32
      %swap3A_137 = arith.index_cast %swap3A_136 : i32 to index
      %swap3A_138 = arith.index_cast %scan3A_90 : i32 to index
      %swap3A_139 = arith.constant 80 : index
      %swap3A_140 = tpu.vector_load %arg8[%swap3A_137, %swap3A_138, %swap3A_139] {strides = array<i32>} : memref<2x128x128xf32, #tpu.memory_space<vmem>>, vector<1x1x16xf32>,
      %swap3A_141 = vector.shape_cast %swap3A_140 : vector<1x1x16xf32> to vector<16xf32>
      %swap3A_142 = vector.shape_cast %broadcast_in_dim3A_135 : vector<16xf32> to vector<1x1x16xf32>
      tpu.vector_store %arg8[%swap3A_137, %swap3A_138, %swap3A_139], %swap3A_142 {strides = array<i32>} : memref<2x128x128xf32, #tpu.memory_space<vmem>>, vector<1x1x16xf32>,
      %broadcast_in_dim3A_143 = arith.constant 0.000000e+00 : f32
      %broadcast_in_dim3A_144 = vector.broadcast %broadcast_in_dim3A_143 : f32 to vector<16xf32>
      %swap3A_145 = arith.constant 0 : i32
      %swap3A_146 = arith.index_cast %swap3A_145 : i32 to index
      %swap3A_147 = arith.index_cast %scan3A_90 : i32 to index
      %swap3A_148 = arith.constant 96 : index
      %swap3A_149 = tpu.vector_load %arg8[%swap3A_146, %swap3A_147, %swap3A_148] {strides = array<i32>} : memref<2x128x128xf32, #tpu.memory_space<vmem>>, vector<1x1x16xf32>,
      %swap3A_150 = vector.shape_cast %swap3A_149 : vector<1x1x16xf32> to vector<16xf32>
      %swap3A_151 = vector.shape_cast %broadcast_in_dim3A_144 : vector<16xf32> to vector<1x1x16xf32>
      tpu.vector_store %arg8[%swap3A_146, %swap3A_147, %swap3A_148], %swap3A_151 {strides = array<i32>} : memref<2x128x128xf32, #tpu.memory_space<vmem>>, vector<1x1x16xf32>,
      %broadcast_in_dim3A_152 = arith.constant 0.000000e+00 : f32
      %broadcast_in_dim3A_153 = vector.broadcast %broadcast_in_dim3A_152 : f32 to vector<16xf32>
      %swap3A_154 = arith.constant 0 : i32
      %swap3A_155 = arith.index_cast %swap3A_154 : i32 to index
      %swap3A_156 = arith.index_cast %scan3A_90 : i32 to index
      %swap3A_157 = arith.constant 112 : index
      %swap3A_158 = tpu.vector_load %arg8[%swap3A_155, %swap3A_156, %swap3A_157] {strides = array<i32>} : memref<2x128x128xf32, #tpu.memory_space<vmem>>, vector<1x1x16xf32>,
      %swap3A_159 = vector.shape_cast %swap3A_158 : vector<1x1x16xf32> to vector<16xf32>
      %swap3A_160 = vector.shape_cast %broadcast_in_dim3A_153 : vector<16xf32> to vector<1x1x16xf32>
      tpu.vector_store %arg8[%swap3A_155, %swap3A_156, %swap3A_157], %swap3A_160 {strides = array<i32>} : memref<2x128x128xf32, #tpu.memory_space<vmem>>, vector<1x1x16xf32>,
    }
    %scan3A_6 = arith.constant 128 : i32
    %add3A = arith.constant 0 : i32
    %add3A_7 = arith.addi %multiple_of3A, %add3A : i32
    %run_scoped3A = arith.constant 0 : i32
    "tpu.region"() ({
      %run_scoped3A_90 = tpu.sem_alloc : memref<!tpu.dma_semaphore, #tpu.memory_space<semaphore_mem>>
      %dma_start3A = arith.constant 0 : i32
      %dma_start3A_91 = arith.constant 0 : i32
      %dma_start3A_92 = tpu.memref_slice %arg8[%run_scoped3A, %dma_start3A, %dma_start3A_91] : memref<2x128x128xf32, #tpu.memory_space<vmem>> -> memref<1x128x128xf32, #tpu.memory_space<vmem>>
      %dma_start3A_93 = tpu.memref_squeeze %dma_start3A_92 : memref<1x128x128xf32, #tpu.memory_space<vmem>> -> memref<128x128xf32, #tpu.memory_space<vmem>>
      %dma_start3A_94 = arith.constant 0 : i32
      %dma_start3A_95 = tpu.memref_slice %arg9[%add3A_7, %dma_start3A_94] : memref<10112x128xf32, #tpu.memory_space<vmem_shared>> -> memref<128x128xf32, #tpu.memory_space<vmem_shared>>
      %dma_start3A_96 = arith.constant 0 : i32
      %dma_start3A_97 = tpu.memref_slice %arg9[%add3A_7, %dma_start3A_96] : memref<10112x128xf32, #tpu.memory_space<vmem_shared>> -> memref<128x128xf32, #tpu.memory_space<vmem_shared>>
      %dma_start3A_98 = arith.constant 0 : i32
      %dma_start3A_99 = arith.constant 0 : i32
      %dma_start3A_100 = tpu.memref_slice %arg8[%run_scoped3A, %dma_start3A_98, %dma_start3A_99] : memref<2x128x128xf32, #tpu.memory_space<vmem>> -> memref<1x128x128xf32, #tpu.memory_space<vmem>>
      %dma_start3A_101 = tpu.memref_squeeze %dma_start3A_100 : memref<1x128x128xf32, #tpu.memory_space<vmem>> -> memref<128x128xf32, #tpu.memory_space<vmem>>
      tpu.enqueue_dma source(%dma_start3A_101 : memref<128x128xf32, #tpu.memory_space<vmem>>) target(%dma_start3A_97 : memref<128x128xf32, #tpu.memory_space<vmem_shared>>) target_semaphore(%run_scoped3A_90 : memref<!tpu.dma_semaphore, #tpu.memory_space<semaphore_mem>>)
      %dma_wait3A = arith.constant 0 : i32
      %dma_wait3A_102 = arith.constant 0 : i32
      %dma_wait3A_103 = tpu.memref_slice %arg8[%run_scoped3A, %dma_wait3A, %dma_wait3A_102] : memref<2x128x128xf32, #tpu.memory_space<vmem>> -> memref<1x128x128xf32, #tpu.memory_space<vmem>>
      %dma_wait3A_104 = tpu.memref_squeeze %dma_wait3A_103 : memref<1x128x128xf32, #tpu.memory_space<vmem>> -> memref<128x128xf32, #tpu.memory_space<vmem>>
      %dma_wait3A_105 = arith.constant 0 : i32
      %dma_wait3A_106 = tpu.memref_slice %arg9[%add3A_7, %dma_wait3A_105] : memref<10112x128xf32, #tpu.memory_space<vmem_shared>> -> memref<128x128xf32, #tpu.memory_space<vmem_shared>>
      %dma_wait3A_107 = arith.constant 0 : i32
      %dma_wait3A_108 = tpu.memref_slice %arg9[%add3A_7, %dma_wait3A_107] : memref<10112x128xf32, #tpu.memory_space<vmem_shared>> -> memref<128x128xf32, #tpu.memory_space<vmem_shared>>
      %dma_wait3A_109 = arith.constant 0 : i32
      %dma_wait3A_110 = arith.constant 0 : i32
      %dma_wait3A_111 = tpu.memref_slice %arg8[%run_scoped3A, %dma_wait3A_109, %dma_wait3A_110] : memref<2x128x128xf32, #tpu.memory_space<vmem>> -> memref<1x128x128xf32, #tpu.memory_space<vmem>>
      %dma_wait3A_112 = tpu.memref_squeeze %dma_wait3A_111 : memref<1x128x128xf32, #tpu.memory_space<vmem>> -> memref<128x128xf32, #tpu.memory_space<vmem>>
      tpu.wait_dma2 semaphore(%run_scoped3A_90 : memref<!tpu.dma_semaphore, #tpu.memory_space<semaphore_mem>>) src(%dma_wait3A_112 : memref<128x128xf32, #tpu.memory_space<vmem>>) dst(%dma_wait3A_108 : memref<128x128xf32, #tpu.memory_space<vmem_shared>>)
      tpu.yield
    }) : () -> ()
    %add3A_8 = arith.constant 128 : i32
    %add3A_9 = arith.addi %multiple_of3A, %add3A_8 : i32
    %run_scoped3A_10 = arith.constant 0 : i32
    "tpu.region"() ({
      %run_scoped3A_90 = tpu.sem_alloc : memref<!tpu.dma_semaphore, #tpu.memory_space<semaphore_mem>>
      %dma_start3A = arith.constant 0 : i32
      %dma_start3A_91 = arith.constant 0 : i32
      %dma_start3A_92 = tpu.memref_slice %arg8[%run_scoped3A_10, %dma_start3A, %dma_start3A_91] : memref<2x128x128xf32, #tpu.memory_space<vmem>> -> memref<1x128x128xf32, #tpu.memory_space<vmem>>
      %dma_start3A_93 = tpu.memref_squeeze %dma_start3A_92 : memref<1x128x128xf32, #tpu.memory_space<vmem>> -> memref<128x128xf32, #tpu.memory_space<vmem>>
      %dma_start3A_94 = arith.constant 0 : i32
      %dma_start3A_95 = tpu.memref_slice %arg9[%add3A_9, %dma_start3A_94] : memref<10112x128xf32, #tpu.memory_space<vmem_shared>> -> memref<128x128xf32, #tpu.memory_space<vmem_shared>>
      %dma_start3A_96 = arith.constant 0 : i32
      %dma_start3A_97 = tpu.memref_slice %arg9[%add3A_9, %dma_start3A_96] : memref<10112x128xf32, #tpu.memory_space<vmem_shared>> -> memref<128x128xf32, #tpu.memory_space<vmem_shared>>
      %dma_start3A_98 = arith.constant 0 : i32
      %dma_start3A_99 = arith.constant 0 : i32
      %dma_start3A_100 = tpu.memref_slice %arg8[%run_scoped3A_10, %dma_start3A_98, %dma_start3A_99] : memref<2x128x128xf32, #tpu.memory_space<vmem>> -> memref<1x128x128xf32, #tpu.memory_space<vmem>>
      %dma_start3A_101 = tpu.memref_squeeze %dma_start3A_100 : memref<1x128x128xf32, #tpu.memory_space<vmem>> -> memref<128x128xf32, #tpu.memory_space<vmem>>
      tpu.enqueue_dma source(%dma_start3A_101 : memref<128x128xf32, #tpu.memory_space<vmem>>) target(%dma_start3A_97 : memref<128x128xf32, #tpu.memory_space<vmem_shared>>) target_semaphore(%run_scoped3A_90 : memref<!tpu.dma_semaphore, #tpu.memory_space<semaphore_mem>>)
      %dma_wait3A = arith.constant 0 : i32
      %dma_wait3A_102 = arith.constant 0 : i32
      %dma_wait3A_103 = tpu.memref_slice %arg8[%run_scoped3A_10, %dma_wait3A, %dma_wait3A_102] : memref<2x128x128xf32, #tpu.memory_space<vmem>> -> memref<1x128x128xf32, #tpu.memory_space<vmem>>
      %dma_wait3A_104 = tpu.memref_squeeze %dma_wait3A_103 : memref<1x128x128xf32, #tpu.memory_space<vmem>> -> memref<128x128xf32, #tpu.memory_space<vmem>>
      %dma_wait3A_105 = arith.constant 0 : i32
      %dma_wait3A_106 = tpu.memref_slice %arg9[%add3A_9, %dma_wait3A_105] : memref<10112x128xf32, #tpu.memory_space<vmem_shared>> -> memref<128x128xf32, #tpu.memory_space<vmem_shared>>
      %dma_wait3A_107 = arith.constant 0 : i32
      %dma_wait3A_108 = tpu.memref_slice %arg9[%add3A_9, %dma_wait3A_107] : memref<10112x128xf32, #tpu.memory_space<vmem_shared>> -> memref<128x128xf32, #tpu.memory_space<vmem_shared>>
      %dma_wait3A_109 = arith.constant 0 : i32
      %dma_wait3A_110 = arith.constant 0 : i32
      %dma_wait3A_111 = tpu.memref_slice %arg8[%run_scoped3A_10, %dma_wait3A_109, %dma_wait3A_110] : memref<2x128x128xf32, #tpu.memory_space<vmem>> -> memref<1x128x128xf32, #tpu.memory_space<vmem>>
      %dma_wait3A_112 = tpu.memref_squeeze %dma_wait3A_111 : memref<1x128x128xf32, #tpu.memory_space<vmem>> -> memref<128x128xf32, #tpu.memory_space<vmem>>
      tpu.wait_dma2 semaphore(%run_scoped3A_90 : memref<!tpu.dma_semaphore, #tpu.memory_space<semaphore_mem>>) src(%dma_wait3A_112 : memref<128x128xf32, #tpu.memory_space<vmem>>) dst(%dma_wait3A_108 : memref<128x128xf32, #tpu.memory_space<vmem_shared>>)
      tpu.yield
    }) : () -> ()
    %add3A_11 = arith.constant 256 : i32
    %add3A_12 = arith.addi %multiple_of3A, %add3A_11 : i32
    %run_scoped3A_13 = arith.constant 0 : i32
    "tpu.region"() ({
      %run_scoped3A_90 = tpu.sem_alloc : memref<!tpu.dma_semaphore, #tpu.memory_space<semaphore_mem>>
      %dma_start3A = arith.constant 0 : i32
      %dma_start3A_91 = arith.constant 0 : i32
      %dma_start3A_92 = tpu.memref_slice %arg8[%run_scoped3A_13, %dma_start3A, %dma_start3A_91] : memref<2x128x128xf32, #tpu.memory_space<vmem>> -> memref<1x128x128xf32, #tpu.memory_space<vmem>>
      %dma_start3A_93 = tpu.memref_squeeze %dma_start3A_92 : memref<1x128x128xf32, #tpu.memory_space<vmem>> -> memref<128x128xf32, #tpu.memory_space<vmem>>
      %dma_start3A_94 = arith.constant 0 : i32
      %dma_start3A_95 = tpu.memref_slice %arg9[%add3A_12, %dma_start3A_94] : memref<10112x128xf32, #tpu.memory_space<vmem_shared>> -> memref<128x128xf32, #tpu.memory_space<vmem_shared>>
      %dma_start3A_96 = arith.constant 0 : i32
      %dma_start3A_97 = tpu.memref_slice %arg9[%add3A_12, %dma_start3A_96] : memref<10112x128xf32, #tpu.memory_space<vmem_shared>> -> memref<128x128xf32, #tpu.memory_space<vmem_shared>>
      %dma_start3A_98 = arith.constant 0 : i32
      %dma_start3A_99 = arith.constant 0 : i32
      %dma_start3A_100 = tpu.memref_slice %arg8[%run_scoped3A_13, %dma_start3A_98, %dma_start3A_99] : memref<2x128x128xf32, #tpu.memory_space<vmem>> -> memref<1x128x128xf32, #tpu.memory_space<vmem>>
      %dma_start3A_101 = tpu.memref_squeeze %dma_start3A_100 : memref<1x128x128xf32, #tpu.memory_space<vmem>> -> memref<128x128xf32, #tpu.memory_space<vmem>>
      tpu.enqueue_dma source(%dma_start3A_101 : memref<128x128xf32, #tpu.memory_space<vmem>>) target(%dma_start3A_97 : memref<128x128xf32, #tpu.memory_space<vmem_shared>>) target_semaphore(%run_scoped3A_90 : memref<!tpu.dma_semaphore, #tpu.memory_space<semaphore_mem>>)
      %dma_wait3A = arith.constant 0 : i32
      %dma_wait3A_102 = arith.constant 0 : i32
      %dma_wait3A_103 = tpu.memref_slice %arg8[%run_scoped3A_13, %dma_wait3A, %dma_wait3A_102] : memref<2x128x128xf32, #tpu.memory_space<vmem>> -> memref<1x128x128xf32, #tpu.memory_space<vmem>>
      %dma_wait3A_104 = tpu.memref_squeeze %dma_wait3A_103 : memref<1x128x128xf32, #tpu.memory_space<vmem>> -> memref<128x128xf32, #tpu.memory_space<vmem>>
      %dma_wait3A_105 = arith.constant 0 : i32
      %dma_wait3A_106 = tpu.memref_slice %arg9[%add3A_12, %dma_wait3A_105] : memref<10112x128xf32, #tpu.memory_space<vmem_shared>> -> memref<128x128xf32, #tpu.memory_space<vmem_shared>>
      %dma_wait3A_107 = arith.constant 0 : i32
      %dma_wait3A_108 = tpu.memref_slice %arg9[%add3A_12, %dma_wait3A_107] : memref<10112x128xf32, #tpu.memory_space<vmem_shared>> -> memref<128x128xf32, #tpu.memory_space<vmem_shared>>
      %dma_wait3A_109 = arith.constant 0 : i32
      %dma_wait3A_110 = arith.constant 0 : i32
      %dma_wait3A_111 = tpu.memref_slice %arg8[%run_scoped3A_13, %dma_wait3A_109, %dma_wait3A_110] : memref<2x128x128xf32, #tpu.memory_space<vmem>> -> memref<1x128x128xf32, #tpu.memory_space<vmem>>
      %dma_wait3A_112 = tpu.memref_squeeze %dma_wait3A_111 : memref<1x128x128xf32, #tpu.memory_space<vmem>> -> memref<128x128xf32, #tpu.memory_space<vmem>>
      tpu.wait_dma2 semaphore(%run_scoped3A_90 : memref<!tpu.dma_semaphore, #tpu.memory_space<semaphore_mem>>) src(%dma_wait3A_112 : memref<128x128xf32, #tpu.memory_space<vmem>>) dst(%dma_wait3A_108 : memref<128x128xf32, #tpu.memory_space<vmem_shared>>)
      tpu.yield
    }) : () -> ()
    %add3A_14 = arith.constant 384 : i32
    %add3A_15 = arith.addi %multiple_of3A, %add3A_14 : i32
    %run_scoped3A_16 = arith.constant 0 : i32
    "tpu.region"() ({
      %run_scoped3A_90 = tpu.sem_alloc : memref<!tpu.dma_semaphore, #tpu.memory_space<semaphore_mem>>
      %dma_start3A = arith.constant 0 : i32
      %dma_start3A_91 = arith.constant 0 : i32
      %dma_start3A_92 = tpu.memref_slice %arg8[%run_scoped3A_16, %dma_start3A, %dma_start3A_91] : memref<2x128x128xf32, #tpu.memory_space<vmem>> -> memref<1x128x128xf32, #tpu.memory_space<vmem>>
      %dma_start3A_93 = tpu.memref_squeeze %dma_start3A_92 : memref<1x128x128xf32, #tpu.memory_space<vmem>> -> memref<128x128xf32, #tpu.memory_space<vmem>>
      %dma_start3A_94 = arith.constant 0 : i32
      %dma_start3A_95 = tpu.memref_slice %arg9[%add3A_15, %dma_start3A_94] : memref<10112x128xf32, #tpu.memory_space<vmem_shared>> -> memref<128x128xf32, #tpu.memory_space<vmem_shared>>
      %dma_start3A_96 = arith.constant 0 : i32
      %dma_start3A_97 = tpu.memref_slice %arg9[%add3A_15, %dma_start3A_96] : memref<10112x128xf32, #tpu.memory_space<vmem_shared>> -> memref<128x128xf32, #tpu.memory_space<vmem_shared>>
      %dma_start3A_98 = arith.constant 0 : i32
      %dma_start3A_99 = arith.constant 0 : i32
      %dma_start3A_100 = tpu.memref_slice %arg8[%run_scoped3A_16, %dma_start3A_98, %dma_start3A_99] : memref<2x128x128xf32, #tpu.memory_space<vmem>> -> memref<1x128x128xf32, #tpu.memory_space<vmem>>
      %dma_start3A_101 = tpu.memref_squeeze %dma_start3A_100 : memref<1x128x128xf32, #tpu.memory_space<vmem>> -> memref<128x128xf32, #tpu.memory_space<vmem>>
      tpu.enqueue_dma source(%dma_start3A_101 : memref<128x128xf32, #tpu.memory_space<vmem>>) target(%dma_start3A_97 : memref<128x128xf32, #tpu.memory_space<vmem_shared>>) target_semaphore(%run_scoped3A_90 : memref<!tpu.dma_semaphore, #tpu.memory_space<semaphore_mem>>)
      %dma_wait3A = arith.constant 0 : i32
      %dma_wait3A_102 = arith.constant 0 : i32
      %dma_wait3A_103 = tpu.memref_slice %arg8[%run_scoped3A_16, %dma_wait3A, %dma_wait3A_102] : memref<2x128x128xf32, #tpu.memory_space<vmem>> -> memref<1x128x128xf32, #tpu.memory_space<vmem>>
      %dma_wait3A_104 = tpu.memref_squeeze %dma_wait3A_103 : memref<1x128x128xf32, #tpu.memory_space<vmem>> -> memref<128x128xf32, #tpu.memory_space<vmem>>
      %dma_wait3A_105 = arith.constant 0 : i32
      %dma_wait3A_106 = tpu.memref_slice %arg9[%add3A_15, %dma_wait3A_105] : memref<10112x128xf32, #tpu.memory_space<vmem_shared>> -> memref<128x128xf32, #tpu.memory_space<vmem_shared>>
      %dma_wait3A_107 = arith.constant 0 : i32
      %dma_wait3A_108 = tpu.memref_slice %arg9[%add3A_15, %dma_wait3A_107] : memref<10112x128xf32, #tpu.memory_space<vmem_shared>> -> memref<128x128xf32, #tpu.memory_space<vmem_shared>>
      %dma_wait3A_109 = arith.constant 0 : i32
      %dma_wait3A_110 = arith.constant 0 : i32
      %dma_wait3A_111 = tpu.memref_slice %arg8[%run_scoped3A_16, %dma_wait3A_109, %dma_wait3A_110] : memref<2x128x128xf32, #tpu.memory_space<vmem>> -> memref<1x128x128xf32, #tpu.memory_space<vmem>>
      %dma_wait3A_112 = tpu.memref_squeeze %dma_wait3A_111 : memref<1x128x128xf32, #tpu.memory_space<vmem>> -> memref<128x128xf32, #tpu.memory_space<vmem>>
      tpu.wait_dma2 semaphore(%run_scoped3A_90 : memref<!tpu.dma_semaphore, #tpu.memory_space<semaphore_mem>>) src(%dma_wait3A_112 : memref<128x128xf32, #tpu.memory_space<vmem>>) dst(%dma_wait3A_108 : memref<128x128xf32, #tpu.memory_space<vmem_shared>>)
      tpu.yield
    }) : () -> ()
    %add3A_17 = arith.constant 512 : i32
    %add3A_18 = arith.addi %multiple_of3A, %add3A_17 : i32
    %run_scoped3A_19 = arith.constant 0 : i32
    "tpu.region"() ({
      %run_scoped3A_90 = tpu.sem_alloc : memref<!tpu.dma_semaphore, #tpu.memory_space<semaphore_mem>>
      %dma_start3A = arith.constant 0 : i32
      %dma_start3A_91 = arith.constant 0 : i32
      %dma_start3A_92 = tpu.memref_slice %arg8[%run_scoped3A_19, %dma_start3A, %dma_start3A_91] : memref<2x128x128xf32, #tpu.memory_space<vmem>> -> memref<1x120x128xf32, #tpu.memory_space<vmem>>
      %dma_start3A_93 = tpu.memref_squeeze %dma_start3A_92 : memref<1x120x128xf32, #tpu.memory_space<vmem>> -> memref<120x128xf32, #tpu.memory_space<vmem>>
      %dma_start3A_94 = arith.constant 0 : i32
      %dma_start3A_95 = tpu.memref_slice %arg9[%add3A_18, %dma_start3A_94] : memref<10112x128xf32, #tpu.memory_space<vmem_shared>> -> memref<120x128xf32, #tpu.memory_space<vmem_shared>>
      %dma_start3A_96 = arith.constant 0 : i32
      %dma_start3A_97 = tpu.memref_slice %arg9[%add3A_18, %dma_start3A_96] : memref<10112x128xf32, #tpu.memory_space<vmem_shared>> -> memref<120x128xf32, #tpu.memory_space<vmem_shared>>
      %dma_start3A_98 = arith.constant 0 : i32
      %dma_start3A_99 = arith.constant 0 : i32
      %dma_start3A_100 = tpu.memref_slice %arg8[%run_scoped3A_19, %dma_start3A_98, %dma_start3A_99] : memref<2x128x128xf32, #tpu.memory_space<vmem>> -> memref<1x120x128xf32, #tpu.memory_space<vmem>>
      %dma_start3A_101 = tpu.memref_squeeze %dma_start3A_100 : memref<1x120x128xf32, #tpu.memory_space<vmem>> -> memref<120x128xf32, #tpu.memory_space<vmem>>
      tpu.enqueue_dma source(%dma_start3A_101 : memref<120x128xf32, #tpu.memory_space<vmem>>) target(%dma_start3A_97 : memref<120x128xf32, #tpu.memory_space<vmem_shared>>) target_semaphore(%run_scoped3A_90 : memref<!tpu.dma_semaphore, #tpu.memory_space<semaphore_mem>>)
      %dma_wait3A = arith.constant 0 : i32
      %dma_wait3A_102 = arith.constant 0 : i32
      %dma_wait3A_103 = tpu.memref_slice %arg8[%run_scoped3A_19, %dma_wait3A, %dma_wait3A_102] : memref<2x128x128xf32, #tpu.memory_space<vmem>> -> memref<1x120x128xf32, #tpu.memory_space<vmem>>
      %dma_wait3A_104 = tpu.memref_squeeze %dma_wait3A_103 : memref<1x120x128xf32, #tpu.memory_space<vmem>> -> memref<120x128xf32, #tpu.memory_space<vmem>>
      %dma_wait3A_105 = arith.constant 0 : i32
      %dma_wait3A_106 = tpu.memref_slice %arg9[%add3A_18, %dma_wait3A_105] : memref<10112x128xf32, #tpu.memory_space<vmem_shared>> -> memref<120x128xf32, #tpu.memory_space<vmem_shared>>
      %dma_wait3A_107 = arith.constant 0 : i32
      %dma_wait3A_108 = tpu.memref_slice %arg9[%add3A_18, %dma_wait3A_107] : memref<10112x128xf32, #tpu.memory_space<vmem_shared>> -> memref<120x128xf32, #tpu.memory_space<vmem_shared>>
      %dma_wait3A_109 = arith.constant 0 : i32
      %dma_wait3A_110 = arith.constant 0 : i32
      %dma_wait3A_111 = tpu.memref_slice %arg8[%run_scoped3A_19, %dma_wait3A_109, %dma_wait3A_110] : memref<2x128x128xf32, #tpu.memory_space<vmem>> -> memref<1x120x128xf32, #tpu.memory_space<vmem>>
      %dma_wait3A_112 = tpu.memref_squeeze %dma_wait3A_111 : memref<1x120x128xf32, #tpu.memory_space<vmem>> -> memref<120x128xf32, #tpu.memory_space<vmem>>
      tpu.wait_dma2 semaphore(%run_scoped3A_90 : memref<!tpu.dma_semaphore, #tpu.memory_space<semaphore_mem>>) src(%dma_wait3A_112 : memref<120x128xf32, #tpu.memory_space<vmem>>) dst(%dma_wait3A_108 : memref<120x128xf32, #tpu.memory_space<vmem_shared>>)
      tpu.yield
    }) : () -> ()
    %barrier3A = arith.constant 0 : index
    tpu.barrier barrier_id(%barrier3A)
    %jit3A = arith.constant 19 : i32
    %jit3A_20 = arith.constant 1 : i32
    %select_n3A = arith.select %eq3A_0, %jit3A, %jit3A_20 : i32
    %convert_element_type3A = arith.extui %eq3A_0 : i1 to i32
    %cond3A = arith.constant 0 : i32
    %cond3A_21 = arith.cmpi ne, %convert_element_type3A, %cond3A : i32
    scf.if %cond3A_21 {
      %mul3A_90 = arith.constant 152 : i32
      %mul3A_91 = arith.muli %arg1, %mul3A_90 : i32
      %add3A_92 = arith.constant 0 : i32
      %add3A_93 = arith.addi %mul3A_91, %add3A_92 : i32
      "tpu.region"() ({
        %run_scoped3A_94 = tpu.sem_alloc : memref<!tpu.dma_semaphore, #tpu.memory_space<semaphore_mem>>
        %dma_start3A = arith.constant 0 : i32
        %dma_start3A_95 = arith.constant 0 : i32
        %dma_start3A_96 = tpu.memref_slice %arg6[%dma_start3A, %dma_start3A_95] : memref<38x128xi32, #tpu.memory_space<vmem>> -> memref<38x128xi32, #tpu.memory_space<vmem>>
        %dma_start3A_97 = arith.constant 0 : i32
        %dma_start3A_98 = tpu.memref_slice %arg3[%add3A_93, %dma_start3A_97] : memref<2560x128xi32, #tpu.memory_space<hbm>> -> memref<38x128xi32, #tpu.memory_space<hbm>>
        %dma_start3A_99 = arith.constant 0 : i32
        %dma_start3A_100 = arith.constant 0 : i32
        %dma_start3A_101 = tpu.memref_slice %arg6[%dma_start3A_99, %dma_start3A_100] : memref<38x128xi32, #tpu.memory_space<vmem>> -> memref<38x128xi32, #tpu.memory_space<vmem>>
        %dma_start3A_102 = arith.constant 0 : i32
        %dma_start3A_103 = tpu.memref_slice %arg3[%add3A_93, %dma_start3A_102] : memref<2560x128xi32, #tpu.memory_space<hbm>> -> memref<38x128xi32, #tpu.memory_space<hbm>>
        tpu.enqueue_dma source(%dma_start3A_103 : memref<38x128xi32, #tpu.memory_space<hbm>>) target(%dma_start3A_101 : memref<38x128xi32, #tpu.memory_space<vmem>>) target_semaphore(%run_scoped3A_94 : memref<!tpu.dma_semaphore, #tpu.memory_space<semaphore_mem>>)
        %dma_wait3A = arith.constant 0 : i32
        %dma_wait3A_104 = arith.constant 0 : i32
        %dma_wait3A_105 = tpu.memref_slice %arg6[%dma_wait3A, %dma_wait3A_104] : memref<38x128xi32, #tpu.memory_space<vmem>> -> memref<38x128xi32, #tpu.memory_space<vmem>>
        %dma_wait3A_106 = arith.constant 0 : i32
        %dma_wait3A_107 = tpu.memref_slice %arg3[%add3A_93, %dma_wait3A_106] : memref<2560x128xi32, #tpu.memory_space<hbm>> -> memref<38x128xi32, #tpu.memory_space<hbm>>
        %dma_wait3A_108 = arith.constant 0 : i32
        %dma_wait3A_109 = arith.constant 0 : i32
        %dma_wait3A_110 = tpu.memref_slice %arg6[%dma_wait3A_108, %dma_wait3A_109] : memref<38x128xi32, #tpu.memory_space<vmem>> -> memref<38x128xi32, #tpu.memory_space<vmem>>
        %dma_wait3A_111 = arith.constant 0 : i32
        %dma_wait3A_112 = tpu.memref_slice %arg3[%add3A_93, %dma_wait3A_111] : memref<2560x128xi32, #tpu.memory_space<hbm>> -> memref<38x128xi32, #tpu.memory_space<hbm>>
        tpu.wait_dma2 semaphore(%run_scoped3A_94 : memref<!tpu.dma_semaphore, #tpu.memory_space<semaphore_mem>>) src(%dma_wait3A_112 : memref<38x128xi32, #tpu.memory_space<hbm>>) dst(%dma_wait3A_110 : memref<38x128xi32, #tpu.memory_space<vmem>>)
        tpu.yield
      }) : () -> ()
      "tpu.region"() ({
        %run_scoped3A_94 = tpu.sem_alloc : memref<!tpu.dma_semaphore, #tpu.memory_space<semaphore_mem>>
        %dma_start3A = arith.constant 0 : i32
        %dma_start3A_95 = arith.constant 0 : i32
        %dma_start3A_96 = tpu.memref_slice %arg7[%dma_start3A, %dma_start3A_95] : memref<38x128xi32, #tpu.memory_space<vmem>> -> memref<38x128xi32, #tpu.memory_space<vmem>>
        %dma_start3A_97 = arith.constant 0 : i32
        %dma_start3A_98 = tpu.memref_slice %arg4[%add3A_93, %dma_start3A_97] : memref<2560x128xi32, #tpu.memory_space<hbm>> -> memref<38x128xi32, #tpu.memory_space<hbm>>
        %dma_start3A_99 = arith.constant 0 : i32
        %dma_start3A_100 = arith.constant 0 : i32
        %dma_start3A_101 = tpu.memref_slice %arg7[%dma_start3A_99, %dma_start3A_100] : memref<38x128xi32, #tpu.memory_space<vmem>> -> memref<38x128xi32, #tpu.memory_space<vmem>>
        %dma_start3A_102 = arith.constant 0 : i32
        %dma_start3A_103 = tpu.memref_slice %arg4[%add3A_93, %dma_start3A_102] : memref<2560x128xi32, #tpu.memory_space<hbm>> -> memref<38x128xi32, #tpu.memory_space<hbm>>
        tpu.enqueue_dma source(%dma_start3A_103 : memref<38x128xi32, #tpu.memory_space<hbm>>) target(%dma_start3A_101 : memref<38x128xi32, #tpu.memory_space<vmem>>) target_semaphore(%run_scoped3A_94 : memref<!tpu.dma_semaphore, #tpu.memory_space<semaphore_mem>>)
        %dma_wait3A = arith.constant 0 : i32
        %dma_wait3A_104 = arith.constant 0 : i32
        %dma_wait3A_105 = tpu.memref_slice %arg7[%dma_wait3A, %dma_wait3A_104] : memref<38x128xi32, #tpu.memory_space<vmem>> -> memref<38x128xi32, #tpu.memory_space<vmem>>
        %dma_wait3A_106 = arith.constant 0 : i32
        %dma_wait3A_107 = tpu.memref_slice %arg4[%add3A_93, %dma_wait3A_106] : memref<2560x128xi32, #tpu.memory_space<hbm>> -> memref<38x128xi32, #tpu.memory_space<hbm>>
        %dma_wait3A_108 = arith.constant 0 : i32
        %dma_wait3A_109 = arith.constant 0 : i32
        %dma_wait3A_110 = tpu.memref_slice %arg7[%dma_wait3A_108, %dma_wait3A_109] : memref<38x128xi32, #tpu.memory_space<vmem>> -> memref<38x128xi32, #tpu.memory_space<vmem>>
        %dma_wait3A_111 = arith.constant 0 : i32
        %dma_wait3A_112 = tpu.memref_slice %arg4[%add3A_93, %dma_wait3A_111] : memref<2560x128xi32, #tpu.memory_space<hbm>> -> memref<38x128xi32, #tpu.memory_space<hbm>>
        tpu.wait_dma2 semaphore(%run_scoped3A_94 : memref<!tpu.dma_semaphore, #tpu.memory_space<semaphore_mem>>) src(%dma_wait3A_112 : memref<38x128xi32, #tpu.memory_space<hbm>>) dst(%dma_wait3A_110 : memref<38x128xi32, #tpu.memory_space<vmem>>)
        tpu.yield
      }) : () -> ()
    } else {
    }
    %not3A = arith.constant true
    %not3A_22 = arith.xori %eq3A_0, %not3A : i1
    %convert_element_type3A_23 = arith.extui %not3A_22 : i1 to i32
    %cond3A_24 = arith.constant 0 : i32
    %cond3A_25 = arith.cmpi ne, %convert_element_type3A_23, %cond3A_24 : i32
    scf.if %cond3A_25 {
      %mul3A_90 = arith.constant 8 : i32
      %mul3A_91 = arith.muli %arg1, %mul3A_90 : i32
      %add3A_92 = arith.constant 2432 : i32
      %add3A_93 = arith.addi %add3A_92, %mul3A_91 : i32
      %add3A_94 = arith.constant 0 : i32
      %add3A_95 = arith.addi %add3A_93, %add3A_94 : i32
      "tpu.region"() ({
        %run_scoped3A_96 = tpu.sem_alloc : memref<!tpu.dma_semaphore, #tpu.memory_space<semaphore_mem>>
        %dma_start3A = arith.constant 0 : i32
        %dma_start3A_97 = arith.constant 0 : i32
        %dma_start3A_98 = tpu.memref_slice %arg6[%dma_start3A, %dma_start3A_97] : memref<38x128xi32, #tpu.memory_space<vmem>> -> memref<2x128xi32, #tpu.memory_space<vmem>>
        %dma_start3A_99 = arith.constant 0 : i32
        %dma_start3A_100 = tpu.memref_slice %arg3[%add3A_95, %dma_start3A_99] : memref<2560x128xi32, #tpu.memory_space<hbm>> -> memref<2x128xi32, #tpu.memory_space<hbm>>
        %dma_start3A_101 = arith.constant 0 : i32
        %dma_start3A_102 = arith.constant 0 : i32
        %dma_start3A_103 = tpu.memref_slice %arg6[%dma_start3A_101, %dma_start3A_102] : memref<38x128xi32, #tpu.memory_space<vmem>> -> memref<2x128xi32, #tpu.memory_space<vmem>>
        %dma_start3A_104 = arith.constant 0 : i32
        %dma_start3A_105 = tpu.memref_slice %arg3[%add3A_95, %dma_start3A_104] : memref<2560x128xi32, #tpu.memory_space<hbm>> -> memref<2x128xi32, #tpu.memory_space<hbm>>
        tpu.enqueue_dma source(%dma_start3A_105 : memref<2x128xi32, #tpu.memory_space<hbm>>) target(%dma_start3A_103 : memref<2x128xi32, #tpu.memory_space<vmem>>) target_semaphore(%run_scoped3A_96 : memref<!tpu.dma_semaphore, #tpu.memory_space<semaphore_mem>>)
        %dma_wait3A = arith.constant 0 : i32
        %dma_wait3A_106 = arith.constant 0 : i32
        %dma_wait3A_107 = tpu.memref_slice %arg6[%dma_wait3A, %dma_wait3A_106] : memref<38x128xi32, #tpu.memory_space<vmem>> -> memref<2x128xi32, #tpu.memory_space<vmem>>
        %dma_wait3A_108 = arith.constant 0 : i32
        %dma_wait3A_109 = tpu.memref_slice %arg3[%add3A_95, %dma_wait3A_108] : memref<2560x128xi32, #tpu.memory_space<hbm>> -> memref<2x128xi32, #tpu.memory_space<hbm>>
        %dma_wait3A_110 = arith.constant 0 : i32
        %dma_wait3A_111 = arith.constant 0 : i32
        %dma_wait3A_112 = tpu.memref_slice %arg6[%dma_wait3A_110, %dma_wait3A_111] : memref<38x128xi32, #tpu.memory_space<vmem>> -> memref<2x128xi32, #tpu.memory_space<vmem>>
        %dma_wait3A_113 = arith.constant 0 : i32
        %dma_wait3A_114 = tpu.memref_slice %arg3[%add3A_95, %dma_wait3A_113] : memref<2560x128xi32, #tpu.memory_space<hbm>> -> memref<2x128xi32, #tpu.memory_space<hbm>>
        tpu.wait_dma2 semaphore(%run_scoped3A_96 : memref<!tpu.dma_semaphore, #tpu.memory_space<semaphore_mem>>) src(%dma_wait3A_114 : memref<2x128xi32, #tpu.memory_space<hbm>>) dst(%dma_wait3A_112 : memref<2x128xi32, #tpu.memory_space<vmem>>)
        tpu.yield
      }) : () -> ()
      "tpu.region"() ({
        %run_scoped3A_96 = tpu.sem_alloc : memref<!tpu.dma_semaphore, #tpu.memory_space<semaphore_mem>>
        %dma_start3A = arith.constant 0 : i32
        %dma_start3A_97 = arith.constant 0 : i32
        %dma_start3A_98 = tpu.memref_slice %arg7[%dma_start3A, %dma_start3A_97] : memref<38x128xi32, #tpu.memory_space<vmem>> -> memref<2x128xi32, #tpu.memory_space<vmem>>
        %dma_start3A_99 = arith.constant 0 : i32
        %dma_start3A_100 = tpu.memref_slice %arg4[%add3A_95, %dma_start3A_99] : memref<2560x128xi32, #tpu.memory_space<hbm>> -> memref<2x128xi32, #tpu.memory_space<hbm>>
        %dma_start3A_101 = arith.constant 0 : i32
        %dma_start3A_102 = arith.constant 0 : i32
        %dma_start3A_103 = tpu.memref_slice %arg7[%dma_start3A_101, %dma_start3A_102] : memref<38x128xi32, #tpu.memory_space<vmem>> -> memref<2x128xi32, #tpu.memory_space<vmem>>
        %dma_start3A_104 = arith.constant 0 : i32
        %dma_start3A_105 = tpu.memref_slice %arg4[%add3A_95, %dma_start3A_104] : memref<2560x128xi32, #tpu.memory_space<hbm>> -> memref<2x128xi32, #tpu.memory_space<hbm>>
        tpu.enqueue_dma source(%dma_start3A_105 : memref<2x128xi32, #tpu.memory_space<hbm>>) target(%dma_start3A_103 : memref<2x128xi32, #tpu.memory_space<vmem>>) target_semaphore(%run_scoped3A_96 : memref<!tpu.dma_semaphore, #tpu.memory_space<semaphore_mem>>)
        %dma_wait3A = arith.constant 0 : i32
        %dma_wait3A_106 = arith.constant 0 : i32
        %dma_wait3A_107 = tpu.memref_slice %arg7[%dma_wait3A, %dma_wait3A_106] : memref<38x128xi32, #tpu.memory_space<vmem>> -> memref<2x128xi32, #tpu.memory_space<vmem>>
        %dma_wait3A_108 = arith.constant 0 : i32
        %dma_wait3A_109 = tpu.memref_slice %arg4[%add3A_95, %dma_wait3A_108] : memref<2560x128xi32, #tpu.memory_space<hbm>> -> memref<2x128xi32, #tpu.memory_space<hbm>>
        %dma_wait3A_110 = arith.constant 0 : i32
        %dma_wait3A_111 = arith.constant 0 : i32
        %dma_wait3A_112 = tpu.memref_slice %arg7[%dma_wait3A_110, %dma_wait3A_111] : memref<38x128xi32, #tpu.memory_space<vmem>> -> memref<2x128xi32, #tpu.memory_space<vmem>>
        %dma_wait3A_113 = arith.constant 0 : i32
        %dma_wait3A_114 = tpu.memref_slice %arg4[%add3A_95, %dma_wait3A_113] : memref<2560x128xi32, #tpu.memory_space<hbm>> -> memref<2x128xi32, #tpu.memory_space<hbm>>
        tpu.wait_dma2 semaphore(%run_scoped3A_96 : memref<!tpu.dma_semaphore, #tpu.memory_space<semaphore_mem>>) src(%dma_wait3A_114 : memref<2x128xi32, #tpu.memory_space<hbm>>) dst(%dma_wait3A_112 : memref<2x128xi32, #tpu.memory_space<vmem>>)
        tpu.yield
      }) : () -> ()
    } else {
    }
    %while3A = arith.constant 0 : i32
    %while3A_26 = arith.constant 0 : i32
    %while3A_27 = arith.subi %select_n3A, %while3A_26 : i32
    %while3A_28 = arith.addi %while3A_26, %while3A_27 : i32
    %while3A_29 = arith.constant 1 : i32
    %while3A_30 = arith.divsi %while3A_27, %while3A_29 : i32
    %while3A_31 = arith.muli %while3A_30, %while3A_29 : i32
    %while3A_32 = arith.addi %while3A_26, %while3A_31 : i32
    %while3A_33 = arith.constant 1 : i32
    scf.for %while3A_90 = %while3A_26 to %while3A_32 step %while3A_33  : i32 {
      %mul3A_91 = arith.constant 2 : i32
      %mul3A_92 = arith.muli %while3A_90, %mul3A_91 : i32
      %add3A_93 = arith.constant 0 : i32
      %add3A_94 = arith.addi %mul3A_92, %add3A_93 : i32
      %dma_start3A = arith.constant 0 : i32
      %dma_start3A_95 = arith.constant 0 : i32
      %dma_start3A_96 = arith.constant 0 : i32
      %dma_start3A_97 = tpu.memref_slice %arg8[%dma_start3A, %dma_start3A_95, %dma_start3A_96] : memref<2x128x128xf32, #tpu.memory_space<vmem>> -> memref<1x128x128xf32, #tpu.memory_space<vmem>>
      %dma_start3A_98 = tpu.memref_squeeze %dma_start3A_97 : memref<1x128x128xf32, #tpu.memory_space<vmem>> -> memref<128x128xf32, #tpu.memory_space<vmem>>
      %dma_start3A_99 = arith.constant 0 : i32
      %dma_start3A_100 = tpu.memref_slice %arg6[%add3A_94, %dma_start3A_99] : memref<38x128xi32, #tpu.memory_space<vmem>> -> memref<1x128xi32, #tpu.memory_space<vmem>>
      %dma_start3A_101 = tpu.memref_squeeze %dma_start3A_100 : memref<1x128xi32, #tpu.memory_space<vmem>> -> memref<128xi32, #tpu.memory_space<vmem>>
      %dma_start3A_102 = arith.constant 0 : i32
      %dma_start3A_103 = arith.constant 0 : i32
      %dma_start3A_104 = tpu.memref_slice %arg2[%dma_start3A_102, %dma_start3A_103] : memref<10000x128xf32, #tpu.memory_space<hbm>> -> memref<10000x128xf32, #tpu.memory_space<hbm>>
      tpu.enqueue_indirect_dma source(%dma_start3A_104 : memref<10000x128xf32, #tpu.memory_space<hbm>>) target(%dma_start3A_98 : memref<128x128xf32, #tpu.memory_space<vmem>>) offsets(%dma_start3A_101 : memref<128xi32, #tpu.memory_space<vmem>>) semaphore(%arg10 : memref<!tpu.dma_semaphore, #tpu.memory_space<semaphore_mem>>)
      %mul3A_105 = arith.constant 2 : i32
      %mul3A_106 = arith.muli %while3A_90, %mul3A_105 : i32
      %add3A_107 = arith.constant 1 : i32
      %add3A_108 = arith.addi %mul3A_106, %add3A_107 : i32
      %dma_start3A_109 = arith.constant 1 : i32
      %dma_start3A_110 = arith.constant 0 : i32
      %dma_start3A_111 = arith.constant 0 : i32
      %dma_start3A_112 = tpu.memref_slice %arg8[%dma_start3A_109, %dma_start3A_110, %dma_start3A_111] : memref<2x128x128xf32, #tpu.memory_space<vmem>> -> memref<1x128x128xf32, #tpu.memory_space<vmem>>
      %dma_start3A_113 = tpu.memref_squeeze %dma_start3A_112 : memref<1x128x128xf32, #tpu.memory_space<vmem>> -> memref<128x128xf32, #tpu.memory_space<vmem>>
      %dma_start3A_114 = arith.constant 0 : i32
      %dma_start3A_115 = tpu.memref_slice %arg6[%add3A_108, %dma_start3A_114] : memref<38x128xi32, #tpu.memory_space<vmem>> -> memref<1x128xi32, #tpu.memory_space<vmem>>
      %dma_start3A_116 = tpu.memref_squeeze %dma_start3A_115 : memref<1x128xi32, #tpu.memory_space<vmem>> -> memref<128xi32, #tpu.memory_space<vmem>>
      %dma_start3A_117 = arith.constant 0 : i32
      %dma_start3A_118 = arith.constant 0 : i32
      %dma_start3A_119 = tpu.memref_slice %arg2[%dma_start3A_117, %dma_start3A_118] : memref<10000x128xf32, #tpu.memory_space<hbm>> -> memref<10000x128xf32, #tpu.memory_space<hbm>>
      tpu.enqueue_indirect_dma source(%dma_start3A_119 : memref<10000x128xf32, #tpu.memory_space<hbm>>) target(%dma_start3A_113 : memref<128x128xf32, #tpu.memory_space<vmem>>) offsets(%dma_start3A_116 : memref<128xi32, #tpu.memory_space<vmem>>) semaphore(%arg10 : memref<!tpu.dma_semaphore, #tpu.memory_space<semaphore_mem>>)
      %dma_wait3A = arith.constant 0 : i32
      %dma_wait3A_120 = arith.constant 0 : i32
      %dma_wait3A_121 = arith.constant 0 : i32
      %dma_wait3A_122 = tpu.memref_slice %arg8[%dma_wait3A, %dma_wait3A_120, %dma_wait3A_121] : memref<2x128x128xf32, #tpu.memory_space<vmem>> -> memref<1x128x128xf32, #tpu.memory_space<vmem>>
      %dma_wait3A_123 = tpu.memref_squeeze %dma_wait3A_122 : memref<1x128x128xf32, #tpu.memory_space<vmem>> -> memref<128x128xf32, #tpu.memory_space<vmem>>
      %dma_wait3A_124 = arith.constant 0 : i32
      %dma_wait3A_125 = tpu.memref_slice %arg6[%add3A_94, %dma_wait3A_124] : memref<38x128xi32, #tpu.memory_space<vmem>> -> memref<1x128xi32, #tpu.memory_space<vmem>>
      %dma_wait3A_126 = tpu.memref_squeeze %dma_wait3A_125 : memref<1x128xi32, #tpu.memory_space<vmem>> -> memref<128xi32, #tpu.memory_space<vmem>>
      %dma_wait3A_127 = arith.constant 0 : i32
      %dma_wait3A_128 = arith.constant 0 : i32
      %dma_wait3A_129 = tpu.memref_slice %arg2[%dma_wait3A_127, %dma_wait3A_128] : memref<10000x128xf32, #tpu.memory_space<hbm>> -> memref<10000x128xf32, #tpu.memory_space<hbm>>
      tpu.wait_indirect_dma semaphore(%arg10 : memref<!tpu.dma_semaphore, #tpu.memory_space<semaphore_mem>>) src(%dma_wait3A_129 : memref<10000x128xf32, #tpu.memory_space<hbm>>) dst(%dma_wait3A_123 : memref<128x128xf32, #tpu.memory_space<vmem>>)
      %mul3A_130 = arith.constant 2 : i32
      %mul3A_131 = arith.muli %while3A_90, %mul3A_130 : i32
      %add3A_132 = arith.constant 0 : i32
      %add3A_133 = arith.addi %mul3A_131, %add3A_132 : i32
      %dma_start3A_134 = arith.constant 0 : i32
      %dma_start3A_135 = arith.constant 0 : i32
      %dma_start3A_136 = arith.constant 0 : i32
      %dma_start3A_137 = tpu.memref_slice %arg8[%dma_start3A_134, %dma_start3A_135, %dma_start3A_136] : memref<2x128x128xf32, #tpu.memory_space<vmem>> -> memref<1x128x128xf32, #tpu.memory_space<vmem>>
      %dma_start3A_138 = tpu.memref_squeeze %dma_start3A_137 : memref<1x128x128xf32, #tpu.memory_space<vmem>> -> memref<128x128xf32, #tpu.memory_space<vmem>>
      %dma_start3A_139 = arith.constant 0 : i32
      %dma_start3A_140 = tpu.memref_slice %arg7[%add3A_133, %dma_start3A_139] : memref<38x128xi32, #tpu.memory_space<vmem>> -> memref<1x128xi32, #tpu.memory_space<vmem>>
      %dma_start3A_141 = tpu.memref_squeeze %dma_start3A_140 : memref<1x128xi32, #tpu.memory_space<vmem>> -> memref<128xi32, #tpu.memory_space<vmem>>
      %dma_start3A_142 = arith.constant 0 : i32
      %dma_start3A_143 = arith.constant 0 : i32
      %dma_start3A_144 = tpu.memref_slice %arg9[%dma_start3A_142, %dma_start3A_143] : memref<10112x128xf32, #tpu.memory_space<vmem_shared>> -> memref<10112x128xf32, #tpu.memory_space<vmem_shared>>
      tpu.enqueue_indirect_dma source(%dma_start3A_138 : memref<128x128xf32, #tpu.memory_space<vmem>>) target(%dma_start3A_144 : memref<10112x128xf32, #tpu.memory_space<vmem_shared>>) offsets(%dma_start3A_141 : memref<128xi32, #tpu.memory_space<vmem>>) semaphore(%arg11 : memref<!tpu.dma_semaphore, #tpu.memory_space<semaphore_mem>>) {add = true}
      %dma_wait3A_145 = arith.constant 1 : i32
      %dma_wait3A_146 = arith.constant 0 : i32
      %dma_wait3A_147 = arith.constant 0 : i32
      %dma_wait3A_148 = tpu.memref_slice %arg8[%dma_wait3A_145, %dma_wait3A_146, %dma_wait3A_147] : memref<2x128x128xf32, #tpu.memory_space<vmem>> -> memref<1x128x128xf32, #tpu.memory_space<vmem>>
      %dma_wait3A_149 = tpu.memref_squeeze %dma_wait3A_148 : memref<1x128x128xf32, #tpu.memory_space<vmem>> -> memref<128x128xf32, #tpu.memory_space<vmem>>
      %dma_wait3A_150 = arith.constant 0 : i32
      %dma_wait3A_151 = tpu.memref_slice %arg6[%add3A_108, %dma_wait3A_150] : memref<38x128xi32, #tpu.memory_space<vmem>> -> memref<1x128xi32, #tpu.memory_space<vmem>>
      %dma_wait3A_152 = tpu.memref_squeeze %dma_wait3A_151 : memref<1x128xi32, #tpu.memory_space<vmem>> -> memref<128xi32, #tpu.memory_space<vmem>>
      %dma_wait3A_153 = arith.constant 0 : i32
      %dma_wait3A_154 = arith.constant 0 : i32
      %dma_wait3A_155 = tpu.memref_slice %arg2[%dma_wait3A_153, %dma_wait3A_154] : memref<10000x128xf32, #tpu.memory_space<hbm>> -> memref<10000x128xf32, #tpu.memory_space<hbm>>
      tpu.wait_indirect_dma semaphore(%arg10 : memref<!tpu.dma_semaphore, #tpu.memory_space<semaphore_mem>>) src(%dma_wait3A_155 : memref<10000x128xf32, #tpu.memory_space<hbm>>) dst(%dma_wait3A_149 : memref<128x128xf32, #tpu.memory_space<vmem>>)
      %mul3A_156 = arith.constant 2 : i32
      %mul3A_157 = arith.muli %while3A_90, %mul3A_156 : i32
      %add3A_158 = arith.constant 1 : i32
      %add3A_159 = arith.addi %mul3A_157, %add3A_158 : i32
      %dma_start3A_160 = arith.constant 1 : i32
      %dma_start3A_161 = arith.constant 0 : i32
      %dma_start3A_162 = arith.constant 0 : i32
      %dma_start3A_163 = tpu.memref_slice %arg8[%dma_start3A_160, %dma_start3A_161, %dma_start3A_162] : memref<2x128x128xf32, #tpu.memory_space<vmem>> -> memref<1x128x128xf32, #tpu.memory_space<vmem>>
      %dma_start3A_164 = tpu.memref_squeeze %dma_start3A_163 : memref<1x128x128xf32, #tpu.memory_space<vmem>> -> memref<128x128xf32, #tpu.memory_space<vmem>>
      %dma_start3A_165 = arith.constant 0 : i32
      %dma_start3A_166 = tpu.memref_slice %arg7[%add3A_159, %dma_start3A_165] : memref<38x128xi32, #tpu.memory_space<vmem>> -> memref<1x128xi32, #tpu.memory_space<vmem>>
      %dma_start3A_167 = tpu.memref_squeeze %dma_start3A_166 : memref<1x128xi32, #tpu.memory_space<vmem>> -> memref<128xi32, #tpu.memory_space<vmem>>
      %dma_start3A_168 = arith.constant 0 : i32
      %dma_start3A_169 = arith.constant 0 : i32
      %dma_start3A_170 = tpu.memref_slice %arg9[%dma_start3A_168, %dma_start3A_169] : memref<10112x128xf32, #tpu.memory_space<vmem_shared>> -> memref<10112x128xf32, #tpu.memory_space<vmem_shared>>
      tpu.enqueue_indirect_dma source(%dma_start3A_164 : memref<128x128xf32, #tpu.memory_space<vmem>>) target(%dma_start3A_170 : memref<10112x128xf32, #tpu.memory_space<vmem_shared>>) offsets(%dma_start3A_167 : memref<128xi32, #tpu.memory_space<vmem>>) semaphore(%arg11 : memref<!tpu.dma_semaphore, #tpu.memory_space<semaphore_mem>>) {add = true}
      %dma_wait3A_171 = arith.constant 0 : i32
      %dma_wait3A_172 = arith.constant 0 : i32
      %dma_wait3A_173 = arith.constant 0 : i32
      %dma_wait3A_174 = tpu.memref_slice %arg8[%dma_wait3A_171, %dma_wait3A_172, %dma_wait3A_173] : memref<2x128x128xf32, #tpu.memory_space<vmem>> -> memref<1x128x128xf32, #tpu.memory_space<vmem>>
      %dma_wait3A_175 = tpu.memref_squeeze %dma_wait3A_174 : memref<1x128x128xf32, #tpu.memory_space<vmem>> -> memref<128x128xf32, #tpu.memory_space<vmem>>
      %dma_wait3A_176 = arith.constant 0 : i32
      %dma_wait3A_177 = tpu.memref_slice %arg7[%add3A_133, %dma_wait3A_176] : memref<38x128xi32, #tpu.memory_space<vmem>> -> memref<1x128xi32, #tpu.memory_space<vmem>>
      %dma_wait3A_178 = tpu.memref_squeeze %dma_wait3A_177 : memref<1x128xi32, #tpu.memory_space<vmem>> -> memref<128xi32, #tpu.memory_space<vmem>>
      %dma_wait3A_179 = arith.constant 0 : i32
      %dma_wait3A_180 = arith.constant 0 : i32
      %dma_wait3A_181 = tpu.memref_slice %arg9[%dma_wait3A_179, %dma_wait3A_180] : memref<10112x128xf32, #tpu.memory_space<vmem_shared>> -> memref<10112x128xf32, #tpu.memory_space<vmem_shared>>
      tpu.wait_indirect_dma semaphore(%arg11 : memref<!tpu.dma_semaphore, #tpu.memory_space<semaphore_mem>>) src(%dma_wait3A_175 : memref<128x128xf32, #tpu.memory_space<vmem>>) dst(%dma_wait3A_181 : memref<10112x128xf32, #tpu.memory_space<vmem_shared>>)
      %dma_wait3A_182 = arith.constant 1 : i32
      %dma_wait3A_183 = arith.constant 0 : i32
      %dma_wait3A_184 = arith.constant 0 : i32
      %dma_wait3A_185 = tpu.memref_slice %arg8[%dma_wait3A_182, %dma_wait3A_183, %dma_wait3A_184] : memref<2x128x128xf32, #tpu.memory_space<vmem>> -> memref<1x128x128xf32, #tpu.memory_space<vmem>>
      %dma_wait3A_186 = tpu.memref_squeeze %dma_wait3A_185 : memref<1x128x128xf32, #tpu.memory_space<vmem>> -> memref<128x128xf32, #tpu.memory_space<vmem>>
      %dma_wait3A_187 = arith.constant 0 : i32
      %dma_wait3A_188 = tpu.memref_slice %arg7[%add3A_159, %dma_wait3A_187] : memref<38x128xi32, #tpu.memory_space<vmem>> -> memref<1x128xi32, #tpu.memory_space<vmem>>
      %dma_wait3A_189 = tpu.memref_squeeze %dma_wait3A_188 : memref<1x128xi32, #tpu.memory_space<vmem>> -> memref<128xi32, #tpu.memory_space<vmem>>
      %dma_wait3A_190 = arith.constant 0 : i32
      %dma_wait3A_191 = arith.constant 0 : i32
      %dma_wait3A_192 = tpu.memref_slice %arg9[%dma_wait3A_190, %dma_wait3A_191] : memref<10112x128xf32, #tpu.memory_space<vmem_shared>> -> memref<10112x128xf32, #tpu.memory_space<vmem_shared>>
      tpu.wait_indirect_dma semaphore(%arg11 : memref<!tpu.dma_semaphore, #tpu.memory_space<semaphore_mem>>) src(%dma_wait3A_186 : memref<128x128xf32, #tpu.memory_space<vmem>>) dst(%dma_wait3A_192 : memref<10112x128xf32, #tpu.memory_space<vmem_shared>>)
    }
    %while3A_34 = arith.constant 1 : i32
    scf.for %while3A_90 = %while3A_32 to %while3A_28 step %while3A_34  : i32 {
      %mul3A_91 = arith.constant 2 : i32
      %mul3A_92 = arith.muli %while3A_90, %mul3A_91 : i32
      %add3A_93 = arith.constant 0 : i32
      %add3A_94 = arith.addi %mul3A_92, %add3A_93 : i32
      %dma_start3A = arith.constant 0 : i32
      %dma_start3A_95 = arith.constant 0 : i32
      %dma_start3A_96 = arith.constant 0 : i32
      %dma_start3A_97 = tpu.memref_slice %arg8[%dma_start3A, %dma_start3A_95, %dma_start3A_96] : memref<2x128x128xf32, #tpu.memory_space<vmem>> -> memref<1x128x128xf32, #tpu.memory_space<vmem>>
      %dma_start3A_98 = tpu.memref_squeeze %dma_start3A_97 : memref<1x128x128xf32, #tpu.memory_space<vmem>> -> memref<128x128xf32, #tpu.memory_space<vmem>>
      %dma_start3A_99 = arith.constant 0 : i32
      %dma_start3A_100 = tpu.memref_slice %arg6[%add3A_94, %dma_start3A_99] : memref<38x128xi32, #tpu.memory_space<vmem>> -> memref<1x128xi32, #tpu.memory_space<vmem>>
      %dma_start3A_101 = tpu.memref_squeeze %dma_start3A_100 : memref<1x128xi32, #tpu.memory_space<vmem>> -> memref<128xi32, #tpu.memory_space<vmem>>
      %dma_start3A_102 = arith.constant 0 : i32
      %dma_start3A_103 = arith.constant 0 : i32
      %dma_start3A_104 = tpu.memref_slice %arg2[%dma_start3A_102, %dma_start3A_103] : memref<10000x128xf32, #tpu.memory_space<hbm>> -> memref<10000x128xf32, #tpu.memory_space<hbm>>
      tpu.enqueue_indirect_dma source(%dma_start3A_104 : memref<10000x128xf32, #tpu.memory_space<hbm>>) target(%dma_start3A_98 : memref<128x128xf32, #tpu.memory_space<vmem>>) offsets(%dma_start3A_101 : memref<128xi32, #tpu.memory_space<vmem>>) semaphore(%arg10 : memref<!tpu.dma_semaphore, #tpu.memory_space<semaphore_mem>>)
      %mul3A_105 = arith.constant 2 : i32
      %mul3A_106 = arith.muli %while3A_90, %mul3A_105 : i32
      %add3A_107 = arith.constant 1 : i32
      %add3A_108 = arith.addi %mul3A_106, %add3A_107 : i32
      %dma_start3A_109 = arith.constant 1 : i32
      %dma_start3A_110 = arith.constant 0 : i32
      %dma_start3A_111 = arith.constant 0 : i32
      %dma_start3A_112 = tpu.memref_slice %arg8[%dma_start3A_109, %dma_start3A_110, %dma_start3A_111] : memref<2x128x128xf32, #tpu.memory_space<vmem>> -> memref<1x128x128xf32, #tpu.memory_space<vmem>>
      %dma_start3A_113 = tpu.memref_squeeze %dma_start3A_112 : memref<1x128x128xf32, #tpu.memory_space<vmem>> -> memref<128x128xf32, #tpu.memory_space<vmem>>
      %dma_start3A_114 = arith.constant 0 : i32
      %dma_start3A_115 = tpu.memref_slice %arg6[%add3A_108, %dma_start3A_114] : memref<38x128xi32, #tpu.memory_space<vmem>> -> memref<1x128xi32, #tpu.memory_space<vmem>>
      %dma_start3A_116 = tpu.memref_squeeze %dma_start3A_115 : memref<1x128xi32, #tpu.memory_space<vmem>> -> memref<128xi32, #tpu.memory_space<vmem>>
      %dma_start3A_117 = arith.constant 0 : i32
      %dma_start3A_118 = arith.constant 0 : i32
      %dma_start3A_119 = tpu.memref_slice %arg2[%dma_start3A_117, %dma_start3A_118] : memref<10000x128xf32, #tpu.memory_space<hbm>> -> memref<10000x128xf32, #tpu.memory_space<hbm>>
      tpu.enqueue_indirect_dma source(%dma_start3A_119 : memref<10000x128xf32, #tpu.memory_space<hbm>>) target(%dma_start3A_113 : memref<128x128xf32, #tpu.memory_space<vmem>>) offsets(%dma_start3A_116 : memref<128xi32, #tpu.memory_space<vmem>>) semaphore(%arg10 : memref<!tpu.dma_semaphore, #tpu.memory_space<semaphore_mem>>)
      %dma_wait3A = arith.constant 0 : i32
      %dma_wait3A_120 = arith.constant 0 : i32
      %dma_wait3A_121 = arith.constant 0 : i32
      %dma_wait3A_122 = tpu.memref_slice %arg8[%dma_wait3A, %dma_wait3A_120, %dma_wait3A_121] : memref<2x128x128xf32, #tpu.memory_space<vmem>> -> memref<1x128x128xf32, #tpu.memory_space<vmem>>
      %dma_wait3A_123 = tpu.memref_squeeze %dma_wait3A_122 : memref<1x128x128xf32, #tpu.memory_space<vmem>> -> memref<128x128xf32, #tpu.memory_space<vmem>>
      %dma_wait3A_124 = arith.constant 0 : i32
      %dma_wait3A_125 = tpu.memref_slice %arg6[%add3A_94, %dma_wait3A_124] : memref<38x128xi32, #tpu.memory_space<vmem>> -> memref<1x128xi32, #tpu.memory_space<vmem>>
      %dma_wait3A_126 = tpu.memref_squeeze %dma_wait3A_125 : memref<1x128xi32, #tpu.memory_space<vmem>> -> memref<128xi32, #tpu.memory_space<vmem>>
      %dma_wait3A_127 = arith.constant 0 : i32
      %dma_wait3A_128 = arith.constant 0 : i32
      %dma_wait3A_129 = tpu.memref_slice %arg2[%dma_wait3A_127, %dma_wait3A_128] : memref<10000x128xf32, #tpu.memory_space<hbm>> -> memref<10000x128xf32, #tpu.memory_space<hbm>>
      tpu.wait_indirect_dma semaphore(%arg10 : memref<!tpu.dma_semaphore, #tpu.memory_space<semaphore_mem>>) src(%dma_wait3A_129 : memref<10000x128xf32, #tpu.memory_space<hbm>>) dst(%dma_wait3A_123 : memref<128x128xf32, #tpu.memory_space<vmem>>)
      %mul3A_130 = arith.constant 2 : i32
      %mul3A_131 = arith.muli %while3A_90, %mul3A_130 : i32
      %add3A_132 = arith.constant 0 : i32
      %add3A_133 = arith.addi %mul3A_131, %add3A_132 : i32
      %dma_start3A_134 = arith.constant 0 : i32
      %dma_start3A_135 = arith.constant 0 : i32
      %dma_start3A_136 = arith.constant 0 : i32
      %dma_start3A_137 = tpu.memref_slice %arg8[%dma_start3A_134, %dma_start3A_135, %dma_start3A_136] : memref<2x128x128xf32, #tpu.memory_space<vmem>> -> memref<1x128x128xf32, #tpu.memory_space<vmem>>
      %dma_start3A_138 = tpu.memref_squeeze %dma_start3A_137 : memref<1x128x128xf32, #tpu.memory_space<vmem>> -> memref<128x128xf32, #tpu.memory_space<vmem>>
      %dma_start3A_139 = arith.constant 0 : i32
      %dma_start3A_140 = tpu.memref_slice %arg7[%add3A_133, %dma_start3A_139] : memref<38x128xi32, #tpu.memory_space<vmem>> -> memref<1x128xi32, #tpu.memory_space<vmem>>
      %dma_start3A_141 = tpu.memref_squeeze %dma_start3A_140 : memref<1x128xi32, #tpu.memory_space<vmem>> -> memref<128xi32, #tpu.memory_space<vmem>>
      %dma_start3A_142 = arith.constant 0 : i32
      %dma_start3A_143 = arith.constant 0 : i32
      %dma_start3A_144 = tpu.memref_slice %arg9[%dma_start3A_142, %dma_start3A_143] : memref<10112x128xf32, #tpu.memory_space<vmem_shared>> -> memref<10112x128xf32, #tpu.memory_space<vmem_shared>>
      tpu.enqueue_indirect_dma source(%dma_start3A_138 : memref<128x128xf32, #tpu.memory_space<vmem>>) target(%dma_start3A_144 : memref<10112x128xf32, #tpu.memory_space<vmem_shared>>) offsets(%dma_start3A_141 : memref<128xi32, #tpu.memory_space<vmem>>) semaphore(%arg11 : memref<!tpu.dma_semaphore, #tpu.memory_space<semaphore_mem>>) {add = true}
      %dma_wait3A_145 = arith.constant 1 : i32
      %dma_wait3A_146 = arith.constant 0 : i32
      %dma_wait3A_147 = arith.constant 0 : i32
      %dma_wait3A_148 = tpu.memref_slice %arg8[%dma_wait3A_145, %dma_wait3A_146, %dma_wait3A_147] : memref<2x128x128xf32, #tpu.memory_space<vmem>> -> memref<1x128x128xf32, #tpu.memory_space<vmem>>
      %dma_wait3A_149 = tpu.memref_squeeze %dma_wait3A_148 : memref<1x128x128xf32, #tpu.memory_space<vmem>> -> memref<128x128xf32, #tpu.memory_space<vmem>>
      %dma_wait3A_150 = arith.constant 0 : i32
      %dma_wait3A_151 = tpu.memref_slice %arg6[%add3A_108, %dma_wait3A_150] : memref<38x128xi32, #tpu.memory_space<vmem>> -> memref<1x128xi32, #tpu.memory_space<vmem>>
      %dma_wait3A_152 = tpu.memref_squeeze %dma_wait3A_151 : memref<1x128xi32, #tpu.memory_space<vmem>> -> memref<128xi32, #tpu.memory_space<vmem>>
      %dma_wait3A_153 = arith.constant 0 : i32
      %dma_wait3A_154 = arith.constant 0 : i32
      %dma_wait3A_155 = tpu.memref_slice %arg2[%dma_wait3A_153, %dma_wait3A_154] : memref<10000x128xf32, #tpu.memory_space<hbm>> -> memref<10000x128xf32, #tpu.memory_space<hbm>>
      tpu.wait_indirect_dma semaphore(%arg10 : memref<!tpu.dma_semaphore, #tpu.memory_space<semaphore_mem>>) src(%dma_wait3A_155 : memref<10000x128xf32, #tpu.memory_space<hbm>>) dst(%dma_wait3A_149 : memref<128x128xf32, #tpu.memory_space<vmem>>)
      %mul3A_156 = arith.constant 2 : i32
      %mul3A_157 = arith.muli %while3A_90, %mul3A_156 : i32
      %add3A_158 = arith.constant 1 : i32
      %add3A_159 = arith.addi %mul3A_157, %add3A_158 : i32
      %dma_start3A_160 = arith.constant 1 : i32
      %dma_start3A_161 = arith.constant 0 : i32
      %dma_start3A_162 = arith.constant 0 : i32
      %dma_start3A_163 = tpu.memref_slice %arg8[%dma_start3A_160, %dma_start3A_161, %dma_start3A_162] : memref<2x128x128xf32, #tpu.memory_space<vmem>> -> memref<1x128x128xf32, #tpu.memory_space<vmem>>
      %dma_start3A_164 = tpu.memref_squeeze %dma_start3A_163 : memref<1x128x128xf32, #tpu.memory_space<vmem>> -> memref<128x128xf32, #tpu.memory_space<vmem>>
      %dma_start3A_165 = arith.constant 0 : i32
      %dma_start3A_166 = tpu.memref_slice %arg7[%add3A_159, %dma_start3A_165] : memref<38x128xi32, #tpu.memory_space<vmem>> -> memref<1x128xi32, #tpu.memory_space<vmem>>
      %dma_start3A_167 = tpu.memref_squeeze %dma_start3A_166 : memref<1x128xi32, #tpu.memory_space<vmem>> -> memref<128xi32, #tpu.memory_space<vmem>>
      %dma_start3A_168 = arith.constant 0 : i32
      %dma_start3A_169 = arith.constant 0 : i32
      %dma_start3A_170 = tpu.memref_slice %arg9[%dma_start3A_168, %dma_start3A_169] : memref<10112x128xf32, #tpu.memory_space<vmem_shared>> -> memref<10112x128xf32, #tpu.memory_space<vmem_shared>>
      tpu.enqueue_indirect_dma source(%dma_start3A_164 : memref<128x128xf32, #tpu.memory_space<vmem>>) target(%dma_start3A_170 : memref<10112x128xf32, #tpu.memory_space<vmem_shared>>) offsets(%dma_start3A_167 : memref<128xi32, #tpu.memory_space<vmem>>) semaphore(%arg11 : memref<!tpu.dma_semaphore, #tpu.memory_space<semaphore_mem>>) {add = true}
      %dma_wait3A_171 = arith.constant 0 : i32
      %dma_wait3A_172 = arith.constant 0 : i32
      %dma_wait3A_173 = arith.constant 0 : i32
      %dma_wait3A_174 = tpu.memref_slice %arg8[%dma_wait3A_171, %dma_wait3A_172, %dma_wait3A_173] : memref<2x128x128xf32, #tpu.memory_space<vmem>> -> memref<1x128x128xf32, #tpu.memory_space<vmem>>
      %dma_wait3A_175 = tpu.memref_squeeze %dma_wait3A_174 : memref<1x128x128xf32, #tpu.memory_space<vmem>> -> memref<128x128xf32, #tpu.memory_space<vmem>>
      %dma_wait3A_176 = arith.constant 0 : i32
      %dma_wait3A_177 = tpu.memref_slice %arg7[%add3A_133, %dma_wait3A_176] : memref<38x128xi32, #tpu.memory_space<vmem>> -> memref<1x128xi32, #tpu.memory_space<vmem>>
      %dma_wait3A_178 = tpu.memref_squeeze %dma_wait3A_177 : memref<1x128xi32, #tpu.memory_space<vmem>> -> memref<128xi32, #tpu.memory_space<vmem>>
      %dma_wait3A_179 = arith.constant 0 : i32
      %dma_wait3A_180 = arith.constant 0 : i32
      %dma_wait3A_181 = tpu.memref_slice %arg9[%dma_wait3A_179, %dma_wait3A_180] : memref<10112x128xf32, #tpu.memory_space<vmem_shared>> -> memref<10112x128xf32, #tpu.memory_space<vmem_shared>>
      tpu.wait_indirect_dma semaphore(%arg11 : memref<!tpu.dma_semaphore, #tpu.memory_space<semaphore_mem>>) src(%dma_wait3A_175 : memref<128x128xf32, #tpu.memory_space<vmem>>) dst(%dma_wait3A_181 : memref<10112x128xf32, #tpu.memory_space<vmem_shared>>)
      %dma_wait3A_182 = arith.constant 1 : i32
      %dma_wait3A_183 = arith.constant 0 : i32
      %dma_wait3A_184 = arith.constant 0 : i32
      %dma_wait3A_185 = tpu.memref_slice %arg8[%dma_wait3A_182, %dma_wait3A_183, %dma_wait3A_184] : memref<2x128x128xf32, #tpu.memory_space<vmem>> -> memref<1x128x128xf32, #tpu.memory_space<vmem>>
      %dma_wait3A_186 = tpu.memref_squeeze %dma_wait3A_185 : memref<1x128x128xf32, #tpu.memory_space<vmem>> -> memref<128x128xf32, #tpu.memory_space<vmem>>
      %dma_wait3A_187 = arith.constant 0 : i32
      %dma_wait3A_188 = tpu.memref_slice %arg7[%add3A_159, %dma_wait3A_187] : memref<38x128xi32, #tpu.memory_space<vmem>> -> memref<1x128xi32, #tpu.memory_space<vmem>>
      %dma_wait3A_189 = tpu.memref_squeeze %dma_wait3A_188 : memref<1x128xi32, #tpu.memory_space<vmem>> -> memref<128xi32, #tpu.memory_space<vmem>>
      %dma_wait3A_190 = arith.constant 0 : i32
      %dma_wait3A_191 = arith.constant 0 : i32
      %dma_wait3A_192 = tpu.memref_slice %arg9[%dma_wait3A_190, %dma_wait3A_191] : memref<10112x128xf32, #tpu.memory_space<vmem_shared>> -> memref<10112x128xf32, #tpu.memory_space<vmem_shared>>
      tpu.wait_indirect_dma semaphore(%arg11 : memref<!tpu.dma_semaphore, #tpu.memory_space<semaphore_mem>>) src(%dma_wait3A_186 : memref<128x128xf32, #tpu.memory_space<vmem>>) dst(%dma_wait3A_192 : memref<10112x128xf32, #tpu.memory_space<vmem_shared>>)
    }
    %convert_element_type3A_35 = arith.extui %eq3A_0 : i1 to i32
    %cond3A_36 = arith.constant 0 : i32
    %cond3A_37 = arith.cmpi ne, %convert_element_type3A_35, %cond3A_36 : i32
    scf.if %cond3A_37 {
      %mul3A_90 = arith.constant 152 : i32
      %mul3A_91 = arith.muli %arg1, %mul3A_90 : i32
      %add3A_92 = arith.constant 38 : i32
      %add3A_93 = arith.addi %mul3A_91, %add3A_92 : i32
      "tpu.region"() ({
        %run_scoped3A_94 = tpu.sem_alloc : memref<!tpu.dma_semaphore, #tpu.memory_space<semaphore_mem>>
        %dma_start3A = arith.constant 0 : i32
        %dma_start3A_95 = arith.constant 0 : i32
        %dma_start3A_96 = tpu.memref_slice %arg6[%dma_start3A, %dma_start3A_95] : memref<38x128xi32, #tpu.memory_space<vmem>> -> memref<38x128xi32, #tpu.memory_space<vmem>>
        %dma_start3A_97 = arith.constant 0 : i32
        %dma_start3A_98 = tpu.memref_slice %arg3[%add3A_93, %dma_start3A_97] : memref<2560x128xi32, #tpu.memory_space<hbm>> -> memref<38x128xi32, #tpu.memory_space<hbm>>
        %dma_start3A_99 = arith.constant 0 : i32
        %dma_start3A_100 = arith.constant 0 : i32
        %dma_start3A_101 = tpu.memref_slice %arg6[%dma_start3A_99, %dma_start3A_100] : memref<38x128xi32, #tpu.memory_space<vmem>> -> memref<38x128xi32, #tpu.memory_space<vmem>>
        %dma_start3A_102 = arith.constant 0 : i32
        %dma_start3A_103 = tpu.memref_slice %arg3[%add3A_93, %dma_start3A_102] : memref<2560x128xi32, #tpu.memory_space<hbm>> -> memref<38x128xi32, #tpu.memory_space<hbm>>
        tpu.enqueue_dma source(%dma_start3A_103 : memref<38x128xi32, #tpu.memory_space<hbm>>) target(%dma_start3A_101 : memref<38x128xi32, #tpu.memory_space<vmem>>) target_semaphore(%run_scoped3A_94 : memref<!tpu.dma_semaphore, #tpu.memory_space<semaphore_mem>>)
        %dma_wait3A = arith.constant 0 : i32
        %dma_wait3A_104 = arith.constant 0 : i32
        %dma_wait3A_105 = tpu.memref_slice %arg6[%dma_wait3A, %dma_wait3A_104] : memref<38x128xi32, #tpu.memory_space<vmem>> -> memref<38x128xi32, #tpu.memory_space<vmem>>
        %dma_wait3A_106 = arith.constant 0 : i32
        %dma_wait3A_107 = tpu.memref_slice %arg3[%add3A_93, %dma_wait3A_106] : memref<2560x128xi32, #tpu.memory_space<hbm>> -> memref<38x128xi32, #tpu.memory_space<hbm>>
        %dma_wait3A_108 = arith.constant 0 : i32
        %dma_wait3A_109 = arith.constant 0 : i32
        %dma_wait3A_110 = tpu.memref_slice %arg6[%dma_wait3A_108, %dma_wait3A_109] : memref<38x128xi32, #tpu.memory_space<vmem>> -> memref<38x128xi32, #tpu.memory_space<vmem>>
        %dma_wait3A_111 = arith.constant 0 : i32
        %dma_wait3A_112 = tpu.memref_slice %arg3[%add3A_93, %dma_wait3A_111] : memref<2560x128xi32, #tpu.memory_space<hbm>> -> memref<38x128xi32, #tpu.memory_space<hbm>>
        tpu.wait_dma2 semaphore(%run_scoped3A_94 : memref<!tpu.dma_semaphore, #tpu.memory_space<semaphore_mem>>) src(%dma_wait3A_112 : memref<38x128xi32, #tpu.memory_space<hbm>>) dst(%dma_wait3A_110 : memref<38x128xi32, #tpu.memory_space<vmem>>)
        tpu.yield
      }) : () -> ()
      "tpu.region"() ({
        %run_scoped3A_94 = tpu.sem_alloc : memref<!tpu.dma_semaphore, #tpu.memory_space<semaphore_mem>>
        %dma_start3A = arith.constant 0 : i32
        %dma_start3A_95 = arith.constant 0 : i32
        %dma_start3A_96 = tpu.memref_slice %arg7[%dma_start3A, %dma_start3A_95] : memref<38x128xi32, #tpu.memory_space<vmem>> -> memref<38x128xi32, #tpu.memory_space<vmem>>
        %dma_start3A_97 = arith.constant 0 : i32
        %dma_start3A_98 = tpu.memref_slice %arg4[%add3A_93, %dma_start3A_97] : memref<2560x128xi32, #tpu.memory_space<hbm>> -> memref<38x128xi32, #tpu.memory_space<hbm>>
        %dma_start3A_99 = arith.constant 0 : i32
        %dma_start3A_100 = arith.constant 0 : i32
        %dma_start3A_101 = tpu.memref_slice %arg7[%dma_start3A_99, %dma_start3A_100] : memref<38x128xi32, #tpu.memory_space<vmem>> -> memref<38x128xi32, #tpu.memory_space<vmem>>
        %dma_start3A_102 = arith.constant 0 : i32
        %dma_start3A_103 = tpu.memref_slice %arg4[%add3A_93, %dma_start3A_102] : memref<2560x128xi32, #tpu.memory_space<hbm>> -> memref<38x128xi32, #tpu.memory_space<hbm>>
        tpu.enqueue_dma source(%dma_start3A_103 : memref<38x128xi32, #tpu.memory_space<hbm>>) target(%dma_start3A_101 : memref<38x128xi32, #tpu.memory_space<vmem>>) target_semaphore(%run_scoped3A_94 : memref<!tpu.dma_semaphore, #tpu.memory_space<semaphore_mem>>)
        %dma_wait3A = arith.constant 0 : i32
        %dma_wait3A_104 = arith.constant 0 : i32
        %dma_wait3A_105 = tpu.memref_slice %arg7[%dma_wait3A, %dma_wait3A_104] : memref<38x128xi32, #tpu.memory_space<vmem>> -> memref<38x128xi32, #tpu.memory_space<vmem>>
        %dma_wait3A_106 = arith.constant 0 : i32
        %dma_wait3A_107 = tpu.memref_slice %arg4[%add3A_93, %dma_wait3A_106] : memref<2560x128xi32, #tpu.memory_space<hbm>> -> memref<38x128xi32, #tpu.memory_space<hbm>>
        %dma_wait3A_108 = arith.constant 0 : i32
        %dma_wait3A_109 = arith.constant 0 : i32
        %dma_wait3A_110 = tpu.memref_slice %arg7[%dma_wait3A_108, %dma_wait3A_109] : memref<38x128xi32, #tpu.memory_space<vmem>> -> memref<38x128xi32, #tpu.memory_space<vmem>>
        %dma_wait3A_111 = arith.constant 0 : i32
        %dma_wait3A_112 = tpu.memref_slice %arg4[%add3A_93, %dma_wait3A_111] : memref<2560x128xi32, #tpu.memory_space<hbm>> -> memref<38x128xi32, #tpu.memory_space<hbm>>
        tpu.wait_dma2 semaphore(%run_scoped3A_94 : memref<!tpu.dma_semaphore, #tpu.memory_space<semaphore_mem>>) src(%dma_wait3A_112 : memref<38x128xi32, #tpu.memory_space<hbm>>) dst(%dma_wait3A_110 : memref<38x128xi32, #tpu.memory_space<vmem>>)
        tpu.yield
      }) : () -> ()
    } else {
    }
    %not3A_38 = arith.constant true
    %not3A_39 = arith.xori %eq3A_0, %not3A_38 : i1
    %convert_element_type3A_40 = arith.extui %not3A_39 : i1 to i32
    %cond3A_41 = arith.constant 0 : i32
    %cond3A_42 = arith.cmpi ne, %convert_element_type3A_40, %cond3A_41 : i32
    scf.if %cond3A_42 {
      %mul3A_90 = arith.constant 8 : i32
      %mul3A_91 = arith.muli %arg1, %mul3A_90 : i32
      %add3A_92 = arith.constant 2432 : i32
      %add3A_93 = arith.addi %add3A_92, %mul3A_91 : i32
      %add3A_94 = arith.constant 2 : i32
      %add3A_95 = arith.addi %add3A_93, %add3A_94 : i32
      "tpu.region"() ({
        %run_scoped3A_96 = tpu.sem_alloc : memref<!tpu.dma_semaphore, #tpu.memory_space<semaphore_mem>>
        %dma_start3A = arith.constant 0 : i32
        %dma_start3A_97 = arith.constant 0 : i32
        %dma_start3A_98 = tpu.memref_slice %arg6[%dma_start3A, %dma_start3A_97] : memref<38x128xi32, #tpu.memory_space<vmem>> -> memref<2x128xi32, #tpu.memory_space<vmem>>
        %dma_start3A_99 = arith.constant 0 : i32
        %dma_start3A_100 = tpu.memref_slice %arg3[%add3A_95, %dma_start3A_99] : memref<2560x128xi32, #tpu.memory_space<hbm>> -> memref<2x128xi32, #tpu.memory_space<hbm>>
        %dma_start3A_101 = arith.constant 0 : i32
        %dma_start3A_102 = arith.constant 0 : i32
        %dma_start3A_103 = tpu.memref_slice %arg6[%dma_start3A_101, %dma_start3A_102] : memref<38x128xi32, #tpu.memory_space<vmem>> -> memref<2x128xi32, #tpu.memory_space<vmem>>
        %dma_start3A_104 = arith.constant 0 : i32
        %dma_start3A_105 = tpu.memref_slice %arg3[%add3A_95, %dma_start3A_104] : memref<2560x128xi32, #tpu.memory_space<hbm>> -> memref<2x128xi32, #tpu.memory_space<hbm>>
        tpu.enqueue_dma source(%dma_start3A_105 : memref<2x128xi32, #tpu.memory_space<hbm>>) target(%dma_start3A_103 : memref<2x128xi32, #tpu.memory_space<vmem>>) target_semaphore(%run_scoped3A_96 : memref<!tpu.dma_semaphore, #tpu.memory_space<semaphore_mem>>)
        %dma_wait3A = arith.constant 0 : i32
        %dma_wait3A_106 = arith.constant 0 : i32
        %dma_wait3A_107 = tpu.memref_slice %arg6[%dma_wait3A, %dma_wait3A_106] : memref<38x128xi32, #tpu.memory_space<vmem>> -> memref<2x128xi32, #tpu.memory_space<vmem>>
        %dma_wait3A_108 = arith.constant 0 : i32
        %dma_wait3A_109 = tpu.memref_slice %arg3[%add3A_95, %dma_wait3A_108] : memref<2560x128xi32, #tpu.memory_space<hbm>> -> memref<2x128xi32, #tpu.memory_space<hbm>>
        %dma_wait3A_110 = arith.constant 0 : i32
        %dma_wait3A_111 = arith.constant 0 : i32
        %dma_wait3A_112 = tpu.memref_slice %arg6[%dma_wait3A_110, %dma_wait3A_111] : memref<38x128xi32, #tpu.memory_space<vmem>> -> memref<2x128xi32, #tpu.memory_space<vmem>>
        %dma_wait3A_113 = arith.constant 0 : i32
        %dma_wait3A_114 = tpu.memref_slice %arg3[%add3A_95, %dma_wait3A_113] : memref<2560x128xi32, #tpu.memory_space<hbm>> -> memref<2x128xi32, #tpu.memory_space<hbm>>
        tpu.wait_dma2 semaphore(%run_scoped3A_96 : memref<!tpu.dma_semaphore, #tpu.memory_space<semaphore_mem>>) src(%dma_wait3A_114 : memref<2x128xi32, #tpu.memory_space<hbm>>) dst(%dma_wait3A_112 : memref<2x128xi32, #tpu.memory_space<vmem>>)
        tpu.yield
      }) : () -> ()
      "tpu.region"() ({
        %run_scoped3A_96 = tpu.sem_alloc : memref<!tpu.dma_semaphore, #tpu.memory_space<semaphore_mem>>
        %dma_start3A = arith.constant 0 : i32
        %dma_start3A_97 = arith.constant 0 : i32
        %dma_start3A_98 = tpu.memref_slice %arg7[%dma_start3A, %dma_start3A_97] : memref<38x128xi32, #tpu.memory_space<vmem>> -> memref<2x128xi32, #tpu.memory_space<vmem>>
        %dma_start3A_99 = arith.constant 0 : i32
        %dma_start3A_100 = tpu.memref_slice %arg4[%add3A_95, %dma_start3A_99] : memref<2560x128xi32, #tpu.memory_space<hbm>> -> memref<2x128xi32, #tpu.memory_space<hbm>>
        %dma_start3A_101 = arith.constant 0 : i32
        %dma_start3A_102 = arith.constant 0 : i32
        %dma_start3A_103 = tpu.memref_slice %arg7[%dma_start3A_101, %dma_start3A_102] : memref<38x128xi32, #tpu.memory_space<vmem>> -> memref<2x128xi32, #tpu.memory_space<vmem>>
        %dma_start3A_104 = arith.constant 0 : i32
        %dma_start3A_105 = tpu.memref_slice %arg4[%add3A_95, %dma_start3A_104] : memref<2560x128xi32, #tpu.memory_space<hbm>> -> memref<2x128xi32, #tpu.memory_space<hbm>>
        tpu.enqueue_dma source(%dma_start3A_105 : memref<2x128xi32, #tpu.memory_space<hbm>>) target(%dma_start3A_103 : memref<2x128xi32, #tpu.memory_space<vmem>>) target_semaphore(%run_scoped3A_96 : memref<!tpu.dma_semaphore, #tpu.memory_space<semaphore_mem>>)
        %dma_wait3A = arith.constant 0 : i32
        %dma_wait3A_106 = arith.constant 0 : i32
        %dma_wait3A_107 = tpu.memref_slice %arg7[%dma_wait3A, %dma_wait3A_106] : memref<38x128xi32, #tpu.memory_space<vmem>> -> memref<2x128xi32, #tpu.memory_space<vmem>>
        %dma_wait3A_108 = arith.constant 0 : i32
        %dma_wait3A_109 = tpu.memref_slice %arg4[%add3A_95, %dma_wait3A_108] : memref<2560x128xi32, #tpu.memory_space<hbm>> -> memref<2x128xi32, #tpu.memory_space<hbm>>
        %dma_wait3A_110 = arith.constant 0 : i32
        %dma_wait3A_111 = arith.constant 0 : i32
        %dma_wait3A_112 = tpu.memref_slice %arg7[%dma_wait3A_110, %dma_wait3A_111] : memref<38x128xi32, #tpu.memory_space<vmem>> -> memref<2x128xi32, #tpu.memory_space<vmem>>
        %dma_wait3A_113 = arith.constant 0 : i32
        %dma_wait3A_114 = tpu.memref_slice %arg4[%add3A_95, %dma_wait3A_113] : memref<2560x128xi32, #tpu.memory_space<hbm>> -> memref<2x128xi32, #tpu.memory_space<hbm>>
        tpu.wait_dma2 semaphore(%run_scoped3A_96 : memref<!tpu.dma_semaphore, #tpu.memory_space<semaphore_mem>>) src(%dma_wait3A_114 : memref<2x128xi32, #tpu.memory_space<hbm>>) dst(%dma_wait3A_112 : memref<2x128xi32, #tpu.memory_space<vmem>>)
        tpu.yield
      }) : () -> ()
    } else {
    }
    %while3A_43 = arith.constant 0 : i32
    %while3A_44 = arith.constant 0 : i32
    %while3A_45 = arith.subi %select_n3A, %while3A_44 : i32
    %while3A_46 = arith.addi %while3A_44, %while3A_45 : i32
    %while3A_47 = arith.constant 1 : i32
    %while3A_48 = arith.divsi %while3A_45, %while3A_47 : i32
    %while3A_49 = arith.muli %while3A_48, %while3A_47 : i32
    %while3A_50 = arith.addi %while3A_44, %while3A_49 : i32
    %while3A_51 = arith.constant 1 : i32
    scf.for %while3A_90 = %while3A_44 to %while3A_50 step %while3A_51  : i32 {
      %mul3A_91 = arith.constant 2 : i32
      %mul3A_92 = arith.muli %while3A_90, %mul3A_91 : i32
      %add3A_93 = arith.constant 0 : i32
      %add3A_94 = arith.addi %mul3A_92, %add3A_93 : i32
      %dma_start3A = arith.constant 0 : i32
      %dma_start3A_95 = arith.constant 0 : i32
      %dma_start3A_96 = arith.constant 0 : i32
      %dma_start3A_97 = tpu.memref_slice %arg8[%dma_start3A, %dma_start3A_95, %dma_start3A_96] : memref<2x128x128xf32, #tpu.memory_space<vmem>> -> memref<1x128x128xf32, #tpu.memory_space<vmem>>
      %dma_start3A_98 = tpu.memref_squeeze %dma_start3A_97 : memref<1x128x128xf32, #tpu.memory_space<vmem>> -> memref<128x128xf32, #tpu.memory_space<vmem>>
      %dma_start3A_99 = arith.constant 0 : i32
      %dma_start3A_100 = tpu.memref_slice %arg6[%add3A_94, %dma_start3A_99] : memref<38x128xi32, #tpu.memory_space<vmem>> -> memref<1x128xi32, #tpu.memory_space<vmem>>
      %dma_start3A_101 = tpu.memref_squeeze %dma_start3A_100 : memref<1x128xi32, #tpu.memory_space<vmem>> -> memref<128xi32, #tpu.memory_space<vmem>>
      %dma_start3A_102 = arith.constant 0 : i32
      %dma_start3A_103 = arith.constant 0 : i32
      %dma_start3A_104 = tpu.memref_slice %arg2[%dma_start3A_102, %dma_start3A_103] : memref<10000x128xf32, #tpu.memory_space<hbm>> -> memref<10000x128xf32, #tpu.memory_space<hbm>>
      tpu.enqueue_indirect_dma source(%dma_start3A_104 : memref<10000x128xf32, #tpu.memory_space<hbm>>) target(%dma_start3A_98 : memref<128x128xf32, #tpu.memory_space<vmem>>) offsets(%dma_start3A_101 : memref<128xi32, #tpu.memory_space<vmem>>) semaphore(%arg10 : memref<!tpu.dma_semaphore, #tpu.memory_space<semaphore_mem>>)
      %mul3A_105 = arith.constant 2 : i32
      %mul3A_106 = arith.muli %while3A_90, %mul3A_105 : i32
      %add3A_107 = arith.constant 1 : i32
      %add3A_108 = arith.addi %mul3A_106, %add3A_107 : i32
      %dma_start3A_109 = arith.constant 1 : i32
      %dma_start3A_110 = arith.constant 0 : i32
      %dma_start3A_111 = arith.constant 0 : i32
      %dma_start3A_112 = tpu.memref_slice %arg8[%dma_start3A_109, %dma_start3A_110, %dma_start3A_111] : memref<2x128x128xf32, #tpu.memory_space<vmem>> -> memref<1x128x128xf32, #tpu.memory_space<vmem>>
      %dma_start3A_113 = tpu.memref_squeeze %dma_start3A_112 : memref<1x128x128xf32, #tpu.memory_space<vmem>> -> memref<128x128xf32, #tpu.memory_space<vmem>>
      %dma_start3A_114 = arith.constant 0 : i32
      %dma_start3A_115 = tpu.memref_slice %arg6[%add3A_108, %dma_start3A_114] : memref<38x128xi32, #tpu.memory_space<vmem>> -> memref<1x128xi32, #tpu.memory_space<vmem>>
      %dma_start3A_116 = tpu.memref_squeeze %dma_start3A_115 : memref<1x128xi32, #tpu.memory_space<vmem>> -> memref<128xi32, #tpu.memory_space<vmem>>
      %dma_start3A_117 = arith.constant 0 : i32
      %dma_start3A_118 = arith.constant 0 : i32
      %dma_start3A_119 = tpu.memref_slice %arg2[%dma_start3A_117, %dma_start3A_118] : memref<10000x128xf32, #tpu.memory_space<hbm>> -> memref<10000x128xf32, #tpu.memory_space<hbm>>
      tpu.enqueue_indirect_dma source(%dma_start3A_119 : memref<10000x128xf32, #tpu.memory_space<hbm>>) target(%dma_start3A_113 : memref<128x128xf32, #tpu.memory_space<vmem>>) offsets(%dma_start3A_116 : memref<128xi32, #tpu.memory_space<vmem>>) semaphore(%arg10 : memref<!tpu.dma_semaphore, #tpu.memory_space<semaphore_mem>>)
      %dma_wait3A = arith.constant 0 : i32
      %dma_wait3A_120 = arith.constant 0 : i32
      %dma_wait3A_121 = arith.constant 0 : i32
      %dma_wait3A_122 = tpu.memref_slice %arg8[%dma_wait3A, %dma_wait3A_120, %dma_wait3A_121] : memref<2x128x128xf32, #tpu.memory_space<vmem>> -> memref<1x128x128xf32, #tpu.memory_space<vmem>>
      %dma_wait3A_123 = tpu.memref_squeeze %dma_wait3A_122 : memref<1x128x128xf32, #tpu.memory_space<vmem>> -> memref<128x128xf32, #tpu.memory_space<vmem>>
      %dma_wait3A_124 = arith.constant 0 : i32
      %dma_wait3A_125 = tpu.memref_slice %arg6[%add3A_94, %dma_wait3A_124] : memref<38x128xi32, #tpu.memory_space<vmem>> -> memref<1x128xi32, #tpu.memory_space<vmem>>
      %dma_wait3A_126 = tpu.memref_squeeze %dma_wait3A_125 : memref<1x128xi32, #tpu.memory_space<vmem>> -> memref<128xi32, #tpu.memory_space<vmem>>
      %dma_wait3A_127 = arith.constant 0 : i32
      %dma_wait3A_128 = arith.constant 0 : i32
      %dma_wait3A_129 = tpu.memref_slice %arg2[%dma_wait3A_127, %dma_wait3A_128] : memref<10000x128xf32, #tpu.memory_space<hbm>> -> memref<10000x128xf32, #tpu.memory_space<hbm>>
      tpu.wait_indirect_dma semaphore(%arg10 : memref<!tpu.dma_semaphore, #tpu.memory_space<semaphore_mem>>) src(%dma_wait3A_129 : memref<10000x128xf32, #tpu.memory_space<hbm>>) dst(%dma_wait3A_123 : memref<128x128xf32, #tpu.memory_space<vmem>>)
      %mul3A_130 = arith.constant 2 : i32
      %mul3A_131 = arith.muli %while3A_90, %mul3A_130 : i32
      %add3A_132 = arith.constant 0 : i32
      %add3A_133 = arith.addi %mul3A_131, %add3A_132 : i32
      %dma_start3A_134 = arith.constant 0 : i32
      %dma_start3A_135 = arith.constant 0 : i32
      %dma_start3A_136 = arith.constant 0 : i32
      %dma_start3A_137 = tpu.memref_slice %arg8[%dma_start3A_134, %dma_start3A_135, %dma_start3A_136] : memref<2x128x128xf32, #tpu.memory_space<vmem>> -> memref<1x128x128xf32, #tpu.memory_space<vmem>>
      %dma_start3A_138 = tpu.memref_squeeze %dma_start3A_137 : memref<1x128x128xf32, #tpu.memory_space<vmem>> -> memref<128x128xf32, #tpu.memory_space<vmem>>
      %dma_start3A_139 = arith.constant 0 : i32
      %dma_start3A_140 = tpu.memref_slice %arg7[%add3A_133, %dma_start3A_139] : memref<38x128xi32, #tpu.memory_space<vmem>> -> memref<1x128xi32, #tpu.memory_space<vmem>>
      %dma_start3A_141 = tpu.memref_squeeze %dma_start3A_140 : memref<1x128xi32, #tpu.memory_space<vmem>> -> memref<128xi32, #tpu.memory_space<vmem>>
      %dma_start3A_142 = arith.constant 0 : i32
      %dma_start3A_143 = arith.constant 0 : i32
      %dma_start3A_144 = tpu.memref_slice %arg9[%dma_start3A_142, %dma_start3A_143] : memref<10112x128xf32, #tpu.memory_space<vmem_shared>> -> memref<10112x128xf32, #tpu.memory_space<vmem_shared>>
      tpu.enqueue_indirect_dma source(%dma_start3A_138 : memref<128x128xf32, #tpu.memory_space<vmem>>) target(%dma_start3A_144 : memref<10112x128xf32, #tpu.memory_space<vmem_shared>>) offsets(%dma_start3A_141 : memref<128xi32, #tpu.memory_space<vmem>>) semaphore(%arg11 : memref<!tpu.dma_semaphore, #tpu.memory_space<semaphore_mem>>) {add = true}
      %dma_wait3A_145 = arith.constant 1 : i32
      %dma_wait3A_146 = arith.constant 0 : i32
      %dma_wait3A_147 = arith.constant 0 : i32
      %dma_wait3A_148 = tpu.memref_slice %arg8[%dma_wait3A_145, %dma_wait3A_146, %dma_wait3A_147] : memref<2x128x128xf32, #tpu.memory_space<vmem>> -> memref<1x128x128xf32, #tpu.memory_space<vmem>>
      %dma_wait3A_149 = tpu.memref_squeeze %dma_wait3A_148 : memref<1x128x128xf32, #tpu.memory_space<vmem>> -> memref<128x128xf32, #tpu.memory_space<vmem>>
      %dma_wait3A_150 = arith.constant 0 : i32
      %dma_wait3A_151 = tpu.memref_slice %arg6[%add3A_108, %dma_wait3A_150] : memref<38x128xi32, #tpu.memory_space<vmem>> -> memref<1x128xi32, #tpu.memory_space<vmem>>
      %dma_wait3A_152 = tpu.memref_squeeze %dma_wait3A_151 : memref<1x128xi32, #tpu.memory_space<vmem>> -> memref<128xi32, #tpu.memory_space<vmem>>
      %dma_wait3A_153 = arith.constant 0 : i32
      %dma_wait3A_154 = arith.constant 0 : i32
      %dma_wait3A_155 = tpu.memref_slice %arg2[%dma_wait3A_153, %dma_wait3A_154] : memref<10000x128xf32, #tpu.memory_space<hbm>> -> memref<10000x128xf32, #tpu.memory_space<hbm>>
      tpu.wait_indirect_dma semaphore(%arg10 : memref<!tpu.dma_semaphore, #tpu.memory_space<semaphore_mem>>) src(%dma_wait3A_155 : memref<10000x128xf32, #tpu.memory_space<hbm>>) dst(%dma_wait3A_149 : memref<128x128xf32, #tpu.memory_space<vmem>>)
      %mul3A_156 = arith.constant 2 : i32
      %mul3A_157 = arith.muli %while3A_90, %mul3A_156 : i32
      %add3A_158 = arith.constant 1 : i32
      %add3A_159 = arith.addi %mul3A_157, %add3A_158 : i32
      %dma_start3A_160 = arith.constant 1 : i32
      %dma_start3A_161 = arith.constant 0 : i32
      %dma_start3A_162 = arith.constant 0 : i32
      %dma_start3A_163 = tpu.memref_slice %arg8[%dma_start3A_160, %dma_start3A_161, %dma_start3A_162] : memref<2x128x128xf32, #tpu.memory_space<vmem>> -> memref<1x128x128xf32, #tpu.memory_space<vmem>>
      %dma_start3A_164 = tpu.memref_squeeze %dma_start3A_163 : memref<1x128x128xf32, #tpu.memory_space<vmem>> -> memref<128x128xf32, #tpu.memory_space<vmem>>
      %dma_start3A_165 = arith.constant 0 : i32
      %dma_start3A_166 = tpu.memref_slice %arg7[%add3A_159, %dma_start3A_165] : memref<38x128xi32, #tpu.memory_space<vmem>> -> memref<1x128xi32, #tpu.memory_space<vmem>>
      %dma_start3A_167 = tpu.memref_squeeze %dma_start3A_166 : memref<1x128xi32, #tpu.memory_space<vmem>> -> memref<128xi32, #tpu.memory_space<vmem>>
      %dma_start3A_168 = arith.constant 0 : i32
      %dma_start3A_169 = arith.constant 0 : i32
      %dma_start3A_170 = tpu.memref_slice %arg9[%dma_start3A_168, %dma_start3A_169] : memref<10112x128xf32, #tpu.memory_space<vmem_shared>> -> memref<10112x128xf32, #tpu.memory_space<vmem_shared>>
      tpu.enqueue_indirect_dma source(%dma_start3A_164 : memref<128x128xf32, #tpu.memory_space<vmem>>) target(%dma_start3A_170 : memref<10112x128xf32, #tpu.memory_space<vmem_shared>>) offsets(%dma_start3A_167 : memref<128xi32, #tpu.memory_space<vmem>>) semaphore(%arg11 : memref<!tpu.dma_semaphore, #tpu.memory_space<semaphore_mem>>) {add = true}
      %dma_wait3A_171 = arith.constant 0 : i32
      %dma_wait3A_172 = arith.constant 0 : i32
      %dma_wait3A_173 = arith.constant 0 : i32
      %dma_wait3A_174 = tpu.memref_slice %arg8[%dma_wait3A_171, %dma_wait3A_172, %dma_wait3A_173] : memref<2x128x128xf32, #tpu.memory_space<vmem>> -> memref<1x128x128xf32, #tpu.memory_space<vmem>>
      %dma_wait3A_175 = tpu.memref_squeeze %dma_wait3A_174 : memref<1x128x128xf32, #tpu.memory_space<vmem>> -> memref<128x128xf32, #tpu.memory_space<vmem>>
      %dma_wait3A_176 = arith.constant 0 : i32
      %dma_wait3A_177 = tpu.memref_slice %arg7[%add3A_133, %dma_wait3A_176] : memref<38x128xi32, #tpu.memory_space<vmem>> -> memref<1x128xi32, #tpu.memory_space<vmem>>
      %dma_wait3A_178 = tpu.memref_squeeze %dma_wait3A_177 : memref<1x128xi32, #tpu.memory_space<vmem>> -> memref<128xi32, #tpu.memory_space<vmem>>
      %dma_wait3A_179 = arith.constant 0 : i32
      %dma_wait3A_180 = arith.constant 0 : i32
      %dma_wait3A_181 = tpu.memref_slice %arg9[%dma_wait3A_179, %dma_wait3A_180] : memref<10112x128xf32, #tpu.memory_space<vmem_shared>> -> memref<10112x128xf32, #tpu.memory_space<vmem_shared>>
      tpu.wait_indirect_dma semaphore(%arg11 : memref<!tpu.dma_semaphore, #tpu.memory_space<semaphore_mem>>) src(%dma_wait3A_175 : memref<128x128xf32, #tpu.memory_space<vmem>>) dst(%dma_wait3A_181 : memref<10112x128xf32, #tpu.memory_space<vmem_shared>>)
      %dma_wait3A_182 = arith.constant 1 : i32
      %dma_wait3A_183 = arith.constant 0 : i32
      %dma_wait3A_184 = arith.constant 0 : i32
      %dma_wait3A_185 = tpu.memref_slice %arg8[%dma_wait3A_182, %dma_wait3A_183, %dma_wait3A_184] : memref<2x128x128xf32, #tpu.memory_space<vmem>> -> memref<1x128x128xf32, #tpu.memory_space<vmem>>
      %dma_wait3A_186 = tpu.memref_squeeze %dma_wait3A_185 : memref<1x128x128xf32, #tpu.memory_space<vmem>> -> memref<128x128xf32, #tpu.memory_space<vmem>>
      %dma_wait3A_187 = arith.constant 0 : i32
      %dma_wait3A_188 = tpu.memref_slice %arg7[%add3A_159, %dma_wait3A_187] : memref<38x128xi32, #tpu.memory_space<vmem>> -> memref<1x128xi32, #tpu.memory_space<vmem>>
      %dma_wait3A_189 = tpu.memref_squeeze %dma_wait3A_188 : memref<1x128xi32, #tpu.memory_space<vmem>> -> memref<128xi32, #tpu.memory_space<vmem>>
      %dma_wait3A_190 = arith.constant 0 : i32
      %dma_wait3A_191 = arith.constant 0 : i32
      %dma_wait3A_192 = tpu.memref_slice %arg9[%dma_wait3A_190, %dma_wait3A_191] : memref<10112x128xf32, #tpu.memory_space<vmem_shared>> -> memref<10112x128xf32, #tpu.memory_space<vmem_shared>>
      tpu.wait_indirect_dma semaphore(%arg11 : memref<!tpu.dma_semaphore, #tpu.memory_space<semaphore_mem>>) src(%dma_wait3A_186 : memref<128x128xf32, #tpu.memory_space<vmem>>) dst(%dma_wait3A_192 : memref<10112x128xf32, #tpu.memory_space<vmem_shared>>)
    }
    %while3A_52 = arith.constant 1 : i32
    scf.for %while3A_90 = %while3A_50 to %while3A_46 step %while3A_52  : i32 {
      %mul3A_91 = arith.constant 2 : i32
      %mul3A_92 = arith.muli %while3A_90, %mul3A_91 : i32
      %add3A_93 = arith.constant 0 : i32
      %add3A_94 = arith.addi %mul3A_92, %add3A_93 : i32
      %dma_start3A = arith.constant 0 : i32
      %dma_start3A_95 = arith.constant 0 : i32
      %dma_start3A_96 = arith.constant 0 : i32
      %dma_start3A_97 = tpu.memref_slice %arg8[%dma_start3A, %dma_start3A_95, %dma_start3A_96] : memref<2x128x128xf32, #tpu.memory_space<vmem>> -> memref<1x128x128xf32, #tpu.memory_space<vmem>>
      %dma_start3A_98 = tpu.memref_squeeze %dma_start3A_97 : memref<1x128x128xf32, #tpu.memory_space<vmem>> -> memref<128x128xf32, #tpu.memory_space<vmem>>
      %dma_start3A_99 = arith.constant 0 : i32
      %dma_start3A_100 = tpu.memref_slice %arg6[%add3A_94, %dma_start3A_99] : memref<38x128xi32, #tpu.memory_space<vmem>> -> memref<1x128xi32, #tpu.memory_space<vmem>>
      %dma_start3A_101 = tpu.memref_squeeze %dma_start3A_100 : memref<1x128xi32, #tpu.memory_space<vmem>> -> memref<128xi32, #tpu.memory_space<vmem>>
      %dma_start3A_102 = arith.constant 0 : i32
      %dma_start3A_103 = arith.constant 0 : i32
      %dma_start3A_104 = tpu.memref_slice %arg2[%dma_start3A_102, %dma_start3A_103] : memref<10000x128xf32, #tpu.memory_space<hbm>> -> memref<10000x128xf32, #tpu.memory_space<hbm>>
      tpu.enqueue_indirect_dma source(%dma_start3A_104 : memref<10000x128xf32, #tpu.memory_space<hbm>>) target(%dma_start3A_98 : memref<128x128xf32, #tpu.memory_space<vmem>>) offsets(%dma_start3A_101 : memref<128xi32, #tpu.memory_space<vmem>>) semaphore(%arg10 : memref<!tpu.dma_semaphore, #tpu.memory_space<semaphore_mem>>)
      %mul3A_105 = arith.constant 2 : i32
      %mul3A_106 = arith.muli %while3A_90, %mul3A_105 : i32
      %add3A_107 = arith.constant 1 : i32
      %add3A_108 = arith.addi %mul3A_106, %add3A_107 : i32
      %dma_start3A_109 = arith.constant 1 : i32
      %dma_start3A_110 = arith.constant 0 : i32
      %dma_start3A_111 = arith.constant 0 : i32
      %dma_start3A_112 = tpu.memref_slice %arg8[%dma_start3A_109, %dma_start3A_110, %dma_start3A_111] : memref<2x128x128xf32, #tpu.memory_space<vmem>> -> memref<1x128x128xf32, #tpu.memory_space<vmem>>
      %dma_start3A_113 = tpu.memref_squeeze %dma_start3A_112 : memref<1x128x128xf32, #tpu.memory_space<vmem>> -> memref<128x128xf32, #tpu.memory_space<vmem>>
      %dma_start3A_114 = arith.constant 0 : i32
      %dma_start3A_115 = tpu.memref_slice %arg6[%add3A_108, %dma_start3A_114] : memref<38x128xi32, #tpu.memory_space<vmem>> -> memref<1x128xi32, #tpu.memory_space<vmem>>
      %dma_start3A_116 = tpu.memref_squeeze %dma_start3A_115 : memref<1x128xi32, #tpu.memory_space<vmem>> -> memref<128xi32, #tpu.memory_space<vmem>>
      %dma_start3A_117 = arith.constant 0 : i32
      %dma_start3A_118 = arith.constant 0 : i32
      %dma_start3A_119 = tpu.memref_slice %arg2[%dma_start3A_117, %dma_start3A_118] : memref<10000x128xf32, #tpu.memory_space<hbm>> -> memref<10000x128xf32, #tpu.memory_space<hbm>>
      tpu.enqueue_indirect_dma source(%dma_start3A_119 : memref<10000x128xf32, #tpu.memory_space<hbm>>) target(%dma_start3A_113 : memref<128x128xf32, #tpu.memory_space<vmem>>) offsets(%dma_start3A_116 : memref<128xi32, #tpu.memory_space<vmem>>) semaphore(%arg10 : memref<!tpu.dma_semaphore, #tpu.memory_space<semaphore_mem>>)
      %dma_wait3A = arith.constant 0 : i32
      %dma_wait3A_120 = arith.constant 0 : i32
      %dma_wait3A_121 = arith.constant 0 : i32
      %dma_wait3A_122 = tpu.memref_slice %arg8[%dma_wait3A, %dma_wait3A_120, %dma_wait3A_121] : memref<2x128x128xf32, #tpu.memory_space<vmem>> -> memref<1x128x128xf32, #tpu.memory_space<vmem>>
      %dma_wait3A_123 = tpu.memref_squeeze %dma_wait3A_122 : memref<1x128x128xf32, #tpu.memory_space<vmem>> -> memref<128x128xf32, #tpu.memory_space<vmem>>
      %dma_wait3A_124 = arith.constant 0 : i32
      %dma_wait3A_125 = tpu.memref_slice %arg6[%add3A_94, %dma_wait3A_124] : memref<38x128xi32, #tpu.memory_space<vmem>> -> memref<1x128xi32, #tpu.memory_space<vmem>>
      %dma_wait3A_126 = tpu.memref_squeeze %dma_wait3A_125 : memref<1x128xi32, #tpu.memory_space<vmem>> -> memref<128xi32, #tpu.memory_space<vmem>>
      %dma_wait3A_127 = arith.constant 0 : i32
      %dma_wait3A_128 = arith.constant 0 : i32
      %dma_wait3A_129 = tpu.memref_slice %arg2[%dma_wait3A_127, %dma_wait3A_128] : memref<10000x128xf32, #tpu.memory_space<hbm>> -> memref<10000x128xf32, #tpu.memory_space<hbm>>
      tpu.wait_indirect_dma semaphore(%arg10 : memref<!tpu.dma_semaphore, #tpu.memory_space<semaphore_mem>>) src(%dma_wait3A_129 : memref<10000x128xf32, #tpu.memory_space<hbm>>) dst(%dma_wait3A_123 : memref<128x128xf32, #tpu.memory_space<vmem>>)
      %mul3A_130 = arith.constant 2 : i32
      %mul3A_131 = arith.muli %while3A_90, %mul3A_130 : i32
      %add3A_132 = arith.constant 0 : i32
      %add3A_133 = arith.addi %mul3A_131, %add3A_132 : i32
      %dma_start3A_134 = arith.constant 0 : i32
      %dma_start3A_135 = arith.constant 0 : i32
      %dma_start3A_136 = arith.constant 0 : i32
      %dma_start3A_137 = tpu.memref_slice %arg8[%dma_start3A_134, %dma_start3A_135, %dma_start3A_136] : memref<2x128x128xf32, #tpu.memory_space<vmem>> -> memref<1x128x128xf32, #tpu.memory_space<vmem>>
      %dma_start3A_138 = tpu.memref_squeeze %dma_start3A_137 : memref<1x128x128xf32, #tpu.memory_space<vmem>> -> memref<128x128xf32, #tpu.memory_space<vmem>>
      %dma_start3A_139 = arith.constant 0 : i32
      %dma_start3A_140 = tpu.memref_slice %arg7[%add3A_133, %dma_start3A_139] : memref<38x128xi32, #tpu.memory_space<vmem>> -> memref<1x128xi32, #tpu.memory_space<vmem>>
      %dma_start3A_141 = tpu.memref_squeeze %dma_start3A_140 : memref<1x128xi32, #tpu.memory_space<vmem>> -> memref<128xi32, #tpu.memory_space<vmem>>
      %dma_start3A_142 = arith.constant 0 : i32
      %dma_start3A_143 = arith.constant 0 : i32
      %dma_start3A_144 = tpu.memref_slice %arg9[%dma_start3A_142, %dma_start3A_143] : memref<10112x128xf32, #tpu.memory_space<vmem_shared>> -> memref<10112x128xf32, #tpu.memory_space<vmem_shared>>
      tpu.enqueue_indirect_dma source(%dma_start3A_138 : memref<128x128xf32, #tpu.memory_space<vmem>>) target(%dma_start3A_144 : memref<10112x128xf32, #tpu.memory_space<vmem_shared>>) offsets(%dma_start3A_141 : memref<128xi32, #tpu.memory_space<vmem>>) semaphore(%arg11 : memref<!tpu.dma_semaphore, #tpu.memory_space<semaphore_mem>>) {add = true}
      %dma_wait3A_145 = arith.constant 1 : i32
      %dma_wait3A_146 = arith.constant 0 : i32
      %dma_wait3A_147 = arith.constant 0 : i32
      %dma_wait3A_148 = tpu.memref_slice %arg8[%dma_wait3A_145, %dma_wait3A_146, %dma_wait3A_147] : memref<2x128x128xf32, #tpu.memory_space<vmem>> -> memref<1x128x128xf32, #tpu.memory_space<vmem>>
      %dma_wait3A_149 = tpu.memref_squeeze %dma_wait3A_148 : memref<1x128x128xf32, #tpu.memory_space<vmem>> -> memref<128x128xf32, #tpu.memory_space<vmem>>
      %dma_wait3A_150 = arith.constant 0 : i32
      %dma_wait3A_151 = tpu.memref_slice %arg6[%add3A_108, %dma_wait3A_150] : memref<38x128xi32, #tpu.memory_space<vmem>> -> memref<1x128xi32, #tpu.memory_space<vmem>>
      %dma_wait3A_152 = tpu.memref_squeeze %dma_wait3A_151 : memref<1x128xi32, #tpu.memory_space<vmem>> -> memref<128xi32, #tpu.memory_space<vmem>>
      %dma_wait3A_153 = arith.constant 0 : i32
      %dma_wait3A_154 = arith.constant 0 : i32
      %dma_wait3A_155 = tpu.memref_slice %arg2[%dma_wait3A_153, %dma_wait3A_154] : memref<10000x128xf32, #tpu.memory_space<hbm>> -> memref<10000x128xf32, #tpu.memory_space<hbm>>
      tpu.wait_indirect_dma semaphore(%arg10 : memref<!tpu.dma_semaphore, #tpu.memory_space<semaphore_mem>>) src(%dma_wait3A_155 : memref<10000x128xf32, #tpu.memory_space<hbm>>) dst(%dma_wait3A_149 : memref<128x128xf32, #tpu.memory_space<vmem>>)
      %mul3A_156 = arith.constant 2 : i32
      %mul3A_157 = arith.muli %while3A_90, %mul3A_156 : i32
      %add3A_158 = arith.constant 1 : i32
      %add3A_159 = arith.addi %mul3A_157, %add3A_158 : i32
      %dma_start3A_160 = arith.constant 1 : i32
      %dma_start3A_161 = arith.constant 0 : i32
      %dma_start3A_162 = arith.constant 0 : i32
      %dma_start3A_163 = tpu.memref_slice %arg8[%dma_start3A_160, %dma_start3A_161, %dma_start3A_162] : memref<2x128x128xf32, #tpu.memory_space<vmem>> -> memref<1x128x128xf32, #tpu.memory_space<vmem>>
      %dma_start3A_164 = tpu.memref_squeeze %dma_start3A_163 : memref<1x128x128xf32, #tpu.memory_space<vmem>> -> memref<128x128xf32, #tpu.memory_space<vmem>>
      %dma_start3A_165 = arith.constant 0 : i32
      %dma_start3A_166 = tpu.memref_slice %arg7[%add3A_159, %dma_start3A_165] : memref<38x128xi32, #tpu.memory_space<vmem>> -> memref<1x128xi32, #tpu.memory_space<vmem>>
      %dma_start3A_167 = tpu.memref_squeeze %dma_start3A_166 : memref<1x128xi32, #tpu.memory_space<vmem>> -> memref<128xi32, #tpu.memory_space<vmem>>
      %dma_start3A_168 = arith.constant 0 : i32
      %dma_start3A_169 = arith.constant 0 : i32
      %dma_start3A_170 = tpu.memref_slice %arg9[%dma_start3A_168, %dma_start3A_169] : memref<10112x128xf32, #tpu.memory_space<vmem_shared>> -> memref<10112x128xf32, #tpu.memory_space<vmem_shared>>
      tpu.enqueue_indirect_dma source(%dma_start3A_164 : memref<128x128xf32, #tpu.memory_space<vmem>>) target(%dma_start3A_170 : memref<10112x128xf32, #tpu.memory_space<vmem_shared>>) offsets(%dma_start3A_167 : memref<128xi32, #tpu.memory_space<vmem>>) semaphore(%arg11 : memref<!tpu.dma_semaphore, #tpu.memory_space<semaphore_mem>>) {add = true}
      %dma_wait3A_171 = arith.constant 0 : i32
      %dma_wait3A_172 = arith.constant 0 : i32
      %dma_wait3A_173 = arith.constant 0 : i32
      %dma_wait3A_174 = tpu.memref_slice %arg8[%dma_wait3A_171, %dma_wait3A_172, %dma_wait3A_173] : memref<2x128x128xf32, #tpu.memory_space<vmem>> -> memref<1x128x128xf32, #tpu.memory_space<vmem>>
      %dma_wait3A_175 = tpu.memref_squeeze %dma_wait3A_174 : memref<1x128x128xf32, #tpu.memory_space<vmem>> -> memref<128x128xf32, #tpu.memory_space<vmem>>
      %dma_wait3A_176 = arith.constant 0 : i32
      %dma_wait3A_177 = tpu.memref_slice %arg7[%add3A_133, %dma_wait3A_176] : memref<38x128xi32, #tpu.memory_space<vmem>> -> memref<1x128xi32, #tpu.memory_space<vmem>>
      %dma_wait3A_178 = tpu.memref_squeeze %dma_wait3A_177 : memref<1x128xi32, #tpu.memory_space<vmem>> -> memref<128xi32, #tpu.memory_space<vmem>>
      %dma_wait3A_179 = arith.constant 0 : i32
      %dma_wait3A_180 = arith.constant 0 : i32
      %dma_wait3A_181 = tpu.memref_slice %arg9[%dma_wait3A_179, %dma_wait3A_180] : memref<10112x128xf32, #tpu.memory_space<vmem_shared>> -> memref<10112x128xf32, #tpu.memory_space<vmem_shared>>
      tpu.wait_indirect_dma semaphore(%arg11 : memref<!tpu.dma_semaphore, #tpu.memory_space<semaphore_mem>>) src(%dma_wait3A_175 : memref<128x128xf32, #tpu.memory_space<vmem>>) dst(%dma_wait3A_181 : memref<10112x128xf32, #tpu.memory_space<vmem_shared>>)
      %dma_wait3A_182 = arith.constant 1 : i32
      %dma_wait3A_183 = arith.constant 0 : i32
      %dma_wait3A_184 = arith.constant 0 : i32
      %dma_wait3A_185 = tpu.memref_slice %arg8[%dma_wait3A_182, %dma_wait3A_183, %dma_wait3A_184] : memref<2x128x128xf32, #tpu.memory_space<vmem>> -> memref<1x128x128xf32, #tpu.memory_space<vmem>>
      %dma_wait3A_186 = tpu.memref_squeeze %dma_wait3A_185 : memref<1x128x128xf32, #tpu.memory_space<vmem>> -> memref<128x128xf32, #tpu.memory_space<vmem>>
      %dma_wait3A_187 = arith.constant 0 : i32
      %dma_wait3A_188 = tpu.memref_slice %arg7[%add3A_159, %dma_wait3A_187] : memref<38x128xi32, #tpu.memory_space<vmem>> -> memref<1x128xi32, #tpu.memory_space<vmem>>
      %dma_wait3A_189 = tpu.memref_squeeze %dma_wait3A_188 : memref<1x128xi32, #tpu.memory_space<vmem>> -> memref<128xi32, #tpu.memory_space<vmem>>
      %dma_wait3A_190 = arith.constant 0 : i32
      %dma_wait3A_191 = arith.constant 0 : i32
      %dma_wait3A_192 = tpu.memref_slice %arg9[%dma_wait3A_190, %dma_wait3A_191] : memref<10112x128xf32, #tpu.memory_space<vmem_shared>> -> memref<10112x128xf32, #tpu.memory_space<vmem_shared>>
      tpu.wait_indirect_dma semaphore(%arg11 : memref<!tpu.dma_semaphore, #tpu.memory_space<semaphore_mem>>) src(%dma_wait3A_186 : memref<128x128xf32, #tpu.memory_space<vmem>>) dst(%dma_wait3A_192 : memref<10112x128xf32, #tpu.memory_space<vmem_shared>>)
    }
    %convert_element_type3A_53 = arith.extui %eq3A_0 : i1 to i32
    %cond3A_54 = arith.constant 0 : i32
    %cond3A_55 = arith.cmpi ne, %convert_element_type3A_53, %cond3A_54 : i32
    scf.if %cond3A_55 {
      %mul3A_90 = arith.constant 152 : i32
      %mul3A_91 = arith.muli %arg1, %mul3A_90 : i32
      %add3A_92 = arith.constant 76 : i32
      %add3A_93 = arith.addi %mul3A_91, %add3A_92 : i32
      "tpu.region"() ({
        %run_scoped3A_94 = tpu.sem_alloc : memref<!tpu.dma_semaphore, #tpu.memory_space<semaphore_mem>>
        %dma_start3A = arith.constant 0 : i32
        %dma_start3A_95 = arith.constant 0 : i32
        %dma_start3A_96 = tpu.memref_slice %arg6[%dma_start3A, %dma_start3A_95] : memref<38x128xi32, #tpu.memory_space<vmem>> -> memref<38x128xi32, #tpu.memory_space<vmem>>
        %dma_start3A_97 = arith.constant 0 : i32
        %dma_start3A_98 = tpu.memref_slice %arg3[%add3A_93, %dma_start3A_97] : memref<2560x128xi32, #tpu.memory_space<hbm>> -> memref<38x128xi32, #tpu.memory_space<hbm>>
        %dma_start3A_99 = arith.constant 0 : i32
        %dma_start3A_100 = arith.constant 0 : i32
        %dma_start3A_101 = tpu.memref_slice %arg6[%dma_start3A_99, %dma_start3A_100] : memref<38x128xi32, #tpu.memory_space<vmem>> -> memref<38x128xi32, #tpu.memory_space<vmem>>
        %dma_start3A_102 = arith.constant 0 : i32
        %dma_start3A_103 = tpu.memref_slice %arg3[%add3A_93, %dma_start3A_102] : memref<2560x128xi32, #tpu.memory_space<hbm>> -> memref<38x128xi32, #tpu.memory_space<hbm>>
        tpu.enqueue_dma source(%dma_start3A_103 : memref<38x128xi32, #tpu.memory_space<hbm>>) target(%dma_start3A_101 : memref<38x128xi32, #tpu.memory_space<vmem>>) target_semaphore(%run_scoped3A_94 : memref<!tpu.dma_semaphore, #tpu.memory_space<semaphore_mem>>)
        %dma_wait3A = arith.constant 0 : i32
        %dma_wait3A_104 = arith.constant 0 : i32
        %dma_wait3A_105 = tpu.memref_slice %arg6[%dma_wait3A, %dma_wait3A_104] : memref<38x128xi32, #tpu.memory_space<vmem>> -> memref<38x128xi32, #tpu.memory_space<vmem>>
        %dma_wait3A_106 = arith.constant 0 : i32
        %dma_wait3A_107 = tpu.memref_slice %arg3[%add3A_93, %dma_wait3A_106] : memref<2560x128xi32, #tpu.memory_space<hbm>> -> memref<38x128xi32, #tpu.memory_space<hbm>>
        %dma_wait3A_108 = arith.constant 0 : i32
        %dma_wait3A_109 = arith.constant 0 : i32
        %dma_wait3A_110 = tpu.memref_slice %arg6[%dma_wait3A_108, %dma_wait3A_109] : memref<38x128xi32, #tpu.memory_space<vmem>> -> memref<38x128xi32, #tpu.memory_space<vmem>>
        %dma_wait3A_111 = arith.constant 0 : i32
        %dma_wait3A_112 = tpu.memref_slice %arg3[%add3A_93, %dma_wait3A_111] : memref<2560x128xi32, #tpu.memory_space<hbm>> -> memref<38x128xi32, #tpu.memory_space<hbm>>
        tpu.wait_dma2 semaphore(%run_scoped3A_94 : memref<!tpu.dma_semaphore, #tpu.memory_space<semaphore_mem>>) src(%dma_wait3A_112 : memref<38x128xi32, #tpu.memory_space<hbm>>) dst(%dma_wait3A_110 : memref<38x128xi32, #tpu.memory_space<vmem>>)
        tpu.yield
      }) : () -> ()
      "tpu.region"() ({
        %run_scoped3A_94 = tpu.sem_alloc : memref<!tpu.dma_semaphore, #tpu.memory_space<semaphore_mem>>
        %dma_start3A = arith.constant 0 : i32
        %dma_start3A_95 = arith.constant 0 : i32
        %dma_start3A_96 = tpu.memref_slice %arg7[%dma_start3A, %dma_start3A_95] : memref<38x128xi32, #tpu.memory_space<vmem>> -> memref<38x128xi32, #tpu.memory_space<vmem>>
        %dma_start3A_97 = arith.constant 0 : i32
        %dma_start3A_98 = tpu.memref_slice %arg4[%add3A_93, %dma_start3A_97] : memref<2560x128xi32, #tpu.memory_space<hbm>> -> memref<38x128xi32, #tpu.memory_space<hbm>>
        %dma_start3A_99 = arith.constant 0 : i32
        %dma_start3A_100 = arith.constant 0 : i32
        %dma_start3A_101 = tpu.memref_slice %arg7[%dma_start3A_99, %dma_start3A_100] : memref<38x128xi32, #tpu.memory_space<vmem>> -> memref<38x128xi32, #tpu.memory_space<vmem>>
        %dma_start3A_102 = arith.constant 0 : i32
        %dma_start3A_103 = tpu.memref_slice %arg4[%add3A_93, %dma_start3A_102] : memref<2560x128xi32, #tpu.memory_space<hbm>> -> memref<38x128xi32, #tpu.memory_space<hbm>>
        tpu.enqueue_dma source(%dma_start3A_103 : memref<38x128xi32, #tpu.memory_space<hbm>>) target(%dma_start3A_101 : memref<38x128xi32, #tpu.memory_space<vmem>>) target_semaphore(%run_scoped3A_94 : memref<!tpu.dma_semaphore, #tpu.memory_space<semaphore_mem>>)
        %dma_wait3A = arith.constant 0 : i32
        %dma_wait3A_104 = arith.constant 0 : i32
        %dma_wait3A_105 = tpu.memref_slice %arg7[%dma_wait3A, %dma_wait3A_104] : memref<38x128xi32, #tpu.memory_space<vmem>> -> memref<38x128xi32, #tpu.memory_space<vmem>>
        %dma_wait3A_106 = arith.constant 0 : i32
        %dma_wait3A_107 = tpu.memref_slice %arg4[%add3A_93, %dma_wait3A_106] : memref<2560x128xi32, #tpu.memory_space<hbm>> -> memref<38x128xi32, #tpu.memory_space<hbm>>
        %dma_wait3A_108 = arith.constant 0 : i32
        %dma_wait3A_109 = arith.constant 0 : i32
        %dma_wait3A_110 = tpu.memref_slice %arg7[%dma_wait3A_108, %dma_wait3A_109] : memref<38x128xi32, #tpu.memory_space<vmem>> -> memref<38x128xi32, #tpu.memory_space<vmem>>
        %dma_wait3A_111 = arith.constant 0 : i32
        %dma_wait3A_112 = tpu.memref_slice %arg4[%add3A_93, %dma_wait3A_111] : memref<2560x128xi32, #tpu.memory_space<hbm>> -> memref<38x128xi32, #tpu.memory_space<hbm>>
        tpu.wait_dma2 semaphore(%run_scoped3A_94 : memref<!tpu.dma_semaphore, #tpu.memory_space<semaphore_mem>>) src(%dma_wait3A_112 : memref<38x128xi32, #tpu.memory_space<hbm>>) dst(%dma_wait3A_110 : memref<38x128xi32, #tpu.memory_space<vmem>>)
        tpu.yield
      }) : () -> ()
    } else {
    }
    %not3A_56 = arith.constant true
    %not3A_57 = arith.xori %eq3A_0, %not3A_56 : i1
    %convert_element_type3A_58 = arith.extui %not3A_57 : i1 to i32
    %cond3A_59 = arith.constant 0 : i32
    %cond3A_60 = arith.cmpi ne, %convert_element_type3A_58, %cond3A_59 : i32
    scf.if %cond3A_60 {
      %mul3A_90 = arith.constant 8 : i32
      %mul3A_91 = arith.muli %arg1, %mul3A_90 : i32
      %add3A_92 = arith.constant 2432 : i32
      %add3A_93 = arith.addi %add3A_92, %mul3A_91 : i32
      %add3A_94 = arith.constant 4 : i32
      %add3A_95 = arith.addi %add3A_93, %add3A_94 : i32
      "tpu.region"() ({
        %run_scoped3A_96 = tpu.sem_alloc : memref<!tpu.dma_semaphore, #tpu.memory_space<semaphore_mem>>
        %dma_start3A = arith.constant 0 : i32
        %dma_start3A_97 = arith.constant 0 : i32
        %dma_start3A_98 = tpu.memref_slice %arg6[%dma_start3A, %dma_start3A_97] : memref<38x128xi32, #tpu.memory_space<vmem>> -> memref<2x128xi32, #tpu.memory_space<vmem>>
        %dma_start3A_99 = arith.constant 0 : i32
        %dma_start3A_100 = tpu.memref_slice %arg3[%add3A_95, %dma_start3A_99] : memref<2560x128xi32, #tpu.memory_space<hbm>> -> memref<2x128xi32, #tpu.memory_space<hbm>>
        %dma_start3A_101 = arith.constant 0 : i32
        %dma_start3A_102 = arith.constant 0 : i32
        %dma_start3A_103 = tpu.memref_slice %arg6[%dma_start3A_101, %dma_start3A_102] : memref<38x128xi32, #tpu.memory_space<vmem>> -> memref<2x128xi32, #tpu.memory_space<vmem>>
        %dma_start3A_104 = arith.constant 0 : i32
        %dma_start3A_105 = tpu.memref_slice %arg3[%add3A_95, %dma_start3A_104] : memref<2560x128xi32, #tpu.memory_space<hbm>> -> memref<2x128xi32, #tpu.memory_space<hbm>>
        tpu.enqueue_dma source(%dma_start3A_105 : memref<2x128xi32, #tpu.memory_space<hbm>>) target(%dma_start3A_103 : memref<2x128xi32, #tpu.memory_space<vmem>>) target_semaphore(%run_scoped3A_96 : memref<!tpu.dma_semaphore, #tpu.memory_space<semaphore_mem>>)
        %dma_wait3A = arith.constant 0 : i32
        %dma_wait3A_106 = arith.constant 0 : i32
        %dma_wait3A_107 = tpu.memref_slice %arg6[%dma_wait3A, %dma_wait3A_106] : memref<38x128xi32, #tpu.memory_space<vmem>> -> memref<2x128xi32, #tpu.memory_space<vmem>>
        %dma_wait3A_108 = arith.constant 0 : i32
        %dma_wait3A_109 = tpu.memref_slice %arg3[%add3A_95, %dma_wait3A_108] : memref<2560x128xi32, #tpu.memory_space<hbm>> -> memref<2x128xi32, #tpu.memory_space<hbm>>
        %dma_wait3A_110 = arith.constant 0 : i32
        %dma_wait3A_111 = arith.constant 0 : i32
        %dma_wait3A_112 = tpu.memref_slice %arg6[%dma_wait3A_110, %dma_wait3A_111] : memref<38x128xi32, #tpu.memory_space<vmem>> -> memref<2x128xi32, #tpu.memory_space<vmem>>
        %dma_wait3A_113 = arith.constant 0 : i32
        %dma_wait3A_114 = tpu.memref_slice %arg3[%add3A_95, %dma_wait3A_113] : memref<2560x128xi32, #tpu.memory_space<hbm>> -> memref<2x128xi32, #tpu.memory_space<hbm>>
        tpu.wait_dma2 semaphore(%run_scoped3A_96 : memref<!tpu.dma_semaphore, #tpu.memory_space<semaphore_mem>>) src(%dma_wait3A_114 : memref<2x128xi32, #tpu.memory_space<hbm>>) dst(%dma_wait3A_112 : memref<2x128xi32, #tpu.memory_space<vmem>>)
        tpu.yield
      }) : () -> ()
      "tpu.region"() ({
        %run_scoped3A_96 = tpu.sem_alloc : memref<!tpu.dma_semaphore, #tpu.memory_space<semaphore_mem>>
        %dma_start3A = arith.constant 0 : i32
        %dma_start3A_97 = arith.constant 0 : i32
        %dma_start3A_98 = tpu.memref_slice %arg7[%dma_start3A, %dma_start3A_97] : memref<38x128xi32, #tpu.memory_space<vmem>> -> memref<2x128xi32, #tpu.memory_space<vmem>>
        %dma_start3A_99 = arith.constant 0 : i32
        %dma_start3A_100 = tpu.memref_slice %arg4[%add3A_95, %dma_start3A_99] : memref<2560x128xi32, #tpu.memory_space<hbm>> -> memref<2x128xi32, #tpu.memory_space<hbm>>
        %dma_start3A_101 = arith.constant 0 : i32
        %dma_start3A_102 = arith.constant 0 : i32
        %dma_start3A_103 = tpu.memref_slice %arg7[%dma_start3A_101, %dma_start3A_102] : memref<38x128xi32, #tpu.memory_space<vmem>> -> memref<2x128xi32, #tpu.memory_space<vmem>>
        %dma_start3A_104 = arith.constant 0 : i32
        %dma_start3A_105 = tpu.memref_slice %arg4[%add3A_95, %dma_start3A_104] : memref<2560x128xi32, #tpu.memory_space<hbm>> -> memref<2x128xi32, #tpu.memory_space<hbm>>
        tpu.enqueue_dma source(%dma_start3A_105 : memref<2x128xi32, #tpu.memory_space<hbm>>) target(%dma_start3A_103 : memref<2x128xi32, #tpu.memory_space<vmem>>) target_semaphore(%run_scoped3A_96 : memref<!tpu.dma_semaphore, #tpu.memory_space<semaphore_mem>>)
        %dma_wait3A = arith.constant 0 : i32
        %dma_wait3A_106 = arith.constant 0 : i32
        %dma_wait3A_107 = tpu.memref_slice %arg7[%dma_wait3A, %dma_wait3A_106] : memref<38x128xi32, #tpu.memory_space<vmem>> -> memref<2x128xi32, #tpu.memory_space<vmem>>
        %dma_wait3A_108 = arith.constant 0 : i32
        %dma_wait3A_109 = tpu.memref_slice %arg4[%add3A_95, %dma_wait3A_108] : memref<2560x128xi32, #tpu.memory_space<hbm>> -> memref<2x128xi32, #tpu.memory_space<hbm>>
        %dma_wait3A_110 = arith.constant 0 : i32
        %dma_wait3A_111 = arith.constant 0 : i32
        %dma_wait3A_112 = tpu.memref_slice %arg7[%dma_wait3A_110, %dma_wait3A_111] : memref<38x128xi32, #tpu.memory_space<vmem>> -> memref<2x128xi32, #tpu.memory_space<vmem>>
        %dma_wait3A_113 = arith.constant 0 : i32
        %dma_wait3A_114 = tpu.memref_slice %arg4[%add3A_95, %dma_wait3A_113] : memref<2560x128xi32, #tpu.memory_space<hbm>> -> memref<2x128xi32, #tpu.memory_space<hbm>>
        tpu.wait_dma2 semaphore(%run_scoped3A_96 : memref<!tpu.dma_semaphore, #tpu.memory_space<semaphore_mem>>) src(%dma_wait3A_114 : memref<2x128xi32, #tpu.memory_space<hbm>>) dst(%dma_wait3A_112 : memref<2x128xi32, #tpu.memory_space<vmem>>)
        tpu.yield
      }) : () -> ()
    } else {
    }
    %while3A_61 = arith.constant 0 : i32
    %while3A_62 = arith.constant 0 : i32
    %while3A_63 = arith.subi %select_n3A, %while3A_62 : i32
    %while3A_64 = arith.addi %while3A_62, %while3A_63 : i32
    %while3A_65 = arith.constant 1 : i32
    %while3A_66 = arith.divsi %while3A_63, %while3A_65 : i32
    %while3A_67 = arith.muli %while3A_66, %while3A_65 : i32
    %while3A_68 = arith.addi %while3A_62, %while3A_67 : i32
    %while3A_69 = arith.constant 1 : i32
    scf.for %while3A_90 = %while3A_62 to %while3A_68 step %while3A_69  : i32 {
      %mul3A_91 = arith.constant 2 : i32
      %mul3A_92 = arith.muli %while3A_90, %mul3A_91 : i32
      %add3A_93 = arith.constant 0 : i32
      %add3A_94 = arith.addi %mul3A_92, %add3A_93 : i32
      %dma_start3A = arith.constant 0 : i32
      %dma_start3A_95 = arith.constant 0 : i32
      %dma_start3A_96 = arith.constant 0 : i32
      %dma_start3A_97 = tpu.memref_slice %arg8[%dma_start3A, %dma_start3A_95, %dma_start3A_96] : memref<2x128x128xf32, #tpu.memory_space<vmem>> -> memref<1x128x128xf32, #tpu.memory_space<vmem>>
      %dma_start3A_98 = tpu.memref_squeeze %dma_start3A_97 : memref<1x128x128xf32, #tpu.memory_space<vmem>> -> memref<128x128xf32, #tpu.memory_space<vmem>>
      %dma_start3A_99 = arith.constant 0 : i32
      %dma_start3A_100 = tpu.memref_slice %arg6[%add3A_94, %dma_start3A_99] : memref<38x128xi32, #tpu.memory_space<vmem>> -> memref<1x128xi32, #tpu.memory_space<vmem>>
      %dma_start3A_101 = tpu.memref_squeeze %dma_start3A_100 : memref<1x128xi32, #tpu.memory_space<vmem>> -> memref<128xi32, #tpu.memory_space<vmem>>
      %dma_start3A_102 = arith.constant 0 : i32
      %dma_start3A_103 = arith.constant 0 : i32
      %dma_start3A_104 = tpu.memref_slice %arg2[%dma_start3A_102, %dma_start3A_103] : memref<10000x128xf32, #tpu.memory_space<hbm>> -> memref<10000x128xf32, #tpu.memory_space<hbm>>
      tpu.enqueue_indirect_dma source(%dma_start3A_104 : memref<10000x128xf32, #tpu.memory_space<hbm>>) target(%dma_start3A_98 : memref<128x128xf32, #tpu.memory_space<vmem>>) offsets(%dma_start3A_101 : memref<128xi32, #tpu.memory_space<vmem>>) semaphore(%arg10 : memref<!tpu.dma_semaphore, #tpu.memory_space<semaphore_mem>>)
      %mul3A_105 = arith.constant 2 : i32
      %mul3A_106 = arith.muli %while3A_90, %mul3A_105 : i32
      %add3A_107 = arith.constant 1 : i32
      %add3A_108 = arith.addi %mul3A_106, %add3A_107 : i32
      %dma_start3A_109 = arith.constant 1 : i32
      %dma_start3A_110 = arith.constant 0 : i32
      %dma_start3A_111 = arith.constant 0 : i32
      %dma_start3A_112 = tpu.memref_slice %arg8[%dma_start3A_109, %dma_start3A_110, %dma_start3A_111] : memref<2x128x128xf32, #tpu.memory_space<vmem>> -> memref<1x128x128xf32, #tpu.memory_space<vmem>>
      %dma_start3A_113 = tpu.memref_squeeze %dma_start3A_112 : memref<1x128x128xf32, #tpu.memory_space<vmem>> -> memref<128x128xf32, #tpu.memory_space<vmem>>
      %dma_start3A_114 = arith.constant 0 : i32
      %dma_start3A_115 = tpu.memref_slice %arg6[%add3A_108, %dma_start3A_114] : memref<38x128xi32, #tpu.memory_space<vmem>> -> memref<1x128xi32, #tpu.memory_space<vmem>>
      %dma_start3A_116 = tpu.memref_squeeze %dma_start3A_115 : memref<1x128xi32, #tpu.memory_space<vmem>> -> memref<128xi32, #tpu.memory_space<vmem>>
      %dma_start3A_117 = arith.constant 0 : i32
      %dma_start3A_118 = arith.constant 0 : i32
      %dma_start3A_119 = tpu.memref_slice %arg2[%dma_start3A_117, %dma_start3A_118] : memref<10000x128xf32, #tpu.memory_space<hbm>> -> memref<10000x128xf32, #tpu.memory_space<hbm>>
      tpu.enqueue_indirect_dma source(%dma_start3A_119 : memref<10000x128xf32, #tpu.memory_space<hbm>>) target(%dma_start3A_113 : memref<128x128xf32, #tpu.memory_space<vmem>>) offsets(%dma_start3A_116 : memref<128xi32, #tpu.memory_space<vmem>>) semaphore(%arg10 : memref<!tpu.dma_semaphore, #tpu.memory_space<semaphore_mem>>)
      %dma_wait3A = arith.constant 0 : i32
      %dma_wait3A_120 = arith.constant 0 : i32
      %dma_wait3A_121 = arith.constant 0 : i32
      %dma_wait3A_122 = tpu.memref_slice %arg8[%dma_wait3A, %dma_wait3A_120, %dma_wait3A_121] : memref<2x128x128xf32, #tpu.memory_space<vmem>> -> memref<1x128x128xf32, #tpu.memory_space<vmem>>
      %dma_wait3A_123 = tpu.memref_squeeze %dma_wait3A_122 : memref<1x128x128xf32, #tpu.memory_space<vmem>> -> memref<128x128xf32, #tpu.memory_space<vmem>>
      %dma_wait3A_124 = arith.constant 0 : i32
      %dma_wait3A_125 = tpu.memref_slice %arg6[%add3A_94, %dma_wait3A_124] : memref<38x128xi32, #tpu.memory_space<vmem>> -> memref<1x128xi32, #tpu.memory_space<vmem>>
      %dma_wait3A_126 = tpu.memref_squeeze %dma_wait3A_125 : memref<1x128xi32, #tpu.memory_space<vmem>> -> memref<128xi32, #tpu.memory_space<vmem>>
      %dma_wait3A_127 = arith.constant 0 : i32
      %dma_wait3A_128 = arith.constant 0 : i32
      %dma_wait3A_129 = tpu.memref_slice %arg2[%dma_wait3A_127, %dma_wait3A_128] : memref<10000x128xf32, #tpu.memory_space<hbm>> -> memref<10000x128xf32, #tpu.memory_space<hbm>>
      tpu.wait_indirect_dma semaphore(%arg10 : memref<!tpu.dma_semaphore, #tpu.memory_space<semaphore_mem>>) src(%dma_wait3A_129 : memref<10000x128xf32, #tpu.memory_space<hbm>>) dst(%dma_wait3A_123 : memref<128x128xf32, #tpu.memory_space<vmem>>)
      %mul3A_130 = arith.constant 2 : i32
      %mul3A_131 = arith.muli %while3A_90, %mul3A_130 : i32
      %add3A_132 = arith.constant 0 : i32
      %add3A_133 = arith.addi %mul3A_131, %add3A_132 : i32
      %dma_start3A_134 = arith.constant 0 : i32
      %dma_start3A_135 = arith.constant 0 : i32
      %dma_start3A_136 = arith.constant 0 : i32
      %dma_start3A_137 = tpu.memref_slice %arg8[%dma_start3A_134, %dma_start3A_135, %dma_start3A_136] : memref<2x128x128xf32, #tpu.memory_space<vmem>> -> memref<1x128x128xf32, #tpu.memory_space<vmem>>
      %dma_start3A_138 = tpu.memref_squeeze %dma_start3A_137 : memref<1x128x128xf32, #tpu.memory_space<vmem>> -> memref<128x128xf32, #tpu.memory_space<vmem>>
      %dma_start3A_139 = arith.constant 0 : i32
      %dma_start3A_140 = tpu.memref_slice %arg7[%add3A_133, %dma_start3A_139] : memref<38x128xi32, #tpu.memory_space<vmem>> -> memref<1x128xi32, #tpu.memory_space<vmem>>
      %dma_start3A_141 = tpu.memref_squeeze %dma_start3A_140 : memref<1x128xi32, #tpu.memory_space<vmem>> -> memref<128xi32, #tpu.memory_space<vmem>>
      %dma_start3A_142 = arith.constant 0 : i32
      %dma_start3A_143 = arith.constant 0 : i32
      %dma_start3A_144 = tpu.memref_slice %arg9[%dma_start3A_142, %dma_start3A_143] : memref<10112x128xf32, #tpu.memory_space<vmem_shared>> -> memref<10112x128xf32, #tpu.memory_space<vmem_shared>>
      tpu.enqueue_indirect_dma source(%dma_start3A_138 : memref<128x128xf32, #tpu.memory_space<vmem>>) target(%dma_start3A_144 : memref<10112x128xf32, #tpu.memory_space<vmem_shared>>) offsets(%dma_start3A_141 : memref<128xi32, #tpu.memory_space<vmem>>) semaphore(%arg11 : memref<!tpu.dma_semaphore, #tpu.memory_space<semaphore_mem>>) {add = true}
      %dma_wait3A_145 = arith.constant 1 : i32
      %dma_wait3A_146 = arith.constant 0 : i32
      %dma_wait3A_147 = arith.constant 0 : i32
      %dma_wait3A_148 = tpu.memref_slice %arg8[%dma_wait3A_145, %dma_wait3A_146, %dma_wait3A_147] : memref<2x128x128xf32, #tpu.memory_space<vmem>> -> memref<1x128x128xf32, #tpu.memory_space<vmem>>
      %dma_wait3A_149 = tpu.memref_squeeze %dma_wait3A_148 : memref<1x128x128xf32, #tpu.memory_space<vmem>> -> memref<128x128xf32, #tpu.memory_space<vmem>>
      %dma_wait3A_150 = arith.constant 0 : i32
      %dma_wait3A_151 = tpu.memref_slice %arg6[%add3A_108, %dma_wait3A_150] : memref<38x128xi32, #tpu.memory_space<vmem>> -> memref<1x128xi32, #tpu.memory_space<vmem>>
      %dma_wait3A_152 = tpu.memref_squeeze %dma_wait3A_151 : memref<1x128xi32, #tpu.memory_space<vmem>> -> memref<128xi32, #tpu.memory_space<vmem>>
      %dma_wait3A_153 = arith.constant 0 : i32
      %dma_wait3A_154 = arith.constant 0 : i32
      %dma_wait3A_155 = tpu.memref_slice %arg2[%dma_wait3A_153, %dma_wait3A_154] : memref<10000x128xf32, #tpu.memory_space<hbm>> -> memref<10000x128xf32, #tpu.memory_space<hbm>>
      tpu.wait_indirect_dma semaphore(%arg10 : memref<!tpu.dma_semaphore, #tpu.memory_space<semaphore_mem>>) src(%dma_wait3A_155 : memref<10000x128xf32, #tpu.memory_space<hbm>>) dst(%dma_wait3A_149 : memref<128x128xf32, #tpu.memory_space<vmem>>)
      %mul3A_156 = arith.constant 2 : i32
      %mul3A_157 = arith.muli %while3A_90, %mul3A_156 : i32
      %add3A_158 = arith.constant 1 : i32
      %add3A_159 = arith.addi %mul3A_157, %add3A_158 : i32
      %dma_start3A_160 = arith.constant 1 : i32
      %dma_start3A_161 = arith.constant 0 : i32
      %dma_start3A_162 = arith.constant 0 : i32
      %dma_start3A_163 = tpu.memref_slice %arg8[%dma_start3A_160, %dma_start3A_161, %dma_start3A_162] : memref<2x128x128xf32, #tpu.memory_space<vmem>> -> memref<1x128x128xf32, #tpu.memory_space<vmem>>
      %dma_start3A_164 = tpu.memref_squeeze %dma_start3A_163 : memref<1x128x128xf32, #tpu.memory_space<vmem>> -> memref<128x128xf32, #tpu.memory_space<vmem>>
      %dma_start3A_165 = arith.constant 0 : i32
      %dma_start3A_166 = tpu.memref_slice %arg7[%add3A_159, %dma_start3A_165] : memref<38x128xi32, #tpu.memory_space<vmem>> -> memref<1x128xi32, #tpu.memory_space<vmem>>
      %dma_start3A_167 = tpu.memref_squeeze %dma_start3A_166 : memref<1x128xi32, #tpu.memory_space<vmem>> -> memref<128xi32, #tpu.memory_space<vmem>>
      %dma_start3A_168 = arith.constant 0 : i32
      %dma_start3A_169 = arith.constant 0 : i32
      %dma_start3A_170 = tpu.memref_slice %arg9[%dma_start3A_168, %dma_start3A_169] : memref<10112x128xf32, #tpu.memory_space<vmem_shared>> -> memref<10112x128xf32, #tpu.memory_space<vmem_shared>>
      tpu.enqueue_indirect_dma source(%dma_start3A_164 : memref<128x128xf32, #tpu.memory_space<vmem>>) target(%dma_start3A_170 : memref<10112x128xf32, #tpu.memory_space<vmem_shared>>) offsets(%dma_start3A_167 : memref<128xi32, #tpu.memory_space<vmem>>) semaphore(%arg11 : memref<!tpu.dma_semaphore, #tpu.memory_space<semaphore_mem>>) {add = true}
      %dma_wait3A_171 = arith.constant 0 : i32
      %dma_wait3A_172 = arith.constant 0 : i32
      %dma_wait3A_173 = arith.constant 0 : i32
      %dma_wait3A_174 = tpu.memref_slice %arg8[%dma_wait3A_171, %dma_wait3A_172, %dma_wait3A_173] : memref<2x128x128xf32, #tpu.memory_space<vmem>> -> memref<1x128x128xf32, #tpu.memory_space<vmem>>
      %dma_wait3A_175 = tpu.memref_squeeze %dma_wait3A_174 : memref<1x128x128xf32, #tpu.memory_space<vmem>> -> memref<128x128xf32, #tpu.memory_space<vmem>>
      %dma_wait3A_176 = arith.constant 0 : i32
      %dma_wait3A_177 = tpu.memref_slice %arg7[%add3A_133, %dma_wait3A_176] : memref<38x128xi32, #tpu.memory_space<vmem>> -> memref<1x128xi32, #tpu.memory_space<vmem>>
      %dma_wait3A_178 = tpu.memref_squeeze %dma_wait3A_177 : memref<1x128xi32, #tpu.memory_space<vmem>> -> memref<128xi32, #tpu.memory_space<vmem>>
      %dma_wait3A_179 = arith.constant 0 : i32
      %dma_wait3A_180 = arith.constant 0 : i32
      %dma_wait3A_181 = tpu.memref_slice %arg9[%dma_wait3A_179, %dma_wait3A_180] : memref<10112x128xf32, #tpu.memory_space<vmem_shared>> -> memref<10112x128xf32, #tpu.memory_space<vmem_shared>>
      tpu.wait_indirect_dma semaphore(%arg11 : memref<!tpu.dma_semaphore, #tpu.memory_space<semaphore_mem>>) src(%dma_wait3A_175 : memref<128x128xf32, #tpu.memory_space<vmem>>) dst(%dma_wait3A_181 : memref<10112x128xf32, #tpu.memory_space<vmem_shared>>)
      %dma_wait3A_182 = arith.constant 1 : i32
      %dma_wait3A_183 = arith.constant 0 : i32
      %dma_wait3A_184 = arith.constant 0 : i32
      %dma_wait3A_185 = tpu.memref_slice %arg8[%dma_wait3A_182, %dma_wait3A_183, %dma_wait3A_184] : memref<2x128x128xf32, #tpu.memory_space<vmem>> -> memref<1x128x128xf32, #tpu.memory_space<vmem>>
      %dma_wait3A_186 = tpu.memref_squeeze %dma_wait3A_185 : memref<1x128x128xf32, #tpu.memory_space<vmem>> -> memref<128x128xf32, #tpu.memory_space<vmem>>
      %dma_wait3A_187 = arith.constant 0 : i32
      %dma_wait3A_188 = tpu.memref_slice %arg7[%add3A_159, %dma_wait3A_187] : memref<38x128xi32, #tpu.memory_space<vmem>> -> memref<1x128xi32, #tpu.memory_space<vmem>>
      %dma_wait3A_189 = tpu.memref_squeeze %dma_wait3A_188 : memref<1x128xi32, #tpu.memory_space<vmem>> -> memref<128xi32, #tpu.memory_space<vmem>>
      %dma_wait3A_190 = arith.constant 0 : i32
      %dma_wait3A_191 = arith.constant 0 : i32
      %dma_wait3A_192 = tpu.memref_slice %arg9[%dma_wait3A_190, %dma_wait3A_191] : memref<10112x128xf32, #tpu.memory_space<vmem_shared>> -> memref<10112x128xf32, #tpu.memory_space<vmem_shared>>
      tpu.wait_indirect_dma semaphore(%arg11 : memref<!tpu.dma_semaphore, #tpu.memory_space<semaphore_mem>>) src(%dma_wait3A_186 : memref<128x128xf32, #tpu.memory_space<vmem>>) dst(%dma_wait3A_192 : memref<10112x128xf32, #tpu.memory_space<vmem_shared>>)
    }
    %while3A_70 = arith.constant 1 : i32
    scf.for %while3A_90 = %while3A_68 to %while3A_64 step %while3A_70  : i32 {
      %mul3A_91 = arith.constant 2 : i32
      %mul3A_92 = arith.muli %while3A_90, %mul3A_91 : i32
      %add3A_93 = arith.constant 0 : i32
      %add3A_94 = arith.addi %mul3A_92, %add3A_93 : i32
      %dma_start3A = arith.constant 0 : i32
      %dma_start3A_95 = arith.constant 0 : i32
      %dma_start3A_96 = arith.constant 0 : i32
      %dma_start3A_97 = tpu.memref_slice %arg8[%dma_start3A, %dma_start3A_95, %dma_start3A_96] : memref<2x128x128xf32, #tpu.memory_space<vmem>> -> memref<1x128x128xf32, #tpu.memory_space<vmem>>
      %dma_start3A_98 = tpu.memref_squeeze %dma_start3A_97 : memref<1x128x128xf32, #tpu.memory_space<vmem>> -> memref<128x128xf32, #tpu.memory_space<vmem>>
      %dma_start3A_99 = arith.constant 0 : i32
      %dma_start3A_100 = tpu.memref_slice %arg6[%add3A_94, %dma_start3A_99] : memref<38x128xi32, #tpu.memory_space<vmem>> -> memref<1x128xi32, #tpu.memory_space<vmem>>
      %dma_start3A_101 = tpu.memref_squeeze %dma_start3A_100 : memref<1x128xi32, #tpu.memory_space<vmem>> -> memref<128xi32, #tpu.memory_space<vmem>>
      %dma_start3A_102 = arith.constant 0 : i32
      %dma_start3A_103 = arith.constant 0 : i32
      %dma_start3A_104 = tpu.memref_slice %arg2[%dma_start3A_102, %dma_start3A_103] : memref<10000x128xf32, #tpu.memory_space<hbm>> -> memref<10000x128xf32, #tpu.memory_space<hbm>>
      tpu.enqueue_indirect_dma source(%dma_start3A_104 : memref<10000x128xf32, #tpu.memory_space<hbm>>) target(%dma_start3A_98 : memref<128x128xf32, #tpu.memory_space<vmem>>) offsets(%dma_start3A_101 : memref<128xi32, #tpu.memory_space<vmem>>) semaphore(%arg10 : memref<!tpu.dma_semaphore, #tpu.memory_space<semaphore_mem>>)
      %mul3A_105 = arith.constant 2 : i32
      %mul3A_106 = arith.muli %while3A_90, %mul3A_105 : i32
      %add3A_107 = arith.constant 1 : i32
      %add3A_108 = arith.addi %mul3A_106, %add3A_107 : i32
      %dma_start3A_109 = arith.constant 1 : i32
      %dma_start3A_110 = arith.constant 0 : i32
      %dma_start3A_111 = arith.constant 0 : i32
      %dma_start3A_112 = tpu.memref_slice %arg8[%dma_start3A_109, %dma_start3A_110, %dma_start3A_111] : memref<2x128x128xf32, #tpu.memory_space<vmem>> -> memref<1x128x128xf32, #tpu.memory_space<vmem>>
      %dma_start3A_113 = tpu.memref_squeeze %dma_start3A_112 : memref<1x128x128xf32, #tpu.memory_space<vmem>> -> memref<128x128xf32, #tpu.memory_space<vmem>>
      %dma_start3A_114 = arith.constant 0 : i32
      %dma_start3A_115 = tpu.memref_slice %arg6[%add3A_108, %dma_start3A_114] : memref<38x128xi32, #tpu.memory_space<vmem>> -> memref<1x128xi32, #tpu.memory_space<vmem>>
      %dma_start3A_116 = tpu.memref_squeeze %dma_start3A_115 : memref<1x128xi32, #tpu.memory_space<vmem>> -> memref<128xi32, #tpu.memory_space<vmem>>
      %dma_start3A_117 = arith.constant 0 : i32
      %dma_start3A_118 = arith.constant 0 : i32
      %dma_start3A_119 = tpu.memref_slice %arg2[%dma_start3A_117, %dma_start3A_118] : memref<10000x128xf32, #tpu.memory_space<hbm>> -> memref<10000x128xf32, #tpu.memory_space<hbm>>
      tpu.enqueue_indirect_dma source(%dma_start3A_119 : memref<10000x128xf32, #tpu.memory_space<hbm>>) target(%dma_start3A_113 : memref<128x128xf32, #tpu.memory_space<vmem>>) offsets(%dma_start3A_116 : memref<128xi32, #tpu.memory_space<vmem>>) semaphore(%arg10 : memref<!tpu.dma_semaphore, #tpu.memory_space<semaphore_mem>>)
      %dma_wait3A = arith.constant 0 : i32
      %dma_wait3A_120 = arith.constant 0 : i32
      %dma_wait3A_121 = arith.constant 0 : i32
      %dma_wait3A_122 = tpu.memref_slice %arg8[%dma_wait3A, %dma_wait3A_120, %dma_wait3A_121] : memref<2x128x128xf32, #tpu.memory_space<vmem>> -> memref<1x128x128xf32, #tpu.memory_space<vmem>>
      %dma_wait3A_123 = tpu.memref_squeeze %dma_wait3A_122 : memref<1x128x128xf32, #tpu.memory_space<vmem>> -> memref<128x128xf32, #tpu.memory_space<vmem>>
      %dma_wait3A_124 = arith.constant 0 : i32
      %dma_wait3A_125 = tpu.memref_slice %arg6[%add3A_94, %dma_wait3A_124] : memref<38x128xi32, #tpu.memory_space<vmem>> -> memref<1x128xi32, #tpu.memory_space<vmem>>
      %dma_wait3A_126 = tpu.memref_squeeze %dma_wait3A_125 : memref<1x128xi32, #tpu.memory_space<vmem>> -> memref<128xi32, #tpu.memory_space<vmem>>
      %dma_wait3A_127 = arith.constant 0 : i32
      %dma_wait3A_128 = arith.constant 0 : i32
      %dma_wait3A_129 = tpu.memref_slice %arg2[%dma_wait3A_127, %dma_wait3A_128] : memref<10000x128xf32, #tpu.memory_space<hbm>> -> memref<10000x128xf32, #tpu.memory_space<hbm>>
      tpu.wait_indirect_dma semaphore(%arg10 : memref<!tpu.dma_semaphore, #tpu.memory_space<semaphore_mem>>) src(%dma_wait3A_129 : memref<10000x128xf32, #tpu.memory_space<hbm>>) dst(%dma_wait3A_123 : memref<128x128xf32, #tpu.memory_space<vmem>>)
      %mul3A_130 = arith.constant 2 : i32
      %mul3A_131 = arith.muli %while3A_90, %mul3A_130 : i32
      %add3A_132 = arith.constant 0 : i32
      %add3A_133 = arith.addi %mul3A_131, %add3A_132 : i32
      %dma_start3A_134 = arith.constant 0 : i32
      %dma_start3A_135 = arith.constant 0 : i32
      %dma_start3A_136 = arith.constant 0 : i32
      %dma_start3A_137 = tpu.memref_slice %arg8[%dma_start3A_134, %dma_start3A_135, %dma_start3A_136] : memref<2x128x128xf32, #tpu.memory_space<vmem>> -> memref<1x128x128xf32, #tpu.memory_space<vmem>>
      %dma_start3A_138 = tpu.memref_squeeze %dma_start3A_137 : memref<1x128x128xf32, #tpu.memory_space<vmem>> -> memref<128x128xf32, #tpu.memory_space<vmem>>
      %dma_start3A_139 = arith.constant 0 : i32
      %dma_start3A_140 = tpu.memref_slice %arg7[%add3A_133, %dma_start3A_139] : memref<38x128xi32, #tpu.memory_space<vmem>> -> memref<1x128xi32, #tpu.memory_space<vmem>>
      %dma_start3A_141 = tpu.memref_squeeze %dma_start3A_140 : memref<1x128xi32, #tpu.memory_space<vmem>> -> memref<128xi32, #tpu.memory_space<vmem>>
      %dma_start3A_142 = arith.constant 0 : i32
      %dma_start3A_143 = arith.constant 0 : i32
      %dma_start3A_144 = tpu.memref_slice %arg9[%dma_start3A_142, %dma_start3A_143] : memref<10112x128xf32, #tpu.memory_space<vmem_shared>> -> memref<10112x128xf32, #tpu.memory_space<vmem_shared>>
      tpu.enqueue_indirect_dma source(%dma_start3A_138 : memref<128x128xf32, #tpu.memory_space<vmem>>) target(%dma_start3A_144 : memref<10112x128xf32, #tpu.memory_space<vmem_shared>>) offsets(%dma_start3A_141 : memref<128xi32, #tpu.memory_space<vmem>>) semaphore(%arg11 : memref<!tpu.dma_semaphore, #tpu.memory_space<semaphore_mem>>) {add = true}
      %dma_wait3A_145 = arith.constant 1 : i32
      %dma_wait3A_146 = arith.constant 0 : i32
      %dma_wait3A_147 = arith.constant 0 : i32
      %dma_wait3A_148 = tpu.memref_slice %arg8[%dma_wait3A_145, %dma_wait3A_146, %dma_wait3A_147] : memref<2x128x128xf32, #tpu.memory_space<vmem>> -> memref<1x128x128xf32, #tpu.memory_space<vmem>>
      %dma_wait3A_149 = tpu.memref_squeeze %dma_wait3A_148 : memref<1x128x128xf32, #tpu.memory_space<vmem>> -> memref<128x128xf32, #tpu.memory_space<vmem>>
      %dma_wait3A_150 = arith.constant 0 : i32
      %dma_wait3A_151 = tpu.memref_slice %arg6[%add3A_108, %dma_wait3A_150] : memref<38x128xi32, #tpu.memory_space<vmem>> -> memref<1x128xi32, #tpu.memory_space<vmem>>
      %dma_wait3A_152 = tpu.memref_squeeze %dma_wait3A_151 : memref<1x128xi32, #tpu.memory_space<vmem>> -> memref<128xi32, #tpu.memory_space<vmem>>
      %dma_wait3A_153 = arith.constant 0 : i32
      %dma_wait3A_154 = arith.constant 0 : i32
      %dma_wait3A_155 = tpu.memref_slice %arg2[%dma_wait3A_153, %dma_wait3A_154] : memref<10000x128xf32, #tpu.memory_space<hbm>> -> memref<10000x128xf32, #tpu.memory_space<hbm>>
      tpu.wait_indirect_dma semaphore(%arg10 : memref<!tpu.dma_semaphore, #tpu.memory_space<semaphore_mem>>) src(%dma_wait3A_155 : memref<10000x128xf32, #tpu.memory_space<hbm>>) dst(%dma_wait3A_149 : memref<128x128xf32, #tpu.memory_space<vmem>>)
      %mul3A_156 = arith.constant 2 : i32
      %mul3A_157 = arith.muli %while3A_90, %mul3A_156 : i32
      %add3A_158 = arith.constant 1 : i32
      %add3A_159 = arith.addi %mul3A_157, %add3A_158 : i32
      %dma_start3A_160 = arith.constant 1 : i32
      %dma_start3A_161 = arith.constant 0 : i32
      %dma_start3A_162 = arith.constant 0 : i32
      %dma_start3A_163 = tpu.memref_slice %arg8[%dma_start3A_160, %dma_start3A_161, %dma_start3A_162] : memref<2x128x128xf32, #tpu.memory_space<vmem>> -> memref<1x128x128xf32, #tpu.memory_space<vmem>>
      %dma_start3A_164 = tpu.memref_squeeze %dma_start3A_163 : memref<1x128x128xf32, #tpu.memory_space<vmem>> -> memref<128x128xf32, #tpu.memory_space<vmem>>
      %dma_start3A_165 = arith.constant 0 : i32
      %dma_start3A_166 = tpu.memref_slice %arg7[%add3A_159, %dma_start3A_165] : memref<38x128xi32, #tpu.memory_space<vmem>> -> memref<1x128xi32, #tpu.memory_space<vmem>>
      %dma_start3A_167 = tpu.memref_squeeze %dma_start3A_166 : memref<1x128xi32, #tpu.memory_space<vmem>> -> memref<128xi32, #tpu.memory_space<vmem>>
      %dma_start3A_168 = arith.constant 0 : i32
      %dma_start3A_169 = arith.constant 0 : i32
      %dma_start3A_170 = tpu.memref_slice %arg9[%dma_start3A_168, %dma_start3A_169] : memref<10112x128xf32, #tpu.memory_space<vmem_shared>> -> memref<10112x128xf32, #tpu.memory_space<vmem_shared>>
      tpu.enqueue_indirect_dma source(%dma_start3A_164 : memref<128x128xf32, #tpu.memory_space<vmem>>) target(%dma_start3A_170 : memref<10112x128xf32, #tpu.memory_space<vmem_shared>>) offsets(%dma_start3A_167 : memref<128xi32, #tpu.memory_space<vmem>>) semaphore(%arg11 : memref<!tpu.dma_semaphore, #tpu.memory_space<semaphore_mem>>) {add = true}
      %dma_wait3A_171 = arith.constant 0 : i32
      %dma_wait3A_172 = arith.constant 0 : i32
      %dma_wait3A_173 = arith.constant 0 : i32
      %dma_wait3A_174 = tpu.memref_slice %arg8[%dma_wait3A_171, %dma_wait3A_172, %dma_wait3A_173] : memref<2x128x128xf32, #tpu.memory_space<vmem>> -> memref<1x128x128xf32, #tpu.memory_space<vmem>>
      %dma_wait3A_175 = tpu.memref_squeeze %dma_wait3A_174 : memref<1x128x128xf32, #tpu.memory_space<vmem>> -> memref<128x128xf32, #tpu.memory_space<vmem>>
      %dma_wait3A_176 = arith.constant 0 : i32
      %dma_wait3A_177 = tpu.memref_slice %arg7[%add3A_133, %dma_wait3A_176] : memref<38x128xi32, #tpu.memory_space<vmem>> -> memref<1x128xi32, #tpu.memory_space<vmem>>
      %dma_wait3A_178 = tpu.memref_squeeze %dma_wait3A_177 : memref<1x128xi32, #tpu.memory_space<vmem>> -> memref<128xi32, #tpu.memory_space<vmem>>
      %dma_wait3A_179 = arith.constant 0 : i32
      %dma_wait3A_180 = arith.constant 0 : i32
      %dma_wait3A_181 = tpu.memref_slice %arg9[%dma_wait3A_179, %dma_wait3A_180] : memref<10112x128xf32, #tpu.memory_space<vmem_shared>> -> memref<10112x128xf32, #tpu.memory_space<vmem_shared>>
      tpu.wait_indirect_dma semaphore(%arg11 : memref<!tpu.dma_semaphore, #tpu.memory_space<semaphore_mem>>) src(%dma_wait3A_175 : memref<128x128xf32, #tpu.memory_space<vmem>>) dst(%dma_wait3A_181 : memref<10112x128xf32, #tpu.memory_space<vmem_shared>>)
      %dma_wait3A_182 = arith.constant 1 : i32
      %dma_wait3A_183 = arith.constant 0 : i32
      %dma_wait3A_184 = arith.constant 0 : i32
      %dma_wait3A_185 = tpu.memref_slice %arg8[%dma_wait3A_182, %dma_wait3A_183, %dma_wait3A_184] : memref<2x128x128xf32, #tpu.memory_space<vmem>> -> memref<1x128x128xf32, #tpu.memory_space<vmem>>
      %dma_wait3A_186 = tpu.memref_squeeze %dma_wait3A_185 : memref<1x128x128xf32, #tpu.memory_space<vmem>> -> memref<128x128xf32, #tpu.memory_space<vmem>>
      %dma_wait3A_187 = arith.constant 0 : i32
      %dma_wait3A_188 = tpu.memref_slice %arg7[%add3A_159, %dma_wait3A_187] : memref<38x128xi32, #tpu.memory_space<vmem>> -> memref<1x128xi32, #tpu.memory_space<vmem>>
      %dma_wait3A_189 = tpu.memref_squeeze %dma_wait3A_188 : memref<1x128xi32, #tpu.memory_space<vmem>> -> memref<128xi32, #tpu.memory_space<vmem>>
      %dma_wait3A_190 = arith.constant 0 : i32
      %dma_wait3A_191 = arith.constant 0 : i32
      %dma_wait3A_192 = tpu.memref_slice %arg9[%dma_wait3A_190, %dma_wait3A_191] : memref<10112x128xf32, #tpu.memory_space<vmem_shared>> -> memref<10112x128xf32, #tpu.memory_space<vmem_shared>>
      tpu.wait_indirect_dma semaphore(%arg11 : memref<!tpu.dma_semaphore, #tpu.memory_space<semaphore_mem>>) src(%dma_wait3A_186 : memref<128x128xf32, #tpu.memory_space<vmem>>) dst(%dma_wait3A_192 : memref<10112x128xf32, #tpu.memory_space<vmem_shared>>)
    }
    %convert_element_type3A_71 = arith.extui %eq3A_0 : i1 to i32
    %cond3A_72 = arith.constant 0 : i32
    %cond3A_73 = arith.cmpi ne, %convert_element_type3A_71, %cond3A_72 : i32
    scf.if %cond3A_73 {
      %mul3A_90 = arith.constant 152 : i32
      %mul3A_91 = arith.muli %arg1, %mul3A_90 : i32
      %add3A_92 = arith.constant 114 : i32
      %add3A_93 = arith.addi %mul3A_91, %add3A_92 : i32
      "tpu.region"() ({
        %run_scoped3A_94 = tpu.sem_alloc : memref<!tpu.dma_semaphore, #tpu.memory_space<semaphore_mem>>
        %dma_start3A = arith.constant 0 : i32
        %dma_start3A_95 = arith.constant 0 : i32
        %dma_start3A_96 = tpu.memref_slice %arg6[%dma_start3A, %dma_start3A_95] : memref<38x128xi32, #tpu.memory_space<vmem>> -> memref<38x128xi32, #tpu.memory_space<vmem>>
        %dma_start3A_97 = arith.constant 0 : i32
        %dma_start3A_98 = tpu.memref_slice %arg3[%add3A_93, %dma_start3A_97] : memref<2560x128xi32, #tpu.memory_space<hbm>> -> memref<38x128xi32, #tpu.memory_space<hbm>>
        %dma_start3A_99 = arith.constant 0 : i32
        %dma_start3A_100 = arith.constant 0 : i32
        %dma_start3A_101 = tpu.memref_slice %arg6[%dma_start3A_99, %dma_start3A_100] : memref<38x128xi32, #tpu.memory_space<vmem>> -> memref<38x128xi32, #tpu.memory_space<vmem>>
        %dma_start3A_102 = arith.constant 0 : i32
        %dma_start3A_103 = tpu.memref_slice %arg3[%add3A_93, %dma_start3A_102] : memref<2560x128xi32, #tpu.memory_space<hbm>> -> memref<38x128xi32, #tpu.memory_space<hbm>>
        tpu.enqueue_dma source(%dma_start3A_103 : memref<38x128xi32, #tpu.memory_space<hbm>>) target(%dma_start3A_101 : memref<38x128xi32, #tpu.memory_space<vmem>>) target_semaphore(%run_scoped3A_94 : memref<!tpu.dma_semaphore, #tpu.memory_space<semaphore_mem>>)
        %dma_wait3A = arith.constant 0 : i32
        %dma_wait3A_104 = arith.constant 0 : i32
        %dma_wait3A_105 = tpu.memref_slice %arg6[%dma_wait3A, %dma_wait3A_104] : memref<38x128xi32, #tpu.memory_space<vmem>> -> memref<38x128xi32, #tpu.memory_space<vmem>>
        %dma_wait3A_106 = arith.constant 0 : i32
        %dma_wait3A_107 = tpu.memref_slice %arg3[%add3A_93, %dma_wait3A_106] : memref<2560x128xi32, #tpu.memory_space<hbm>> -> memref<38x128xi32, #tpu.memory_space<hbm>>
        %dma_wait3A_108 = arith.constant 0 : i32
        %dma_wait3A_109 = arith.constant 0 : i32
        %dma_wait3A_110 = tpu.memref_slice %arg6[%dma_wait3A_108, %dma_wait3A_109] : memref<38x128xi32, #tpu.memory_space<vmem>> -> memref<38x128xi32, #tpu.memory_space<vmem>>
        %dma_wait3A_111 = arith.constant 0 : i32
        %dma_wait3A_112 = tpu.memref_slice %arg3[%add3A_93, %dma_wait3A_111] : memref<2560x128xi32, #tpu.memory_space<hbm>> -> memref<38x128xi32, #tpu.memory_space<hbm>>
        tpu.wait_dma2 semaphore(%run_scoped3A_94 : memref<!tpu.dma_semaphore, #tpu.memory_space<semaphore_mem>>) src(%dma_wait3A_112 : memref<38x128xi32, #tpu.memory_space<hbm>>) dst(%dma_wait3A_110 : memref<38x128xi32, #tpu.memory_space<vmem>>)
        tpu.yield
      }) : () -> ()
      "tpu.region"() ({
        %run_scoped3A_94 = tpu.sem_alloc : memref<!tpu.dma_semaphore, #tpu.memory_space<semaphore_mem>>
        %dma_start3A = arith.constant 0 : i32
        %dma_start3A_95 = arith.constant 0 : i32
        %dma_start3A_96 = tpu.memref_slice %arg7[%dma_start3A, %dma_start3A_95] : memref<38x128xi32, #tpu.memory_space<vmem>> -> memref<38x128xi32, #tpu.memory_space<vmem>>
        %dma_start3A_97 = arith.constant 0 : i32
        %dma_start3A_98 = tpu.memref_slice %arg4[%add3A_93, %dma_start3A_97] : memref<2560x128xi32, #tpu.memory_space<hbm>> -> memref<38x128xi32, #tpu.memory_space<hbm>>
        %dma_start3A_99 = arith.constant 0 : i32
        %dma_start3A_100 = arith.constant 0 : i32
        %dma_start3A_101 = tpu.memref_slice %arg7[%dma_start3A_99, %dma_start3A_100] : memref<38x128xi32, #tpu.memory_space<vmem>> -> memref<38x128xi32, #tpu.memory_space<vmem>>
        %dma_start3A_102 = arith.constant 0 : i32
        %dma_start3A_103 = tpu.memref_slice %arg4[%add3A_93, %dma_start3A_102] : memref<2560x128xi32, #tpu.memory_space<hbm>> -> memref<38x128xi32, #tpu.memory_space<hbm>>
        tpu.enqueue_dma source(%dma_start3A_103 : memref<38x128xi32, #tpu.memory_space<hbm>>) target(%dma_start3A_101 : memref<38x128xi32, #tpu.memory_space<vmem>>) target_semaphore(%run_scoped3A_94 : memref<!tpu.dma_semaphore, #tpu.memory_space<semaphore_mem>>)
        %dma_wait3A = arith.constant 0 : i32
        %dma_wait3A_104 = arith.constant 0 : i32
        %dma_wait3A_105 = tpu.memref_slice %arg7[%dma_wait3A, %dma_wait3A_104] : memref<38x128xi32, #tpu.memory_space<vmem>> -> memref<38x128xi32, #tpu.memory_space<vmem>>
        %dma_wait3A_106 = arith.constant 0 : i32
        %dma_wait3A_107 = tpu.memref_slice %arg4[%add3A_93, %dma_wait3A_106] : memref<2560x128xi32, #tpu.memory_space<hbm>> -> memref<38x128xi32, #tpu.memory_space<hbm>>
        %dma_wait3A_108 = arith.constant 0 : i32
        %dma_wait3A_109 = arith.constant 0 : i32
        %dma_wait3A_110 = tpu.memref_slice %arg7[%dma_wait3A_108, %dma_wait3A_109] : memref<38x128xi32, #tpu.memory_space<vmem>> -> memref<38x128xi32, #tpu.memory_space<vmem>>
        %dma_wait3A_111 = arith.constant 0 : i32
        %dma_wait3A_112 = tpu.memref_slice %arg4[%add3A_93, %dma_wait3A_111] : memref<2560x128xi32, #tpu.memory_space<hbm>> -> memref<38x128xi32, #tpu.memory_space<hbm>>
        tpu.wait_dma2 semaphore(%run_scoped3A_94 : memref<!tpu.dma_semaphore, #tpu.memory_space<semaphore_mem>>) src(%dma_wait3A_112 : memref<38x128xi32, #tpu.memory_space<hbm>>) dst(%dma_wait3A_110 : memref<38x128xi32, #tpu.memory_space<vmem>>)
        tpu.yield
      }) : () -> ()
    } else {
    }
    %not3A_74 = arith.constant true
    %not3A_75 = arith.xori %eq3A_0, %not3A_74 : i1
    %convert_element_type3A_76 = arith.extui %not3A_75 : i1 to i32
    %cond3A_77 = arith.constant 0 : i32
    %cond3A_78 = arith.cmpi ne, %convert_element_type3A_76, %cond3A_77 : i32
    scf.if %cond3A_78 {
      %mul3A_90 = arith.constant 8 : i32
      %mul3A_91 = arith.muli %arg1, %mul3A_90 : i32
      %add3A_92 = arith.constant 2432 : i32
      %add3A_93 = arith.addi %add3A_92, %mul3A_91 : i32
      %add3A_94 = arith.constant 6 : i32
      %add3A_95 = arith.addi %add3A_93, %add3A_94 : i32
      "tpu.region"() ({
        %run_scoped3A_96 = tpu.sem_alloc : memref<!tpu.dma_semaphore, #tpu.memory_space<semaphore_mem>>
        %dma_start3A = arith.constant 0 : i32
        %dma_start3A_97 = arith.constant 0 : i32
        %dma_start3A_98 = tpu.memref_slice %arg6[%dma_start3A, %dma_start3A_97] : memref<38x128xi32, #tpu.memory_space<vmem>> -> memref<2x128xi32, #tpu.memory_space<vmem>>
        %dma_start3A_99 = arith.constant 0 : i32
        %dma_start3A_100 = tpu.memref_slice %arg3[%add3A_95, %dma_start3A_99] : memref<2560x128xi32, #tpu.memory_space<hbm>> -> memref<2x128xi32, #tpu.memory_space<hbm>>
        %dma_start3A_101 = arith.constant 0 : i32
        %dma_start3A_102 = arith.constant 0 : i32
        %dma_start3A_103 = tpu.memref_slice %arg6[%dma_start3A_101, %dma_start3A_102] : memref<38x128xi32, #tpu.memory_space<vmem>> -> memref<2x128xi32, #tpu.memory_space<vmem>>
        %dma_start3A_104 = arith.constant 0 : i32
        %dma_start3A_105 = tpu.memref_slice %arg3[%add3A_95, %dma_start3A_104] : memref<2560x128xi32, #tpu.memory_space<hbm>> -> memref<2x128xi32, #tpu.memory_space<hbm>>
        tpu.enqueue_dma source(%dma_start3A_105 : memref<2x128xi32, #tpu.memory_space<hbm>>) target(%dma_start3A_103 : memref<2x128xi32, #tpu.memory_space<vmem>>) target_semaphore(%run_scoped3A_96 : memref<!tpu.dma_semaphore, #tpu.memory_space<semaphore_mem>>)
        %dma_wait3A = arith.constant 0 : i32
        %dma_wait3A_106 = arith.constant 0 : i32
        %dma_wait3A_107 = tpu.memref_slice %arg6[%dma_wait3A, %dma_wait3A_106] : memref<38x128xi32, #tpu.memory_space<vmem>> -> memref<2x128xi32, #tpu.memory_space<vmem>>
        %dma_wait3A_108 = arith.constant 0 : i32
        %dma_wait3A_109 = tpu.memref_slice %arg3[%add3A_95, %dma_wait3A_108] : memref<2560x128xi32, #tpu.memory_space<hbm>> -> memref<2x128xi32, #tpu.memory_space<hbm>>
        %dma_wait3A_110 = arith.constant 0 : i32
        %dma_wait3A_111 = arith.constant 0 : i32
        %dma_wait3A_112 = tpu.memref_slice %arg6[%dma_wait3A_110, %dma_wait3A_111] : memref<38x128xi32, #tpu.memory_space<vmem>> -> memref<2x128xi32, #tpu.memory_space<vmem>>
        %dma_wait3A_113 = arith.constant 0 : i32
        %dma_wait3A_114 = tpu.memref_slice %arg3[%add3A_95, %dma_wait3A_113] : memref<2560x128xi32, #tpu.memory_space<hbm>> -> memref<2x128xi32, #tpu.memory_space<hbm>>
        tpu.wait_dma2 semaphore(%run_scoped3A_96 : memref<!tpu.dma_semaphore, #tpu.memory_space<semaphore_mem>>) src(%dma_wait3A_114 : memref<2x128xi32, #tpu.memory_space<hbm>>) dst(%dma_wait3A_112 : memref<2x128xi32, #tpu.memory_space<vmem>>)
        tpu.yield
      }) : () -> ()
      "tpu.region"() ({
        %run_scoped3A_96 = tpu.sem_alloc : memref<!tpu.dma_semaphore, #tpu.memory_space<semaphore_mem>>
        %dma_start3A = arith.constant 0 : i32
        %dma_start3A_97 = arith.constant 0 : i32
        %dma_start3A_98 = tpu.memref_slice %arg7[%dma_start3A, %dma_start3A_97] : memref<38x128xi32, #tpu.memory_space<vmem>> -> memref<2x128xi32, #tpu.memory_space<vmem>>
        %dma_start3A_99 = arith.constant 0 : i32
        %dma_start3A_100 = tpu.memref_slice %arg4[%add3A_95, %dma_start3A_99] : memref<2560x128xi32, #tpu.memory_space<hbm>> -> memref<2x128xi32, #tpu.memory_space<hbm>>
        %dma_start3A_101 = arith.constant 0 : i32
        %dma_start3A_102 = arith.constant 0 : i32
        %dma_start3A_103 = tpu.memref_slice %arg7[%dma_start3A_101, %dma_start3A_102] : memref<38x128xi32, #tpu.memory_space<vmem>> -> memref<2x128xi32, #tpu.memory_space<vmem>>
        %dma_start3A_104 = arith.constant 0 : i32
        %dma_start3A_105 = tpu.memref_slice %arg4[%add3A_95, %dma_start3A_104] : memref<2560x128xi32, #tpu.memory_space<hbm>> -> memref<2x128xi32, #tpu.memory_space<hbm>>
        tpu.enqueue_dma source(%dma_start3A_105 : memref<2x128xi32, #tpu.memory_space<hbm>>) target(%dma_start3A_103 : memref<2x128xi32, #tpu.memory_space<vmem>>) target_semaphore(%run_scoped3A_96 : memref<!tpu.dma_semaphore, #tpu.memory_space<semaphore_mem>>)
        %dma_wait3A = arith.constant 0 : i32
        %dma_wait3A_106 = arith.constant 0 : i32
        %dma_wait3A_107 = tpu.memref_slice %arg7[%dma_wait3A, %dma_wait3A_106] : memref<38x128xi32, #tpu.memory_space<vmem>> -> memref<2x128xi32, #tpu.memory_space<vmem>>
        %dma_wait3A_108 = arith.constant 0 : i32
        %dma_wait3A_109 = tpu.memref_slice %arg4[%add3A_95, %dma_wait3A_108] : memref<2560x128xi32, #tpu.memory_space<hbm>> -> memref<2x128xi32, #tpu.memory_space<hbm>>
        %dma_wait3A_110 = arith.constant 0 : i32
        %dma_wait3A_111 = arith.constant 0 : i32
        %dma_wait3A_112 = tpu.memref_slice %arg7[%dma_wait3A_110, %dma_wait3A_111] : memref<38x128xi32, #tpu.memory_space<vmem>> -> memref<2x128xi32, #tpu.memory_space<vmem>>
        %dma_wait3A_113 = arith.constant 0 : i32
        %dma_wait3A_114 = tpu.memref_slice %arg4[%add3A_95, %dma_wait3A_113] : memref<2560x128xi32, #tpu.memory_space<hbm>> -> memref<2x128xi32, #tpu.memory_space<hbm>>
        tpu.wait_dma2 semaphore(%run_scoped3A_96 : memref<!tpu.dma_semaphore, #tpu.memory_space<semaphore_mem>>) src(%dma_wait3A_114 : memref<2x128xi32, #tpu.memory_space<hbm>>) dst(%dma_wait3A_112 : memref<2x128xi32, #tpu.memory_space<vmem>>)
        tpu.yield
      }) : () -> ()
    } else {
    }
    %while3A_79 = arith.constant 0 : i32
    %while3A_80 = arith.constant 0 : i32
    %while3A_81 = arith.subi %select_n3A, %while3A_80 : i32
    %while3A_82 = arith.addi %while3A_80, %while3A_81 : i32
    %while3A_83 = arith.constant 1 : i32
    %while3A_84 = arith.divsi %while3A_81, %while3A_83 : i32
    %while3A_85 = arith.muli %while3A_84, %while3A_83 : i32
    %while3A_86 = arith.addi %while3A_80, %while3A_85 : i32
    %while3A_87 = arith.constant 1 : i32
    scf.for %while3A_90 = %while3A_80 to %while3A_86 step %while3A_87  : i32 {
      %mul3A_91 = arith.constant 2 : i32
      %mul3A_92 = arith.muli %while3A_90, %mul3A_91 : i32
      %add3A_93 = arith.constant 0 : i32
      %add3A_94 = arith.addi %mul3A_92, %add3A_93 : i32
      %dma_start3A = arith.constant 0 : i32
      %dma_start3A_95 = arith.constant 0 : i32
      %dma_start3A_96 = arith.constant 0 : i32
      %dma_start3A_97 = tpu.memref_slice %arg8[%dma_start3A, %dma_start3A_95, %dma_start3A_96] : memref<2x128x128xf32, #tpu.memory_space<vmem>> -> memref<1x128x128xf32, #tpu.memory_space<vmem>>
      %dma_start3A_98 = tpu.memref_squeeze %dma_start3A_97 : memref<1x128x128xf32, #tpu.memory_space<vmem>> -> memref<128x128xf32, #tpu.memory_space<vmem>>
      %dma_start3A_99 = arith.constant 0 : i32
      %dma_start3A_100 = tpu.memref_slice %arg6[%add3A_94, %dma_start3A_99] : memref<38x128xi32, #tpu.memory_space<vmem>> -> memref<1x128xi32, #tpu.memory_space<vmem>>
      %dma_start3A_101 = tpu.memref_squeeze %dma_start3A_100 : memref<1x128xi32, #tpu.memory_space<vmem>> -> memref<128xi32, #tpu.memory_space<vmem>>
      %dma_start3A_102 = arith.constant 0 : i32
      %dma_start3A_103 = arith.constant 0 : i32
      %dma_start3A_104 = tpu.memref_slice %arg2[%dma_start3A_102, %dma_start3A_103] : memref<10000x128xf32, #tpu.memory_space<hbm>> -> memref<10000x128xf32, #tpu.memory_space<hbm>>
      tpu.enqueue_indirect_dma source(%dma_start3A_104 : memref<10000x128xf32, #tpu.memory_space<hbm>>) target(%dma_start3A_98 : memref<128x128xf32, #tpu.memory_space<vmem>>) offsets(%dma_start3A_101 : memref<128xi32, #tpu.memory_space<vmem>>) semaphore(%arg10 : memref<!tpu.dma_semaphore, #tpu.memory_space<semaphore_mem>>)
      %mul3A_105 = arith.constant 2 : i32
      %mul3A_106 = arith.muli %while3A_90, %mul3A_105 : i32
      %add3A_107 = arith.constant 1 : i32
      %add3A_108 = arith.addi %mul3A_106, %add3A_107 : i32
      %dma_start3A_109 = arith.constant 1 : i32
      %dma_start3A_110 = arith.constant 0 : i32
      %dma_start3A_111 = arith.constant 0 : i32
      %dma_start3A_112 = tpu.memref_slice %arg8[%dma_start3A_109, %dma_start3A_110, %dma_start3A_111] : memref<2x128x128xf32, #tpu.memory_space<vmem>> -> memref<1x128x128xf32, #tpu.memory_space<vmem>>
      %dma_start3A_113 = tpu.memref_squeeze %dma_start3A_112 : memref<1x128x128xf32, #tpu.memory_space<vmem>> -> memref<128x128xf32, #tpu.memory_space<vmem>>
      %dma_start3A_114 = arith.constant 0 : i32
      %dma_start3A_115 = tpu.memref_slice %arg6[%add3A_108, %dma_start3A_114] : memref<38x128xi32, #tpu.memory_space<vmem>> -> memref<1x128xi32, #tpu.memory_space<vmem>>
      %dma_start3A_116 = tpu.memref_squeeze %dma_start3A_115 : memref<1x128xi32, #tpu.memory_space<vmem>> -> memref<128xi32, #tpu.memory_space<vmem>>
      %dma_start3A_117 = arith.constant 0 : i32
      %dma_start3A_118 = arith.constant 0 : i32
      %dma_start3A_119 = tpu.memref_slice %arg2[%dma_start3A_117, %dma_start3A_118] : memref<10000x128xf32, #tpu.memory_space<hbm>> -> memref<10000x128xf32, #tpu.memory_space<hbm>>
      tpu.enqueue_indirect_dma source(%dma_start3A_119 : memref<10000x128xf32, #tpu.memory_space<hbm>>) target(%dma_start3A_113 : memref<128x128xf32, #tpu.memory_space<vmem>>) offsets(%dma_start3A_116 : memref<128xi32, #tpu.memory_space<vmem>>) semaphore(%arg10 : memref<!tpu.dma_semaphore, #tpu.memory_space<semaphore_mem>>)
      %dma_wait3A = arith.constant 0 : i32
      %dma_wait3A_120 = arith.constant 0 : i32
      %dma_wait3A_121 = arith.constant 0 : i32
      %dma_wait3A_122 = tpu.memref_slice %arg8[%dma_wait3A, %dma_wait3A_120, %dma_wait3A_121] : memref<2x128x128xf32, #tpu.memory_space<vmem>> -> memref<1x128x128xf32, #tpu.memory_space<vmem>>
      %dma_wait3A_123 = tpu.memref_squeeze %dma_wait3A_122 : memref<1x128x128xf32, #tpu.memory_space<vmem>> -> memref<128x128xf32, #tpu.memory_space<vmem>>
      %dma_wait3A_124 = arith.constant 0 : i32
      %dma_wait3A_125 = tpu.memref_slice %arg6[%add3A_94, %dma_wait3A_124] : memref<38x128xi32, #tpu.memory_space<vmem>> -> memref<1x128xi32, #tpu.memory_space<vmem>>
      %dma_wait3A_126 = tpu.memref_squeeze %dma_wait3A_125 : memref<1x128xi32, #tpu.memory_space<vmem>> -> memref<128xi32, #tpu.memory_space<vmem>>
      %dma_wait3A_127 = arith.constant 0 : i32
      %dma_wait3A_128 = arith.constant 0 : i32
      %dma_wait3A_129 = tpu.memref_slice %arg2[%dma_wait3A_127, %dma_wait3A_128] : memref<10000x128xf32, #tpu.memory_space<hbm>> -> memref<10000x128xf32, #tpu.memory_space<hbm>>
      tpu.wait_indirect_dma semaphore(%arg10 : memref<!tpu.dma_semaphore, #tpu.memory_space<semaphore_mem>>) src(%dma_wait3A_129 : memref<10000x128xf32, #tpu.memory_space<hbm>>) dst(%dma_wait3A_123 : memref<128x128xf32, #tpu.memory_space<vmem>>)
      %mul3A_130 = arith.constant 2 : i32
      %mul3A_131 = arith.muli %while3A_90, %mul3A_130 : i32
      %add3A_132 = arith.constant 0 : i32
      %add3A_133 = arith.addi %mul3A_131, %add3A_132 : i32
      %dma_start3A_134 = arith.constant 0 : i32
      %dma_start3A_135 = arith.constant 0 : i32
      %dma_start3A_136 = arith.constant 0 : i32
      %dma_start3A_137 = tpu.memref_slice %arg8[%dma_start3A_134, %dma_start3A_135, %dma_start3A_136] : memref<2x128x128xf32, #tpu.memory_space<vmem>> -> memref<1x128x128xf32, #tpu.memory_space<vmem>>
      %dma_start3A_138 = tpu.memref_squeeze %dma_start3A_137 : memref<1x128x128xf32, #tpu.memory_space<vmem>> -> memref<128x128xf32, #tpu.memory_space<vmem>>
      %dma_start3A_139 = arith.constant 0 : i32
      %dma_start3A_140 = tpu.memref_slice %arg7[%add3A_133, %dma_start3A_139] : memref<38x128xi32, #tpu.memory_space<vmem>> -> memref<1x128xi32, #tpu.memory_space<vmem>>
      %dma_start3A_141 = tpu.memref_squeeze %dma_start3A_140 : memref<1x128xi32, #tpu.memory_space<vmem>> -> memref<128xi32, #tpu.memory_space<vmem>>
      %dma_start3A_142 = arith.constant 0 : i32
      %dma_start3A_143 = arith.constant 0 : i32
      %dma_start3A_144 = tpu.memref_slice %arg9[%dma_start3A_142, %dma_start3A_143] : memref<10112x128xf32, #tpu.memory_space<vmem_shared>> -> memref<10112x128xf32, #tpu.memory_space<vmem_shared>>
      tpu.enqueue_indirect_dma source(%dma_start3A_138 : memref<128x128xf32, #tpu.memory_space<vmem>>) target(%dma_start3A_144 : memref<10112x128xf32, #tpu.memory_space<vmem_shared>>) offsets(%dma_start3A_141 : memref<128xi32, #tpu.memory_space<vmem>>) semaphore(%arg11 : memref<!tpu.dma_semaphore, #tpu.memory_space<semaphore_mem>>) {add = true}
      %dma_wait3A_145 = arith.constant 1 : i32
      %dma_wait3A_146 = arith.constant 0 : i32
      %dma_wait3A_147 = arith.constant 0 : i32
      %dma_wait3A_148 = tpu.memref_slice %arg8[%dma_wait3A_145, %dma_wait3A_146, %dma_wait3A_147] : memref<2x128x128xf32, #tpu.memory_space<vmem>> -> memref<1x128x128xf32, #tpu.memory_space<vmem>>
      %dma_wait3A_149 = tpu.memref_squeeze %dma_wait3A_148 : memref<1x128x128xf32, #tpu.memory_space<vmem>> -> memref<128x128xf32, #tpu.memory_space<vmem>>
      %dma_wait3A_150 = arith.constant 0 : i32
      %dma_wait3A_151 = tpu.memref_slice %arg6[%add3A_108, %dma_wait3A_150] : memref<38x128xi32, #tpu.memory_space<vmem>> -> memref<1x128xi32, #tpu.memory_space<vmem>>
      %dma_wait3A_152 = tpu.memref_squeeze %dma_wait3A_151 : memref<1x128xi32, #tpu.memory_space<vmem>> -> memref<128xi32, #tpu.memory_space<vmem>>
      %dma_wait3A_153 = arith.constant 0 : i32
      %dma_wait3A_154 = arith.constant 0 : i32
      %dma_wait3A_155 = tpu.memref_slice %arg2[%dma_wait3A_153, %dma_wait3A_154] : memref<10000x128xf32, #tpu.memory_space<hbm>> -> memref<10000x128xf32, #tpu.memory_space<hbm>>
      tpu.wait_indirect_dma semaphore(%arg10 : memref<!tpu.dma_semaphore, #tpu.memory_space<semaphore_mem>>) src(%dma_wait3A_155 : memref<10000x128xf32, #tpu.memory_space<hbm>>) dst(%dma_wait3A_149 : memref<128x128xf32, #tpu.memory_space<vmem>>)
      %mul3A_156 = arith.constant 2 : i32
      %mul3A_157 = arith.muli %while3A_90, %mul3A_156 : i32
      %add3A_158 = arith.constant 1 : i32
      %add3A_159 = arith.addi %mul3A_157, %add3A_158 : i32
      %dma_start3A_160 = arith.constant 1 : i32
      %dma_start3A_161 = arith.constant 0 : i32
      %dma_start3A_162 = arith.constant 0 : i32
      %dma_start3A_163 = tpu.memref_slice %arg8[%dma_start3A_160, %dma_start3A_161, %dma_start3A_162] : memref<2x128x128xf32, #tpu.memory_space<vmem>> -> memref<1x128x128xf32, #tpu.memory_space<vmem>>
      %dma_start3A_164 = tpu.memref_squeeze %dma_start3A_163 : memref<1x128x128xf32, #tpu.memory_space<vmem>> -> memref<128x128xf32, #tpu.memory_space<vmem>>
      %dma_start3A_165 = arith.constant 0 : i32
      %dma_start3A_166 = tpu.memref_slice %arg7[%add3A_159, %dma_start3A_165] : memref<38x128xi32, #tpu.memory_space<vmem>> -> memref<1x128xi32, #tpu.memory_space<vmem>>
      %dma_start3A_167 = tpu.memref_squeeze %dma_start3A_166 : memref<1x128xi32, #tpu.memory_space<vmem>> -> memref<128xi32, #tpu.memory_space<vmem>>
      %dma_start3A_168 = arith.constant 0 : i32
      %dma_start3A_169 = arith.constant 0 : i32
      %dma_start3A_170 = tpu.memref_slice %arg9[%dma_start3A_168, %dma_start3A_169] : memref<10112x128xf32, #tpu.memory_space<vmem_shared>> -> memref<10112x128xf32, #tpu.memory_space<vmem_shared>>
      tpu.enqueue_indirect_dma source(%dma_start3A_164 : memref<128x128xf32, #tpu.memory_space<vmem>>) target(%dma_start3A_170 : memref<10112x128xf32, #tpu.memory_space<vmem_shared>>) offsets(%dma_start3A_167 : memref<128xi32, #tpu.memory_space<vmem>>) semaphore(%arg11 : memref<!tpu.dma_semaphore, #tpu.memory_space<semaphore_mem>>) {add = true}
      %dma_wait3A_171 = arith.constant 0 : i32
      %dma_wait3A_172 = arith.constant 0 : i32
      %dma_wait3A_173 = arith.constant 0 : i32
      %dma_wait3A_174 = tpu.memref_slice %arg8[%dma_wait3A_171, %dma_wait3A_172, %dma_wait3A_173] : memref<2x128x128xf32, #tpu.memory_space<vmem>> -> memref<1x128x128xf32, #tpu.memory_space<vmem>>
      %dma_wait3A_175 = tpu.memref_squeeze %dma_wait3A_174 : memref<1x128x128xf32, #tpu.memory_space<vmem>> -> memref<128x128xf32, #tpu.memory_space<vmem>>
      %dma_wait3A_176 = arith.constant 0 : i32
      %dma_wait3A_177 = tpu.memref_slice %arg7[%add3A_133, %dma_wait3A_176] : memref<38x128xi32, #tpu.memory_space<vmem>> -> memref<1x128xi32, #tpu.memory_space<vmem>>
      %dma_wait3A_178 = tpu.memref_squeeze %dma_wait3A_177 : memref<1x128xi32, #tpu.memory_space<vmem>> -> memref<128xi32, #tpu.memory_space<vmem>>
      %dma_wait3A_179 = arith.constant 0 : i32
      %dma_wait3A_180 = arith.constant 0 : i32
      %dma_wait3A_181 = tpu.memref_slice %arg9[%dma_wait3A_179, %dma_wait3A_180] : memref<10112x128xf32, #tpu.memory_space<vmem_shared>> -> memref<10112x128xf32, #tpu.memory_space<vmem_shared>>
      tpu.wait_indirect_dma semaphore(%arg11 : memref<!tpu.dma_semaphore, #tpu.memory_space<semaphore_mem>>) src(%dma_wait3A_175 : memref<128x128xf32, #tpu.memory_space<vmem>>) dst(%dma_wait3A_181 : memref<10112x128xf32, #tpu.memory_space<vmem_shared>>)
      %dma_wait3A_182 = arith.constant 1 : i32
      %dma_wait3A_183 = arith.constant 0 : i32
      %dma_wait3A_184 = arith.constant 0 : i32
      %dma_wait3A_185 = tpu.memref_slice %arg8[%dma_wait3A_182, %dma_wait3A_183, %dma_wait3A_184] : memref<2x128x128xf32, #tpu.memory_space<vmem>> -> memref<1x128x128xf32, #tpu.memory_space<vmem>>
      %dma_wait3A_186 = tpu.memref_squeeze %dma_wait3A_185 : memref<1x128x128xf32, #tpu.memory_space<vmem>> -> memref<128x128xf32, #tpu.memory_space<vmem>>
      %dma_wait3A_187 = arith.constant 0 : i32
      %dma_wait3A_188 = tpu.memref_slice %arg7[%add3A_159, %dma_wait3A_187] : memref<38x128xi32, #tpu.memory_space<vmem>> -> memref<1x128xi32, #tpu.memory_space<vmem>>
      %dma_wait3A_189 = tpu.memref_squeeze %dma_wait3A_188 : memref<1x128xi32, #tpu.memory_space<vmem>> -> memref<128xi32, #tpu.memory_space<vmem>>
      %dma_wait3A_190 = arith.constant 0 : i32
      %dma_wait3A_191 = arith.constant 0 : i32
      %dma_wait3A_192 = tpu.memref_slice %arg9[%dma_wait3A_190, %dma_wait3A_191] : memref<10112x128xf32, #tpu.memory_space<vmem_shared>> -> memref<10112x128xf32, #tpu.memory_space<vmem_shared>>
      tpu.wait_indirect_dma semaphore(%arg11 : memref<!tpu.dma_semaphore, #tpu.memory_space<semaphore_mem>>) src(%dma_wait3A_186 : memref<128x128xf32, #tpu.memory_space<vmem>>) dst(%dma_wait3A_192 : memref<10112x128xf32, #tpu.memory_space<vmem_shared>>)
    }
    %while3A_88 = arith.constant 1 : i32
    scf.for %while3A_90 = %while3A_86 to %while3A_82 step %while3A_88  : i32 {
      %mul3A_91 = arith.constant 2 : i32
      %mul3A_92 = arith.muli %while3A_90, %mul3A_91 : i32
      %add3A_93 = arith.constant 0 : i32
      %add3A_94 = arith.addi %mul3A_92, %add3A_93 : i32
      %dma_start3A = arith.constant 0 : i32
      %dma_start3A_95 = arith.constant 0 : i32
      %dma_start3A_96 = arith.constant 0 : i32
      %dma_start3A_97 = tpu.memref_slice %arg8[%dma_start3A, %dma_start3A_95, %dma_start3A_96] : memref<2x128x128xf32, #tpu.memory_space<vmem>> -> memref<1x128x128xf32, #tpu.memory_space<vmem>>
      %dma_start3A_98 = tpu.memref_squeeze %dma_start3A_97 : memref<1x128x128xf32, #tpu.memory_space<vmem>> -> memref<128x128xf32, #tpu.memory_space<vmem>>
      %dma_start3A_99 = arith.constant 0 : i32
      %dma_start3A_100 = tpu.memref_slice %arg6[%add3A_94, %dma_start3A_99] : memref<38x128xi32, #tpu.memory_space<vmem>> -> memref<1x128xi32, #tpu.memory_space<vmem>>
      %dma_start3A_101 = tpu.memref_squeeze %dma_start3A_100 : memref<1x128xi32, #tpu.memory_space<vmem>> -> memref<128xi32, #tpu.memory_space<vmem>>
      %dma_start3A_102 = arith.constant 0 : i32
      %dma_start3A_103 = arith.constant 0 : i32
      %dma_start3A_104 = tpu.memref_slice %arg2[%dma_start3A_102, %dma_start3A_103] : memref<10000x128xf32, #tpu.memory_space<hbm>> -> memref<10000x128xf32, #tpu.memory_space<hbm>>
      tpu.enqueue_indirect_dma source(%dma_start3A_104 : memref<10000x128xf32, #tpu.memory_space<hbm>>) target(%dma_start3A_98 : memref<128x128xf32, #tpu.memory_space<vmem>>) offsets(%dma_start3A_101 : memref<128xi32, #tpu.memory_space<vmem>>) semaphore(%arg10 : memref<!tpu.dma_semaphore, #tpu.memory_space<semaphore_mem>>)
      %mul3A_105 = arith.constant 2 : i32
      %mul3A_106 = arith.muli %while3A_90, %mul3A_105 : i32
      %add3A_107 = arith.constant 1 : i32
      %add3A_108 = arith.addi %mul3A_106, %add3A_107 : i32
      %dma_start3A_109 = arith.constant 1 : i32
      %dma_start3A_110 = arith.constant 0 : i32
      %dma_start3A_111 = arith.constant 0 : i32
      %dma_start3A_112 = tpu.memref_slice %arg8[%dma_start3A_109, %dma_start3A_110, %dma_start3A_111] : memref<2x128x128xf32, #tpu.memory_space<vmem>> -> memref<1x128x128xf32, #tpu.memory_space<vmem>>
      %dma_start3A_113 = tpu.memref_squeeze %dma_start3A_112 : memref<1x128x128xf32, #tpu.memory_space<vmem>> -> memref<128x128xf32, #tpu.memory_space<vmem>>
      %dma_start3A_114 = arith.constant 0 : i32
      %dma_start3A_115 = tpu.memref_slice %arg6[%add3A_108, %dma_start3A_114] : memref<38x128xi32, #tpu.memory_space<vmem>> -> memref<1x128xi32, #tpu.memory_space<vmem>>
      %dma_start3A_116 = tpu.memref_squeeze %dma_start3A_115 : memref<1x128xi32, #tpu.memory_space<vmem>> -> memref<128xi32, #tpu.memory_space<vmem>>
      %dma_start3A_117 = arith.constant 0 : i32
      %dma_start3A_118 = arith.constant 0 : i32
      %dma_start3A_119 = tpu.memref_slice %arg2[%dma_start3A_117, %dma_start3A_118] : memref<10000x128xf32, #tpu.memory_space<hbm>> -> memref<10000x128xf32, #tpu.memory_space<hbm>>
      tpu.enqueue_indirect_dma source(%dma_start3A_119 : memref<10000x128xf32, #tpu.memory_space<hbm>>) target(%dma_start3A_113 : memref<128x128xf32, #tpu.memory_space<vmem>>) offsets(%dma_start3A_116 : memref<128xi32, #tpu.memory_space<vmem>>) semaphore(%arg10 : memref<!tpu.dma_semaphore, #tpu.memory_space<semaphore_mem>>)
      %dma_wait3A = arith.constant 0 : i32
      %dma_wait3A_120 = arith.constant 0 : i32
      %dma_wait3A_121 = arith.constant 0 : i32
      %dma_wait3A_122 = tpu.memref_slice %arg8[%dma_wait3A, %dma_wait3A_120, %dma_wait3A_121] : memref<2x128x128xf32, #tpu.memory_space<vmem>> -> memref<1x128x128xf32, #tpu.memory_space<vmem>>
      %dma_wait3A_123 = tpu.memref_squeeze %dma_wait3A_122 : memref<1x128x128xf32, #tpu.memory_space<vmem>> -> memref<128x128xf32, #tpu.memory_space<vmem>>
      %dma_wait3A_124 = arith.constant 0 : i32
      %dma_wait3A_125 = tpu.memref_slice %arg6[%add3A_94, %dma_wait3A_124] : memref<38x128xi32, #tpu.memory_space<vmem>> -> memref<1x128xi32, #tpu.memory_space<vmem>>
      %dma_wait3A_126 = tpu.memref_squeeze %dma_wait3A_125 : memref<1x128xi32, #tpu.memory_space<vmem>> -> memref<128xi32, #tpu.memory_space<vmem>>
      %dma_wait3A_127 = arith.constant 0 : i32
      %dma_wait3A_128 = arith.constant 0 : i32
      %dma_wait3A_129 = tpu.memref_slice %arg2[%dma_wait3A_127, %dma_wait3A_128] : memref<10000x128xf32, #tpu.memory_space<hbm>> -> memref<10000x128xf32, #tpu.memory_space<hbm>>
      tpu.wait_indirect_dma semaphore(%arg10 : memref<!tpu.dma_semaphore, #tpu.memory_space<semaphore_mem>>) src(%dma_wait3A_129 : memref<10000x128xf32, #tpu.memory_space<hbm>>) dst(%dma_wait3A_123 : memref<128x128xf32, #tpu.memory_space<vmem>>)
      %mul3A_130 = arith.constant 2 : i32
      %mul3A_131 = arith.muli %while3A_90, %mul3A_130 : i32
      %add3A_132 = arith.constant 0 : i32
      %add3A_133 = arith.addi %mul3A_131, %add3A_132 : i32
      %dma_start3A_134 = arith.constant 0 : i32
      %dma_start3A_135 = arith.constant 0 : i32
      %dma_start3A_136 = arith.constant 0 : i32
      %dma_start3A_137 = tpu.memref_slice %arg8[%dma_start3A_134, %dma_start3A_135, %dma_start3A_136] : memref<2x128x128xf32, #tpu.memory_space<vmem>> -> memref<1x128x128xf32, #tpu.memory_space<vmem>>
      %dma_start3A_138 = tpu.memref_squeeze %dma_start3A_137 : memref<1x128x128xf32, #tpu.memory_space<vmem>> -> memref<128x128xf32, #tpu.memory_space<vmem>>
      %dma_start3A_139 = arith.constant 0 : i32
      %dma_start3A_140 = tpu.memref_slice %arg7[%add3A_133, %dma_start3A_139] : memref<38x128xi32, #tpu.memory_space<vmem>> -> memref<1x128xi32, #tpu.memory_space<vmem>>
      %dma_start3A_141 = tpu.memref_squeeze %dma_start3A_140 : memref<1x128xi32, #tpu.memory_space<vmem>> -> memref<128xi32, #tpu.memory_space<vmem>>
      %dma_start3A_142 = arith.constant 0 : i32
      %dma_start3A_143 = arith.constant 0 : i32
      %dma_start3A_144 = tpu.memref_slice %arg9[%dma_start3A_142, %dma_start3A_143] : memref<10112x128xf32, #tpu.memory_space<vmem_shared>> -> memref<10112x128xf32, #tpu.memory_space<vmem_shared>>
      tpu.enqueue_indirect_dma source(%dma_start3A_138 : memref<128x128xf32, #tpu.memory_space<vmem>>) target(%dma_start3A_144 : memref<10112x128xf32, #tpu.memory_space<vmem_shared>>) offsets(%dma_start3A_141 : memref<128xi32, #tpu.memory_space<vmem>>) semaphore(%arg11 : memref<!tpu.dma_semaphore, #tpu.memory_space<semaphore_mem>>) {add = true}
      %dma_wait3A_145 = arith.constant 1 : i32
      %dma_wait3A_146 = arith.constant 0 : i32
      %dma_wait3A_147 = arith.constant 0 : i32
      %dma_wait3A_148 = tpu.memref_slice %arg8[%dma_wait3A_145, %dma_wait3A_146, %dma_wait3A_147] : memref<2x128x128xf32, #tpu.memory_space<vmem>> -> memref<1x128x128xf32, #tpu.memory_space<vmem>>
      %dma_wait3A_149 = tpu.memref_squeeze %dma_wait3A_148 : memref<1x128x128xf32, #tpu.memory_space<vmem>> -> memref<128x128xf32, #tpu.memory_space<vmem>>
      %dma_wait3A_150 = arith.constant 0 : i32
      %dma_wait3A_151 = tpu.memref_slice %arg6[%add3A_108, %dma_wait3A_150] : memref<38x128xi32, #tpu.memory_space<vmem>> -> memref<1x128xi32, #tpu.memory_space<vmem>>
      %dma_wait3A_152 = tpu.memref_squeeze %dma_wait3A_151 : memref<1x128xi32, #tpu.memory_space<vmem>> -> memref<128xi32, #tpu.memory_space<vmem>>
      %dma_wait3A_153 = arith.constant 0 : i32
      %dma_wait3A_154 = arith.constant 0 : i32
      %dma_wait3A_155 = tpu.memref_slice %arg2[%dma_wait3A_153, %dma_wait3A_154] : memref<10000x128xf32, #tpu.memory_space<hbm>> -> memref<10000x128xf32, #tpu.memory_space<hbm>>
      tpu.wait_indirect_dma semaphore(%arg10 : memref<!tpu.dma_semaphore, #tpu.memory_space<semaphore_mem>>) src(%dma_wait3A_155 : memref<10000x128xf32, #tpu.memory_space<hbm>>) dst(%dma_wait3A_149 : memref<128x128xf32, #tpu.memory_space<vmem>>)
      %mul3A_156 = arith.constant 2 : i32
      %mul3A_157 = arith.muli %while3A_90, %mul3A_156 : i32
      %add3A_158 = arith.constant 1 : i32
      %add3A_159 = arith.addi %mul3A_157, %add3A_158 : i32
      %dma_start3A_160 = arith.constant 1 : i32
      %dma_start3A_161 = arith.constant 0 : i32
      %dma_start3A_162 = arith.constant 0 : i32
      %dma_start3A_163 = tpu.memref_slice %arg8[%dma_start3A_160, %dma_start3A_161, %dma_start3A_162] : memref<2x128x128xf32, #tpu.memory_space<vmem>> -> memref<1x128x128xf32, #tpu.memory_space<vmem>>
      %dma_start3A_164 = tpu.memref_squeeze %dma_start3A_163 : memref<1x128x128xf32, #tpu.memory_space<vmem>> -> memref<128x128xf32, #tpu.memory_space<vmem>>
      %dma_start3A_165 = arith.constant 0 : i32
      %dma_start3A_166 = tpu.memref_slice %arg7[%add3A_159, %dma_start3A_165] : memref<38x128xi32, #tpu.memory_space<vmem>> -> memref<1x128xi32, #tpu.memory_space<vmem>>
      %dma_start3A_167 = tpu.memref_squeeze %dma_start3A_166 : memref<1x128xi32, #tpu.memory_space<vmem>> -> memref<128xi32, #tpu.memory_space<vmem>>
      %dma_start3A_168 = arith.constant 0 : i32
      %dma_start3A_169 = arith.constant 0 : i32
      %dma_start3A_170 = tpu.memref_slice %arg9[%dma_start3A_168, %dma_start3A_169] : memref<10112x128xf32, #tpu.memory_space<vmem_shared>> -> memref<10112x128xf32, #tpu.memory_space<vmem_shared>>
      tpu.enqueue_indirect_dma source(%dma_start3A_164 : memref<128x128xf32, #tpu.memory_space<vmem>>) target(%dma_start3A_170 : memref<10112x128xf32, #tpu.memory_space<vmem_shared>>) offsets(%dma_start3A_167 : memref<128xi32, #tpu.memory_space<vmem>>) semaphore(%arg11 : memref<!tpu.dma_semaphore, #tpu.memory_space<semaphore_mem>>) {add = true}
      %dma_wait3A_171 = arith.constant 0 : i32
      %dma_wait3A_172 = arith.constant 0 : i32
      %dma_wait3A_173 = arith.constant 0 : i32
      %dma_wait3A_174 = tpu.memref_slice %arg8[%dma_wait3A_171, %dma_wait3A_172, %dma_wait3A_173] : memref<2x128x128xf32, #tpu.memory_space<vmem>> -> memref<1x128x128xf32, #tpu.memory_space<vmem>>
      %dma_wait3A_175 = tpu.memref_squeeze %dma_wait3A_174 : memref<1x128x128xf32, #tpu.memory_space<vmem>> -> memref<128x128xf32, #tpu.memory_space<vmem>>
      %dma_wait3A_176 = arith.constant 0 : i32
      %dma_wait3A_177 = tpu.memref_slice %arg7[%add3A_133, %dma_wait3A_176] : memref<38x128xi32, #tpu.memory_space<vmem>> -> memref<1x128xi32, #tpu.memory_space<vmem>>
      %dma_wait3A_178 = tpu.memref_squeeze %dma_wait3A_177 : memref<1x128xi32, #tpu.memory_space<vmem>> -> memref<128xi32, #tpu.memory_space<vmem>>
      %dma_wait3A_179 = arith.constant 0 : i32
      %dma_wait3A_180 = arith.constant 0 : i32
      %dma_wait3A_181 = tpu.memref_slice %arg9[%dma_wait3A_179, %dma_wait3A_180] : memref<10112x128xf32, #tpu.memory_space<vmem_shared>> -> memref<10112x128xf32, #tpu.memory_space<vmem_shared>>
      tpu.wait_indirect_dma semaphore(%arg11 : memref<!tpu.dma_semaphore, #tpu.memory_space<semaphore_mem>>) src(%dma_wait3A_175 : memref<128x128xf32, #tpu.memory_space<vmem>>) dst(%dma_wait3A_181 : memref<10112x128xf32, #tpu.memory_space<vmem_shared>>)
      %dma_wait3A_182 = arith.constant 1 : i32
      %dma_wait3A_183 = arith.constant 0 : i32
      %dma_wait3A_184 = arith.constant 0 : i32
      %dma_wait3A_185 = tpu.memref_slice %arg8[%dma_wait3A_182, %dma_wait3A_183, %dma_wait3A_184] : memref<2x128x128xf32, #tpu.memory_space<vmem>> -> memref<1x128x128xf32, #tpu.memory_space<vmem>>
      %dma_wait3A_186 = tpu.memref_squeeze %dma_wait3A_185 : memref<1x128x128xf32, #tpu.memory_space<vmem>> -> memref<128x128xf32, #tpu.memory_space<vmem>>
      %dma_wait3A_187 = arith.constant 0 : i32
      %dma_wait3A_188 = tpu.memref_slice %arg7[%add3A_159, %dma_wait3A_187] : memref<38x128xi32, #tpu.memory_space<vmem>> -> memref<1x128xi32, #tpu.memory_space<vmem>>
      %dma_wait3A_189 = tpu.memref_squeeze %dma_wait3A_188 : memref<1x128xi32, #tpu.memory_space<vmem>> -> memref<128xi32, #tpu.memory_space<vmem>>
      %dma_wait3A_190 = arith.constant 0 : i32
      %dma_wait3A_191 = arith.constant 0 : i32
      %dma_wait3A_192 = tpu.memref_slice %arg9[%dma_wait3A_190, %dma_wait3A_191] : memref<10112x128xf32, #tpu.memory_space<vmem_shared>> -> memref<10112x128xf32, #tpu.memory_space<vmem_shared>>
      tpu.wait_indirect_dma semaphore(%arg11 : memref<!tpu.dma_semaphore, #tpu.memory_space<semaphore_mem>>) src(%dma_wait3A_186 : memref<128x128xf32, #tpu.memory_space<vmem>>) dst(%dma_wait3A_192 : memref<10112x128xf32, #tpu.memory_space<vmem_shared>>)
    }
    %barrier3A_89 = arith.constant 0 : index
    tpu.barrier barrier_id(%barrier3A_89)
    "tpu.region"() ({
      %run_scoped3A_90 = tpu.sem_alloc : memref<!tpu.dma_semaphore, #tpu.memory_space<semaphore_mem>>
      %dma_start3A = arith.constant 0 : i32
      %dma_start3A_91 = tpu.memref_slice %arg5[%arg0, %multiple_of3A, %dma_start3A] : memref<2x10112x128xf32, #tpu.memory_space<hbm>> -> memref<1x632x128xf32, #tpu.memory_space<hbm>>
      %dma_start3A_92 = tpu.memref_squeeze %dma_start3A_91 : memref<1x632x128xf32, #tpu.memory_space<hbm>> -> memref<632x128xf32, #tpu.memory_space<hbm>>
      %dma_start3A_93 = arith.constant 0 : i32
      %dma_start3A_94 = tpu.memref_slice %arg9[%multiple_of3A, %dma_start3A_93] : memref<10112x128xf32, #tpu.memory_space<vmem_shared>> -> memref<632x128xf32, #tpu.memory_space<vmem_shared>>
      tpu.enqueue_dma source(%dma_start3A_94 : memref<632x128xf32, #tpu.memory_space<vmem_shared>>) target(%dma_start3A_92 : memref<632x128xf32, #tpu.memory_space<hbm>>) target_semaphore(%run_scoped3A_90 : memref<!tpu.dma_semaphore, #tpu.memory_space<semaphore_mem>>)
      %dma_wait3A = arith.constant 0 : i32
      %dma_wait3A_95 = tpu.memref_slice %arg5[%arg0, %multiple_of3A, %dma_wait3A] : memref<2x10112x128xf32, #tpu.memory_space<hbm>> -> memref<1x632x128xf32, #tpu.memory_space<hbm>>
      %dma_wait3A_96 = tpu.memref_squeeze %dma_wait3A_95 : memref<1x632x128xf32, #tpu.memory_space<hbm>> -> memref<632x128xf32, #tpu.memory_space<hbm>>
      %dma_wait3A_97 = arith.constant 0 : i32
      %dma_wait3A_98 = tpu.memref_slice %arg9[%multiple_of3A, %dma_wait3A_97] : memref<10112x128xf32, #tpu.memory_space<vmem_shared>> -> memref<632x128xf32, #tpu.memory_space<vmem_shared>>
      tpu.wait_dma2 semaphore(%run_scoped3A_90 : memref<!tpu.dma_semaphore, #tpu.memory_space<semaphore_mem>>) src(%dma_wait3A_98 : memref<632x128xf32, #tpu.memory_space<vmem_shared>>) dst(%dma_wait3A_96 : memref<632x128xf32, #tpu.memory_space<hbm>>)
      tpu.yield
    }) : () -> ()
    return
  }
}

#map = affine_map<(d0, d1) -> (0, 0)>
#map1 = affine_map<(d0, d1) -> (0, 0, 0)>
module attributes {stable_mosaic.version = 14 : i64} {
  func.func @prop(%arg0: i32, %arg1: i32, %arg2: memref<10000x64xf32, #tpu.memory_space<hbm>>, %arg3: memref<2560x128xi32, #tpu.memory_space<hbm>>, %arg4: memref<2560x128xi32, #tpu.memory_space<hbm>>, %arg5: memref<2x10112x64xf32, #tpu.memory_space<hbm>>, %arg6: memref<76x128xi32, #tpu.memory_space<vmem>>, %arg7: memref<76x128xi32, #tpu.memory_space<vmem>>, %arg8: memref<4x128x64xf32, #tpu.memory_space<vmem>>, %arg9: memref<10112x64xf32, #tpu.memory_space<vmem_shared>>, %arg10: memref<!tpu.dma_semaphore, #tpu.memory_space<semaphore_mem>>, %arg11: memref<!tpu.dma_semaphore, #tpu.memory_space<semaphore_mem>>) attributes {dimension_semantics = [#tpu.dimension_semantics<core_parallel>, #tpu.dimension_semantics<subcore_parallel>], iteration_bounds = array<i64: 2, 16>, scalar_prefetch = 0 : i64, scratch_operands = 6 : i64, tpu.core_type = #tpu.core_type<sc_vector_subcore>, window_params = [{transform_indices = #map}, {transform_indices = #map}, {transform_indices = #map}, {transform_indices = #map1}]} {
    %eq3A = arith.constant 0 : i32
    %eq3A_0 = arith.cmpi eq, %arg0, %eq3A : i32
    %mul3A = arith.constant 632 : i32
    %mul3A_1 = arith.muli %arg1, %mul3A : i32
    %multiple_of3A = tpu.assume_multiple %mul3A_1, 8 : i32
    %scan3A = arith.constant 0 : i32
    %scan3A_2 = arith.constant 0 : i32
    %scan3A_3 = arith.constant 128 : i32
    %scan3A_4 = arith.addi %scan3A_2, %scan3A_3 : i32
    %scan3A_5 = arith.constant 1 : i32
    scf.for %scan3A_54 = %scan3A_2 to %scan3A_4 step %scan3A_5  : i32 {
      %broadcast_in_dim3A = arith.constant 0.000000e+00 : f32
      %broadcast_in_dim3A_55 = vector.broadcast %broadcast_in_dim3A : f32 to vector<16xf32>
      %swap3A = arith.constant 0 : i32
      %swap3A_56 = arith.index_cast %swap3A : i32 to index
      %swap3A_57 = arith.index_cast %scan3A_54 : i32 to index
      %swap3A_58 = arith.constant 0 : index
      %swap3A_59 = tpu.vector_load %arg8[%swap3A_56, %swap3A_57, %swap3A_58] {strides = array<i32>} : memref<4x128x64xf32, #tpu.memory_space<vmem>>, vector<1x1x16xf32>,
      %swap3A_60 = vector.shape_cast %swap3A_59 : vector<1x1x16xf32> to vector<16xf32>
      %swap3A_61 = vector.shape_cast %broadcast_in_dim3A_55 : vector<16xf32> to vector<1x1x16xf32>
      tpu.vector_store %arg8[%swap3A_56, %swap3A_57, %swap3A_58], %swap3A_61 {strides = array<i32>} : memref<4x128x64xf32, #tpu.memory_space<vmem>>, vector<1x1x16xf32>,
      %broadcast_in_dim3A_62 = arith.constant 0.000000e+00 : f32
      %broadcast_in_dim3A_63 = vector.broadcast %broadcast_in_dim3A_62 : f32 to vector<16xf32>
      %swap3A_64 = arith.constant 0 : i32
      %swap3A_65 = arith.index_cast %swap3A_64 : i32 to index
      %swap3A_66 = arith.index_cast %scan3A_54 : i32 to index
      %swap3A_67 = arith.constant 16 : index
      %swap3A_68 = tpu.vector_load %arg8[%swap3A_65, %swap3A_66, %swap3A_67] {strides = array<i32>} : memref<4x128x64xf32, #tpu.memory_space<vmem>>, vector<1x1x16xf32>,
      %swap3A_69 = vector.shape_cast %swap3A_68 : vector<1x1x16xf32> to vector<16xf32>
      %swap3A_70 = vector.shape_cast %broadcast_in_dim3A_63 : vector<16xf32> to vector<1x1x16xf32>
      tpu.vector_store %arg8[%swap3A_65, %swap3A_66, %swap3A_67], %swap3A_70 {strides = array<i32>} : memref<4x128x64xf32, #tpu.memory_space<vmem>>, vector<1x1x16xf32>,
      %broadcast_in_dim3A_71 = arith.constant 0.000000e+00 : f32
      %broadcast_in_dim3A_72 = vector.broadcast %broadcast_in_dim3A_71 : f32 to vector<16xf32>
      %swap3A_73 = arith.constant 0 : i32
      %swap3A_74 = arith.index_cast %swap3A_73 : i32 to index
      %swap3A_75 = arith.index_cast %scan3A_54 : i32 to index
      %swap3A_76 = arith.constant 32 : index
      %swap3A_77 = tpu.vector_load %arg8[%swap3A_74, %swap3A_75, %swap3A_76] {strides = array<i32>} : memref<4x128x64xf32, #tpu.memory_space<vmem>>, vector<1x1x16xf32>,
      %swap3A_78 = vector.shape_cast %swap3A_77 : vector<1x1x16xf32> to vector<16xf32>
      %swap3A_79 = vector.shape_cast %broadcast_in_dim3A_72 : vector<16xf32> to vector<1x1x16xf32>
      tpu.vector_store %arg8[%swap3A_74, %swap3A_75, %swap3A_76], %swap3A_79 {strides = array<i32>} : memref<4x128x64xf32, #tpu.memory_space<vmem>>, vector<1x1x16xf32>,
      %broadcast_in_dim3A_80 = arith.constant 0.000000e+00 : f32
      %broadcast_in_dim3A_81 = vector.broadcast %broadcast_in_dim3A_80 : f32 to vector<16xf32>
      %swap3A_82 = arith.constant 0 : i32
      %swap3A_83 = arith.index_cast %swap3A_82 : i32 to index
      %swap3A_84 = arith.index_cast %scan3A_54 : i32 to index
      %swap3A_85 = arith.constant 48 : index
      %swap3A_86 = tpu.vector_load %arg8[%swap3A_83, %swap3A_84, %swap3A_85] {strides = array<i32>} : memref<4x128x64xf32, #tpu.memory_space<vmem>>, vector<1x1x16xf32>,
      %swap3A_87 = vector.shape_cast %swap3A_86 : vector<1x1x16xf32> to vector<16xf32>
      %swap3A_88 = vector.shape_cast %broadcast_in_dim3A_81 : vector<16xf32> to vector<1x1x16xf32>
      tpu.vector_store %arg8[%swap3A_83, %swap3A_84, %swap3A_85], %swap3A_88 {strides = array<i32>} : memref<4x128x64xf32, #tpu.memory_space<vmem>>, vector<1x1x16xf32>,
    }
    %scan3A_6 = arith.constant 128 : i32
    %add3A = arith.constant 0 : i32
    %add3A_7 = arith.addi %multiple_of3A, %add3A : i32
    %run_scoped3A = arith.constant 0 : i32
    "tpu.region"() ({
      %run_scoped3A_54 = tpu.sem_alloc : memref<!tpu.dma_semaphore, #tpu.memory_space<semaphore_mem>>
      %dma_start3A = arith.constant 0 : i32
      %dma_start3A_55 = arith.constant 0 : i32
      %dma_start3A_56 = tpu.memref_slice %arg8[%run_scoped3A, %dma_start3A, %dma_start3A_55] : memref<4x128x64xf32, #tpu.memory_space<vmem>> -> memref<1x128x64xf32, #tpu.memory_space<vmem>>
      %dma_start3A_57 = tpu.memref_squeeze %dma_start3A_56 : memref<1x128x64xf32, #tpu.memory_space<vmem>> -> memref<128x64xf32, #tpu.memory_space<vmem>>
      %dma_start3A_58 = arith.constant 0 : i32
      %dma_start3A_59 = tpu.memref_slice %arg9[%add3A_7, %dma_start3A_58] : memref<10112x64xf32, #tpu.memory_space<vmem_shared>> -> memref<128x64xf32, #tpu.memory_space<vmem_shared>>
      %dma_start3A_60 = arith.constant 0 : i32
      %dma_start3A_61 = tpu.memref_slice %arg9[%add3A_7, %dma_start3A_60] : memref<10112x64xf32, #tpu.memory_space<vmem_shared>> -> memref<128x64xf32, #tpu.memory_space<vmem_shared>>
      %dma_start3A_62 = arith.constant 0 : i32
      %dma_start3A_63 = arith.constant 0 : i32
      %dma_start3A_64 = tpu.memref_slice %arg8[%run_scoped3A, %dma_start3A_62, %dma_start3A_63] : memref<4x128x64xf32, #tpu.memory_space<vmem>> -> memref<1x128x64xf32, #tpu.memory_space<vmem>>
      %dma_start3A_65 = tpu.memref_squeeze %dma_start3A_64 : memref<1x128x64xf32, #tpu.memory_space<vmem>> -> memref<128x64xf32, #tpu.memory_space<vmem>>
      tpu.enqueue_dma source(%dma_start3A_65 : memref<128x64xf32, #tpu.memory_space<vmem>>) target(%dma_start3A_61 : memref<128x64xf32, #tpu.memory_space<vmem_shared>>) target_semaphore(%run_scoped3A_54 : memref<!tpu.dma_semaphore, #tpu.memory_space<semaphore_mem>>)
      %dma_wait3A = arith.constant 0 : i32
      %dma_wait3A_66 = arith.constant 0 : i32
      %dma_wait3A_67 = tpu.memref_slice %arg8[%run_scoped3A, %dma_wait3A, %dma_wait3A_66] : memref<4x128x64xf32, #tpu.memory_space<vmem>> -> memref<1x128x64xf32, #tpu.memory_space<vmem>>
      %dma_wait3A_68 = tpu.memref_squeeze %dma_wait3A_67 : memref<1x128x64xf32, #tpu.memory_space<vmem>> -> memref<128x64xf32, #tpu.memory_space<vmem>>
      %dma_wait3A_69 = arith.constant 0 : i32
      %dma_wait3A_70 = tpu.memref_slice %arg9[%add3A_7, %dma_wait3A_69] : memref<10112x64xf32, #tpu.memory_space<vmem_shared>> -> memref<128x64xf32, #tpu.memory_space<vmem_shared>>
      %dma_wait3A_71 = arith.constant 0 : i32
      %dma_wait3A_72 = tpu.memref_slice %arg9[%add3A_7, %dma_wait3A_71] : memref<10112x64xf32, #tpu.memory_space<vmem_shared>> -> memref<128x64xf32, #tpu.memory_space<vmem_shared>>
      %dma_wait3A_73 = arith.constant 0 : i32
      %dma_wait3A_74 = arith.constant 0 : i32
      %dma_wait3A_75 = tpu.memref_slice %arg8[%run_scoped3A, %dma_wait3A_73, %dma_wait3A_74] : memref<4x128x64xf32, #tpu.memory_space<vmem>> -> memref<1x128x64xf32, #tpu.memory_space<vmem>>
      %dma_wait3A_76 = tpu.memref_squeeze %dma_wait3A_75 : memref<1x128x64xf32, #tpu.memory_space<vmem>> -> memref<128x64xf32, #tpu.memory_space<vmem>>
      tpu.wait_dma2 semaphore(%run_scoped3A_54 : memref<!tpu.dma_semaphore, #tpu.memory_space<semaphore_mem>>) src(%dma_wait3A_76 : memref<128x64xf32, #tpu.memory_space<vmem>>) dst(%dma_wait3A_72 : memref<128x64xf32, #tpu.memory_space<vmem_shared>>)
      tpu.yield
    }) : () -> ()
    %add3A_8 = arith.constant 128 : i32
    %add3A_9 = arith.addi %multiple_of3A, %add3A_8 : i32
    %run_scoped3A_10 = arith.constant 0 : i32
    "tpu.region"() ({
      %run_scoped3A_54 = tpu.sem_alloc : memref<!tpu.dma_semaphore, #tpu.memory_space<semaphore_mem>>
      %dma_start3A = arith.constant 0 : i32
      %dma_start3A_55 = arith.constant 0 : i32
      %dma_start3A_56 = tpu.memref_slice %arg8[%run_scoped3A_10, %dma_start3A, %dma_start3A_55] : memref<4x128x64xf32, #tpu.memory_space<vmem>> -> memref<1x128x64xf32, #tpu.memory_space<vmem>>
      %dma_start3A_57 = tpu.memref_squeeze %dma_start3A_56 : memref<1x128x64xf32, #tpu.memory_space<vmem>> -> memref<128x64xf32, #tpu.memory_space<vmem>>
      %dma_start3A_58 = arith.constant 0 : i32
      %dma_start3A_59 = tpu.memref_slice %arg9[%add3A_9, %dma_start3A_58] : memref<10112x64xf32, #tpu.memory_space<vmem_shared>> -> memref<128x64xf32, #tpu.memory_space<vmem_shared>>
      %dma_start3A_60 = arith.constant 0 : i32
      %dma_start3A_61 = tpu.memref_slice %arg9[%add3A_9, %dma_start3A_60] : memref<10112x64xf32, #tpu.memory_space<vmem_shared>> -> memref<128x64xf32, #tpu.memory_space<vmem_shared>>
      %dma_start3A_62 = arith.constant 0 : i32
      %dma_start3A_63 = arith.constant 0 : i32
      %dma_start3A_64 = tpu.memref_slice %arg8[%run_scoped3A_10, %dma_start3A_62, %dma_start3A_63] : memref<4x128x64xf32, #tpu.memory_space<vmem>> -> memref<1x128x64xf32, #tpu.memory_space<vmem>>
      %dma_start3A_65 = tpu.memref_squeeze %dma_start3A_64 : memref<1x128x64xf32, #tpu.memory_space<vmem>> -> memref<128x64xf32, #tpu.memory_space<vmem>>
      tpu.enqueue_dma source(%dma_start3A_65 : memref<128x64xf32, #tpu.memory_space<vmem>>) target(%dma_start3A_61 : memref<128x64xf32, #tpu.memory_space<vmem_shared>>) target_semaphore(%run_scoped3A_54 : memref<!tpu.dma_semaphore, #tpu.memory_space<semaphore_mem>>)
      %dma_wait3A = arith.constant 0 : i32
      %dma_wait3A_66 = arith.constant 0 : i32
      %dma_wait3A_67 = tpu.memref_slice %arg8[%run_scoped3A_10, %dma_wait3A, %dma_wait3A_66] : memref<4x128x64xf32, #tpu.memory_space<vmem>> -> memref<1x128x64xf32, #tpu.memory_space<vmem>>
      %dma_wait3A_68 = tpu.memref_squeeze %dma_wait3A_67 : memref<1x128x64xf32, #tpu.memory_space<vmem>> -> memref<128x64xf32, #tpu.memory_space<vmem>>
      %dma_wait3A_69 = arith.constant 0 : i32
      %dma_wait3A_70 = tpu.memref_slice %arg9[%add3A_9, %dma_wait3A_69] : memref<10112x64xf32, #tpu.memory_space<vmem_shared>> -> memref<128x64xf32, #tpu.memory_space<vmem_shared>>
      %dma_wait3A_71 = arith.constant 0 : i32
      %dma_wait3A_72 = tpu.memref_slice %arg9[%add3A_9, %dma_wait3A_71] : memref<10112x64xf32, #tpu.memory_space<vmem_shared>> -> memref<128x64xf32, #tpu.memory_space<vmem_shared>>
      %dma_wait3A_73 = arith.constant 0 : i32
      %dma_wait3A_74 = arith.constant 0 : i32
      %dma_wait3A_75 = tpu.memref_slice %arg8[%run_scoped3A_10, %dma_wait3A_73, %dma_wait3A_74] : memref<4x128x64xf32, #tpu.memory_space<vmem>> -> memref<1x128x64xf32, #tpu.memory_space<vmem>>
      %dma_wait3A_76 = tpu.memref_squeeze %dma_wait3A_75 : memref<1x128x64xf32, #tpu.memory_space<vmem>> -> memref<128x64xf32, #tpu.memory_space<vmem>>
      tpu.wait_dma2 semaphore(%run_scoped3A_54 : memref<!tpu.dma_semaphore, #tpu.memory_space<semaphore_mem>>) src(%dma_wait3A_76 : memref<128x64xf32, #tpu.memory_space<vmem>>) dst(%dma_wait3A_72 : memref<128x64xf32, #tpu.memory_space<vmem_shared>>)
      tpu.yield
    }) : () -> ()
    %add3A_11 = arith.constant 256 : i32
    %add3A_12 = arith.addi %multiple_of3A, %add3A_11 : i32
    %run_scoped3A_13 = arith.constant 0 : i32
    "tpu.region"() ({
      %run_scoped3A_54 = tpu.sem_alloc : memref<!tpu.dma_semaphore, #tpu.memory_space<semaphore_mem>>
      %dma_start3A = arith.constant 0 : i32
      %dma_start3A_55 = arith.constant 0 : i32
      %dma_start3A_56 = tpu.memref_slice %arg8[%run_scoped3A_13, %dma_start3A, %dma_start3A_55] : memref<4x128x64xf32, #tpu.memory_space<vmem>> -> memref<1x128x64xf32, #tpu.memory_space<vmem>>
      %dma_start3A_57 = tpu.memref_squeeze %dma_start3A_56 : memref<1x128x64xf32, #tpu.memory_space<vmem>> -> memref<128x64xf32, #tpu.memory_space<vmem>>
      %dma_start3A_58 = arith.constant 0 : i32
      %dma_start3A_59 = tpu.memref_slice %arg9[%add3A_12, %dma_start3A_58] : memref<10112x64xf32, #tpu.memory_space<vmem_shared>> -> memref<128x64xf32, #tpu.memory_space<vmem_shared>>
      %dma_start3A_60 = arith.constant 0 : i32
      %dma_start3A_61 = tpu.memref_slice %arg9[%add3A_12, %dma_start3A_60] : memref<10112x64xf32, #tpu.memory_space<vmem_shared>> -> memref<128x64xf32, #tpu.memory_space<vmem_shared>>
      %dma_start3A_62 = arith.constant 0 : i32
      %dma_start3A_63 = arith.constant 0 : i32
      %dma_start3A_64 = tpu.memref_slice %arg8[%run_scoped3A_13, %dma_start3A_62, %dma_start3A_63] : memref<4x128x64xf32, #tpu.memory_space<vmem>> -> memref<1x128x64xf32, #tpu.memory_space<vmem>>
      %dma_start3A_65 = tpu.memref_squeeze %dma_start3A_64 : memref<1x128x64xf32, #tpu.memory_space<vmem>> -> memref<128x64xf32, #tpu.memory_space<vmem>>
      tpu.enqueue_dma source(%dma_start3A_65 : memref<128x64xf32, #tpu.memory_space<vmem>>) target(%dma_start3A_61 : memref<128x64xf32, #tpu.memory_space<vmem_shared>>) target_semaphore(%run_scoped3A_54 : memref<!tpu.dma_semaphore, #tpu.memory_space<semaphore_mem>>)
      %dma_wait3A = arith.constant 0 : i32
      %dma_wait3A_66 = arith.constant 0 : i32
      %dma_wait3A_67 = tpu.memref_slice %arg8[%run_scoped3A_13, %dma_wait3A, %dma_wait3A_66] : memref<4x128x64xf32, #tpu.memory_space<vmem>> -> memref<1x128x64xf32, #tpu.memory_space<vmem>>
      %dma_wait3A_68 = tpu.memref_squeeze %dma_wait3A_67 : memref<1x128x64xf32, #tpu.memory_space<vmem>> -> memref<128x64xf32, #tpu.memory_space<vmem>>
      %dma_wait3A_69 = arith.constant 0 : i32
      %dma_wait3A_70 = tpu.memref_slice %arg9[%add3A_12, %dma_wait3A_69] : memref<10112x64xf32, #tpu.memory_space<vmem_shared>> -> memref<128x64xf32, #tpu.memory_space<vmem_shared>>
      %dma_wait3A_71 = arith.constant 0 : i32
      %dma_wait3A_72 = tpu.memref_slice %arg9[%add3A_12, %dma_wait3A_71] : memref<10112x64xf32, #tpu.memory_space<vmem_shared>> -> memref<128x64xf32, #tpu.memory_space<vmem_shared>>
      %dma_wait3A_73 = arith.constant 0 : i32
      %dma_wait3A_74 = arith.constant 0 : i32
      %dma_wait3A_75 = tpu.memref_slice %arg8[%run_scoped3A_13, %dma_wait3A_73, %dma_wait3A_74] : memref<4x128x64xf32, #tpu.memory_space<vmem>> -> memref<1x128x64xf32, #tpu.memory_space<vmem>>
      %dma_wait3A_76 = tpu.memref_squeeze %dma_wait3A_75 : memref<1x128x64xf32, #tpu.memory_space<vmem>> -> memref<128x64xf32, #tpu.memory_space<vmem>>
      tpu.wait_dma2 semaphore(%run_scoped3A_54 : memref<!tpu.dma_semaphore, #tpu.memory_space<semaphore_mem>>) src(%dma_wait3A_76 : memref<128x64xf32, #tpu.memory_space<vmem>>) dst(%dma_wait3A_72 : memref<128x64xf32, #tpu.memory_space<vmem_shared>>)
      tpu.yield
    }) : () -> ()
    %add3A_14 = arith.constant 384 : i32
    %add3A_15 = arith.addi %multiple_of3A, %add3A_14 : i32
    %run_scoped3A_16 = arith.constant 0 : i32
    "tpu.region"() ({
      %run_scoped3A_54 = tpu.sem_alloc : memref<!tpu.dma_semaphore, #tpu.memory_space<semaphore_mem>>
      %dma_start3A = arith.constant 0 : i32
      %dma_start3A_55 = arith.constant 0 : i32
      %dma_start3A_56 = tpu.memref_slice %arg8[%run_scoped3A_16, %dma_start3A, %dma_start3A_55] : memref<4x128x64xf32, #tpu.memory_space<vmem>> -> memref<1x128x64xf32, #tpu.memory_space<vmem>>
      %dma_start3A_57 = tpu.memref_squeeze %dma_start3A_56 : memref<1x128x64xf32, #tpu.memory_space<vmem>> -> memref<128x64xf32, #tpu.memory_space<vmem>>
      %dma_start3A_58 = arith.constant 0 : i32
      %dma_start3A_59 = tpu.memref_slice %arg9[%add3A_15, %dma_start3A_58] : memref<10112x64xf32, #tpu.memory_space<vmem_shared>> -> memref<128x64xf32, #tpu.memory_space<vmem_shared>>
      %dma_start3A_60 = arith.constant 0 : i32
      %dma_start3A_61 = tpu.memref_slice %arg9[%add3A_15, %dma_start3A_60] : memref<10112x64xf32, #tpu.memory_space<vmem_shared>> -> memref<128x64xf32, #tpu.memory_space<vmem_shared>>
      %dma_start3A_62 = arith.constant 0 : i32
      %dma_start3A_63 = arith.constant 0 : i32
      %dma_start3A_64 = tpu.memref_slice %arg8[%run_scoped3A_16, %dma_start3A_62, %dma_start3A_63] : memref<4x128x64xf32, #tpu.memory_space<vmem>> -> memref<1x128x64xf32, #tpu.memory_space<vmem>>
      %dma_start3A_65 = tpu.memref_squeeze %dma_start3A_64 : memref<1x128x64xf32, #tpu.memory_space<vmem>> -> memref<128x64xf32, #tpu.memory_space<vmem>>
      tpu.enqueue_dma source(%dma_start3A_65 : memref<128x64xf32, #tpu.memory_space<vmem>>) target(%dma_start3A_61 : memref<128x64xf32, #tpu.memory_space<vmem_shared>>) target_semaphore(%run_scoped3A_54 : memref<!tpu.dma_semaphore, #tpu.memory_space<semaphore_mem>>)
      %dma_wait3A = arith.constant 0 : i32
      %dma_wait3A_66 = arith.constant 0 : i32
      %dma_wait3A_67 = tpu.memref_slice %arg8[%run_scoped3A_16, %dma_wait3A, %dma_wait3A_66] : memref<4x128x64xf32, #tpu.memory_space<vmem>> -> memref<1x128x64xf32, #tpu.memory_space<vmem>>
      %dma_wait3A_68 = tpu.memref_squeeze %dma_wait3A_67 : memref<1x128x64xf32, #tpu.memory_space<vmem>> -> memref<128x64xf32, #tpu.memory_space<vmem>>
      %dma_wait3A_69 = arith.constant 0 : i32
      %dma_wait3A_70 = tpu.memref_slice %arg9[%add3A_15, %dma_wait3A_69] : memref<10112x64xf32, #tpu.memory_space<vmem_shared>> -> memref<128x64xf32, #tpu.memory_space<vmem_shared>>
      %dma_wait3A_71 = arith.constant 0 : i32
      %dma_wait3A_72 = tpu.memref_slice %arg9[%add3A_15, %dma_wait3A_71] : memref<10112x64xf32, #tpu.memory_space<vmem_shared>> -> memref<128x64xf32, #tpu.memory_space<vmem_shared>>
      %dma_wait3A_73 = arith.constant 0 : i32
      %dma_wait3A_74 = arith.constant 0 : i32
      %dma_wait3A_75 = tpu.memref_slice %arg8[%run_scoped3A_16, %dma_wait3A_73, %dma_wait3A_74] : memref<4x128x64xf32, #tpu.memory_space<vmem>> -> memref<1x128x64xf32, #tpu.memory_space<vmem>>
      %dma_wait3A_76 = tpu.memref_squeeze %dma_wait3A_75 : memref<1x128x64xf32, #tpu.memory_space<vmem>> -> memref<128x64xf32, #tpu.memory_space<vmem>>
      tpu.wait_dma2 semaphore(%run_scoped3A_54 : memref<!tpu.dma_semaphore, #tpu.memory_space<semaphore_mem>>) src(%dma_wait3A_76 : memref<128x64xf32, #tpu.memory_space<vmem>>) dst(%dma_wait3A_72 : memref<128x64xf32, #tpu.memory_space<vmem_shared>>)
      tpu.yield
    }) : () -> ()
    %add3A_17 = arith.constant 512 : i32
    %add3A_18 = arith.addi %multiple_of3A, %add3A_17 : i32
    %run_scoped3A_19 = arith.constant 0 : i32
    "tpu.region"() ({
      %run_scoped3A_54 = tpu.sem_alloc : memref<!tpu.dma_semaphore, #tpu.memory_space<semaphore_mem>>
      %dma_start3A = arith.constant 0 : i32
      %dma_start3A_55 = arith.constant 0 : i32
      %dma_start3A_56 = tpu.memref_slice %arg8[%run_scoped3A_19, %dma_start3A, %dma_start3A_55] : memref<4x128x64xf32, #tpu.memory_space<vmem>> -> memref<1x120x64xf32, #tpu.memory_space<vmem>>
      %dma_start3A_57 = tpu.memref_squeeze %dma_start3A_56 : memref<1x120x64xf32, #tpu.memory_space<vmem>> -> memref<120x64xf32, #tpu.memory_space<vmem>>
      %dma_start3A_58 = arith.constant 0 : i32
      %dma_start3A_59 = tpu.memref_slice %arg9[%add3A_18, %dma_start3A_58] : memref<10112x64xf32, #tpu.memory_space<vmem_shared>> -> memref<120x64xf32, #tpu.memory_space<vmem_shared>>
      %dma_start3A_60 = arith.constant 0 : i32
      %dma_start3A_61 = tpu.memref_slice %arg9[%add3A_18, %dma_start3A_60] : memref<10112x64xf32, #tpu.memory_space<vmem_shared>> -> memref<120x64xf32, #tpu.memory_space<vmem_shared>>
      %dma_start3A_62 = arith.constant 0 : i32
      %dma_start3A_63 = arith.constant 0 : i32
      %dma_start3A_64 = tpu.memref_slice %arg8[%run_scoped3A_19, %dma_start3A_62, %dma_start3A_63] : memref<4x128x64xf32, #tpu.memory_space<vmem>> -> memref<1x120x64xf32, #tpu.memory_space<vmem>>
      %dma_start3A_65 = tpu.memref_squeeze %dma_start3A_64 : memref<1x120x64xf32, #tpu.memory_space<vmem>> -> memref<120x64xf32, #tpu.memory_space<vmem>>
      tpu.enqueue_dma source(%dma_start3A_65 : memref<120x64xf32, #tpu.memory_space<vmem>>) target(%dma_start3A_61 : memref<120x64xf32, #tpu.memory_space<vmem_shared>>) target_semaphore(%run_scoped3A_54 : memref<!tpu.dma_semaphore, #tpu.memory_space<semaphore_mem>>)
      %dma_wait3A = arith.constant 0 : i32
      %dma_wait3A_66 = arith.constant 0 : i32
      %dma_wait3A_67 = tpu.memref_slice %arg8[%run_scoped3A_19, %dma_wait3A, %dma_wait3A_66] : memref<4x128x64xf32, #tpu.memory_space<vmem>> -> memref<1x120x64xf32, #tpu.memory_space<vmem>>
      %dma_wait3A_68 = tpu.memref_squeeze %dma_wait3A_67 : memref<1x120x64xf32, #tpu.memory_space<vmem>> -> memref<120x64xf32, #tpu.memory_space<vmem>>
      %dma_wait3A_69 = arith.constant 0 : i32
      %dma_wait3A_70 = tpu.memref_slice %arg9[%add3A_18, %dma_wait3A_69] : memref<10112x64xf32, #tpu.memory_space<vmem_shared>> -> memref<120x64xf32, #tpu.memory_space<vmem_shared>>
      %dma_wait3A_71 = arith.constant 0 : i32
      %dma_wait3A_72 = tpu.memref_slice %arg9[%add3A_18, %dma_wait3A_71] : memref<10112x64xf32, #tpu.memory_space<vmem_shared>> -> memref<120x64xf32, #tpu.memory_space<vmem_shared>>
      %dma_wait3A_73 = arith.constant 0 : i32
      %dma_wait3A_74 = arith.constant 0 : i32
      %dma_wait3A_75 = tpu.memref_slice %arg8[%run_scoped3A_19, %dma_wait3A_73, %dma_wait3A_74] : memref<4x128x64xf32, #tpu.memory_space<vmem>> -> memref<1x120x64xf32, #tpu.memory_space<vmem>>
      %dma_wait3A_76 = tpu.memref_squeeze %dma_wait3A_75 : memref<1x120x64xf32, #tpu.memory_space<vmem>> -> memref<120x64xf32, #tpu.memory_space<vmem>>
      tpu.wait_dma2 semaphore(%run_scoped3A_54 : memref<!tpu.dma_semaphore, #tpu.memory_space<semaphore_mem>>) src(%dma_wait3A_76 : memref<120x64xf32, #tpu.memory_space<vmem>>) dst(%dma_wait3A_72 : memref<120x64xf32, #tpu.memory_space<vmem_shared>>)
      tpu.yield
    }) : () -> ()
    %barrier3A = arith.constant 0 : index
    tpu.barrier barrier_id(%barrier3A)
    %jit3A = arith.constant 19 : i32
    %jit3A_20 = arith.constant 1 : i32
    %select_n3A = arith.select %eq3A_0, %jit3A, %jit3A_20 : i32
    %convert_element_type3A = arith.extui %eq3A_0 : i1 to i32
    %cond3A = arith.constant 0 : i32
    %cond3A_21 = arith.cmpi ne, %convert_element_type3A, %cond3A : i32
    scf.if %cond3A_21 {
      %mul3A_54 = arith.constant 152 : i32
      %mul3A_55 = arith.muli %arg1, %mul3A_54 : i32
      %add3A_56 = arith.constant 0 : i32
      %add3A_57 = arith.addi %mul3A_55, %add3A_56 : i32
      "tpu.region"() ({
        %run_scoped3A_58 = tpu.sem_alloc : memref<!tpu.dma_semaphore, #tpu.memory_space<semaphore_mem>>
        %dma_start3A = arith.constant 0 : i32
        %dma_start3A_59 = arith.constant 0 : i32
        %dma_start3A_60 = tpu.memref_slice %arg6[%dma_start3A, %dma_start3A_59] : memref<76x128xi32, #tpu.memory_space<vmem>> -> memref<76x128xi32, #tpu.memory_space<vmem>>
        %dma_start3A_61 = arith.constant 0 : i32
        %dma_start3A_62 = tpu.memref_slice %arg3[%add3A_57, %dma_start3A_61] : memref<2560x128xi32, #tpu.memory_space<hbm>> -> memref<76x128xi32, #tpu.memory_space<hbm>>
        %dma_start3A_63 = arith.constant 0 : i32
        %dma_start3A_64 = arith.constant 0 : i32
        %dma_start3A_65 = tpu.memref_slice %arg6[%dma_start3A_63, %dma_start3A_64] : memref<76x128xi32, #tpu.memory_space<vmem>> -> memref<76x128xi32, #tpu.memory_space<vmem>>
        %dma_start3A_66 = arith.constant 0 : i32
        %dma_start3A_67 = tpu.memref_slice %arg3[%add3A_57, %dma_start3A_66] : memref<2560x128xi32, #tpu.memory_space<hbm>> -> memref<76x128xi32, #tpu.memory_space<hbm>>
        tpu.enqueue_dma source(%dma_start3A_67 : memref<76x128xi32, #tpu.memory_space<hbm>>) target(%dma_start3A_65 : memref<76x128xi32, #tpu.memory_space<vmem>>) target_semaphore(%run_scoped3A_58 : memref<!tpu.dma_semaphore, #tpu.memory_space<semaphore_mem>>)
        %dma_wait3A = arith.constant 0 : i32
        %dma_wait3A_68 = arith.constant 0 : i32
        %dma_wait3A_69 = tpu.memref_slice %arg6[%dma_wait3A, %dma_wait3A_68] : memref<76x128xi32, #tpu.memory_space<vmem>> -> memref<76x128xi32, #tpu.memory_space<vmem>>
        %dma_wait3A_70 = arith.constant 0 : i32
        %dma_wait3A_71 = tpu.memref_slice %arg3[%add3A_57, %dma_wait3A_70] : memref<2560x128xi32, #tpu.memory_space<hbm>> -> memref<76x128xi32, #tpu.memory_space<hbm>>
        %dma_wait3A_72 = arith.constant 0 : i32
        %dma_wait3A_73 = arith.constant 0 : i32
        %dma_wait3A_74 = tpu.memref_slice %arg6[%dma_wait3A_72, %dma_wait3A_73] : memref<76x128xi32, #tpu.memory_space<vmem>> -> memref<76x128xi32, #tpu.memory_space<vmem>>
        %dma_wait3A_75 = arith.constant 0 : i32
        %dma_wait3A_76 = tpu.memref_slice %arg3[%add3A_57, %dma_wait3A_75] : memref<2560x128xi32, #tpu.memory_space<hbm>> -> memref<76x128xi32, #tpu.memory_space<hbm>>
        tpu.wait_dma2 semaphore(%run_scoped3A_58 : memref<!tpu.dma_semaphore, #tpu.memory_space<semaphore_mem>>) src(%dma_wait3A_76 : memref<76x128xi32, #tpu.memory_space<hbm>>) dst(%dma_wait3A_74 : memref<76x128xi32, #tpu.memory_space<vmem>>)
        tpu.yield
      }) : () -> ()
      "tpu.region"() ({
        %run_scoped3A_58 = tpu.sem_alloc : memref<!tpu.dma_semaphore, #tpu.memory_space<semaphore_mem>>
        %dma_start3A = arith.constant 0 : i32
        %dma_start3A_59 = arith.constant 0 : i32
        %dma_start3A_60 = tpu.memref_slice %arg7[%dma_start3A, %dma_start3A_59] : memref<76x128xi32, #tpu.memory_space<vmem>> -> memref<76x128xi32, #tpu.memory_space<vmem>>
        %dma_start3A_61 = arith.constant 0 : i32
        %dma_start3A_62 = tpu.memref_slice %arg4[%add3A_57, %dma_start3A_61] : memref<2560x128xi32, #tpu.memory_space<hbm>> -> memref<76x128xi32, #tpu.memory_space<hbm>>
        %dma_start3A_63 = arith.constant 0 : i32
        %dma_start3A_64 = arith.constant 0 : i32
        %dma_start3A_65 = tpu.memref_slice %arg7[%dma_start3A_63, %dma_start3A_64] : memref<76x128xi32, #tpu.memory_space<vmem>> -> memref<76x128xi32, #tpu.memory_space<vmem>>
        %dma_start3A_66 = arith.constant 0 : i32
        %dma_start3A_67 = tpu.memref_slice %arg4[%add3A_57, %dma_start3A_66] : memref<2560x128xi32, #tpu.memory_space<hbm>> -> memref<76x128xi32, #tpu.memory_space<hbm>>
        tpu.enqueue_dma source(%dma_start3A_67 : memref<76x128xi32, #tpu.memory_space<hbm>>) target(%dma_start3A_65 : memref<76x128xi32, #tpu.memory_space<vmem>>) target_semaphore(%run_scoped3A_58 : memref<!tpu.dma_semaphore, #tpu.memory_space<semaphore_mem>>)
        %dma_wait3A = arith.constant 0 : i32
        %dma_wait3A_68 = arith.constant 0 : i32
        %dma_wait3A_69 = tpu.memref_slice %arg7[%dma_wait3A, %dma_wait3A_68] : memref<76x128xi32, #tpu.memory_space<vmem>> -> memref<76x128xi32, #tpu.memory_space<vmem>>
        %dma_wait3A_70 = arith.constant 0 : i32
        %dma_wait3A_71 = tpu.memref_slice %arg4[%add3A_57, %dma_wait3A_70] : memref<2560x128xi32, #tpu.memory_space<hbm>> -> memref<76x128xi32, #tpu.memory_space<hbm>>
        %dma_wait3A_72 = arith.constant 0 : i32
        %dma_wait3A_73 = arith.constant 0 : i32
        %dma_wait3A_74 = tpu.memref_slice %arg7[%dma_wait3A_72, %dma_wait3A_73] : memref<76x128xi32, #tpu.memory_space<vmem>> -> memref<76x128xi32, #tpu.memory_space<vmem>>
        %dma_wait3A_75 = arith.constant 0 : i32
        %dma_wait3A_76 = tpu.memref_slice %arg4[%add3A_57, %dma_wait3A_75] : memref<2560x128xi32, #tpu.memory_space<hbm>> -> memref<76x128xi32, #tpu.memory_space<hbm>>
        tpu.wait_dma2 semaphore(%run_scoped3A_58 : memref<!tpu.dma_semaphore, #tpu.memory_space<semaphore_mem>>) src(%dma_wait3A_76 : memref<76x128xi32, #tpu.memory_space<hbm>>) dst(%dma_wait3A_74 : memref<76x128xi32, #tpu.memory_space<vmem>>)
        tpu.yield
      }) : () -> ()
    } else {
    }
    %not3A = arith.constant true
    %not3A_22 = arith.xori %eq3A_0, %not3A : i1
    %convert_element_type3A_23 = arith.extui %not3A_22 : i1 to i32
    %cond3A_24 = arith.constant 0 : i32
    %cond3A_25 = arith.cmpi ne, %convert_element_type3A_23, %cond3A_24 : i32
    scf.if %cond3A_25 {
      %mul3A_54 = arith.constant 8 : i32
      %mul3A_55 = arith.muli %arg1, %mul3A_54 : i32
      %add3A_56 = arith.constant 2432 : i32
      %add3A_57 = arith.addi %add3A_56, %mul3A_55 : i32
      %add3A_58 = arith.constant 0 : i32
      %add3A_59 = arith.addi %add3A_57, %add3A_58 : i32
      "tpu.region"() ({
        %run_scoped3A_60 = tpu.sem_alloc : memref<!tpu.dma_semaphore, #tpu.memory_space<semaphore_mem>>
        %dma_start3A = arith.constant 0 : i32
        %dma_start3A_61 = arith.constant 0 : i32
        %dma_start3A_62 = tpu.memref_slice %arg6[%dma_start3A, %dma_start3A_61] : memref<76x128xi32, #tpu.memory_space<vmem>> -> memref<4x128xi32, #tpu.memory_space<vmem>>
        %dma_start3A_63 = arith.constant 0 : i32
        %dma_start3A_64 = tpu.memref_slice %arg3[%add3A_59, %dma_start3A_63] : memref<2560x128xi32, #tpu.memory_space<hbm>> -> memref<4x128xi32, #tpu.memory_space<hbm>>
        %dma_start3A_65 = arith.constant 0 : i32
        %dma_start3A_66 = arith.constant 0 : i32
        %dma_start3A_67 = tpu.memref_slice %arg6[%dma_start3A_65, %dma_start3A_66] : memref<76x128xi32, #tpu.memory_space<vmem>> -> memref<4x128xi32, #tpu.memory_space<vmem>>
        %dma_start3A_68 = arith.constant 0 : i32
        %dma_start3A_69 = tpu.memref_slice %arg3[%add3A_59, %dma_start3A_68] : memref<2560x128xi32, #tpu.memory_space<hbm>> -> memref<4x128xi32, #tpu.memory_space<hbm>>
        tpu.enqueue_dma source(%dma_start3A_69 : memref<4x128xi32, #tpu.memory_space<hbm>>) target(%dma_start3A_67 : memref<4x128xi32, #tpu.memory_space<vmem>>) target_semaphore(%run_scoped3A_60 : memref<!tpu.dma_semaphore, #tpu.memory_space<semaphore_mem>>)
        %dma_wait3A = arith.constant 0 : i32
        %dma_wait3A_70 = arith.constant 0 : i32
        %dma_wait3A_71 = tpu.memref_slice %arg6[%dma_wait3A, %dma_wait3A_70] : memref<76x128xi32, #tpu.memory_space<vmem>> -> memref<4x128xi32, #tpu.memory_space<vmem>>
        %dma_wait3A_72 = arith.constant 0 : i32
        %dma_wait3A_73 = tpu.memref_slice %arg3[%add3A_59, %dma_wait3A_72] : memref<2560x128xi32, #tpu.memory_space<hbm>> -> memref<4x128xi32, #tpu.memory_space<hbm>>
        %dma_wait3A_74 = arith.constant 0 : i32
        %dma_wait3A_75 = arith.constant 0 : i32
        %dma_wait3A_76 = tpu.memref_slice %arg6[%dma_wait3A_74, %dma_wait3A_75] : memref<76x128xi32, #tpu.memory_space<vmem>> -> memref<4x128xi32, #tpu.memory_space<vmem>>
        %dma_wait3A_77 = arith.constant 0 : i32
        %dma_wait3A_78 = tpu.memref_slice %arg3[%add3A_59, %dma_wait3A_77] : memref<2560x128xi32, #tpu.memory_space<hbm>> -> memref<4x128xi32, #tpu.memory_space<hbm>>
        tpu.wait_dma2 semaphore(%run_scoped3A_60 : memref<!tpu.dma_semaphore, #tpu.memory_space<semaphore_mem>>) src(%dma_wait3A_78 : memref<4x128xi32, #tpu.memory_space<hbm>>) dst(%dma_wait3A_76 : memref<4x128xi32, #tpu.memory_space<vmem>>)
        tpu.yield
      }) : () -> ()
      "tpu.region"() ({
        %run_scoped3A_60 = tpu.sem_alloc : memref<!tpu.dma_semaphore, #tpu.memory_space<semaphore_mem>>
        %dma_start3A = arith.constant 0 : i32
        %dma_start3A_61 = arith.constant 0 : i32
        %dma_start3A_62 = tpu.memref_slice %arg7[%dma_start3A, %dma_start3A_61] : memref<76x128xi32, #tpu.memory_space<vmem>> -> memref<4x128xi32, #tpu.memory_space<vmem>>
        %dma_start3A_63 = arith.constant 0 : i32
        %dma_start3A_64 = tpu.memref_slice %arg4[%add3A_59, %dma_start3A_63] : memref<2560x128xi32, #tpu.memory_space<hbm>> -> memref<4x128xi32, #tpu.memory_space<hbm>>
        %dma_start3A_65 = arith.constant 0 : i32
        %dma_start3A_66 = arith.constant 0 : i32
        %dma_start3A_67 = tpu.memref_slice %arg7[%dma_start3A_65, %dma_start3A_66] : memref<76x128xi32, #tpu.memory_space<vmem>> -> memref<4x128xi32, #tpu.memory_space<vmem>>
        %dma_start3A_68 = arith.constant 0 : i32
        %dma_start3A_69 = tpu.memref_slice %arg4[%add3A_59, %dma_start3A_68] : memref<2560x128xi32, #tpu.memory_space<hbm>> -> memref<4x128xi32, #tpu.memory_space<hbm>>
        tpu.enqueue_dma source(%dma_start3A_69 : memref<4x128xi32, #tpu.memory_space<hbm>>) target(%dma_start3A_67 : memref<4x128xi32, #tpu.memory_space<vmem>>) target_semaphore(%run_scoped3A_60 : memref<!tpu.dma_semaphore, #tpu.memory_space<semaphore_mem>>)
        %dma_wait3A = arith.constant 0 : i32
        %dma_wait3A_70 = arith.constant 0 : i32
        %dma_wait3A_71 = tpu.memref_slice %arg7[%dma_wait3A, %dma_wait3A_70] : memref<76x128xi32, #tpu.memory_space<vmem>> -> memref<4x128xi32, #tpu.memory_space<vmem>>
        %dma_wait3A_72 = arith.constant 0 : i32
        %dma_wait3A_73 = tpu.memref_slice %arg4[%add3A_59, %dma_wait3A_72] : memref<2560x128xi32, #tpu.memory_space<hbm>> -> memref<4x128xi32, #tpu.memory_space<hbm>>
        %dma_wait3A_74 = arith.constant 0 : i32
        %dma_wait3A_75 = arith.constant 0 : i32
        %dma_wait3A_76 = tpu.memref_slice %arg7[%dma_wait3A_74, %dma_wait3A_75] : memref<76x128xi32, #tpu.memory_space<vmem>> -> memref<4x128xi32, #tpu.memory_space<vmem>>
        %dma_wait3A_77 = arith.constant 0 : i32
        %dma_wait3A_78 = tpu.memref_slice %arg4[%add3A_59, %dma_wait3A_77] : memref<2560x128xi32, #tpu.memory_space<hbm>> -> memref<4x128xi32, #tpu.memory_space<hbm>>
        tpu.wait_dma2 semaphore(%run_scoped3A_60 : memref<!tpu.dma_semaphore, #tpu.memory_space<semaphore_mem>>) src(%dma_wait3A_78 : memref<4x128xi32, #tpu.memory_space<hbm>>) dst(%dma_wait3A_76 : memref<4x128xi32, #tpu.memory_space<vmem>>)
        tpu.yield
      }) : () -> ()
    } else {
    }
    %while3A = arith.constant 0 : i32
    %while3A_26 = arith.constant 0 : i32
    %while3A_27 = arith.subi %select_n3A, %while3A_26 : i32
    %while3A_28 = arith.addi %while3A_26, %while3A_27 : i32
    %while3A_29 = arith.constant 1 : i32
    %while3A_30 = arith.divsi %while3A_27, %while3A_29 : i32
    %while3A_31 = arith.muli %while3A_30, %while3A_29 : i32
    %while3A_32 = arith.addi %while3A_26, %while3A_31 : i32
    %while3A_33 = arith.constant 1 : i32
    scf.for %while3A_54 = %while3A_26 to %while3A_32 step %while3A_33  : i32 {
      %mul3A_55 = arith.constant 4 : i32
      %mul3A_56 = arith.muli %while3A_54, %mul3A_55 : i32
      %add3A_57 = arith.constant 0 : i32
      %add3A_58 = arith.addi %mul3A_56, %add3A_57 : i32
      %dma_start3A = arith.constant 0 : i32
      %dma_start3A_59 = arith.constant 0 : i32
      %dma_start3A_60 = arith.constant 0 : i32
      %dma_start3A_61 = tpu.memref_slice %arg8[%dma_start3A, %dma_start3A_59, %dma_start3A_60] : memref<4x128x64xf32, #tpu.memory_space<vmem>> -> memref<1x128x64xf32, #tpu.memory_space<vmem>>
      %dma_start3A_62 = tpu.memref_squeeze %dma_start3A_61 : memref<1x128x64xf32, #tpu.memory_space<vmem>> -> memref<128x64xf32, #tpu.memory_space<vmem>>
      %dma_start3A_63 = arith.constant 0 : i32
      %dma_start3A_64 = tpu.memref_slice %arg6[%add3A_58, %dma_start3A_63] : memref<76x128xi32, #tpu.memory_space<vmem>> -> memref<1x128xi32, #tpu.memory_space<vmem>>
      %dma_start3A_65 = tpu.memref_squeeze %dma_start3A_64 : memref<1x128xi32, #tpu.memory_space<vmem>> -> memref<128xi32, #tpu.memory_space<vmem>>
      %dma_start3A_66 = arith.constant 0 : i32
      %dma_start3A_67 = arith.constant 0 : i32
      %dma_start3A_68 = tpu.memref_slice %arg2[%dma_start3A_66, %dma_start3A_67] : memref<10000x64xf32, #tpu.memory_space<hbm>> -> memref<10000x64xf32, #tpu.memory_space<hbm>>
      tpu.enqueue_indirect_dma source(%dma_start3A_68 : memref<10000x64xf32, #tpu.memory_space<hbm>>) target(%dma_start3A_62 : memref<128x64xf32, #tpu.memory_space<vmem>>) offsets(%dma_start3A_65 : memref<128xi32, #tpu.memory_space<vmem>>) semaphore(%arg10 : memref<!tpu.dma_semaphore, #tpu.memory_space<semaphore_mem>>)
      %mul3A_69 = arith.constant 4 : i32
      %mul3A_70 = arith.muli %while3A_54, %mul3A_69 : i32
      %add3A_71 = arith.constant 1 : i32
      %add3A_72 = arith.addi %mul3A_70, %add3A_71 : i32
      %dma_start3A_73 = arith.constant 1 : i32
      %dma_start3A_74 = arith.constant 0 : i32
      %dma_start3A_75 = arith.constant 0 : i32
      %dma_start3A_76 = tpu.memref_slice %arg8[%dma_start3A_73, %dma_start3A_74, %dma_start3A_75] : memref<4x128x64xf32, #tpu.memory_space<vmem>> -> memref<1x128x64xf32, #tpu.memory_space<vmem>>
      %dma_start3A_77 = tpu.memref_squeeze %dma_start3A_76 : memref<1x128x64xf32, #tpu.memory_space<vmem>> -> memref<128x64xf32, #tpu.memory_space<vmem>>
      %dma_start3A_78 = arith.constant 0 : i32
      %dma_start3A_79 = tpu.memref_slice %arg6[%add3A_72, %dma_start3A_78] : memref<76x128xi32, #tpu.memory_space<vmem>> -> memref<1x128xi32, #tpu.memory_space<vmem>>
      %dma_start3A_80 = tpu.memref_squeeze %dma_start3A_79 : memref<1x128xi32, #tpu.memory_space<vmem>> -> memref<128xi32, #tpu.memory_space<vmem>>
      %dma_start3A_81 = arith.constant 0 : i32
      %dma_start3A_82 = arith.constant 0 : i32
      %dma_start3A_83 = tpu.memref_slice %arg2[%dma_start3A_81, %dma_start3A_82] : memref<10000x64xf32, #tpu.memory_space<hbm>> -> memref<10000x64xf32, #tpu.memory_space<hbm>>
      tpu.enqueue_indirect_dma source(%dma_start3A_83 : memref<10000x64xf32, #tpu.memory_space<hbm>>) target(%dma_start3A_77 : memref<128x64xf32, #tpu.memory_space<vmem>>) offsets(%dma_start3A_80 : memref<128xi32, #tpu.memory_space<vmem>>) semaphore(%arg10 : memref<!tpu.dma_semaphore, #tpu.memory_space<semaphore_mem>>)
      %mul3A_84 = arith.constant 4 : i32
      %mul3A_85 = arith.muli %while3A_54, %mul3A_84 : i32
      %add3A_86 = arith.constant 2 : i32
      %add3A_87 = arith.addi %mul3A_85, %add3A_86 : i32
      %dma_start3A_88 = arith.constant 2 : i32
      %dma_start3A_89 = arith.constant 0 : i32
      %dma_start3A_90 = arith.constant 0 : i32
      %dma_start3A_91 = tpu.memref_slice %arg8[%dma_start3A_88, %dma_start3A_89, %dma_start3A_90] : memref<4x128x64xf32, #tpu.memory_space<vmem>> -> memref<1x128x64xf32, #tpu.memory_space<vmem>>
      %dma_start3A_92 = tpu.memref_squeeze %dma_start3A_91 : memref<1x128x64xf32, #tpu.memory_space<vmem>> -> memref<128x64xf32, #tpu.memory_space<vmem>>
      %dma_start3A_93 = arith.constant 0 : i32
      %dma_start3A_94 = tpu.memref_slice %arg6[%add3A_87, %dma_start3A_93] : memref<76x128xi32, #tpu.memory_space<vmem>> -> memref<1x128xi32, #tpu.memory_space<vmem>>
      %dma_start3A_95 = tpu.memref_squeeze %dma_start3A_94 : memref<1x128xi32, #tpu.memory_space<vmem>> -> memref<128xi32, #tpu.memory_space<vmem>>
      %dma_start3A_96 = arith.constant 0 : i32
      %dma_start3A_97 = arith.constant 0 : i32
      %dma_start3A_98 = tpu.memref_slice %arg2[%dma_start3A_96, %dma_start3A_97] : memref<10000x64xf32, #tpu.memory_space<hbm>> -> memref<10000x64xf32, #tpu.memory_space<hbm>>
      tpu.enqueue_indirect_dma source(%dma_start3A_98 : memref<10000x64xf32, #tpu.memory_space<hbm>>) target(%dma_start3A_92 : memref<128x64xf32, #tpu.memory_space<vmem>>) offsets(%dma_start3A_95 : memref<128xi32, #tpu.memory_space<vmem>>) semaphore(%arg10 : memref<!tpu.dma_semaphore, #tpu.memory_space<semaphore_mem>>)
      %mul3A_99 = arith.constant 4 : i32
      %mul3A_100 = arith.muli %while3A_54, %mul3A_99 : i32
      %add3A_101 = arith.constant 3 : i32
      %add3A_102 = arith.addi %mul3A_100, %add3A_101 : i32
      %dma_start3A_103 = arith.constant 3 : i32
      %dma_start3A_104 = arith.constant 0 : i32
      %dma_start3A_105 = arith.constant 0 : i32
      %dma_start3A_106 = tpu.memref_slice %arg8[%dma_start3A_103, %dma_start3A_104, %dma_start3A_105] : memref<4x128x64xf32, #tpu.memory_space<vmem>> -> memref<1x128x64xf32, #tpu.memory_space<vmem>>
      %dma_start3A_107 = tpu.memref_squeeze %dma_start3A_106 : memref<1x128x64xf32, #tpu.memory_space<vmem>> -> memref<128x64xf32, #tpu.memory_space<vmem>>
      %dma_start3A_108 = arith.constant 0 : i32
      %dma_start3A_109 = tpu.memref_slice %arg6[%add3A_102, %dma_start3A_108] : memref<76x128xi32, #tpu.memory_space<vmem>> -> memref<1x128xi32, #tpu.memory_space<vmem>>
      %dma_start3A_110 = tpu.memref_squeeze %dma_start3A_109 : memref<1x128xi32, #tpu.memory_space<vmem>> -> memref<128xi32, #tpu.memory_space<vmem>>
      %dma_start3A_111 = arith.constant 0 : i32
      %dma_start3A_112 = arith.constant 0 : i32
      %dma_start3A_113 = tpu.memref_slice %arg2[%dma_start3A_111, %dma_start3A_112] : memref<10000x64xf32, #tpu.memory_space<hbm>> -> memref<10000x64xf32, #tpu.memory_space<hbm>>
      tpu.enqueue_indirect_dma source(%dma_start3A_113 : memref<10000x64xf32, #tpu.memory_space<hbm>>) target(%dma_start3A_107 : memref<128x64xf32, #tpu.memory_space<vmem>>) offsets(%dma_start3A_110 : memref<128xi32, #tpu.memory_space<vmem>>) semaphore(%arg10 : memref<!tpu.dma_semaphore, #tpu.memory_space<semaphore_mem>>)
      %dma_wait3A = arith.constant 0 : i32
      %dma_wait3A_114 = arith.constant 0 : i32
      %dma_wait3A_115 = arith.constant 0 : i32
      %dma_wait3A_116 = tpu.memref_slice %arg8[%dma_wait3A, %dma_wait3A_114, %dma_wait3A_115] : memref<4x128x64xf32, #tpu.memory_space<vmem>> -> memref<1x128x64xf32, #tpu.memory_space<vmem>>
      %dma_wait3A_117 = tpu.memref_squeeze %dma_wait3A_116 : memref<1x128x64xf32, #tpu.memory_space<vmem>> -> memref<128x64xf32, #tpu.memory_space<vmem>>
      %dma_wait3A_118 = arith.constant 0 : i32
      %dma_wait3A_119 = tpu.memref_slice %arg6[%add3A_58, %dma_wait3A_118] : memref<76x128xi32, #tpu.memory_space<vmem>> -> memref<1x128xi32, #tpu.memory_space<vmem>>
      %dma_wait3A_120 = tpu.memref_squeeze %dma_wait3A_119 : memref<1x128xi32, #tpu.memory_space<vmem>> -> memref<128xi32, #tpu.memory_space<vmem>>
      %dma_wait3A_121 = arith.constant 0 : i32
      %dma_wait3A_122 = arith.constant 0 : i32
      %dma_wait3A_123 = tpu.memref_slice %arg2[%dma_wait3A_121, %dma_wait3A_122] : memref<10000x64xf32, #tpu.memory_space<hbm>> -> memref<10000x64xf32, #tpu.memory_space<hbm>>
      tpu.wait_indirect_dma semaphore(%arg10 : memref<!tpu.dma_semaphore, #tpu.memory_space<semaphore_mem>>) src(%dma_wait3A_123 : memref<10000x64xf32, #tpu.memory_space<hbm>>) dst(%dma_wait3A_117 : memref<128x64xf32, #tpu.memory_space<vmem>>)
      %mul3A_124 = arith.constant 4 : i32
      %mul3A_125 = arith.muli %while3A_54, %mul3A_124 : i32
      %add3A_126 = arith.constant 0 : i32
      %add3A_127 = arith.addi %mul3A_125, %add3A_126 : i32
      %dma_start3A_128 = arith.constant 0 : i32
      %dma_start3A_129 = arith.constant 0 : i32
      %dma_start3A_130 = arith.constant 0 : i32
      %dma_start3A_131 = tpu.memref_slice %arg8[%dma_start3A_128, %dma_start3A_129, %dma_start3A_130] : memref<4x128x64xf32, #tpu.memory_space<vmem>> -> memref<1x128x64xf32, #tpu.memory_space<vmem>>
      %dma_start3A_132 = tpu.memref_squeeze %dma_start3A_131 : memref<1x128x64xf32, #tpu.memory_space<vmem>> -> memref<128x64xf32, #tpu.memory_space<vmem>>
      %dma_start3A_133 = arith.constant 0 : i32
      %dma_start3A_134 = tpu.memref_slice %arg7[%add3A_127, %dma_start3A_133] : memref<76x128xi32, #tpu.memory_space<vmem>> -> memref<1x128xi32, #tpu.memory_space<vmem>>
      %dma_start3A_135 = tpu.memref_squeeze %dma_start3A_134 : memref<1x128xi32, #tpu.memory_space<vmem>> -> memref<128xi32, #tpu.memory_space<vmem>>
      %dma_start3A_136 = arith.constant 0 : i32
      %dma_start3A_137 = arith.constant 0 : i32
      %dma_start3A_138 = tpu.memref_slice %arg9[%dma_start3A_136, %dma_start3A_137] : memref<10112x64xf32, #tpu.memory_space<vmem_shared>> -> memref<10112x64xf32, #tpu.memory_space<vmem_shared>>
      tpu.enqueue_indirect_dma source(%dma_start3A_132 : memref<128x64xf32, #tpu.memory_space<vmem>>) target(%dma_start3A_138 : memref<10112x64xf32, #tpu.memory_space<vmem_shared>>) offsets(%dma_start3A_135 : memref<128xi32, #tpu.memory_space<vmem>>) semaphore(%arg11 : memref<!tpu.dma_semaphore, #tpu.memory_space<semaphore_mem>>) {add = true}
      %dma_wait3A_139 = arith.constant 1 : i32
      %dma_wait3A_140 = arith.constant 0 : i32
      %dma_wait3A_141 = arith.constant 0 : i32
      %dma_wait3A_142 = tpu.memref_slice %arg8[%dma_wait3A_139, %dma_wait3A_140, %dma_wait3A_141] : memref<4x128x64xf32, #tpu.memory_space<vmem>> -> memref<1x128x64xf32, #tpu.memory_space<vmem>>
      %dma_wait3A_143 = tpu.memref_squeeze %dma_wait3A_142 : memref<1x128x64xf32, #tpu.memory_space<vmem>> -> memref<128x64xf32, #tpu.memory_space<vmem>>
      %dma_wait3A_144 = arith.constant 0 : i32
      %dma_wait3A_145 = tpu.memref_slice %arg6[%add3A_72, %dma_wait3A_144] : memref<76x128xi32, #tpu.memory_space<vmem>> -> memref<1x128xi32, #tpu.memory_space<vmem>>
      %dma_wait3A_146 = tpu.memref_squeeze %dma_wait3A_145 : memref<1x128xi32, #tpu.memory_space<vmem>> -> memref<128xi32, #tpu.memory_space<vmem>>
      %dma_wait3A_147 = arith.constant 0 : i32
      %dma_wait3A_148 = arith.constant 0 : i32
      %dma_wait3A_149 = tpu.memref_slice %arg2[%dma_wait3A_147, %dma_wait3A_148] : memref<10000x64xf32, #tpu.memory_space<hbm>> -> memref<10000x64xf32, #tpu.memory_space<hbm>>
      tpu.wait_indirect_dma semaphore(%arg10 : memref<!tpu.dma_semaphore, #tpu.memory_space<semaphore_mem>>) src(%dma_wait3A_149 : memref<10000x64xf32, #tpu.memory_space<hbm>>) dst(%dma_wait3A_143 : memref<128x64xf32, #tpu.memory_space<vmem>>)
      %mul3A_150 = arith.constant 4 : i32
      %mul3A_151 = arith.muli %while3A_54, %mul3A_150 : i32
      %add3A_152 = arith.constant 1 : i32
      %add3A_153 = arith.addi %mul3A_151, %add3A_152 : i32
      %dma_start3A_154 = arith.constant 1 : i32
      %dma_start3A_155 = arith.constant 0 : i32
      %dma_start3A_156 = arith.constant 0 : i32
      %dma_start3A_157 = tpu.memref_slice %arg8[%dma_start3A_154, %dma_start3A_155, %dma_start3A_156] : memref<4x128x64xf32, #tpu.memory_space<vmem>> -> memref<1x128x64xf32, #tpu.memory_space<vmem>>
      %dma_start3A_158 = tpu.memref_squeeze %dma_start3A_157 : memref<1x128x64xf32, #tpu.memory_space<vmem>> -> memref<128x64xf32, #tpu.memory_space<vmem>>
      %dma_start3A_159 = arith.constant 0 : i32
      %dma_start3A_160 = tpu.memref_slice %arg7[%add3A_153, %dma_start3A_159] : memref<76x128xi32, #tpu.memory_space<vmem>> -> memref<1x128xi32, #tpu.memory_space<vmem>>
      %dma_start3A_161 = tpu.memref_squeeze %dma_start3A_160 : memref<1x128xi32, #tpu.memory_space<vmem>> -> memref<128xi32, #tpu.memory_space<vmem>>
      %dma_start3A_162 = arith.constant 0 : i32
      %dma_start3A_163 = arith.constant 0 : i32
      %dma_start3A_164 = tpu.memref_slice %arg9[%dma_start3A_162, %dma_start3A_163] : memref<10112x64xf32, #tpu.memory_space<vmem_shared>> -> memref<10112x64xf32, #tpu.memory_space<vmem_shared>>
      tpu.enqueue_indirect_dma source(%dma_start3A_158 : memref<128x64xf32, #tpu.memory_space<vmem>>) target(%dma_start3A_164 : memref<10112x64xf32, #tpu.memory_space<vmem_shared>>) offsets(%dma_start3A_161 : memref<128xi32, #tpu.memory_space<vmem>>) semaphore(%arg11 : memref<!tpu.dma_semaphore, #tpu.memory_space<semaphore_mem>>) {add = true}
      %dma_wait3A_165 = arith.constant 2 : i32
      %dma_wait3A_166 = arith.constant 0 : i32
      %dma_wait3A_167 = arith.constant 0 : i32
      %dma_wait3A_168 = tpu.memref_slice %arg8[%dma_wait3A_165, %dma_wait3A_166, %dma_wait3A_167] : memref<4x128x64xf32, #tpu.memory_space<vmem>> -> memref<1x128x64xf32, #tpu.memory_space<vmem>>
      %dma_wait3A_169 = tpu.memref_squeeze %dma_wait3A_168 : memref<1x128x64xf32, #tpu.memory_space<vmem>> -> memref<128x64xf32, #tpu.memory_space<vmem>>
      %dma_wait3A_170 = arith.constant 0 : i32
      %dma_wait3A_171 = tpu.memref_slice %arg6[%add3A_87, %dma_wait3A_170] : memref<76x128xi32, #tpu.memory_space<vmem>> -> memref<1x128xi32, #tpu.memory_space<vmem>>
      %dma_wait3A_172 = tpu.memref_squeeze %dma_wait3A_171 : memref<1x128xi32, #tpu.memory_space<vmem>> -> memref<128xi32, #tpu.memory_space<vmem>>
      %dma_wait3A_173 = arith.constant 0 : i32
      %dma_wait3A_174 = arith.constant 0 : i32
      %dma_wait3A_175 = tpu.memref_slice %arg2[%dma_wait3A_173, %dma_wait3A_174] : memref<10000x64xf32, #tpu.memory_space<hbm>> -> memref<10000x64xf32, #tpu.memory_space<hbm>>
      tpu.wait_indirect_dma semaphore(%arg10 : memref<!tpu.dma_semaphore, #tpu.memory_space<semaphore_mem>>) src(%dma_wait3A_175 : memref<10000x64xf32, #tpu.memory_space<hbm>>) dst(%dma_wait3A_169 : memref<128x64xf32, #tpu.memory_space<vmem>>)
      %mul3A_176 = arith.constant 4 : i32
      %mul3A_177 = arith.muli %while3A_54, %mul3A_176 : i32
      %add3A_178 = arith.constant 2 : i32
      %add3A_179 = arith.addi %mul3A_177, %add3A_178 : i32
      %dma_start3A_180 = arith.constant 2 : i32
      %dma_start3A_181 = arith.constant 0 : i32
      %dma_start3A_182 = arith.constant 0 : i32
      %dma_start3A_183 = tpu.memref_slice %arg8[%dma_start3A_180, %dma_start3A_181, %dma_start3A_182] : memref<4x128x64xf32, #tpu.memory_space<vmem>> -> memref<1x128x64xf32, #tpu.memory_space<vmem>>
      %dma_start3A_184 = tpu.memref_squeeze %dma_start3A_183 : memref<1x128x64xf32, #tpu.memory_space<vmem>> -> memref<128x64xf32, #tpu.memory_space<vmem>>
      %dma_start3A_185 = arith.constant 0 : i32
      %dma_start3A_186 = tpu.memref_slice %arg7[%add3A_179, %dma_start3A_185] : memref<76x128xi32, #tpu.memory_space<vmem>> -> memref<1x128xi32, #tpu.memory_space<vmem>>
      %dma_start3A_187 = tpu.memref_squeeze %dma_start3A_186 : memref<1x128xi32, #tpu.memory_space<vmem>> -> memref<128xi32, #tpu.memory_space<vmem>>
      %dma_start3A_188 = arith.constant 0 : i32
      %dma_start3A_189 = arith.constant 0 : i32
      %dma_start3A_190 = tpu.memref_slice %arg9[%dma_start3A_188, %dma_start3A_189] : memref<10112x64xf32, #tpu.memory_space<vmem_shared>> -> memref<10112x64xf32, #tpu.memory_space<vmem_shared>>
      tpu.enqueue_indirect_dma source(%dma_start3A_184 : memref<128x64xf32, #tpu.memory_space<vmem>>) target(%dma_start3A_190 : memref<10112x64xf32, #tpu.memory_space<vmem_shared>>) offsets(%dma_start3A_187 : memref<128xi32, #tpu.memory_space<vmem>>) semaphore(%arg11 : memref<!tpu.dma_semaphore, #tpu.memory_space<semaphore_mem>>) {add = true}
      %dma_wait3A_191 = arith.constant 3 : i32
      %dma_wait3A_192 = arith.constant 0 : i32
      %dma_wait3A_193 = arith.constant 0 : i32
      %dma_wait3A_194 = tpu.memref_slice %arg8[%dma_wait3A_191, %dma_wait3A_192, %dma_wait3A_193] : memref<4x128x64xf32, #tpu.memory_space<vmem>> -> memref<1x128x64xf32, #tpu.memory_space<vmem>>
      %dma_wait3A_195 = tpu.memref_squeeze %dma_wait3A_194 : memref<1x128x64xf32, #tpu.memory_space<vmem>> -> memref<128x64xf32, #tpu.memory_space<vmem>>
      %dma_wait3A_196 = arith.constant 0 : i32
      %dma_wait3A_197 = tpu.memref_slice %arg6[%add3A_102, %dma_wait3A_196] : memref<76x128xi32, #tpu.memory_space<vmem>> -> memref<1x128xi32, #tpu.memory_space<vmem>>
      %dma_wait3A_198 = tpu.memref_squeeze %dma_wait3A_197 : memref<1x128xi32, #tpu.memory_space<vmem>> -> memref<128xi32, #tpu.memory_space<vmem>>
      %dma_wait3A_199 = arith.constant 0 : i32
      %dma_wait3A_200 = arith.constant 0 : i32
      %dma_wait3A_201 = tpu.memref_slice %arg2[%dma_wait3A_199, %dma_wait3A_200] : memref<10000x64xf32, #tpu.memory_space<hbm>> -> memref<10000x64xf32, #tpu.memory_space<hbm>>
      tpu.wait_indirect_dma semaphore(%arg10 : memref<!tpu.dma_semaphore, #tpu.memory_space<semaphore_mem>>) src(%dma_wait3A_201 : memref<10000x64xf32, #tpu.memory_space<hbm>>) dst(%dma_wait3A_195 : memref<128x64xf32, #tpu.memory_space<vmem>>)
      %mul3A_202 = arith.constant 4 : i32
      %mul3A_203 = arith.muli %while3A_54, %mul3A_202 : i32
      %add3A_204 = arith.constant 3 : i32
      %add3A_205 = arith.addi %mul3A_203, %add3A_204 : i32
      %dma_start3A_206 = arith.constant 3 : i32
      %dma_start3A_207 = arith.constant 0 : i32
      %dma_start3A_208 = arith.constant 0 : i32
      %dma_start3A_209 = tpu.memref_slice %arg8[%dma_start3A_206, %dma_start3A_207, %dma_start3A_208] : memref<4x128x64xf32, #tpu.memory_space<vmem>> -> memref<1x128x64xf32, #tpu.memory_space<vmem>>
      %dma_start3A_210 = tpu.memref_squeeze %dma_start3A_209 : memref<1x128x64xf32, #tpu.memory_space<vmem>> -> memref<128x64xf32, #tpu.memory_space<vmem>>
      %dma_start3A_211 = arith.constant 0 : i32
      %dma_start3A_212 = tpu.memref_slice %arg7[%add3A_205, %dma_start3A_211] : memref<76x128xi32, #tpu.memory_space<vmem>> -> memref<1x128xi32, #tpu.memory_space<vmem>>
      %dma_start3A_213 = tpu.memref_squeeze %dma_start3A_212 : memref<1x128xi32, #tpu.memory_space<vmem>> -> memref<128xi32, #tpu.memory_space<vmem>>
      %dma_start3A_214 = arith.constant 0 : i32
      %dma_start3A_215 = arith.constant 0 : i32
      %dma_start3A_216 = tpu.memref_slice %arg9[%dma_start3A_214, %dma_start3A_215] : memref<10112x64xf32, #tpu.memory_space<vmem_shared>> -> memref<10112x64xf32, #tpu.memory_space<vmem_shared>>
      tpu.enqueue_indirect_dma source(%dma_start3A_210 : memref<128x64xf32, #tpu.memory_space<vmem>>) target(%dma_start3A_216 : memref<10112x64xf32, #tpu.memory_space<vmem_shared>>) offsets(%dma_start3A_213 : memref<128xi32, #tpu.memory_space<vmem>>) semaphore(%arg11 : memref<!tpu.dma_semaphore, #tpu.memory_space<semaphore_mem>>) {add = true}
      %dma_wait3A_217 = arith.constant 0 : i32
      %dma_wait3A_218 = arith.constant 0 : i32
      %dma_wait3A_219 = arith.constant 0 : i32
      %dma_wait3A_220 = tpu.memref_slice %arg8[%dma_wait3A_217, %dma_wait3A_218, %dma_wait3A_219] : memref<4x128x64xf32, #tpu.memory_space<vmem>> -> memref<1x128x64xf32, #tpu.memory_space<vmem>>
      %dma_wait3A_221 = tpu.memref_squeeze %dma_wait3A_220 : memref<1x128x64xf32, #tpu.memory_space<vmem>> -> memref<128x64xf32, #tpu.memory_space<vmem>>
      %dma_wait3A_222 = arith.constant 0 : i32
      %dma_wait3A_223 = tpu.memref_slice %arg7[%add3A_127, %dma_wait3A_222] : memref<76x128xi32, #tpu.memory_space<vmem>> -> memref<1x128xi32, #tpu.memory_space<vmem>>
      %dma_wait3A_224 = tpu.memref_squeeze %dma_wait3A_223 : memref<1x128xi32, #tpu.memory_space<vmem>> -> memref<128xi32, #tpu.memory_space<vmem>>
      %dma_wait3A_225 = arith.constant 0 : i32
      %dma_wait3A_226 = arith.constant 0 : i32
      %dma_wait3A_227 = tpu.memref_slice %arg9[%dma_wait3A_225, %dma_wait3A_226] : memref<10112x64xf32, #tpu.memory_space<vmem_shared>> -> memref<10112x64xf32, #tpu.memory_space<vmem_shared>>
      tpu.wait_indirect_dma semaphore(%arg11 : memref<!tpu.dma_semaphore, #tpu.memory_space<semaphore_mem>>) src(%dma_wait3A_221 : memref<128x64xf32, #tpu.memory_space<vmem>>) dst(%dma_wait3A_227 : memref<10112x64xf32, #tpu.memory_space<vmem_shared>>)
      %dma_wait3A_228 = arith.constant 1 : i32
      %dma_wait3A_229 = arith.constant 0 : i32
      %dma_wait3A_230 = arith.constant 0 : i32
      %dma_wait3A_231 = tpu.memref_slice %arg8[%dma_wait3A_228, %dma_wait3A_229, %dma_wait3A_230] : memref<4x128x64xf32, #tpu.memory_space<vmem>> -> memref<1x128x64xf32, #tpu.memory_space<vmem>>
      %dma_wait3A_232 = tpu.memref_squeeze %dma_wait3A_231 : memref<1x128x64xf32, #tpu.memory_space<vmem>> -> memref<128x64xf32, #tpu.memory_space<vmem>>
      %dma_wait3A_233 = arith.constant 0 : i32
      %dma_wait3A_234 = tpu.memref_slice %arg7[%add3A_153, %dma_wait3A_233] : memref<76x128xi32, #tpu.memory_space<vmem>> -> memref<1x128xi32, #tpu.memory_space<vmem>>
      %dma_wait3A_235 = tpu.memref_squeeze %dma_wait3A_234 : memref<1x128xi32, #tpu.memory_space<vmem>> -> memref<128xi32, #tpu.memory_space<vmem>>
      %dma_wait3A_236 = arith.constant 0 : i32
      %dma_wait3A_237 = arith.constant 0 : i32
      %dma_wait3A_238 = tpu.memref_slice %arg9[%dma_wait3A_236, %dma_wait3A_237] : memref<10112x64xf32, #tpu.memory_space<vmem_shared>> -> memref<10112x64xf32, #tpu.memory_space<vmem_shared>>
      tpu.wait_indirect_dma semaphore(%arg11 : memref<!tpu.dma_semaphore, #tpu.memory_space<semaphore_mem>>) src(%dma_wait3A_232 : memref<128x64xf32, #tpu.memory_space<vmem>>) dst(%dma_wait3A_238 : memref<10112x64xf32, #tpu.memory_space<vmem_shared>>)
      %dma_wait3A_239 = arith.constant 2 : i32
      %dma_wait3A_240 = arith.constant 0 : i32
      %dma_wait3A_241 = arith.constant 0 : i32
      %dma_wait3A_242 = tpu.memref_slice %arg8[%dma_wait3A_239, %dma_wait3A_240, %dma_wait3A_241] : memref<4x128x64xf32, #tpu.memory_space<vmem>> -> memref<1x128x64xf32, #tpu.memory_space<vmem>>
      %dma_wait3A_243 = tpu.memref_squeeze %dma_wait3A_242 : memref<1x128x64xf32, #tpu.memory_space<vmem>> -> memref<128x64xf32, #tpu.memory_space<vmem>>
      %dma_wait3A_244 = arith.constant 0 : i32
      %dma_wait3A_245 = tpu.memref_slice %arg7[%add3A_179, %dma_wait3A_244] : memref<76x128xi32, #tpu.memory_space<vmem>> -> memref<1x128xi32, #tpu.memory_space<vmem>>
      %dma_wait3A_246 = tpu.memref_squeeze %dma_wait3A_245 : memref<1x128xi32, #tpu.memory_space<vmem>> -> memref<128xi32, #tpu.memory_space<vmem>>
      %dma_wait3A_247 = arith.constant 0 : i32
      %dma_wait3A_248 = arith.constant 0 : i32
      %dma_wait3A_249 = tpu.memref_slice %arg9[%dma_wait3A_247, %dma_wait3A_248] : memref<10112x64xf32, #tpu.memory_space<vmem_shared>> -> memref<10112x64xf32, #tpu.memory_space<vmem_shared>>
      tpu.wait_indirect_dma semaphore(%arg11 : memref<!tpu.dma_semaphore, #tpu.memory_space<semaphore_mem>>) src(%dma_wait3A_243 : memref<128x64xf32, #tpu.memory_space<vmem>>) dst(%dma_wait3A_249 : memref<10112x64xf32, #tpu.memory_space<vmem_shared>>)
      %dma_wait3A_250 = arith.constant 3 : i32
      %dma_wait3A_251 = arith.constant 0 : i32
      %dma_wait3A_252 = arith.constant 0 : i32
      %dma_wait3A_253 = tpu.memref_slice %arg8[%dma_wait3A_250, %dma_wait3A_251, %dma_wait3A_252] : memref<4x128x64xf32, #tpu.memory_space<vmem>> -> memref<1x128x64xf32, #tpu.memory_space<vmem>>
      %dma_wait3A_254 = tpu.memref_squeeze %dma_wait3A_253 : memref<1x128x64xf32, #tpu.memory_space<vmem>> -> memref<128x64xf32, #tpu.memory_space<vmem>>
      %dma_wait3A_255 = arith.constant 0 : i32
      %dma_wait3A_256 = tpu.memref_slice %arg7[%add3A_205, %dma_wait3A_255] : memref<76x128xi32, #tpu.memory_space<vmem>> -> memref<1x128xi32, #tpu.memory_space<vmem>>
      %dma_wait3A_257 = tpu.memref_squeeze %dma_wait3A_256 : memref<1x128xi32, #tpu.memory_space<vmem>> -> memref<128xi32, #tpu.memory_space<vmem>>
      %dma_wait3A_258 = arith.constant 0 : i32
      %dma_wait3A_259 = arith.constant 0 : i32
      %dma_wait3A_260 = tpu.memref_slice %arg9[%dma_wait3A_258, %dma_wait3A_259] : memref<10112x64xf32, #tpu.memory_space<vmem_shared>> -> memref<10112x64xf32, #tpu.memory_space<vmem_shared>>
      tpu.wait_indirect_dma semaphore(%arg11 : memref<!tpu.dma_semaphore, #tpu.memory_space<semaphore_mem>>) src(%dma_wait3A_254 : memref<128x64xf32, #tpu.memory_space<vmem>>) dst(%dma_wait3A_260 : memref<10112x64xf32, #tpu.memory_space<vmem_shared>>)
    }
    %while3A_34 = arith.constant 1 : i32
    scf.for %while3A_54 = %while3A_32 to %while3A_28 step %while3A_34  : i32 {
      %mul3A_55 = arith.constant 4 : i32
      %mul3A_56 = arith.muli %while3A_54, %mul3A_55 : i32
      %add3A_57 = arith.constant 0 : i32
      %add3A_58 = arith.addi %mul3A_56, %add3A_57 : i32
      %dma_start3A = arith.constant 0 : i32
      %dma_start3A_59 = arith.constant 0 : i32
      %dma_start3A_60 = arith.constant 0 : i32
      %dma_start3A_61 = tpu.memref_slice %arg8[%dma_start3A, %dma_start3A_59, %dma_start3A_60] : memref<4x128x64xf32, #tpu.memory_space<vmem>> -> memref<1x128x64xf32, #tpu.memory_space<vmem>>
      %dma_start3A_62 = tpu.memref_squeeze %dma_start3A_61 : memref<1x128x64xf32, #tpu.memory_space<vmem>> -> memref<128x64xf32, #tpu.memory_space<vmem>>
      %dma_start3A_63 = arith.constant 0 : i32
      %dma_start3A_64 = tpu.memref_slice %arg6[%add3A_58, %dma_start3A_63] : memref<76x128xi32, #tpu.memory_space<vmem>> -> memref<1x128xi32, #tpu.memory_space<vmem>>
      %dma_start3A_65 = tpu.memref_squeeze %dma_start3A_64 : memref<1x128xi32, #tpu.memory_space<vmem>> -> memref<128xi32, #tpu.memory_space<vmem>>
      %dma_start3A_66 = arith.constant 0 : i32
      %dma_start3A_67 = arith.constant 0 : i32
      %dma_start3A_68 = tpu.memref_slice %arg2[%dma_start3A_66, %dma_start3A_67] : memref<10000x64xf32, #tpu.memory_space<hbm>> -> memref<10000x64xf32, #tpu.memory_space<hbm>>
      tpu.enqueue_indirect_dma source(%dma_start3A_68 : memref<10000x64xf32, #tpu.memory_space<hbm>>) target(%dma_start3A_62 : memref<128x64xf32, #tpu.memory_space<vmem>>) offsets(%dma_start3A_65 : memref<128xi32, #tpu.memory_space<vmem>>) semaphore(%arg10 : memref<!tpu.dma_semaphore, #tpu.memory_space<semaphore_mem>>)
      %mul3A_69 = arith.constant 4 : i32
      %mul3A_70 = arith.muli %while3A_54, %mul3A_69 : i32
      %add3A_71 = arith.constant 1 : i32
      %add3A_72 = arith.addi %mul3A_70, %add3A_71 : i32
      %dma_start3A_73 = arith.constant 1 : i32
      %dma_start3A_74 = arith.constant 0 : i32
      %dma_start3A_75 = arith.constant 0 : i32
      %dma_start3A_76 = tpu.memref_slice %arg8[%dma_start3A_73, %dma_start3A_74, %dma_start3A_75] : memref<4x128x64xf32, #tpu.memory_space<vmem>> -> memref<1x128x64xf32, #tpu.memory_space<vmem>>
      %dma_start3A_77 = tpu.memref_squeeze %dma_start3A_76 : memref<1x128x64xf32, #tpu.memory_space<vmem>> -> memref<128x64xf32, #tpu.memory_space<vmem>>
      %dma_start3A_78 = arith.constant 0 : i32
      %dma_start3A_79 = tpu.memref_slice %arg6[%add3A_72, %dma_start3A_78] : memref<76x128xi32, #tpu.memory_space<vmem>> -> memref<1x128xi32, #tpu.memory_space<vmem>>
      %dma_start3A_80 = tpu.memref_squeeze %dma_start3A_79 : memref<1x128xi32, #tpu.memory_space<vmem>> -> memref<128xi32, #tpu.memory_space<vmem>>
      %dma_start3A_81 = arith.constant 0 : i32
      %dma_start3A_82 = arith.constant 0 : i32
      %dma_start3A_83 = tpu.memref_slice %arg2[%dma_start3A_81, %dma_start3A_82] : memref<10000x64xf32, #tpu.memory_space<hbm>> -> memref<10000x64xf32, #tpu.memory_space<hbm>>
      tpu.enqueue_indirect_dma source(%dma_start3A_83 : memref<10000x64xf32, #tpu.memory_space<hbm>>) target(%dma_start3A_77 : memref<128x64xf32, #tpu.memory_space<vmem>>) offsets(%dma_start3A_80 : memref<128xi32, #tpu.memory_space<vmem>>) semaphore(%arg10 : memref<!tpu.dma_semaphore, #tpu.memory_space<semaphore_mem>>)
      %mul3A_84 = arith.constant 4 : i32
      %mul3A_85 = arith.muli %while3A_54, %mul3A_84 : i32
      %add3A_86 = arith.constant 2 : i32
      %add3A_87 = arith.addi %mul3A_85, %add3A_86 : i32
      %dma_start3A_88 = arith.constant 2 : i32
      %dma_start3A_89 = arith.constant 0 : i32
      %dma_start3A_90 = arith.constant 0 : i32
      %dma_start3A_91 = tpu.memref_slice %arg8[%dma_start3A_88, %dma_start3A_89, %dma_start3A_90] : memref<4x128x64xf32, #tpu.memory_space<vmem>> -> memref<1x128x64xf32, #tpu.memory_space<vmem>>
      %dma_start3A_92 = tpu.memref_squeeze %dma_start3A_91 : memref<1x128x64xf32, #tpu.memory_space<vmem>> -> memref<128x64xf32, #tpu.memory_space<vmem>>
      %dma_start3A_93 = arith.constant 0 : i32
      %dma_start3A_94 = tpu.memref_slice %arg6[%add3A_87, %dma_start3A_93] : memref<76x128xi32, #tpu.memory_space<vmem>> -> memref<1x128xi32, #tpu.memory_space<vmem>>
      %dma_start3A_95 = tpu.memref_squeeze %dma_start3A_94 : memref<1x128xi32, #tpu.memory_space<vmem>> -> memref<128xi32, #tpu.memory_space<vmem>>
      %dma_start3A_96 = arith.constant 0 : i32
      %dma_start3A_97 = arith.constant 0 : i32
      %dma_start3A_98 = tpu.memref_slice %arg2[%dma_start3A_96, %dma_start3A_97] : memref<10000x64xf32, #tpu.memory_space<hbm>> -> memref<10000x64xf32, #tpu.memory_space<hbm>>
      tpu.enqueue_indirect_dma source(%dma_start3A_98 : memref<10000x64xf32, #tpu.memory_space<hbm>>) target(%dma_start3A_92 : memref<128x64xf32, #tpu.memory_space<vmem>>) offsets(%dma_start3A_95 : memref<128xi32, #tpu.memory_space<vmem>>) semaphore(%arg10 : memref<!tpu.dma_semaphore, #tpu.memory_space<semaphore_mem>>)
      %mul3A_99 = arith.constant 4 : i32
      %mul3A_100 = arith.muli %while3A_54, %mul3A_99 : i32
      %add3A_101 = arith.constant 3 : i32
      %add3A_102 = arith.addi %mul3A_100, %add3A_101 : i32
      %dma_start3A_103 = arith.constant 3 : i32
      %dma_start3A_104 = arith.constant 0 : i32
      %dma_start3A_105 = arith.constant 0 : i32
      %dma_start3A_106 = tpu.memref_slice %arg8[%dma_start3A_103, %dma_start3A_104, %dma_start3A_105] : memref<4x128x64xf32, #tpu.memory_space<vmem>> -> memref<1x128x64xf32, #tpu.memory_space<vmem>>
      %dma_start3A_107 = tpu.memref_squeeze %dma_start3A_106 : memref<1x128x64xf32, #tpu.memory_space<vmem>> -> memref<128x64xf32, #tpu.memory_space<vmem>>
      %dma_start3A_108 = arith.constant 0 : i32
      %dma_start3A_109 = tpu.memref_slice %arg6[%add3A_102, %dma_start3A_108] : memref<76x128xi32, #tpu.memory_space<vmem>> -> memref<1x128xi32, #tpu.memory_space<vmem>>
      %dma_start3A_110 = tpu.memref_squeeze %dma_start3A_109 : memref<1x128xi32, #tpu.memory_space<vmem>> -> memref<128xi32, #tpu.memory_space<vmem>>
      %dma_start3A_111 = arith.constant 0 : i32
      %dma_start3A_112 = arith.constant 0 : i32
      %dma_start3A_113 = tpu.memref_slice %arg2[%dma_start3A_111, %dma_start3A_112] : memref<10000x64xf32, #tpu.memory_space<hbm>> -> memref<10000x64xf32, #tpu.memory_space<hbm>>
      tpu.enqueue_indirect_dma source(%dma_start3A_113 : memref<10000x64xf32, #tpu.memory_space<hbm>>) target(%dma_start3A_107 : memref<128x64xf32, #tpu.memory_space<vmem>>) offsets(%dma_start3A_110 : memref<128xi32, #tpu.memory_space<vmem>>) semaphore(%arg10 : memref<!tpu.dma_semaphore, #tpu.memory_space<semaphore_mem>>)
      %dma_wait3A = arith.constant 0 : i32
      %dma_wait3A_114 = arith.constant 0 : i32
      %dma_wait3A_115 = arith.constant 0 : i32
      %dma_wait3A_116 = tpu.memref_slice %arg8[%dma_wait3A, %dma_wait3A_114, %dma_wait3A_115] : memref<4x128x64xf32, #tpu.memory_space<vmem>> -> memref<1x128x64xf32, #tpu.memory_space<vmem>>
      %dma_wait3A_117 = tpu.memref_squeeze %dma_wait3A_116 : memref<1x128x64xf32, #tpu.memory_space<vmem>> -> memref<128x64xf32, #tpu.memory_space<vmem>>
      %dma_wait3A_118 = arith.constant 0 : i32
      %dma_wait3A_119 = tpu.memref_slice %arg6[%add3A_58, %dma_wait3A_118] : memref<76x128xi32, #tpu.memory_space<vmem>> -> memref<1x128xi32, #tpu.memory_space<vmem>>
      %dma_wait3A_120 = tpu.memref_squeeze %dma_wait3A_119 : memref<1x128xi32, #tpu.memory_space<vmem>> -> memref<128xi32, #tpu.memory_space<vmem>>
      %dma_wait3A_121 = arith.constant 0 : i32
      %dma_wait3A_122 = arith.constant 0 : i32
      %dma_wait3A_123 = tpu.memref_slice %arg2[%dma_wait3A_121, %dma_wait3A_122] : memref<10000x64xf32, #tpu.memory_space<hbm>> -> memref<10000x64xf32, #tpu.memory_space<hbm>>
      tpu.wait_indirect_dma semaphore(%arg10 : memref<!tpu.dma_semaphore, #tpu.memory_space<semaphore_mem>>) src(%dma_wait3A_123 : memref<10000x64xf32, #tpu.memory_space<hbm>>) dst(%dma_wait3A_117 : memref<128x64xf32, #tpu.memory_space<vmem>>)
      %mul3A_124 = arith.constant 4 : i32
      %mul3A_125 = arith.muli %while3A_54, %mul3A_124 : i32
      %add3A_126 = arith.constant 0 : i32
      %add3A_127 = arith.addi %mul3A_125, %add3A_126 : i32
      %dma_start3A_128 = arith.constant 0 : i32
      %dma_start3A_129 = arith.constant 0 : i32
      %dma_start3A_130 = arith.constant 0 : i32
      %dma_start3A_131 = tpu.memref_slice %arg8[%dma_start3A_128, %dma_start3A_129, %dma_start3A_130] : memref<4x128x64xf32, #tpu.memory_space<vmem>> -> memref<1x128x64xf32, #tpu.memory_space<vmem>>
      %dma_start3A_132 = tpu.memref_squeeze %dma_start3A_131 : memref<1x128x64xf32, #tpu.memory_space<vmem>> -> memref<128x64xf32, #tpu.memory_space<vmem>>
      %dma_start3A_133 = arith.constant 0 : i32
      %dma_start3A_134 = tpu.memref_slice %arg7[%add3A_127, %dma_start3A_133] : memref<76x128xi32, #tpu.memory_space<vmem>> -> memref<1x128xi32, #tpu.memory_space<vmem>>
      %dma_start3A_135 = tpu.memref_squeeze %dma_start3A_134 : memref<1x128xi32, #tpu.memory_space<vmem>> -> memref<128xi32, #tpu.memory_space<vmem>>
      %dma_start3A_136 = arith.constant 0 : i32
      %dma_start3A_137 = arith.constant 0 : i32
      %dma_start3A_138 = tpu.memref_slice %arg9[%dma_start3A_136, %dma_start3A_137] : memref<10112x64xf32, #tpu.memory_space<vmem_shared>> -> memref<10112x64xf32, #tpu.memory_space<vmem_shared>>
      tpu.enqueue_indirect_dma source(%dma_start3A_132 : memref<128x64xf32, #tpu.memory_space<vmem>>) target(%dma_start3A_138 : memref<10112x64xf32, #tpu.memory_space<vmem_shared>>) offsets(%dma_start3A_135 : memref<128xi32, #tpu.memory_space<vmem>>) semaphore(%arg11 : memref<!tpu.dma_semaphore, #tpu.memory_space<semaphore_mem>>) {add = true}
      %dma_wait3A_139 = arith.constant 1 : i32
      %dma_wait3A_140 = arith.constant 0 : i32
      %dma_wait3A_141 = arith.constant 0 : i32
      %dma_wait3A_142 = tpu.memref_slice %arg8[%dma_wait3A_139, %dma_wait3A_140, %dma_wait3A_141] : memref<4x128x64xf32, #tpu.memory_space<vmem>> -> memref<1x128x64xf32, #tpu.memory_space<vmem>>
      %dma_wait3A_143 = tpu.memref_squeeze %dma_wait3A_142 : memref<1x128x64xf32, #tpu.memory_space<vmem>> -> memref<128x64xf32, #tpu.memory_space<vmem>>
      %dma_wait3A_144 = arith.constant 0 : i32
      %dma_wait3A_145 = tpu.memref_slice %arg6[%add3A_72, %dma_wait3A_144] : memref<76x128xi32, #tpu.memory_space<vmem>> -> memref<1x128xi32, #tpu.memory_space<vmem>>
      %dma_wait3A_146 = tpu.memref_squeeze %dma_wait3A_145 : memref<1x128xi32, #tpu.memory_space<vmem>> -> memref<128xi32, #tpu.memory_space<vmem>>
      %dma_wait3A_147 = arith.constant 0 : i32
      %dma_wait3A_148 = arith.constant 0 : i32
      %dma_wait3A_149 = tpu.memref_slice %arg2[%dma_wait3A_147, %dma_wait3A_148] : memref<10000x64xf32, #tpu.memory_space<hbm>> -> memref<10000x64xf32, #tpu.memory_space<hbm>>
      tpu.wait_indirect_dma semaphore(%arg10 : memref<!tpu.dma_semaphore, #tpu.memory_space<semaphore_mem>>) src(%dma_wait3A_149 : memref<10000x64xf32, #tpu.memory_space<hbm>>) dst(%dma_wait3A_143 : memref<128x64xf32, #tpu.memory_space<vmem>>)
      %mul3A_150 = arith.constant 4 : i32
      %mul3A_151 = arith.muli %while3A_54, %mul3A_150 : i32
      %add3A_152 = arith.constant 1 : i32
      %add3A_153 = arith.addi %mul3A_151, %add3A_152 : i32
      %dma_start3A_154 = arith.constant 1 : i32
      %dma_start3A_155 = arith.constant 0 : i32
      %dma_start3A_156 = arith.constant 0 : i32
      %dma_start3A_157 = tpu.memref_slice %arg8[%dma_start3A_154, %dma_start3A_155, %dma_start3A_156] : memref<4x128x64xf32, #tpu.memory_space<vmem>> -> memref<1x128x64xf32, #tpu.memory_space<vmem>>
      %dma_start3A_158 = tpu.memref_squeeze %dma_start3A_157 : memref<1x128x64xf32, #tpu.memory_space<vmem>> -> memref<128x64xf32, #tpu.memory_space<vmem>>
      %dma_start3A_159 = arith.constant 0 : i32
      %dma_start3A_160 = tpu.memref_slice %arg7[%add3A_153, %dma_start3A_159] : memref<76x128xi32, #tpu.memory_space<vmem>> -> memref<1x128xi32, #tpu.memory_space<vmem>>
      %dma_start3A_161 = tpu.memref_squeeze %dma_start3A_160 : memref<1x128xi32, #tpu.memory_space<vmem>> -> memref<128xi32, #tpu.memory_space<vmem>>
      %dma_start3A_162 = arith.constant 0 : i32
      %dma_start3A_163 = arith.constant 0 : i32
      %dma_start3A_164 = tpu.memref_slice %arg9[%dma_start3A_162, %dma_start3A_163] : memref<10112x64xf32, #tpu.memory_space<vmem_shared>> -> memref<10112x64xf32, #tpu.memory_space<vmem_shared>>
      tpu.enqueue_indirect_dma source(%dma_start3A_158 : memref<128x64xf32, #tpu.memory_space<vmem>>) target(%dma_start3A_164 : memref<10112x64xf32, #tpu.memory_space<vmem_shared>>) offsets(%dma_start3A_161 : memref<128xi32, #tpu.memory_space<vmem>>) semaphore(%arg11 : memref<!tpu.dma_semaphore, #tpu.memory_space<semaphore_mem>>) {add = true}
      %dma_wait3A_165 = arith.constant 2 : i32
      %dma_wait3A_166 = arith.constant 0 : i32
      %dma_wait3A_167 = arith.constant 0 : i32
      %dma_wait3A_168 = tpu.memref_slice %arg8[%dma_wait3A_165, %dma_wait3A_166, %dma_wait3A_167] : memref<4x128x64xf32, #tpu.memory_space<vmem>> -> memref<1x128x64xf32, #tpu.memory_space<vmem>>
      %dma_wait3A_169 = tpu.memref_squeeze %dma_wait3A_168 : memref<1x128x64xf32, #tpu.memory_space<vmem>> -> memref<128x64xf32, #tpu.memory_space<vmem>>
      %dma_wait3A_170 = arith.constant 0 : i32
      %dma_wait3A_171 = tpu.memref_slice %arg6[%add3A_87, %dma_wait3A_170] : memref<76x128xi32, #tpu.memory_space<vmem>> -> memref<1x128xi32, #tpu.memory_space<vmem>>
      %dma_wait3A_172 = tpu.memref_squeeze %dma_wait3A_171 : memref<1x128xi32, #tpu.memory_space<vmem>> -> memref<128xi32, #tpu.memory_space<vmem>>
      %dma_wait3A_173 = arith.constant 0 : i32
      %dma_wait3A_174 = arith.constant 0 : i32
      %dma_wait3A_175 = tpu.memref_slice %arg2[%dma_wait3A_173, %dma_wait3A_174] : memref<10000x64xf32, #tpu.memory_space<hbm>> -> memref<10000x64xf32, #tpu.memory_space<hbm>>
      tpu.wait_indirect_dma semaphore(%arg10 : memref<!tpu.dma_semaphore, #tpu.memory_space<semaphore_mem>>) src(%dma_wait3A_175 : memref<10000x64xf32, #tpu.memory_space<hbm>>) dst(%dma_wait3A_169 : memref<128x64xf32, #tpu.memory_space<vmem>>)
      %mul3A_176 = arith.constant 4 : i32
      %mul3A_177 = arith.muli %while3A_54, %mul3A_176 : i32
      %add3A_178 = arith.constant 2 : i32
      %add3A_179 = arith.addi %mul3A_177, %add3A_178 : i32
      %dma_start3A_180 = arith.constant 2 : i32
      %dma_start3A_181 = arith.constant 0 : i32
      %dma_start3A_182 = arith.constant 0 : i32
      %dma_start3A_183 = tpu.memref_slice %arg8[%dma_start3A_180, %dma_start3A_181, %dma_start3A_182] : memref<4x128x64xf32, #tpu.memory_space<vmem>> -> memref<1x128x64xf32, #tpu.memory_space<vmem>>
      %dma_start3A_184 = tpu.memref_squeeze %dma_start3A_183 : memref<1x128x64xf32, #tpu.memory_space<vmem>> -> memref<128x64xf32, #tpu.memory_space<vmem>>
      %dma_start3A_185 = arith.constant 0 : i32
      %dma_start3A_186 = tpu.memref_slice %arg7[%add3A_179, %dma_start3A_185] : memref<76x128xi32, #tpu.memory_space<vmem>> -> memref<1x128xi32, #tpu.memory_space<vmem>>
      %dma_start3A_187 = tpu.memref_squeeze %dma_start3A_186 : memref<1x128xi32, #tpu.memory_space<vmem>> -> memref<128xi32, #tpu.memory_space<vmem>>
      %dma_start3A_188 = arith.constant 0 : i32
      %dma_start3A_189 = arith.constant 0 : i32
      %dma_start3A_190 = tpu.memref_slice %arg9[%dma_start3A_188, %dma_start3A_189] : memref<10112x64xf32, #tpu.memory_space<vmem_shared>> -> memref<10112x64xf32, #tpu.memory_space<vmem_shared>>
      tpu.enqueue_indirect_dma source(%dma_start3A_184 : memref<128x64xf32, #tpu.memory_space<vmem>>) target(%dma_start3A_190 : memref<10112x64xf32, #tpu.memory_space<vmem_shared>>) offsets(%dma_start3A_187 : memref<128xi32, #tpu.memory_space<vmem>>) semaphore(%arg11 : memref<!tpu.dma_semaphore, #tpu.memory_space<semaphore_mem>>) {add = true}
      %dma_wait3A_191 = arith.constant 3 : i32
      %dma_wait3A_192 = arith.constant 0 : i32
      %dma_wait3A_193 = arith.constant 0 : i32
      %dma_wait3A_194 = tpu.memref_slice %arg8[%dma_wait3A_191, %dma_wait3A_192, %dma_wait3A_193] : memref<4x128x64xf32, #tpu.memory_space<vmem>> -> memref<1x128x64xf32, #tpu.memory_space<vmem>>
      %dma_wait3A_195 = tpu.memref_squeeze %dma_wait3A_194 : memref<1x128x64xf32, #tpu.memory_space<vmem>> -> memref<128x64xf32, #tpu.memory_space<vmem>>
      %dma_wait3A_196 = arith.constant 0 : i32
      %dma_wait3A_197 = tpu.memref_slice %arg6[%add3A_102, %dma_wait3A_196] : memref<76x128xi32, #tpu.memory_space<vmem>> -> memref<1x128xi32, #tpu.memory_space<vmem>>
      %dma_wait3A_198 = tpu.memref_squeeze %dma_wait3A_197 : memref<1x128xi32, #tpu.memory_space<vmem>> -> memref<128xi32, #tpu.memory_space<vmem>>
      %dma_wait3A_199 = arith.constant 0 : i32
      %dma_wait3A_200 = arith.constant 0 : i32
      %dma_wait3A_201 = tpu.memref_slice %arg2[%dma_wait3A_199, %dma_wait3A_200] : memref<10000x64xf32, #tpu.memory_space<hbm>> -> memref<10000x64xf32, #tpu.memory_space<hbm>>
      tpu.wait_indirect_dma semaphore(%arg10 : memref<!tpu.dma_semaphore, #tpu.memory_space<semaphore_mem>>) src(%dma_wait3A_201 : memref<10000x64xf32, #tpu.memory_space<hbm>>) dst(%dma_wait3A_195 : memref<128x64xf32, #tpu.memory_space<vmem>>)
      %mul3A_202 = arith.constant 4 : i32
      %mul3A_203 = arith.muli %while3A_54, %mul3A_202 : i32
      %add3A_204 = arith.constant 3 : i32
      %add3A_205 = arith.addi %mul3A_203, %add3A_204 : i32
      %dma_start3A_206 = arith.constant 3 : i32
      %dma_start3A_207 = arith.constant 0 : i32
      %dma_start3A_208 = arith.constant 0 : i32
      %dma_start3A_209 = tpu.memref_slice %arg8[%dma_start3A_206, %dma_start3A_207, %dma_start3A_208] : memref<4x128x64xf32, #tpu.memory_space<vmem>> -> memref<1x128x64xf32, #tpu.memory_space<vmem>>
      %dma_start3A_210 = tpu.memref_squeeze %dma_start3A_209 : memref<1x128x64xf32, #tpu.memory_space<vmem>> -> memref<128x64xf32, #tpu.memory_space<vmem>>
      %dma_start3A_211 = arith.constant 0 : i32
      %dma_start3A_212 = tpu.memref_slice %arg7[%add3A_205, %dma_start3A_211] : memref<76x128xi32, #tpu.memory_space<vmem>> -> memref<1x128xi32, #tpu.memory_space<vmem>>
      %dma_start3A_213 = tpu.memref_squeeze %dma_start3A_212 : memref<1x128xi32, #tpu.memory_space<vmem>> -> memref<128xi32, #tpu.memory_space<vmem>>
      %dma_start3A_214 = arith.constant 0 : i32
      %dma_start3A_215 = arith.constant 0 : i32
      %dma_start3A_216 = tpu.memref_slice %arg9[%dma_start3A_214, %dma_start3A_215] : memref<10112x64xf32, #tpu.memory_space<vmem_shared>> -> memref<10112x64xf32, #tpu.memory_space<vmem_shared>>
      tpu.enqueue_indirect_dma source(%dma_start3A_210 : memref<128x64xf32, #tpu.memory_space<vmem>>) target(%dma_start3A_216 : memref<10112x64xf32, #tpu.memory_space<vmem_shared>>) offsets(%dma_start3A_213 : memref<128xi32, #tpu.memory_space<vmem>>) semaphore(%arg11 : memref<!tpu.dma_semaphore, #tpu.memory_space<semaphore_mem>>) {add = true}
      %dma_wait3A_217 = arith.constant 0 : i32
      %dma_wait3A_218 = arith.constant 0 : i32
      %dma_wait3A_219 = arith.constant 0 : i32
      %dma_wait3A_220 = tpu.memref_slice %arg8[%dma_wait3A_217, %dma_wait3A_218, %dma_wait3A_219] : memref<4x128x64xf32, #tpu.memory_space<vmem>> -> memref<1x128x64xf32, #tpu.memory_space<vmem>>
      %dma_wait3A_221 = tpu.memref_squeeze %dma_wait3A_220 : memref<1x128x64xf32, #tpu.memory_space<vmem>> -> memref<128x64xf32, #tpu.memory_space<vmem>>
      %dma_wait3A_222 = arith.constant 0 : i32
      %dma_wait3A_223 = tpu.memref_slice %arg7[%add3A_127, %dma_wait3A_222] : memref<76x128xi32, #tpu.memory_space<vmem>> -> memref<1x128xi32, #tpu.memory_space<vmem>>
      %dma_wait3A_224 = tpu.memref_squeeze %dma_wait3A_223 : memref<1x128xi32, #tpu.memory_space<vmem>> -> memref<128xi32, #tpu.memory_space<vmem>>
      %dma_wait3A_225 = arith.constant 0 : i32
      %dma_wait3A_226 = arith.constant 0 : i32
      %dma_wait3A_227 = tpu.memref_slice %arg9[%dma_wait3A_225, %dma_wait3A_226] : memref<10112x64xf32, #tpu.memory_space<vmem_shared>> -> memref<10112x64xf32, #tpu.memory_space<vmem_shared>>
      tpu.wait_indirect_dma semaphore(%arg11 : memref<!tpu.dma_semaphore, #tpu.memory_space<semaphore_mem>>) src(%dma_wait3A_221 : memref<128x64xf32, #tpu.memory_space<vmem>>) dst(%dma_wait3A_227 : memref<10112x64xf32, #tpu.memory_space<vmem_shared>>)
      %dma_wait3A_228 = arith.constant 1 : i32
      %dma_wait3A_229 = arith.constant 0 : i32
      %dma_wait3A_230 = arith.constant 0 : i32
      %dma_wait3A_231 = tpu.memref_slice %arg8[%dma_wait3A_228, %dma_wait3A_229, %dma_wait3A_230] : memref<4x128x64xf32, #tpu.memory_space<vmem>> -> memref<1x128x64xf32, #tpu.memory_space<vmem>>
      %dma_wait3A_232 = tpu.memref_squeeze %dma_wait3A_231 : memref<1x128x64xf32, #tpu.memory_space<vmem>> -> memref<128x64xf32, #tpu.memory_space<vmem>>
      %dma_wait3A_233 = arith.constant 0 : i32
      %dma_wait3A_234 = tpu.memref_slice %arg7[%add3A_153, %dma_wait3A_233] : memref<76x128xi32, #tpu.memory_space<vmem>> -> memref<1x128xi32, #tpu.memory_space<vmem>>
      %dma_wait3A_235 = tpu.memref_squeeze %dma_wait3A_234 : memref<1x128xi32, #tpu.memory_space<vmem>> -> memref<128xi32, #tpu.memory_space<vmem>>
      %dma_wait3A_236 = arith.constant 0 : i32
      %dma_wait3A_237 = arith.constant 0 : i32
      %dma_wait3A_238 = tpu.memref_slice %arg9[%dma_wait3A_236, %dma_wait3A_237] : memref<10112x64xf32, #tpu.memory_space<vmem_shared>> -> memref<10112x64xf32, #tpu.memory_space<vmem_shared>>
      tpu.wait_indirect_dma semaphore(%arg11 : memref<!tpu.dma_semaphore, #tpu.memory_space<semaphore_mem>>) src(%dma_wait3A_232 : memref<128x64xf32, #tpu.memory_space<vmem>>) dst(%dma_wait3A_238 : memref<10112x64xf32, #tpu.memory_space<vmem_shared>>)
      %dma_wait3A_239 = arith.constant 2 : i32
      %dma_wait3A_240 = arith.constant 0 : i32
      %dma_wait3A_241 = arith.constant 0 : i32
      %dma_wait3A_242 = tpu.memref_slice %arg8[%dma_wait3A_239, %dma_wait3A_240, %dma_wait3A_241] : memref<4x128x64xf32, #tpu.memory_space<vmem>> -> memref<1x128x64xf32, #tpu.memory_space<vmem>>
      %dma_wait3A_243 = tpu.memref_squeeze %dma_wait3A_242 : memref<1x128x64xf32, #tpu.memory_space<vmem>> -> memref<128x64xf32, #tpu.memory_space<vmem>>
      %dma_wait3A_244 = arith.constant 0 : i32
      %dma_wait3A_245 = tpu.memref_slice %arg7[%add3A_179, %dma_wait3A_244] : memref<76x128xi32, #tpu.memory_space<vmem>> -> memref<1x128xi32, #tpu.memory_space<vmem>>
      %dma_wait3A_246 = tpu.memref_squeeze %dma_wait3A_245 : memref<1x128xi32, #tpu.memory_space<vmem>> -> memref<128xi32, #tpu.memory_space<vmem>>
      %dma_wait3A_247 = arith.constant 0 : i32
      %dma_wait3A_248 = arith.constant 0 : i32
      %dma_wait3A_249 = tpu.memref_slice %arg9[%dma_wait3A_247, %dma_wait3A_248] : memref<10112x64xf32, #tpu.memory_space<vmem_shared>> -> memref<10112x64xf32, #tpu.memory_space<vmem_shared>>
      tpu.wait_indirect_dma semaphore(%arg11 : memref<!tpu.dma_semaphore, #tpu.memory_space<semaphore_mem>>) src(%dma_wait3A_243 : memref<128x64xf32, #tpu.memory_space<vmem>>) dst(%dma_wait3A_249 : memref<10112x64xf32, #tpu.memory_space<vmem_shared>>)
      %dma_wait3A_250 = arith.constant 3 : i32
      %dma_wait3A_251 = arith.constant 0 : i32
      %dma_wait3A_252 = arith.constant 0 : i32
      %dma_wait3A_253 = tpu.memref_slice %arg8[%dma_wait3A_250, %dma_wait3A_251, %dma_wait3A_252] : memref<4x128x64xf32, #tpu.memory_space<vmem>> -> memref<1x128x64xf32, #tpu.memory_space<vmem>>
      %dma_wait3A_254 = tpu.memref_squeeze %dma_wait3A_253 : memref<1x128x64xf32, #tpu.memory_space<vmem>> -> memref<128x64xf32, #tpu.memory_space<vmem>>
      %dma_wait3A_255 = arith.constant 0 : i32
      %dma_wait3A_256 = tpu.memref_slice %arg7[%add3A_205, %dma_wait3A_255] : memref<76x128xi32, #tpu.memory_space<vmem>> -> memref<1x128xi32, #tpu.memory_space<vmem>>
      %dma_wait3A_257 = tpu.memref_squeeze %dma_wait3A_256 : memref<1x128xi32, #tpu.memory_space<vmem>> -> memref<128xi32, #tpu.memory_space<vmem>>
      %dma_wait3A_258 = arith.constant 0 : i32
      %dma_wait3A_259 = arith.constant 0 : i32
      %dma_wait3A_260 = tpu.memref_slice %arg9[%dma_wait3A_258, %dma_wait3A_259] : memref<10112x64xf32, #tpu.memory_space<vmem_shared>> -> memref<10112x64xf32, #tpu.memory_space<vmem_shared>>
      tpu.wait_indirect_dma semaphore(%arg11 : memref<!tpu.dma_semaphore, #tpu.memory_space<semaphore_mem>>) src(%dma_wait3A_254 : memref<128x64xf32, #tpu.memory_space<vmem>>) dst(%dma_wait3A_260 : memref<10112x64xf32, #tpu.memory_space<vmem_shared>>)
    }
    %convert_element_type3A_35 = arith.extui %eq3A_0 : i1 to i32
    %cond3A_36 = arith.constant 0 : i32
    %cond3A_37 = arith.cmpi ne, %convert_element_type3A_35, %cond3A_36 : i32
    scf.if %cond3A_37 {
      %mul3A_54 = arith.constant 152 : i32
      %mul3A_55 = arith.muli %arg1, %mul3A_54 : i32
      %add3A_56 = arith.constant 76 : i32
      %add3A_57 = arith.addi %mul3A_55, %add3A_56 : i32
      "tpu.region"() ({
        %run_scoped3A_58 = tpu.sem_alloc : memref<!tpu.dma_semaphore, #tpu.memory_space<semaphore_mem>>
        %dma_start3A = arith.constant 0 : i32
        %dma_start3A_59 = arith.constant 0 : i32
        %dma_start3A_60 = tpu.memref_slice %arg6[%dma_start3A, %dma_start3A_59] : memref<76x128xi32, #tpu.memory_space<vmem>> -> memref<76x128xi32, #tpu.memory_space<vmem>>
        %dma_start3A_61 = arith.constant 0 : i32
        %dma_start3A_62 = tpu.memref_slice %arg3[%add3A_57, %dma_start3A_61] : memref<2560x128xi32, #tpu.memory_space<hbm>> -> memref<76x128xi32, #tpu.memory_space<hbm>>
        %dma_start3A_63 = arith.constant 0 : i32
        %dma_start3A_64 = arith.constant 0 : i32
        %dma_start3A_65 = tpu.memref_slice %arg6[%dma_start3A_63, %dma_start3A_64] : memref<76x128xi32, #tpu.memory_space<vmem>> -> memref<76x128xi32, #tpu.memory_space<vmem>>
        %dma_start3A_66 = arith.constant 0 : i32
        %dma_start3A_67 = tpu.memref_slice %arg3[%add3A_57, %dma_start3A_66] : memref<2560x128xi32, #tpu.memory_space<hbm>> -> memref<76x128xi32, #tpu.memory_space<hbm>>
        tpu.enqueue_dma source(%dma_start3A_67 : memref<76x128xi32, #tpu.memory_space<hbm>>) target(%dma_start3A_65 : memref<76x128xi32, #tpu.memory_space<vmem>>) target_semaphore(%run_scoped3A_58 : memref<!tpu.dma_semaphore, #tpu.memory_space<semaphore_mem>>)
        %dma_wait3A = arith.constant 0 : i32
        %dma_wait3A_68 = arith.constant 0 : i32
        %dma_wait3A_69 = tpu.memref_slice %arg6[%dma_wait3A, %dma_wait3A_68] : memref<76x128xi32, #tpu.memory_space<vmem>> -> memref<76x128xi32, #tpu.memory_space<vmem>>
        %dma_wait3A_70 = arith.constant 0 : i32
        %dma_wait3A_71 = tpu.memref_slice %arg3[%add3A_57, %dma_wait3A_70] : memref<2560x128xi32, #tpu.memory_space<hbm>> -> memref<76x128xi32, #tpu.memory_space<hbm>>
        %dma_wait3A_72 = arith.constant 0 : i32
        %dma_wait3A_73 = arith.constant 0 : i32
        %dma_wait3A_74 = tpu.memref_slice %arg6[%dma_wait3A_72, %dma_wait3A_73] : memref<76x128xi32, #tpu.memory_space<vmem>> -> memref<76x128xi32, #tpu.memory_space<vmem>>
        %dma_wait3A_75 = arith.constant 0 : i32
        %dma_wait3A_76 = tpu.memref_slice %arg3[%add3A_57, %dma_wait3A_75] : memref<2560x128xi32, #tpu.memory_space<hbm>> -> memref<76x128xi32, #tpu.memory_space<hbm>>
        tpu.wait_dma2 semaphore(%run_scoped3A_58 : memref<!tpu.dma_semaphore, #tpu.memory_space<semaphore_mem>>) src(%dma_wait3A_76 : memref<76x128xi32, #tpu.memory_space<hbm>>) dst(%dma_wait3A_74 : memref<76x128xi32, #tpu.memory_space<vmem>>)
        tpu.yield
      }) : () -> ()
      "tpu.region"() ({
        %run_scoped3A_58 = tpu.sem_alloc : memref<!tpu.dma_semaphore, #tpu.memory_space<semaphore_mem>>
        %dma_start3A = arith.constant 0 : i32
        %dma_start3A_59 = arith.constant 0 : i32
        %dma_start3A_60 = tpu.memref_slice %arg7[%dma_start3A, %dma_start3A_59] : memref<76x128xi32, #tpu.memory_space<vmem>> -> memref<76x128xi32, #tpu.memory_space<vmem>>
        %dma_start3A_61 = arith.constant 0 : i32
        %dma_start3A_62 = tpu.memref_slice %arg4[%add3A_57, %dma_start3A_61] : memref<2560x128xi32, #tpu.memory_space<hbm>> -> memref<76x128xi32, #tpu.memory_space<hbm>>
        %dma_start3A_63 = arith.constant 0 : i32
        %dma_start3A_64 = arith.constant 0 : i32
        %dma_start3A_65 = tpu.memref_slice %arg7[%dma_start3A_63, %dma_start3A_64] : memref<76x128xi32, #tpu.memory_space<vmem>> -> memref<76x128xi32, #tpu.memory_space<vmem>>
        %dma_start3A_66 = arith.constant 0 : i32
        %dma_start3A_67 = tpu.memref_slice %arg4[%add3A_57, %dma_start3A_66] : memref<2560x128xi32, #tpu.memory_space<hbm>> -> memref<76x128xi32, #tpu.memory_space<hbm>>
        tpu.enqueue_dma source(%dma_start3A_67 : memref<76x128xi32, #tpu.memory_space<hbm>>) target(%dma_start3A_65 : memref<76x128xi32, #tpu.memory_space<vmem>>) target_semaphore(%run_scoped3A_58 : memref<!tpu.dma_semaphore, #tpu.memory_space<semaphore_mem>>)
        %dma_wait3A = arith.constant 0 : i32
        %dma_wait3A_68 = arith.constant 0 : i32
        %dma_wait3A_69 = tpu.memref_slice %arg7[%dma_wait3A, %dma_wait3A_68] : memref<76x128xi32, #tpu.memory_space<vmem>> -> memref<76x128xi32, #tpu.memory_space<vmem>>
        %dma_wait3A_70 = arith.constant 0 : i32
        %dma_wait3A_71 = tpu.memref_slice %arg4[%add3A_57, %dma_wait3A_70] : memref<2560x128xi32, #tpu.memory_space<hbm>> -> memref<76x128xi32, #tpu.memory_space<hbm>>
        %dma_wait3A_72 = arith.constant 0 : i32
        %dma_wait3A_73 = arith.constant 0 : i32
        %dma_wait3A_74 = tpu.memref_slice %arg7[%dma_wait3A_72, %dma_wait3A_73] : memref<76x128xi32, #tpu.memory_space<vmem>> -> memref<76x128xi32, #tpu.memory_space<vmem>>
        %dma_wait3A_75 = arith.constant 0 : i32
        %dma_wait3A_76 = tpu.memref_slice %arg4[%add3A_57, %dma_wait3A_75] : memref<2560x128xi32, #tpu.memory_space<hbm>> -> memref<76x128xi32, #tpu.memory_space<hbm>>
        tpu.wait_dma2 semaphore(%run_scoped3A_58 : memref<!tpu.dma_semaphore, #tpu.memory_space<semaphore_mem>>) src(%dma_wait3A_76 : memref<76x128xi32, #tpu.memory_space<hbm>>) dst(%dma_wait3A_74 : memref<76x128xi32, #tpu.memory_space<vmem>>)
        tpu.yield
      }) : () -> ()
    } else {
    }
    %not3A_38 = arith.constant true
    %not3A_39 = arith.xori %eq3A_0, %not3A_38 : i1
    %convert_element_type3A_40 = arith.extui %not3A_39 : i1 to i32
    %cond3A_41 = arith.constant 0 : i32
    %cond3A_42 = arith.cmpi ne, %convert_element_type3A_40, %cond3A_41 : i32
    scf.if %cond3A_42 {
      %mul3A_54 = arith.constant 8 : i32
      %mul3A_55 = arith.muli %arg1, %mul3A_54 : i32
      %add3A_56 = arith.constant 2432 : i32
      %add3A_57 = arith.addi %add3A_56, %mul3A_55 : i32
      %add3A_58 = arith.constant 4 : i32
      %add3A_59 = arith.addi %add3A_57, %add3A_58 : i32
      "tpu.region"() ({
        %run_scoped3A_60 = tpu.sem_alloc : memref<!tpu.dma_semaphore, #tpu.memory_space<semaphore_mem>>
        %dma_start3A = arith.constant 0 : i32
        %dma_start3A_61 = arith.constant 0 : i32
        %dma_start3A_62 = tpu.memref_slice %arg6[%dma_start3A, %dma_start3A_61] : memref<76x128xi32, #tpu.memory_space<vmem>> -> memref<4x128xi32, #tpu.memory_space<vmem>>
        %dma_start3A_63 = arith.constant 0 : i32
        %dma_start3A_64 = tpu.memref_slice %arg3[%add3A_59, %dma_start3A_63] : memref<2560x128xi32, #tpu.memory_space<hbm>> -> memref<4x128xi32, #tpu.memory_space<hbm>>
        %dma_start3A_65 = arith.constant 0 : i32
        %dma_start3A_66 = arith.constant 0 : i32
        %dma_start3A_67 = tpu.memref_slice %arg6[%dma_start3A_65, %dma_start3A_66] : memref<76x128xi32, #tpu.memory_space<vmem>> -> memref<4x128xi32, #tpu.memory_space<vmem>>
        %dma_start3A_68 = arith.constant 0 : i32
        %dma_start3A_69 = tpu.memref_slice %arg3[%add3A_59, %dma_start3A_68] : memref<2560x128xi32, #tpu.memory_space<hbm>> -> memref<4x128xi32, #tpu.memory_space<hbm>>
        tpu.enqueue_dma source(%dma_start3A_69 : memref<4x128xi32, #tpu.memory_space<hbm>>) target(%dma_start3A_67 : memref<4x128xi32, #tpu.memory_space<vmem>>) target_semaphore(%run_scoped3A_60 : memref<!tpu.dma_semaphore, #tpu.memory_space<semaphore_mem>>)
        %dma_wait3A = arith.constant 0 : i32
        %dma_wait3A_70 = arith.constant 0 : i32
        %dma_wait3A_71 = tpu.memref_slice %arg6[%dma_wait3A, %dma_wait3A_70] : memref<76x128xi32, #tpu.memory_space<vmem>> -> memref<4x128xi32, #tpu.memory_space<vmem>>
        %dma_wait3A_72 = arith.constant 0 : i32
        %dma_wait3A_73 = tpu.memref_slice %arg3[%add3A_59, %dma_wait3A_72] : memref<2560x128xi32, #tpu.memory_space<hbm>> -> memref<4x128xi32, #tpu.memory_space<hbm>>
        %dma_wait3A_74 = arith.constant 0 : i32
        %dma_wait3A_75 = arith.constant 0 : i32
        %dma_wait3A_76 = tpu.memref_slice %arg6[%dma_wait3A_74, %dma_wait3A_75] : memref<76x128xi32, #tpu.memory_space<vmem>> -> memref<4x128xi32, #tpu.memory_space<vmem>>
        %dma_wait3A_77 = arith.constant 0 : i32
        %dma_wait3A_78 = tpu.memref_slice %arg3[%add3A_59, %dma_wait3A_77] : memref<2560x128xi32, #tpu.memory_space<hbm>> -> memref<4x128xi32, #tpu.memory_space<hbm>>
        tpu.wait_dma2 semaphore(%run_scoped3A_60 : memref<!tpu.dma_semaphore, #tpu.memory_space<semaphore_mem>>) src(%dma_wait3A_78 : memref<4x128xi32, #tpu.memory_space<hbm>>) dst(%dma_wait3A_76 : memref<4x128xi32, #tpu.memory_space<vmem>>)
        tpu.yield
      }) : () -> ()
      "tpu.region"() ({
        %run_scoped3A_60 = tpu.sem_alloc : memref<!tpu.dma_semaphore, #tpu.memory_space<semaphore_mem>>
        %dma_start3A = arith.constant 0 : i32
        %dma_start3A_61 = arith.constant 0 : i32
        %dma_start3A_62 = tpu.memref_slice %arg7[%dma_start3A, %dma_start3A_61] : memref<76x128xi32, #tpu.memory_space<vmem>> -> memref<4x128xi32, #tpu.memory_space<vmem>>
        %dma_start3A_63 = arith.constant 0 : i32
        %dma_start3A_64 = tpu.memref_slice %arg4[%add3A_59, %dma_start3A_63] : memref<2560x128xi32, #tpu.memory_space<hbm>> -> memref<4x128xi32, #tpu.memory_space<hbm>>
        %dma_start3A_65 = arith.constant 0 : i32
        %dma_start3A_66 = arith.constant 0 : i32
        %dma_start3A_67 = tpu.memref_slice %arg7[%dma_start3A_65, %dma_start3A_66] : memref<76x128xi32, #tpu.memory_space<vmem>> -> memref<4x128xi32, #tpu.memory_space<vmem>>
        %dma_start3A_68 = arith.constant 0 : i32
        %dma_start3A_69 = tpu.memref_slice %arg4[%add3A_59, %dma_start3A_68] : memref<2560x128xi32, #tpu.memory_space<hbm>> -> memref<4x128xi32, #tpu.memory_space<hbm>>
        tpu.enqueue_dma source(%dma_start3A_69 : memref<4x128xi32, #tpu.memory_space<hbm>>) target(%dma_start3A_67 : memref<4x128xi32, #tpu.memory_space<vmem>>) target_semaphore(%run_scoped3A_60 : memref<!tpu.dma_semaphore, #tpu.memory_space<semaphore_mem>>)
        %dma_wait3A = arith.constant 0 : i32
        %dma_wait3A_70 = arith.constant 0 : i32
        %dma_wait3A_71 = tpu.memref_slice %arg7[%dma_wait3A, %dma_wait3A_70] : memref<76x128xi32, #tpu.memory_space<vmem>> -> memref<4x128xi32, #tpu.memory_space<vmem>>
        %dma_wait3A_72 = arith.constant 0 : i32
        %dma_wait3A_73 = tpu.memref_slice %arg4[%add3A_59, %dma_wait3A_72] : memref<2560x128xi32, #tpu.memory_space<hbm>> -> memref<4x128xi32, #tpu.memory_space<hbm>>
        %dma_wait3A_74 = arith.constant 0 : i32
        %dma_wait3A_75 = arith.constant 0 : i32
        %dma_wait3A_76 = tpu.memref_slice %arg7[%dma_wait3A_74, %dma_wait3A_75] : memref<76x128xi32, #tpu.memory_space<vmem>> -> memref<4x128xi32, #tpu.memory_space<vmem>>
        %dma_wait3A_77 = arith.constant 0 : i32
        %dma_wait3A_78 = tpu.memref_slice %arg4[%add3A_59, %dma_wait3A_77] : memref<2560x128xi32, #tpu.memory_space<hbm>> -> memref<4x128xi32, #tpu.memory_space<hbm>>
        tpu.wait_dma2 semaphore(%run_scoped3A_60 : memref<!tpu.dma_semaphore, #tpu.memory_space<semaphore_mem>>) src(%dma_wait3A_78 : memref<4x128xi32, #tpu.memory_space<hbm>>) dst(%dma_wait3A_76 : memref<4x128xi32, #tpu.memory_space<vmem>>)
        tpu.yield
      }) : () -> ()
    } else {
    }
    %while3A_43 = arith.constant 0 : i32
    %while3A_44 = arith.constant 0 : i32
    %while3A_45 = arith.subi %select_n3A, %while3A_44 : i32
    %while3A_46 = arith.addi %while3A_44, %while3A_45 : i32
    %while3A_47 = arith.constant 1 : i32
    %while3A_48 = arith.divsi %while3A_45, %while3A_47 : i32
    %while3A_49 = arith.muli %while3A_48, %while3A_47 : i32
    %while3A_50 = arith.addi %while3A_44, %while3A_49 : i32
    %while3A_51 = arith.constant 1 : i32
    scf.for %while3A_54 = %while3A_44 to %while3A_50 step %while3A_51  : i32 {
      %mul3A_55 = arith.constant 4 : i32
      %mul3A_56 = arith.muli %while3A_54, %mul3A_55 : i32
      %add3A_57 = arith.constant 0 : i32
      %add3A_58 = arith.addi %mul3A_56, %add3A_57 : i32
      %dma_start3A = arith.constant 0 : i32
      %dma_start3A_59 = arith.constant 0 : i32
      %dma_start3A_60 = arith.constant 0 : i32
      %dma_start3A_61 = tpu.memref_slice %arg8[%dma_start3A, %dma_start3A_59, %dma_start3A_60] : memref<4x128x64xf32, #tpu.memory_space<vmem>> -> memref<1x128x64xf32, #tpu.memory_space<vmem>>
      %dma_start3A_62 = tpu.memref_squeeze %dma_start3A_61 : memref<1x128x64xf32, #tpu.memory_space<vmem>> -> memref<128x64xf32, #tpu.memory_space<vmem>>
      %dma_start3A_63 = arith.constant 0 : i32
      %dma_start3A_64 = tpu.memref_slice %arg6[%add3A_58, %dma_start3A_63] : memref<76x128xi32, #tpu.memory_space<vmem>> -> memref<1x128xi32, #tpu.memory_space<vmem>>
      %dma_start3A_65 = tpu.memref_squeeze %dma_start3A_64 : memref<1x128xi32, #tpu.memory_space<vmem>> -> memref<128xi32, #tpu.memory_space<vmem>>
      %dma_start3A_66 = arith.constant 0 : i32
      %dma_start3A_67 = arith.constant 0 : i32
      %dma_start3A_68 = tpu.memref_slice %arg2[%dma_start3A_66, %dma_start3A_67] : memref<10000x64xf32, #tpu.memory_space<hbm>> -> memref<10000x64xf32, #tpu.memory_space<hbm>>
      tpu.enqueue_indirect_dma source(%dma_start3A_68 : memref<10000x64xf32, #tpu.memory_space<hbm>>) target(%dma_start3A_62 : memref<128x64xf32, #tpu.memory_space<vmem>>) offsets(%dma_start3A_65 : memref<128xi32, #tpu.memory_space<vmem>>) semaphore(%arg10 : memref<!tpu.dma_semaphore, #tpu.memory_space<semaphore_mem>>)
      %mul3A_69 = arith.constant 4 : i32
      %mul3A_70 = arith.muli %while3A_54, %mul3A_69 : i32
      %add3A_71 = arith.constant 1 : i32
      %add3A_72 = arith.addi %mul3A_70, %add3A_71 : i32
      %dma_start3A_73 = arith.constant 1 : i32
      %dma_start3A_74 = arith.constant 0 : i32
      %dma_start3A_75 = arith.constant 0 : i32
      %dma_start3A_76 = tpu.memref_slice %arg8[%dma_start3A_73, %dma_start3A_74, %dma_start3A_75] : memref<4x128x64xf32, #tpu.memory_space<vmem>> -> memref<1x128x64xf32, #tpu.memory_space<vmem>>
      %dma_start3A_77 = tpu.memref_squeeze %dma_start3A_76 : memref<1x128x64xf32, #tpu.memory_space<vmem>> -> memref<128x64xf32, #tpu.memory_space<vmem>>
      %dma_start3A_78 = arith.constant 0 : i32
      %dma_start3A_79 = tpu.memref_slice %arg6[%add3A_72, %dma_start3A_78] : memref<76x128xi32, #tpu.memory_space<vmem>> -> memref<1x128xi32, #tpu.memory_space<vmem>>
      %dma_start3A_80 = tpu.memref_squeeze %dma_start3A_79 : memref<1x128xi32, #tpu.memory_space<vmem>> -> memref<128xi32, #tpu.memory_space<vmem>>
      %dma_start3A_81 = arith.constant 0 : i32
      %dma_start3A_82 = arith.constant 0 : i32
      %dma_start3A_83 = tpu.memref_slice %arg2[%dma_start3A_81, %dma_start3A_82] : memref<10000x64xf32, #tpu.memory_space<hbm>> -> memref<10000x64xf32, #tpu.memory_space<hbm>>
      tpu.enqueue_indirect_dma source(%dma_start3A_83 : memref<10000x64xf32, #tpu.memory_space<hbm>>) target(%dma_start3A_77 : memref<128x64xf32, #tpu.memory_space<vmem>>) offsets(%dma_start3A_80 : memref<128xi32, #tpu.memory_space<vmem>>) semaphore(%arg10 : memref<!tpu.dma_semaphore, #tpu.memory_space<semaphore_mem>>)
      %mul3A_84 = arith.constant 4 : i32
      %mul3A_85 = arith.muli %while3A_54, %mul3A_84 : i32
      %add3A_86 = arith.constant 2 : i32
      %add3A_87 = arith.addi %mul3A_85, %add3A_86 : i32
      %dma_start3A_88 = arith.constant 2 : i32
      %dma_start3A_89 = arith.constant 0 : i32
      %dma_start3A_90 = arith.constant 0 : i32
      %dma_start3A_91 = tpu.memref_slice %arg8[%dma_start3A_88, %dma_start3A_89, %dma_start3A_90] : memref<4x128x64xf32, #tpu.memory_space<vmem>> -> memref<1x128x64xf32, #tpu.memory_space<vmem>>
      %dma_start3A_92 = tpu.memref_squeeze %dma_start3A_91 : memref<1x128x64xf32, #tpu.memory_space<vmem>> -> memref<128x64xf32, #tpu.memory_space<vmem>>
      %dma_start3A_93 = arith.constant 0 : i32
      %dma_start3A_94 = tpu.memref_slice %arg6[%add3A_87, %dma_start3A_93] : memref<76x128xi32, #tpu.memory_space<vmem>> -> memref<1x128xi32, #tpu.memory_space<vmem>>
      %dma_start3A_95 = tpu.memref_squeeze %dma_start3A_94 : memref<1x128xi32, #tpu.memory_space<vmem>> -> memref<128xi32, #tpu.memory_space<vmem>>
      %dma_start3A_96 = arith.constant 0 : i32
      %dma_start3A_97 = arith.constant 0 : i32
      %dma_start3A_98 = tpu.memref_slice %arg2[%dma_start3A_96, %dma_start3A_97] : memref<10000x64xf32, #tpu.memory_space<hbm>> -> memref<10000x64xf32, #tpu.memory_space<hbm>>
      tpu.enqueue_indirect_dma source(%dma_start3A_98 : memref<10000x64xf32, #tpu.memory_space<hbm>>) target(%dma_start3A_92 : memref<128x64xf32, #tpu.memory_space<vmem>>) offsets(%dma_start3A_95 : memref<128xi32, #tpu.memory_space<vmem>>) semaphore(%arg10 : memref<!tpu.dma_semaphore, #tpu.memory_space<semaphore_mem>>)
      %mul3A_99 = arith.constant 4 : i32
      %mul3A_100 = arith.muli %while3A_54, %mul3A_99 : i32
      %add3A_101 = arith.constant 3 : i32
      %add3A_102 = arith.addi %mul3A_100, %add3A_101 : i32
      %dma_start3A_103 = arith.constant 3 : i32
      %dma_start3A_104 = arith.constant 0 : i32
      %dma_start3A_105 = arith.constant 0 : i32
      %dma_start3A_106 = tpu.memref_slice %arg8[%dma_start3A_103, %dma_start3A_104, %dma_start3A_105] : memref<4x128x64xf32, #tpu.memory_space<vmem>> -> memref<1x128x64xf32, #tpu.memory_space<vmem>>
      %dma_start3A_107 = tpu.memref_squeeze %dma_start3A_106 : memref<1x128x64xf32, #tpu.memory_space<vmem>> -> memref<128x64xf32, #tpu.memory_space<vmem>>
      %dma_start3A_108 = arith.constant 0 : i32
      %dma_start3A_109 = tpu.memref_slice %arg6[%add3A_102, %dma_start3A_108] : memref<76x128xi32, #tpu.memory_space<vmem>> -> memref<1x128xi32, #tpu.memory_space<vmem>>
      %dma_start3A_110 = tpu.memref_squeeze %dma_start3A_109 : memref<1x128xi32, #tpu.memory_space<vmem>> -> memref<128xi32, #tpu.memory_space<vmem>>
      %dma_start3A_111 = arith.constant 0 : i32
      %dma_start3A_112 = arith.constant 0 : i32
      %dma_start3A_113 = tpu.memref_slice %arg2[%dma_start3A_111, %dma_start3A_112] : memref<10000x64xf32, #tpu.memory_space<hbm>> -> memref<10000x64xf32, #tpu.memory_space<hbm>>
      tpu.enqueue_indirect_dma source(%dma_start3A_113 : memref<10000x64xf32, #tpu.memory_space<hbm>>) target(%dma_start3A_107 : memref<128x64xf32, #tpu.memory_space<vmem>>) offsets(%dma_start3A_110 : memref<128xi32, #tpu.memory_space<vmem>>) semaphore(%arg10 : memref<!tpu.dma_semaphore, #tpu.memory_space<semaphore_mem>>)
      %dma_wait3A = arith.constant 0 : i32
      %dma_wait3A_114 = arith.constant 0 : i32
      %dma_wait3A_115 = arith.constant 0 : i32
      %dma_wait3A_116 = tpu.memref_slice %arg8[%dma_wait3A, %dma_wait3A_114, %dma_wait3A_115] : memref<4x128x64xf32, #tpu.memory_space<vmem>> -> memref<1x128x64xf32, #tpu.memory_space<vmem>>
      %dma_wait3A_117 = tpu.memref_squeeze %dma_wait3A_116 : memref<1x128x64xf32, #tpu.memory_space<vmem>> -> memref<128x64xf32, #tpu.memory_space<vmem>>
      %dma_wait3A_118 = arith.constant 0 : i32
      %dma_wait3A_119 = tpu.memref_slice %arg6[%add3A_58, %dma_wait3A_118] : memref<76x128xi32, #tpu.memory_space<vmem>> -> memref<1x128xi32, #tpu.memory_space<vmem>>
      %dma_wait3A_120 = tpu.memref_squeeze %dma_wait3A_119 : memref<1x128xi32, #tpu.memory_space<vmem>> -> memref<128xi32, #tpu.memory_space<vmem>>
      %dma_wait3A_121 = arith.constant 0 : i32
      %dma_wait3A_122 = arith.constant 0 : i32
      %dma_wait3A_123 = tpu.memref_slice %arg2[%dma_wait3A_121, %dma_wait3A_122] : memref<10000x64xf32, #tpu.memory_space<hbm>> -> memref<10000x64xf32, #tpu.memory_space<hbm>>
      tpu.wait_indirect_dma semaphore(%arg10 : memref<!tpu.dma_semaphore, #tpu.memory_space<semaphore_mem>>) src(%dma_wait3A_123 : memref<10000x64xf32, #tpu.memory_space<hbm>>) dst(%dma_wait3A_117 : memref<128x64xf32, #tpu.memory_space<vmem>>)
      %mul3A_124 = arith.constant 4 : i32
      %mul3A_125 = arith.muli %while3A_54, %mul3A_124 : i32
      %add3A_126 = arith.constant 0 : i32
      %add3A_127 = arith.addi %mul3A_125, %add3A_126 : i32
      %dma_start3A_128 = arith.constant 0 : i32
      %dma_start3A_129 = arith.constant 0 : i32
      %dma_start3A_130 = arith.constant 0 : i32
      %dma_start3A_131 = tpu.memref_slice %arg8[%dma_start3A_128, %dma_start3A_129, %dma_start3A_130] : memref<4x128x64xf32, #tpu.memory_space<vmem>> -> memref<1x128x64xf32, #tpu.memory_space<vmem>>
      %dma_start3A_132 = tpu.memref_squeeze %dma_start3A_131 : memref<1x128x64xf32, #tpu.memory_space<vmem>> -> memref<128x64xf32, #tpu.memory_space<vmem>>
      %dma_start3A_133 = arith.constant 0 : i32
      %dma_start3A_134 = tpu.memref_slice %arg7[%add3A_127, %dma_start3A_133] : memref<76x128xi32, #tpu.memory_space<vmem>> -> memref<1x128xi32, #tpu.memory_space<vmem>>
      %dma_start3A_135 = tpu.memref_squeeze %dma_start3A_134 : memref<1x128xi32, #tpu.memory_space<vmem>> -> memref<128xi32, #tpu.memory_space<vmem>>
      %dma_start3A_136 = arith.constant 0 : i32
      %dma_start3A_137 = arith.constant 0 : i32
      %dma_start3A_138 = tpu.memref_slice %arg9[%dma_start3A_136, %dma_start3A_137] : memref<10112x64xf32, #tpu.memory_space<vmem_shared>> -> memref<10112x64xf32, #tpu.memory_space<vmem_shared>>
      tpu.enqueue_indirect_dma source(%dma_start3A_132 : memref<128x64xf32, #tpu.memory_space<vmem>>) target(%dma_start3A_138 : memref<10112x64xf32, #tpu.memory_space<vmem_shared>>) offsets(%dma_start3A_135 : memref<128xi32, #tpu.memory_space<vmem>>) semaphore(%arg11 : memref<!tpu.dma_semaphore, #tpu.memory_space<semaphore_mem>>) {add = true}
      %dma_wait3A_139 = arith.constant 1 : i32
      %dma_wait3A_140 = arith.constant 0 : i32
      %dma_wait3A_141 = arith.constant 0 : i32
      %dma_wait3A_142 = tpu.memref_slice %arg8[%dma_wait3A_139, %dma_wait3A_140, %dma_wait3A_141] : memref<4x128x64xf32, #tpu.memory_space<vmem>> -> memref<1x128x64xf32, #tpu.memory_space<vmem>>
      %dma_wait3A_143 = tpu.memref_squeeze %dma_wait3A_142 : memref<1x128x64xf32, #tpu.memory_space<vmem>> -> memref<128x64xf32, #tpu.memory_space<vmem>>
      %dma_wait3A_144 = arith.constant 0 : i32
      %dma_wait3A_145 = tpu.memref_slice %arg6[%add3A_72, %dma_wait3A_144] : memref<76x128xi32, #tpu.memory_space<vmem>> -> memref<1x128xi32, #tpu.memory_space<vmem>>
      %dma_wait3A_146 = tpu.memref_squeeze %dma_wait3A_145 : memref<1x128xi32, #tpu.memory_space<vmem>> -> memref<128xi32, #tpu.memory_space<vmem>>
      %dma_wait3A_147 = arith.constant 0 : i32
      %dma_wait3A_148 = arith.constant 0 : i32
      %dma_wait3A_149 = tpu.memref_slice %arg2[%dma_wait3A_147, %dma_wait3A_148] : memref<10000x64xf32, #tpu.memory_space<hbm>> -> memref<10000x64xf32, #tpu.memory_space<hbm>>
      tpu.wait_indirect_dma semaphore(%arg10 : memref<!tpu.dma_semaphore, #tpu.memory_space<semaphore_mem>>) src(%dma_wait3A_149 : memref<10000x64xf32, #tpu.memory_space<hbm>>) dst(%dma_wait3A_143 : memref<128x64xf32, #tpu.memory_space<vmem>>)
      %mul3A_150 = arith.constant 4 : i32
      %mul3A_151 = arith.muli %while3A_54, %mul3A_150 : i32
      %add3A_152 = arith.constant 1 : i32
      %add3A_153 = arith.addi %mul3A_151, %add3A_152 : i32
      %dma_start3A_154 = arith.constant 1 : i32
      %dma_start3A_155 = arith.constant 0 : i32
      %dma_start3A_156 = arith.constant 0 : i32
      %dma_start3A_157 = tpu.memref_slice %arg8[%dma_start3A_154, %dma_start3A_155, %dma_start3A_156] : memref<4x128x64xf32, #tpu.memory_space<vmem>> -> memref<1x128x64xf32, #tpu.memory_space<vmem>>
      %dma_start3A_158 = tpu.memref_squeeze %dma_start3A_157 : memref<1x128x64xf32, #tpu.memory_space<vmem>> -> memref<128x64xf32, #tpu.memory_space<vmem>>
      %dma_start3A_159 = arith.constant 0 : i32
      %dma_start3A_160 = tpu.memref_slice %arg7[%add3A_153, %dma_start3A_159] : memref<76x128xi32, #tpu.memory_space<vmem>> -> memref<1x128xi32, #tpu.memory_space<vmem>>
      %dma_start3A_161 = tpu.memref_squeeze %dma_start3A_160 : memref<1x128xi32, #tpu.memory_space<vmem>> -> memref<128xi32, #tpu.memory_space<vmem>>
      %dma_start3A_162 = arith.constant 0 : i32
      %dma_start3A_163 = arith.constant 0 : i32
      %dma_start3A_164 = tpu.memref_slice %arg9[%dma_start3A_162, %dma_start3A_163] : memref<10112x64xf32, #tpu.memory_space<vmem_shared>> -> memref<10112x64xf32, #tpu.memory_space<vmem_shared>>
      tpu.enqueue_indirect_dma source(%dma_start3A_158 : memref<128x64xf32, #tpu.memory_space<vmem>>) target(%dma_start3A_164 : memref<10112x64xf32, #tpu.memory_space<vmem_shared>>) offsets(%dma_start3A_161 : memref<128xi32, #tpu.memory_space<vmem>>) semaphore(%arg11 : memref<!tpu.dma_semaphore, #tpu.memory_space<semaphore_mem>>) {add = true}
      %dma_wait3A_165 = arith.constant 2 : i32
      %dma_wait3A_166 = arith.constant 0 : i32
      %dma_wait3A_167 = arith.constant 0 : i32
      %dma_wait3A_168 = tpu.memref_slice %arg8[%dma_wait3A_165, %dma_wait3A_166, %dma_wait3A_167] : memref<4x128x64xf32, #tpu.memory_space<vmem>> -> memref<1x128x64xf32, #tpu.memory_space<vmem>>
      %dma_wait3A_169 = tpu.memref_squeeze %dma_wait3A_168 : memref<1x128x64xf32, #tpu.memory_space<vmem>> -> memref<128x64xf32, #tpu.memory_space<vmem>>
      %dma_wait3A_170 = arith.constant 0 : i32
      %dma_wait3A_171 = tpu.memref_slice %arg6[%add3A_87, %dma_wait3A_170] : memref<76x128xi32, #tpu.memory_space<vmem>> -> memref<1x128xi32, #tpu.memory_space<vmem>>
      %dma_wait3A_172 = tpu.memref_squeeze %dma_wait3A_171 : memref<1x128xi32, #tpu.memory_space<vmem>> -> memref<128xi32, #tpu.memory_space<vmem>>
      %dma_wait3A_173 = arith.constant 0 : i32
      %dma_wait3A_174 = arith.constant 0 : i32
      %dma_wait3A_175 = tpu.memref_slice %arg2[%dma_wait3A_173, %dma_wait3A_174] : memref<10000x64xf32, #tpu.memory_space<hbm>> -> memref<10000x64xf32, #tpu.memory_space<hbm>>
      tpu.wait_indirect_dma semaphore(%arg10 : memref<!tpu.dma_semaphore, #tpu.memory_space<semaphore_mem>>) src(%dma_wait3A_175 : memref<10000x64xf32, #tpu.memory_space<hbm>>) dst(%dma_wait3A_169 : memref<128x64xf32, #tpu.memory_space<vmem>>)
      %mul3A_176 = arith.constant 4 : i32
      %mul3A_177 = arith.muli %while3A_54, %mul3A_176 : i32
      %add3A_178 = arith.constant 2 : i32
      %add3A_179 = arith.addi %mul3A_177, %add3A_178 : i32
      %dma_start3A_180 = arith.constant 2 : i32
      %dma_start3A_181 = arith.constant 0 : i32
      %dma_start3A_182 = arith.constant 0 : i32
      %dma_start3A_183 = tpu.memref_slice %arg8[%dma_start3A_180, %dma_start3A_181, %dma_start3A_182] : memref<4x128x64xf32, #tpu.memory_space<vmem>> -> memref<1x128x64xf32, #tpu.memory_space<vmem>>
      %dma_start3A_184 = tpu.memref_squeeze %dma_start3A_183 : memref<1x128x64xf32, #tpu.memory_space<vmem>> -> memref<128x64xf32, #tpu.memory_space<vmem>>
      %dma_start3A_185 = arith.constant 0 : i32
      %dma_start3A_186 = tpu.memref_slice %arg7[%add3A_179, %dma_start3A_185] : memref<76x128xi32, #tpu.memory_space<vmem>> -> memref<1x128xi32, #tpu.memory_space<vmem>>
      %dma_start3A_187 = tpu.memref_squeeze %dma_start3A_186 : memref<1x128xi32, #tpu.memory_space<vmem>> -> memref<128xi32, #tpu.memory_space<vmem>>
      %dma_start3A_188 = arith.constant 0 : i32
      %dma_start3A_189 = arith.constant 0 : i32
      %dma_start3A_190 = tpu.memref_slice %arg9[%dma_start3A_188, %dma_start3A_189] : memref<10112x64xf32, #tpu.memory_space<vmem_shared>> -> memref<10112x64xf32, #tpu.memory_space<vmem_shared>>
      tpu.enqueue_indirect_dma source(%dma_start3A_184 : memref<128x64xf32, #tpu.memory_space<vmem>>) target(%dma_start3A_190 : memref<10112x64xf32, #tpu.memory_space<vmem_shared>>) offsets(%dma_start3A_187 : memref<128xi32, #tpu.memory_space<vmem>>) semaphore(%arg11 : memref<!tpu.dma_semaphore, #tpu.memory_space<semaphore_mem>>) {add = true}
      %dma_wait3A_191 = arith.constant 3 : i32
      %dma_wait3A_192 = arith.constant 0 : i32
      %dma_wait3A_193 = arith.constant 0 : i32
      %dma_wait3A_194 = tpu.memref_slice %arg8[%dma_wait3A_191, %dma_wait3A_192, %dma_wait3A_193] : memref<4x128x64xf32, #tpu.memory_space<vmem>> -> memref<1x128x64xf32, #tpu.memory_space<vmem>>
      %dma_wait3A_195 = tpu.memref_squeeze %dma_wait3A_194 : memref<1x128x64xf32, #tpu.memory_space<vmem>> -> memref<128x64xf32, #tpu.memory_space<vmem>>
      %dma_wait3A_196 = arith.constant 0 : i32
      %dma_wait3A_197 = tpu.memref_slice %arg6[%add3A_102, %dma_wait3A_196] : memref<76x128xi32, #tpu.memory_space<vmem>> -> memref<1x128xi32, #tpu.memory_space<vmem>>
      %dma_wait3A_198 = tpu.memref_squeeze %dma_wait3A_197 : memref<1x128xi32, #tpu.memory_space<vmem>> -> memref<128xi32, #tpu.memory_space<vmem>>
      %dma_wait3A_199 = arith.constant 0 : i32
      %dma_wait3A_200 = arith.constant 0 : i32
      %dma_wait3A_201 = tpu.memref_slice %arg2[%dma_wait3A_199, %dma_wait3A_200] : memref<10000x64xf32, #tpu.memory_space<hbm>> -> memref<10000x64xf32, #tpu.memory_space<hbm>>
      tpu.wait_indirect_dma semaphore(%arg10 : memref<!tpu.dma_semaphore, #tpu.memory_space<semaphore_mem>>) src(%dma_wait3A_201 : memref<10000x64xf32, #tpu.memory_space<hbm>>) dst(%dma_wait3A_195 : memref<128x64xf32, #tpu.memory_space<vmem>>)
      %mul3A_202 = arith.constant 4 : i32
      %mul3A_203 = arith.muli %while3A_54, %mul3A_202 : i32
      %add3A_204 = arith.constant 3 : i32
      %add3A_205 = arith.addi %mul3A_203, %add3A_204 : i32
      %dma_start3A_206 = arith.constant 3 : i32
      %dma_start3A_207 = arith.constant 0 : i32
      %dma_start3A_208 = arith.constant 0 : i32
      %dma_start3A_209 = tpu.memref_slice %arg8[%dma_start3A_206, %dma_start3A_207, %dma_start3A_208] : memref<4x128x64xf32, #tpu.memory_space<vmem>> -> memref<1x128x64xf32, #tpu.memory_space<vmem>>
      %dma_start3A_210 = tpu.memref_squeeze %dma_start3A_209 : memref<1x128x64xf32, #tpu.memory_space<vmem>> -> memref<128x64xf32, #tpu.memory_space<vmem>>
      %dma_start3A_211 = arith.constant 0 : i32
      %dma_start3A_212 = tpu.memref_slice %arg7[%add3A_205, %dma_start3A_211] : memref<76x128xi32, #tpu.memory_space<vmem>> -> memref<1x128xi32, #tpu.memory_space<vmem>>
      %dma_start3A_213 = tpu.memref_squeeze %dma_start3A_212 : memref<1x128xi32, #tpu.memory_space<vmem>> -> memref<128xi32, #tpu.memory_space<vmem>>
      %dma_start3A_214 = arith.constant 0 : i32
      %dma_start3A_215 = arith.constant 0 : i32
      %dma_start3A_216 = tpu.memref_slice %arg9[%dma_start3A_214, %dma_start3A_215] : memref<10112x64xf32, #tpu.memory_space<vmem_shared>> -> memref<10112x64xf32, #tpu.memory_space<vmem_shared>>
      tpu.enqueue_indirect_dma source(%dma_start3A_210 : memref<128x64xf32, #tpu.memory_space<vmem>>) target(%dma_start3A_216 : memref<10112x64xf32, #tpu.memory_space<vmem_shared>>) offsets(%dma_start3A_213 : memref<128xi32, #tpu.memory_space<vmem>>) semaphore(%arg11 : memref<!tpu.dma_semaphore, #tpu.memory_space<semaphore_mem>>) {add = true}
      %dma_wait3A_217 = arith.constant 0 : i32
      %dma_wait3A_218 = arith.constant 0 : i32
      %dma_wait3A_219 = arith.constant 0 : i32
      %dma_wait3A_220 = tpu.memref_slice %arg8[%dma_wait3A_217, %dma_wait3A_218, %dma_wait3A_219] : memref<4x128x64xf32, #tpu.memory_space<vmem>> -> memref<1x128x64xf32, #tpu.memory_space<vmem>>
      %dma_wait3A_221 = tpu.memref_squeeze %dma_wait3A_220 : memref<1x128x64xf32, #tpu.memory_space<vmem>> -> memref<128x64xf32, #tpu.memory_space<vmem>>
      %dma_wait3A_222 = arith.constant 0 : i32
      %dma_wait3A_223 = tpu.memref_slice %arg7[%add3A_127, %dma_wait3A_222] : memref<76x128xi32, #tpu.memory_space<vmem>> -> memref<1x128xi32, #tpu.memory_space<vmem>>
      %dma_wait3A_224 = tpu.memref_squeeze %dma_wait3A_223 : memref<1x128xi32, #tpu.memory_space<vmem>> -> memref<128xi32, #tpu.memory_space<vmem>>
      %dma_wait3A_225 = arith.constant 0 : i32
      %dma_wait3A_226 = arith.constant 0 : i32
      %dma_wait3A_227 = tpu.memref_slice %arg9[%dma_wait3A_225, %dma_wait3A_226] : memref<10112x64xf32, #tpu.memory_space<vmem_shared>> -> memref<10112x64xf32, #tpu.memory_space<vmem_shared>>
      tpu.wait_indirect_dma semaphore(%arg11 : memref<!tpu.dma_semaphore, #tpu.memory_space<semaphore_mem>>) src(%dma_wait3A_221 : memref<128x64xf32, #tpu.memory_space<vmem>>) dst(%dma_wait3A_227 : memref<10112x64xf32, #tpu.memory_space<vmem_shared>>)
      %dma_wait3A_228 = arith.constant 1 : i32
      %dma_wait3A_229 = arith.constant 0 : i32
      %dma_wait3A_230 = arith.constant 0 : i32
      %dma_wait3A_231 = tpu.memref_slice %arg8[%dma_wait3A_228, %dma_wait3A_229, %dma_wait3A_230] : memref<4x128x64xf32, #tpu.memory_space<vmem>> -> memref<1x128x64xf32, #tpu.memory_space<vmem>>
      %dma_wait3A_232 = tpu.memref_squeeze %dma_wait3A_231 : memref<1x128x64xf32, #tpu.memory_space<vmem>> -> memref<128x64xf32, #tpu.memory_space<vmem>>
      %dma_wait3A_233 = arith.constant 0 : i32
      %dma_wait3A_234 = tpu.memref_slice %arg7[%add3A_153, %dma_wait3A_233] : memref<76x128xi32, #tpu.memory_space<vmem>> -> memref<1x128xi32, #tpu.memory_space<vmem>>
      %dma_wait3A_235 = tpu.memref_squeeze %dma_wait3A_234 : memref<1x128xi32, #tpu.memory_space<vmem>> -> memref<128xi32, #tpu.memory_space<vmem>>
      %dma_wait3A_236 = arith.constant 0 : i32
      %dma_wait3A_237 = arith.constant 0 : i32
      %dma_wait3A_238 = tpu.memref_slice %arg9[%dma_wait3A_236, %dma_wait3A_237] : memref<10112x64xf32, #tpu.memory_space<vmem_shared>> -> memref<10112x64xf32, #tpu.memory_space<vmem_shared>>
      tpu.wait_indirect_dma semaphore(%arg11 : memref<!tpu.dma_semaphore, #tpu.memory_space<semaphore_mem>>) src(%dma_wait3A_232 : memref<128x64xf32, #tpu.memory_space<vmem>>) dst(%dma_wait3A_238 : memref<10112x64xf32, #tpu.memory_space<vmem_shared>>)
      %dma_wait3A_239 = arith.constant 2 : i32
      %dma_wait3A_240 = arith.constant 0 : i32
      %dma_wait3A_241 = arith.constant 0 : i32
      %dma_wait3A_242 = tpu.memref_slice %arg8[%dma_wait3A_239, %dma_wait3A_240, %dma_wait3A_241] : memref<4x128x64xf32, #tpu.memory_space<vmem>> -> memref<1x128x64xf32, #tpu.memory_space<vmem>>
      %dma_wait3A_243 = tpu.memref_squeeze %dma_wait3A_242 : memref<1x128x64xf32, #tpu.memory_space<vmem>> -> memref<128x64xf32, #tpu.memory_space<vmem>>
      %dma_wait3A_244 = arith.constant 0 : i32
      %dma_wait3A_245 = tpu.memref_slice %arg7[%add3A_179, %dma_wait3A_244] : memref<76x128xi32, #tpu.memory_space<vmem>> -> memref<1x128xi32, #tpu.memory_space<vmem>>
      %dma_wait3A_246 = tpu.memref_squeeze %dma_wait3A_245 : memref<1x128xi32, #tpu.memory_space<vmem>> -> memref<128xi32, #tpu.memory_space<vmem>>
      %dma_wait3A_247 = arith.constant 0 : i32
      %dma_wait3A_248 = arith.constant 0 : i32
      %dma_wait3A_249 = tpu.memref_slice %arg9[%dma_wait3A_247, %dma_wait3A_248] : memref<10112x64xf32, #tpu.memory_space<vmem_shared>> -> memref<10112x64xf32, #tpu.memory_space<vmem_shared>>
      tpu.wait_indirect_dma semaphore(%arg11 : memref<!tpu.dma_semaphore, #tpu.memory_space<semaphore_mem>>) src(%dma_wait3A_243 : memref<128x64xf32, #tpu.memory_space<vmem>>) dst(%dma_wait3A_249 : memref<10112x64xf32, #tpu.memory_space<vmem_shared>>)
      %dma_wait3A_250 = arith.constant 3 : i32
      %dma_wait3A_251 = arith.constant 0 : i32
      %dma_wait3A_252 = arith.constant 0 : i32
      %dma_wait3A_253 = tpu.memref_slice %arg8[%dma_wait3A_250, %dma_wait3A_251, %dma_wait3A_252] : memref<4x128x64xf32, #tpu.memory_space<vmem>> -> memref<1x128x64xf32, #tpu.memory_space<vmem>>
      %dma_wait3A_254 = tpu.memref_squeeze %dma_wait3A_253 : memref<1x128x64xf32, #tpu.memory_space<vmem>> -> memref<128x64xf32, #tpu.memory_space<vmem>>
      %dma_wait3A_255 = arith.constant 0 : i32
      %dma_wait3A_256 = tpu.memref_slice %arg7[%add3A_205, %dma_wait3A_255] : memref<76x128xi32, #tpu.memory_space<vmem>> -> memref<1x128xi32, #tpu.memory_space<vmem>>
      %dma_wait3A_257 = tpu.memref_squeeze %dma_wait3A_256 : memref<1x128xi32, #tpu.memory_space<vmem>> -> memref<128xi32, #tpu.memory_space<vmem>>
      %dma_wait3A_258 = arith.constant 0 : i32
      %dma_wait3A_259 = arith.constant 0 : i32
      %dma_wait3A_260 = tpu.memref_slice %arg9[%dma_wait3A_258, %dma_wait3A_259] : memref<10112x64xf32, #tpu.memory_space<vmem_shared>> -> memref<10112x64xf32, #tpu.memory_space<vmem_shared>>
      tpu.wait_indirect_dma semaphore(%arg11 : memref<!tpu.dma_semaphore, #tpu.memory_space<semaphore_mem>>) src(%dma_wait3A_254 : memref<128x64xf32, #tpu.memory_space<vmem>>) dst(%dma_wait3A_260 : memref<10112x64xf32, #tpu.memory_space<vmem_shared>>)
    }
    %while3A_52 = arith.constant 1 : i32
    scf.for %while3A_54 = %while3A_50 to %while3A_46 step %while3A_52  : i32 {
      %mul3A_55 = arith.constant 4 : i32
      %mul3A_56 = arith.muli %while3A_54, %mul3A_55 : i32
      %add3A_57 = arith.constant 0 : i32
      %add3A_58 = arith.addi %mul3A_56, %add3A_57 : i32
      %dma_start3A = arith.constant 0 : i32
      %dma_start3A_59 = arith.constant 0 : i32
      %dma_start3A_60 = arith.constant 0 : i32
      %dma_start3A_61 = tpu.memref_slice %arg8[%dma_start3A, %dma_start3A_59, %dma_start3A_60] : memref<4x128x64xf32, #tpu.memory_space<vmem>> -> memref<1x128x64xf32, #tpu.memory_space<vmem>>
      %dma_start3A_62 = tpu.memref_squeeze %dma_start3A_61 : memref<1x128x64xf32, #tpu.memory_space<vmem>> -> memref<128x64xf32, #tpu.memory_space<vmem>>
      %dma_start3A_63 = arith.constant 0 : i32
      %dma_start3A_64 = tpu.memref_slice %arg6[%add3A_58, %dma_start3A_63] : memref<76x128xi32, #tpu.memory_space<vmem>> -> memref<1x128xi32, #tpu.memory_space<vmem>>
      %dma_start3A_65 = tpu.memref_squeeze %dma_start3A_64 : memref<1x128xi32, #tpu.memory_space<vmem>> -> memref<128xi32, #tpu.memory_space<vmem>>
      %dma_start3A_66 = arith.constant 0 : i32
      %dma_start3A_67 = arith.constant 0 : i32
      %dma_start3A_68 = tpu.memref_slice %arg2[%dma_start3A_66, %dma_start3A_67] : memref<10000x64xf32, #tpu.memory_space<hbm>> -> memref<10000x64xf32, #tpu.memory_space<hbm>>
      tpu.enqueue_indirect_dma source(%dma_start3A_68 : memref<10000x64xf32, #tpu.memory_space<hbm>>) target(%dma_start3A_62 : memref<128x64xf32, #tpu.memory_space<vmem>>) offsets(%dma_start3A_65 : memref<128xi32, #tpu.memory_space<vmem>>) semaphore(%arg10 : memref<!tpu.dma_semaphore, #tpu.memory_space<semaphore_mem>>)
      %mul3A_69 = arith.constant 4 : i32
      %mul3A_70 = arith.muli %while3A_54, %mul3A_69 : i32
      %add3A_71 = arith.constant 1 : i32
      %add3A_72 = arith.addi %mul3A_70, %add3A_71 : i32
      %dma_start3A_73 = arith.constant 1 : i32
      %dma_start3A_74 = arith.constant 0 : i32
      %dma_start3A_75 = arith.constant 0 : i32
      %dma_start3A_76 = tpu.memref_slice %arg8[%dma_start3A_73, %dma_start3A_74, %dma_start3A_75] : memref<4x128x64xf32, #tpu.memory_space<vmem>> -> memref<1x128x64xf32, #tpu.memory_space<vmem>>
      %dma_start3A_77 = tpu.memref_squeeze %dma_start3A_76 : memref<1x128x64xf32, #tpu.memory_space<vmem>> -> memref<128x64xf32, #tpu.memory_space<vmem>>
      %dma_start3A_78 = arith.constant 0 : i32
      %dma_start3A_79 = tpu.memref_slice %arg6[%add3A_72, %dma_start3A_78] : memref<76x128xi32, #tpu.memory_space<vmem>> -> memref<1x128xi32, #tpu.memory_space<vmem>>
      %dma_start3A_80 = tpu.memref_squeeze %dma_start3A_79 : memref<1x128xi32, #tpu.memory_space<vmem>> -> memref<128xi32, #tpu.memory_space<vmem>>
      %dma_start3A_81 = arith.constant 0 : i32
      %dma_start3A_82 = arith.constant 0 : i32
      %dma_start3A_83 = tpu.memref_slice %arg2[%dma_start3A_81, %dma_start3A_82] : memref<10000x64xf32, #tpu.memory_space<hbm>> -> memref<10000x64xf32, #tpu.memory_space<hbm>>
      tpu.enqueue_indirect_dma source(%dma_start3A_83 : memref<10000x64xf32, #tpu.memory_space<hbm>>) target(%dma_start3A_77 : memref<128x64xf32, #tpu.memory_space<vmem>>) offsets(%dma_start3A_80 : memref<128xi32, #tpu.memory_space<vmem>>) semaphore(%arg10 : memref<!tpu.dma_semaphore, #tpu.memory_space<semaphore_mem>>)
      %mul3A_84 = arith.constant 4 : i32
      %mul3A_85 = arith.muli %while3A_54, %mul3A_84 : i32
      %add3A_86 = arith.constant 2 : i32
      %add3A_87 = arith.addi %mul3A_85, %add3A_86 : i32
      %dma_start3A_88 = arith.constant 2 : i32
      %dma_start3A_89 = arith.constant 0 : i32
      %dma_start3A_90 = arith.constant 0 : i32
      %dma_start3A_91 = tpu.memref_slice %arg8[%dma_start3A_88, %dma_start3A_89, %dma_start3A_90] : memref<4x128x64xf32, #tpu.memory_space<vmem>> -> memref<1x128x64xf32, #tpu.memory_space<vmem>>
      %dma_start3A_92 = tpu.memref_squeeze %dma_start3A_91 : memref<1x128x64xf32, #tpu.memory_space<vmem>> -> memref<128x64xf32, #tpu.memory_space<vmem>>
      %dma_start3A_93 = arith.constant 0 : i32
      %dma_start3A_94 = tpu.memref_slice %arg6[%add3A_87, %dma_start3A_93] : memref<76x128xi32, #tpu.memory_space<vmem>> -> memref<1x128xi32, #tpu.memory_space<vmem>>
      %dma_start3A_95 = tpu.memref_squeeze %dma_start3A_94 : memref<1x128xi32, #tpu.memory_space<vmem>> -> memref<128xi32, #tpu.memory_space<vmem>>
      %dma_start3A_96 = arith.constant 0 : i32
      %dma_start3A_97 = arith.constant 0 : i32
      %dma_start3A_98 = tpu.memref_slice %arg2[%dma_start3A_96, %dma_start3A_97] : memref<10000x64xf32, #tpu.memory_space<hbm>> -> memref<10000x64xf32, #tpu.memory_space<hbm>>
      tpu.enqueue_indirect_dma source(%dma_start3A_98 : memref<10000x64xf32, #tpu.memory_space<hbm>>) target(%dma_start3A_92 : memref<128x64xf32, #tpu.memory_space<vmem>>) offsets(%dma_start3A_95 : memref<128xi32, #tpu.memory_space<vmem>>) semaphore(%arg10 : memref<!tpu.dma_semaphore, #tpu.memory_space<semaphore_mem>>)
      %mul3A_99 = arith.constant 4 : i32
      %mul3A_100 = arith.muli %while3A_54, %mul3A_99 : i32
      %add3A_101 = arith.constant 3 : i32
      %add3A_102 = arith.addi %mul3A_100, %add3A_101 : i32
      %dma_start3A_103 = arith.constant 3 : i32
      %dma_start3A_104 = arith.constant 0 : i32
      %dma_start3A_105 = arith.constant 0 : i32
      %dma_start3A_106 = tpu.memref_slice %arg8[%dma_start3A_103, %dma_start3A_104, %dma_start3A_105] : memref<4x128x64xf32, #tpu.memory_space<vmem>> -> memref<1x128x64xf32, #tpu.memory_space<vmem>>
      %dma_start3A_107 = tpu.memref_squeeze %dma_start3A_106 : memref<1x128x64xf32, #tpu.memory_space<vmem>> -> memref<128x64xf32, #tpu.memory_space<vmem>>
      %dma_start3A_108 = arith.constant 0 : i32
      %dma_start3A_109 = tpu.memref_slice %arg6[%add3A_102, %dma_start3A_108] : memref<76x128xi32, #tpu.memory_space<vmem>> -> memref<1x128xi32, #tpu.memory_space<vmem>>
      %dma_start3A_110 = tpu.memref_squeeze %dma_start3A_109 : memref<1x128xi32, #tpu.memory_space<vmem>> -> memref<128xi32, #tpu.memory_space<vmem>>
      %dma_start3A_111 = arith.constant 0 : i32
      %dma_start3A_112 = arith.constant 0 : i32
      %dma_start3A_113 = tpu.memref_slice %arg2[%dma_start3A_111, %dma_start3A_112] : memref<10000x64xf32, #tpu.memory_space<hbm>> -> memref<10000x64xf32, #tpu.memory_space<hbm>>
      tpu.enqueue_indirect_dma source(%dma_start3A_113 : memref<10000x64xf32, #tpu.memory_space<hbm>>) target(%dma_start3A_107 : memref<128x64xf32, #tpu.memory_space<vmem>>) offsets(%dma_start3A_110 : memref<128xi32, #tpu.memory_space<vmem>>) semaphore(%arg10 : memref<!tpu.dma_semaphore, #tpu.memory_space<semaphore_mem>>)
      %dma_wait3A = arith.constant 0 : i32
      %dma_wait3A_114 = arith.constant 0 : i32
      %dma_wait3A_115 = arith.constant 0 : i32
      %dma_wait3A_116 = tpu.memref_slice %arg8[%dma_wait3A, %dma_wait3A_114, %dma_wait3A_115] : memref<4x128x64xf32, #tpu.memory_space<vmem>> -> memref<1x128x64xf32, #tpu.memory_space<vmem>>
      %dma_wait3A_117 = tpu.memref_squeeze %dma_wait3A_116 : memref<1x128x64xf32, #tpu.memory_space<vmem>> -> memref<128x64xf32, #tpu.memory_space<vmem>>
      %dma_wait3A_118 = arith.constant 0 : i32
      %dma_wait3A_119 = tpu.memref_slice %arg6[%add3A_58, %dma_wait3A_118] : memref<76x128xi32, #tpu.memory_space<vmem>> -> memref<1x128xi32, #tpu.memory_space<vmem>>
      %dma_wait3A_120 = tpu.memref_squeeze %dma_wait3A_119 : memref<1x128xi32, #tpu.memory_space<vmem>> -> memref<128xi32, #tpu.memory_space<vmem>>
      %dma_wait3A_121 = arith.constant 0 : i32
      %dma_wait3A_122 = arith.constant 0 : i32
      %dma_wait3A_123 = tpu.memref_slice %arg2[%dma_wait3A_121, %dma_wait3A_122] : memref<10000x64xf32, #tpu.memory_space<hbm>> -> memref<10000x64xf32, #tpu.memory_space<hbm>>
      tpu.wait_indirect_dma semaphore(%arg10 : memref<!tpu.dma_semaphore, #tpu.memory_space<semaphore_mem>>) src(%dma_wait3A_123 : memref<10000x64xf32, #tpu.memory_space<hbm>>) dst(%dma_wait3A_117 : memref<128x64xf32, #tpu.memory_space<vmem>>)
      %mul3A_124 = arith.constant 4 : i32
      %mul3A_125 = arith.muli %while3A_54, %mul3A_124 : i32
      %add3A_126 = arith.constant 0 : i32
      %add3A_127 = arith.addi %mul3A_125, %add3A_126 : i32
      %dma_start3A_128 = arith.constant 0 : i32
      %dma_start3A_129 = arith.constant 0 : i32
      %dma_start3A_130 = arith.constant 0 : i32
      %dma_start3A_131 = tpu.memref_slice %arg8[%dma_start3A_128, %dma_start3A_129, %dma_start3A_130] : memref<4x128x64xf32, #tpu.memory_space<vmem>> -> memref<1x128x64xf32, #tpu.memory_space<vmem>>
      %dma_start3A_132 = tpu.memref_squeeze %dma_start3A_131 : memref<1x128x64xf32, #tpu.memory_space<vmem>> -> memref<128x64xf32, #tpu.memory_space<vmem>>
      %dma_start3A_133 = arith.constant 0 : i32
      %dma_start3A_134 = tpu.memref_slice %arg7[%add3A_127, %dma_start3A_133] : memref<76x128xi32, #tpu.memory_space<vmem>> -> memref<1x128xi32, #tpu.memory_space<vmem>>
      %dma_start3A_135 = tpu.memref_squeeze %dma_start3A_134 : memref<1x128xi32, #tpu.memory_space<vmem>> -> memref<128xi32, #tpu.memory_space<vmem>>
      %dma_start3A_136 = arith.constant 0 : i32
      %dma_start3A_137 = arith.constant 0 : i32
      %dma_start3A_138 = tpu.memref_slice %arg9[%dma_start3A_136, %dma_start3A_137] : memref<10112x64xf32, #tpu.memory_space<vmem_shared>> -> memref<10112x64xf32, #tpu.memory_space<vmem_shared>>
      tpu.enqueue_indirect_dma source(%dma_start3A_132 : memref<128x64xf32, #tpu.memory_space<vmem>>) target(%dma_start3A_138 : memref<10112x64xf32, #tpu.memory_space<vmem_shared>>) offsets(%dma_start3A_135 : memref<128xi32, #tpu.memory_space<vmem>>) semaphore(%arg11 : memref<!tpu.dma_semaphore, #tpu.memory_space<semaphore_mem>>) {add = true}
      %dma_wait3A_139 = arith.constant 1 : i32
      %dma_wait3A_140 = arith.constant 0 : i32
      %dma_wait3A_141 = arith.constant 0 : i32
      %dma_wait3A_142 = tpu.memref_slice %arg8[%dma_wait3A_139, %dma_wait3A_140, %dma_wait3A_141] : memref<4x128x64xf32, #tpu.memory_space<vmem>> -> memref<1x128x64xf32, #tpu.memory_space<vmem>>
      %dma_wait3A_143 = tpu.memref_squeeze %dma_wait3A_142 : memref<1x128x64xf32, #tpu.memory_space<vmem>> -> memref<128x64xf32, #tpu.memory_space<vmem>>
      %dma_wait3A_144 = arith.constant 0 : i32
      %dma_wait3A_145 = tpu.memref_slice %arg6[%add3A_72, %dma_wait3A_144] : memref<76x128xi32, #tpu.memory_space<vmem>> -> memref<1x128xi32, #tpu.memory_space<vmem>>
      %dma_wait3A_146 = tpu.memref_squeeze %dma_wait3A_145 : memref<1x128xi32, #tpu.memory_space<vmem>> -> memref<128xi32, #tpu.memory_space<vmem>>
      %dma_wait3A_147 = arith.constant 0 : i32
      %dma_wait3A_148 = arith.constant 0 : i32
      %dma_wait3A_149 = tpu.memref_slice %arg2[%dma_wait3A_147, %dma_wait3A_148] : memref<10000x64xf32, #tpu.memory_space<hbm>> -> memref<10000x64xf32, #tpu.memory_space<hbm>>
      tpu.wait_indirect_dma semaphore(%arg10 : memref<!tpu.dma_semaphore, #tpu.memory_space<semaphore_mem>>) src(%dma_wait3A_149 : memref<10000x64xf32, #tpu.memory_space<hbm>>) dst(%dma_wait3A_143 : memref<128x64xf32, #tpu.memory_space<vmem>>)
      %mul3A_150 = arith.constant 4 : i32
      %mul3A_151 = arith.muli %while3A_54, %mul3A_150 : i32
      %add3A_152 = arith.constant 1 : i32
      %add3A_153 = arith.addi %mul3A_151, %add3A_152 : i32
      %dma_start3A_154 = arith.constant 1 : i32
      %dma_start3A_155 = arith.constant 0 : i32
      %dma_start3A_156 = arith.constant 0 : i32
      %dma_start3A_157 = tpu.memref_slice %arg8[%dma_start3A_154, %dma_start3A_155, %dma_start3A_156] : memref<4x128x64xf32, #tpu.memory_space<vmem>> -> memref<1x128x64xf32, #tpu.memory_space<vmem>>
      %dma_start3A_158 = tpu.memref_squeeze %dma_start3A_157 : memref<1x128x64xf32, #tpu.memory_space<vmem>> -> memref<128x64xf32, #tpu.memory_space<vmem>>
      %dma_start3A_159 = arith.constant 0 : i32
      %dma_start3A_160 = tpu.memref_slice %arg7[%add3A_153, %dma_start3A_159] : memref<76x128xi32, #tpu.memory_space<vmem>> -> memref<1x128xi32, #tpu.memory_space<vmem>>
      %dma_start3A_161 = tpu.memref_squeeze %dma_start3A_160 : memref<1x128xi32, #tpu.memory_space<vmem>> -> memref<128xi32, #tpu.memory_space<vmem>>
      %dma_start3A_162 = arith.constant 0 : i32
      %dma_start3A_163 = arith.constant 0 : i32
      %dma_start3A_164 = tpu.memref_slice %arg9[%dma_start3A_162, %dma_start3A_163] : memref<10112x64xf32, #tpu.memory_space<vmem_shared>> -> memref<10112x64xf32, #tpu.memory_space<vmem_shared>>
      tpu.enqueue_indirect_dma source(%dma_start3A_158 : memref<128x64xf32, #tpu.memory_space<vmem>>) target(%dma_start3A_164 : memref<10112x64xf32, #tpu.memory_space<vmem_shared>>) offsets(%dma_start3A_161 : memref<128xi32, #tpu.memory_space<vmem>>) semaphore(%arg11 : memref<!tpu.dma_semaphore, #tpu.memory_space<semaphore_mem>>) {add = true}
      %dma_wait3A_165 = arith.constant 2 : i32
      %dma_wait3A_166 = arith.constant 0 : i32
      %dma_wait3A_167 = arith.constant 0 : i32
      %dma_wait3A_168 = tpu.memref_slice %arg8[%dma_wait3A_165, %dma_wait3A_166, %dma_wait3A_167] : memref<4x128x64xf32, #tpu.memory_space<vmem>> -> memref<1x128x64xf32, #tpu.memory_space<vmem>>
      %dma_wait3A_169 = tpu.memref_squeeze %dma_wait3A_168 : memref<1x128x64xf32, #tpu.memory_space<vmem>> -> memref<128x64xf32, #tpu.memory_space<vmem>>
      %dma_wait3A_170 = arith.constant 0 : i32
      %dma_wait3A_171 = tpu.memref_slice %arg6[%add3A_87, %dma_wait3A_170] : memref<76x128xi32, #tpu.memory_space<vmem>> -> memref<1x128xi32, #tpu.memory_space<vmem>>
      %dma_wait3A_172 = tpu.memref_squeeze %dma_wait3A_171 : memref<1x128xi32, #tpu.memory_space<vmem>> -> memref<128xi32, #tpu.memory_space<vmem>>
      %dma_wait3A_173 = arith.constant 0 : i32
      %dma_wait3A_174 = arith.constant 0 : i32
      %dma_wait3A_175 = tpu.memref_slice %arg2[%dma_wait3A_173, %dma_wait3A_174] : memref<10000x64xf32, #tpu.memory_space<hbm>> -> memref<10000x64xf32, #tpu.memory_space<hbm>>
      tpu.wait_indirect_dma semaphore(%arg10 : memref<!tpu.dma_semaphore, #tpu.memory_space<semaphore_mem>>) src(%dma_wait3A_175 : memref<10000x64xf32, #tpu.memory_space<hbm>>) dst(%dma_wait3A_169 : memref<128x64xf32, #tpu.memory_space<vmem>>)
      %mul3A_176 = arith.constant 4 : i32
      %mul3A_177 = arith.muli %while3A_54, %mul3A_176 : i32
      %add3A_178 = arith.constant 2 : i32
      %add3A_179 = arith.addi %mul3A_177, %add3A_178 : i32
      %dma_start3A_180 = arith.constant 2 : i32
      %dma_start3A_181 = arith.constant 0 : i32
      %dma_start3A_182 = arith.constant 0 : i32
      %dma_start3A_183 = tpu.memref_slice %arg8[%dma_start3A_180, %dma_start3A_181, %dma_start3A_182] : memref<4x128x64xf32, #tpu.memory_space<vmem>> -> memref<1x128x64xf32, #tpu.memory_space<vmem>>
      %dma_start3A_184 = tpu.memref_squeeze %dma_start3A_183 : memref<1x128x64xf32, #tpu.memory_space<vmem>> -> memref<128x64xf32, #tpu.memory_space<vmem>>
      %dma_start3A_185 = arith.constant 0 : i32
      %dma_start3A_186 = tpu.memref_slice %arg7[%add3A_179, %dma_start3A_185] : memref<76x128xi32, #tpu.memory_space<vmem>> -> memref<1x128xi32, #tpu.memory_space<vmem>>
      %dma_start3A_187 = tpu.memref_squeeze %dma_start3A_186 : memref<1x128xi32, #tpu.memory_space<vmem>> -> memref<128xi32, #tpu.memory_space<vmem>>
      %dma_start3A_188 = arith.constant 0 : i32
      %dma_start3A_189 = arith.constant 0 : i32
      %dma_start3A_190 = tpu.memref_slice %arg9[%dma_start3A_188, %dma_start3A_189] : memref<10112x64xf32, #tpu.memory_space<vmem_shared>> -> memref<10112x64xf32, #tpu.memory_space<vmem_shared>>
      tpu.enqueue_indirect_dma source(%dma_start3A_184 : memref<128x64xf32, #tpu.memory_space<vmem>>) target(%dma_start3A_190 : memref<10112x64xf32, #tpu.memory_space<vmem_shared>>) offsets(%dma_start3A_187 : memref<128xi32, #tpu.memory_space<vmem>>) semaphore(%arg11 : memref<!tpu.dma_semaphore, #tpu.memory_space<semaphore_mem>>) {add = true}
      %dma_wait3A_191 = arith.constant 3 : i32
      %dma_wait3A_192 = arith.constant 0 : i32
      %dma_wait3A_193 = arith.constant 0 : i32
      %dma_wait3A_194 = tpu.memref_slice %arg8[%dma_wait3A_191, %dma_wait3A_192, %dma_wait3A_193] : memref<4x128x64xf32, #tpu.memory_space<vmem>> -> memref<1x128x64xf32, #tpu.memory_space<vmem>>
      %dma_wait3A_195 = tpu.memref_squeeze %dma_wait3A_194 : memref<1x128x64xf32, #tpu.memory_space<vmem>> -> memref<128x64xf32, #tpu.memory_space<vmem>>
      %dma_wait3A_196 = arith.constant 0 : i32
      %dma_wait3A_197 = tpu.memref_slice %arg6[%add3A_102, %dma_wait3A_196] : memref<76x128xi32, #tpu.memory_space<vmem>> -> memref<1x128xi32, #tpu.memory_space<vmem>>
      %dma_wait3A_198 = tpu.memref_squeeze %dma_wait3A_197 : memref<1x128xi32, #tpu.memory_space<vmem>> -> memref<128xi32, #tpu.memory_space<vmem>>
      %dma_wait3A_199 = arith.constant 0 : i32
      %dma_wait3A_200 = arith.constant 0 : i32
      %dma_wait3A_201 = tpu.memref_slice %arg2[%dma_wait3A_199, %dma_wait3A_200] : memref<10000x64xf32, #tpu.memory_space<hbm>> -> memref<10000x64xf32, #tpu.memory_space<hbm>>
      tpu.wait_indirect_dma semaphore(%arg10 : memref<!tpu.dma_semaphore, #tpu.memory_space<semaphore_mem>>) src(%dma_wait3A_201 : memref<10000x64xf32, #tpu.memory_space<hbm>>) dst(%dma_wait3A_195 : memref<128x64xf32, #tpu.memory_space<vmem>>)
      %mul3A_202 = arith.constant 4 : i32
      %mul3A_203 = arith.muli %while3A_54, %mul3A_202 : i32
      %add3A_204 = arith.constant 3 : i32
      %add3A_205 = arith.addi %mul3A_203, %add3A_204 : i32
      %dma_start3A_206 = arith.constant 3 : i32
      %dma_start3A_207 = arith.constant 0 : i32
      %dma_start3A_208 = arith.constant 0 : i32
      %dma_start3A_209 = tpu.memref_slice %arg8[%dma_start3A_206, %dma_start3A_207, %dma_start3A_208] : memref<4x128x64xf32, #tpu.memory_space<vmem>> -> memref<1x128x64xf32, #tpu.memory_space<vmem>>
      %dma_start3A_210 = tpu.memref_squeeze %dma_start3A_209 : memref<1x128x64xf32, #tpu.memory_space<vmem>> -> memref<128x64xf32, #tpu.memory_space<vmem>>
      %dma_start3A_211 = arith.constant 0 : i32
      %dma_start3A_212 = tpu.memref_slice %arg7[%add3A_205, %dma_start3A_211] : memref<76x128xi32, #tpu.memory_space<vmem>> -> memref<1x128xi32, #tpu.memory_space<vmem>>
      %dma_start3A_213 = tpu.memref_squeeze %dma_start3A_212 : memref<1x128xi32, #tpu.memory_space<vmem>> -> memref<128xi32, #tpu.memory_space<vmem>>
      %dma_start3A_214 = arith.constant 0 : i32
      %dma_start3A_215 = arith.constant 0 : i32
      %dma_start3A_216 = tpu.memref_slice %arg9[%dma_start3A_214, %dma_start3A_215] : memref<10112x64xf32, #tpu.memory_space<vmem_shared>> -> memref<10112x64xf32, #tpu.memory_space<vmem_shared>>
      tpu.enqueue_indirect_dma source(%dma_start3A_210 : memref<128x64xf32, #tpu.memory_space<vmem>>) target(%dma_start3A_216 : memref<10112x64xf32, #tpu.memory_space<vmem_shared>>) offsets(%dma_start3A_213 : memref<128xi32, #tpu.memory_space<vmem>>) semaphore(%arg11 : memref<!tpu.dma_semaphore, #tpu.memory_space<semaphore_mem>>) {add = true}
      %dma_wait3A_217 = arith.constant 0 : i32
      %dma_wait3A_218 = arith.constant 0 : i32
      %dma_wait3A_219 = arith.constant 0 : i32
      %dma_wait3A_220 = tpu.memref_slice %arg8[%dma_wait3A_217, %dma_wait3A_218, %dma_wait3A_219] : memref<4x128x64xf32, #tpu.memory_space<vmem>> -> memref<1x128x64xf32, #tpu.memory_space<vmem>>
      %dma_wait3A_221 = tpu.memref_squeeze %dma_wait3A_220 : memref<1x128x64xf32, #tpu.memory_space<vmem>> -> memref<128x64xf32, #tpu.memory_space<vmem>>
      %dma_wait3A_222 = arith.constant 0 : i32
      %dma_wait3A_223 = tpu.memref_slice %arg7[%add3A_127, %dma_wait3A_222] : memref<76x128xi32, #tpu.memory_space<vmem>> -> memref<1x128xi32, #tpu.memory_space<vmem>>
      %dma_wait3A_224 = tpu.memref_squeeze %dma_wait3A_223 : memref<1x128xi32, #tpu.memory_space<vmem>> -> memref<128xi32, #tpu.memory_space<vmem>>
      %dma_wait3A_225 = arith.constant 0 : i32
      %dma_wait3A_226 = arith.constant 0 : i32
      %dma_wait3A_227 = tpu.memref_slice %arg9[%dma_wait3A_225, %dma_wait3A_226] : memref<10112x64xf32, #tpu.memory_space<vmem_shared>> -> memref<10112x64xf32, #tpu.memory_space<vmem_shared>>
      tpu.wait_indirect_dma semaphore(%arg11 : memref<!tpu.dma_semaphore, #tpu.memory_space<semaphore_mem>>) src(%dma_wait3A_221 : memref<128x64xf32, #tpu.memory_space<vmem>>) dst(%dma_wait3A_227 : memref<10112x64xf32, #tpu.memory_space<vmem_shared>>)
      %dma_wait3A_228 = arith.constant 1 : i32
      %dma_wait3A_229 = arith.constant 0 : i32
      %dma_wait3A_230 = arith.constant 0 : i32
      %dma_wait3A_231 = tpu.memref_slice %arg8[%dma_wait3A_228, %dma_wait3A_229, %dma_wait3A_230] : memref<4x128x64xf32, #tpu.memory_space<vmem>> -> memref<1x128x64xf32, #tpu.memory_space<vmem>>
      %dma_wait3A_232 = tpu.memref_squeeze %dma_wait3A_231 : memref<1x128x64xf32, #tpu.memory_space<vmem>> -> memref<128x64xf32, #tpu.memory_space<vmem>>
      %dma_wait3A_233 = arith.constant 0 : i32
      %dma_wait3A_234 = tpu.memref_slice %arg7[%add3A_153, %dma_wait3A_233] : memref<76x128xi32, #tpu.memory_space<vmem>> -> memref<1x128xi32, #tpu.memory_space<vmem>>
      %dma_wait3A_235 = tpu.memref_squeeze %dma_wait3A_234 : memref<1x128xi32, #tpu.memory_space<vmem>> -> memref<128xi32, #tpu.memory_space<vmem>>
      %dma_wait3A_236 = arith.constant 0 : i32
      %dma_wait3A_237 = arith.constant 0 : i32
      %dma_wait3A_238 = tpu.memref_slice %arg9[%dma_wait3A_236, %dma_wait3A_237] : memref<10112x64xf32, #tpu.memory_space<vmem_shared>> -> memref<10112x64xf32, #tpu.memory_space<vmem_shared>>
      tpu.wait_indirect_dma semaphore(%arg11 : memref<!tpu.dma_semaphore, #tpu.memory_space<semaphore_mem>>) src(%dma_wait3A_232 : memref<128x64xf32, #tpu.memory_space<vmem>>) dst(%dma_wait3A_238 : memref<10112x64xf32, #tpu.memory_space<vmem_shared>>)
      %dma_wait3A_239 = arith.constant 2 : i32
      %dma_wait3A_240 = arith.constant 0 : i32
      %dma_wait3A_241 = arith.constant 0 : i32
      %dma_wait3A_242 = tpu.memref_slice %arg8[%dma_wait3A_239, %dma_wait3A_240, %dma_wait3A_241] : memref<4x128x64xf32, #tpu.memory_space<vmem>> -> memref<1x128x64xf32, #tpu.memory_space<vmem>>
      %dma_wait3A_243 = tpu.memref_squeeze %dma_wait3A_242 : memref<1x128x64xf32, #tpu.memory_space<vmem>> -> memref<128x64xf32, #tpu.memory_space<vmem>>
      %dma_wait3A_244 = arith.constant 0 : i32
      %dma_wait3A_245 = tpu.memref_slice %arg7[%add3A_179, %dma_wait3A_244] : memref<76x128xi32, #tpu.memory_space<vmem>> -> memref<1x128xi32, #tpu.memory_space<vmem>>
      %dma_wait3A_246 = tpu.memref_squeeze %dma_wait3A_245 : memref<1x128xi32, #tpu.memory_space<vmem>> -> memref<128xi32, #tpu.memory_space<vmem>>
      %dma_wait3A_247 = arith.constant 0 : i32
      %dma_wait3A_248 = arith.constant 0 : i32
      %dma_wait3A_249 = tpu.memref_slice %arg9[%dma_wait3A_247, %dma_wait3A_248] : memref<10112x64xf32, #tpu.memory_space<vmem_shared>> -> memref<10112x64xf32, #tpu.memory_space<vmem_shared>>
      tpu.wait_indirect_dma semaphore(%arg11 : memref<!tpu.dma_semaphore, #tpu.memory_space<semaphore_mem>>) src(%dma_wait3A_243 : memref<128x64xf32, #tpu.memory_space<vmem>>) dst(%dma_wait3A_249 : memref<10112x64xf32, #tpu.memory_space<vmem_shared>>)
      %dma_wait3A_250 = arith.constant 3 : i32
      %dma_wait3A_251 = arith.constant 0 : i32
      %dma_wait3A_252 = arith.constant 0 : i32
      %dma_wait3A_253 = tpu.memref_slice %arg8[%dma_wait3A_250, %dma_wait3A_251, %dma_wait3A_252] : memref<4x128x64xf32, #tpu.memory_space<vmem>> -> memref<1x128x64xf32, #tpu.memory_space<vmem>>
      %dma_wait3A_254 = tpu.memref_squeeze %dma_wait3A_253 : memref<1x128x64xf32, #tpu.memory_space<vmem>> -> memref<128x64xf32, #tpu.memory_space<vmem>>
      %dma_wait3A_255 = arith.constant 0 : i32
      %dma_wait3A_256 = tpu.memref_slice %arg7[%add3A_205, %dma_wait3A_255] : memref<76x128xi32, #tpu.memory_space<vmem>> -> memref<1x128xi32, #tpu.memory_space<vmem>>
      %dma_wait3A_257 = tpu.memref_squeeze %dma_wait3A_256 : memref<1x128xi32, #tpu.memory_space<vmem>> -> memref<128xi32, #tpu.memory_space<vmem>>
      %dma_wait3A_258 = arith.constant 0 : i32
      %dma_wait3A_259 = arith.constant 0 : i32
      %dma_wait3A_260 = tpu.memref_slice %arg9[%dma_wait3A_258, %dma_wait3A_259] : memref<10112x64xf32, #tpu.memory_space<vmem_shared>> -> memref<10112x64xf32, #tpu.memory_space<vmem_shared>>
      tpu.wait_indirect_dma semaphore(%arg11 : memref<!tpu.dma_semaphore, #tpu.memory_space<semaphore_mem>>) src(%dma_wait3A_254 : memref<128x64xf32, #tpu.memory_space<vmem>>) dst(%dma_wait3A_260 : memref<10112x64xf32, #tpu.memory_space<vmem_shared>>)
    }
    %barrier3A_53 = arith.constant 0 : index
    tpu.barrier barrier_id(%barrier3A_53)
    "tpu.region"() ({
      %run_scoped3A_54 = tpu.sem_alloc : memref<!tpu.dma_semaphore, #tpu.memory_space<semaphore_mem>>
      %dma_start3A = arith.constant 0 : i32
      %dma_start3A_55 = tpu.memref_slice %arg5[%arg0, %multiple_of3A, %dma_start3A] : memref<2x10112x64xf32, #tpu.memory_space<hbm>> -> memref<1x632x64xf32, #tpu.memory_space<hbm>>
      %dma_start3A_56 = tpu.memref_squeeze %dma_start3A_55 : memref<1x632x64xf32, #tpu.memory_space<hbm>> -> memref<632x64xf32, #tpu.memory_space<hbm>>
      %dma_start3A_57 = arith.constant 0 : i32
      %dma_start3A_58 = tpu.memref_slice %arg9[%multiple_of3A, %dma_start3A_57] : memref<10112x64xf32, #tpu.memory_space<vmem_shared>> -> memref<632x64xf32, #tpu.memory_space<vmem_shared>>
      tpu.enqueue_dma source(%dma_start3A_58 : memref<632x64xf32, #tpu.memory_space<vmem_shared>>) target(%dma_start3A_56 : memref<632x64xf32, #tpu.memory_space<hbm>>) target_semaphore(%run_scoped3A_54 : memref<!tpu.dma_semaphore, #tpu.memory_space<semaphore_mem>>)
      %dma_wait3A = arith.constant 0 : i32
      %dma_wait3A_59 = tpu.memref_slice %arg5[%arg0, %multiple_of3A, %dma_wait3A] : memref<2x10112x64xf32, #tpu.memory_space<hbm>> -> memref<1x632x64xf32, #tpu.memory_space<hbm>>
      %dma_wait3A_60 = tpu.memref_squeeze %dma_wait3A_59 : memref<1x632x64xf32, #tpu.memory_space<hbm>> -> memref<632x64xf32, #tpu.memory_space<hbm>>
      %dma_wait3A_61 = arith.constant 0 : i32
      %dma_wait3A_62 = tpu.memref_slice %arg9[%multiple_of3A, %dma_wait3A_61] : memref<10112x64xf32, #tpu.memory_space<vmem_shared>> -> memref<632x64xf32, #tpu.memory_space<vmem_shared>>
      tpu.wait_dma2 semaphore(%run_scoped3A_54 : memref<!tpu.dma_semaphore, #tpu.memory_space<semaphore_mem>>) src(%dma_wait3A_62 : memref<632x64xf32, #tpu.memory_space<vmem_shared>>) dst(%dma_wait3A_60 : memref<632x64xf32, #tpu.memory_space<hbm>>)
      tpu.yield
    }) : () -> ()
    return
  }
}

#map = affine_map<(d0, d1) -> (0, 0)>
#map1 = affine_map<(d0, d1) -> (0, 0, 0)>
module attributes {stable_mosaic.version = 14 : i64} {
  func.func @hist(%arg0: i32, %arg1: i32, %arg2: memref<2560x128xi32, #tpu.memory_space<hbm>>, %arg3: memref<128x16xf32, #tpu.memory_space<hbm>>, %arg4: memref<10112x16xf32, #tpu.memory_space<hbm>>, %arg5: memref<2x10112x16xf32, #tpu.memory_space<hbm>>, %arg6: memref<80x128xi32, #tpu.memory_space<vmem>>, %arg7: memref<128x16xf32, #tpu.memory_space<vmem>>, %arg8: memref<10112x16xf32, #tpu.memory_space<vmem_shared>>, %arg9: memref<!tpu.dma_semaphore, #tpu.memory_space<semaphore_mem>>) attributes {dimension_semantics = [#tpu.dimension_semantics<core_parallel>, #tpu.dimension_semantics<subcore_parallel>], iteration_bounds = array<i64: 2, 16>, scalar_prefetch = 0 : i64, scratch_operands = 4 : i64, tpu.core_type = #tpu.core_type<sc_vector_subcore>, window_params = [{transform_indices = #map}, {transform_indices = #map}, {transform_indices = #map}, {transform_indices = #map1}]} {
    %mul3A = arith.constant 16 : i32
    %mul3A_0 = arith.muli %arg0, %mul3A : i32
    %add3A = arith.addi %mul3A_0, %arg1 : i32
    %mul3A_1 = arith.constant 632 : i32
    %mul3A_2 = arith.muli %arg1, %mul3A_1 : i32
    %multiple_of3A = tpu.assume_multiple %mul3A_2, 8 : i32
    %mul3A_3 = arith.constant 80 : i32
    %mul3A_4 = arith.muli %add3A, %mul3A_3 : i32
    "tpu.region"() ({
      %run_scoped3A = tpu.sem_alloc : memref<!tpu.dma_semaphore, #tpu.memory_space<semaphore_mem>>
      %dma_start3A = arith.constant 0 : i32
      %dma_start3A_11 = tpu.memref_slice %arg2[%mul3A_4, %dma_start3A] : memref<2560x128xi32, #tpu.memory_space<hbm>> -> memref<80x128xi32, #tpu.memory_space<hbm>>
      %dma_start3A_12 = arith.constant 0 : i32
      %dma_start3A_13 = tpu.memref_slice %arg2[%mul3A_4, %dma_start3A_12] : memref<2560x128xi32, #tpu.memory_space<hbm>> -> memref<80x128xi32, #tpu.memory_space<hbm>>
      tpu.enqueue_dma source(%dma_start3A_13 : memref<80x128xi32, #tpu.memory_space<hbm>>) target(%arg6 : memref<80x128xi32, #tpu.memory_space<vmem>>) target_semaphore(%run_scoped3A : memref<!tpu.dma_semaphore, #tpu.memory_space<semaphore_mem>>)
      %dma_wait3A = arith.constant 0 : i32
      %dma_wait3A_14 = tpu.memref_slice %arg2[%mul3A_4, %dma_wait3A] : memref<2560x128xi32, #tpu.memory_space<hbm>> -> memref<80x128xi32, #tpu.memory_space<hbm>>
      %dma_wait3A_15 = arith.constant 0 : i32
      %dma_wait3A_16 = tpu.memref_slice %arg2[%mul3A_4, %dma_wait3A_15] : memref<2560x128xi32, #tpu.memory_space<hbm>> -> memref<80x128xi32, #tpu.memory_space<hbm>>
      tpu.wait_dma2 semaphore(%run_scoped3A : memref<!tpu.dma_semaphore, #tpu.memory_space<semaphore_mem>>) src(%dma_wait3A_16 : memref<80x128xi32, #tpu.memory_space<hbm>>) dst(%arg6 : memref<80x128xi32, #tpu.memory_space<vmem>>)
      tpu.yield
    }) : () -> ()
    "tpu.region"() ({
      %run_scoped3A = tpu.sem_alloc : memref<!tpu.dma_semaphore, #tpu.memory_space<semaphore_mem>>
      tpu.enqueue_dma source(%arg3 : memref<128x16xf32, #tpu.memory_space<hbm>>) target(%arg7 : memref<128x16xf32, #tpu.memory_space<vmem>>) target_semaphore(%run_scoped3A : memref<!tpu.dma_semaphore, #tpu.memory_space<semaphore_mem>>)
      tpu.wait_dma2 semaphore(%run_scoped3A : memref<!tpu.dma_semaphore, #tpu.memory_space<semaphore_mem>>) src(%arg3 : memref<128x16xf32, #tpu.memory_space<hbm>>) dst(%arg7 : memref<128x16xf32, #tpu.memory_space<vmem>>)
      tpu.yield
    }) : () -> ()
    "tpu.region"() ({
      %run_scoped3A = tpu.sem_alloc : memref<!tpu.dma_semaphore, #tpu.memory_space<semaphore_mem>>
      %dma_start3A = arith.constant 0 : i32
      %dma_start3A_11 = tpu.memref_slice %arg8[%multiple_of3A, %dma_start3A] : memref<10112x16xf32, #tpu.memory_space<vmem_shared>> -> memref<632x16xf32, #tpu.memory_space<vmem_shared>>
      %dma_start3A_12 = arith.constant 0 : i32
      %dma_start3A_13 = tpu.memref_slice %arg4[%multiple_of3A, %dma_start3A_12] : memref<10112x16xf32, #tpu.memory_space<hbm>> -> memref<632x16xf32, #tpu.memory_space<hbm>>
      tpu.enqueue_dma source(%dma_start3A_13 : memref<632x16xf32, #tpu.memory_space<hbm>>) target(%dma_start3A_11 : memref<632x16xf32, #tpu.memory_space<vmem_shared>>) target_semaphore(%run_scoped3A : memref<!tpu.dma_semaphore, #tpu.memory_space<semaphore_mem>>)
      %dma_wait3A = arith.constant 0 : i32
      %dma_wait3A_14 = tpu.memref_slice %arg8[%multiple_of3A, %dma_wait3A] : memref<10112x16xf32, #tpu.memory_space<vmem_shared>> -> memref<632x16xf32, #tpu.memory_space<vmem_shared>>
      %dma_wait3A_15 = arith.constant 0 : i32
      %dma_wait3A_16 = tpu.memref_slice %arg4[%multiple_of3A, %dma_wait3A_15] : memref<10112x16xf32, #tpu.memory_space<hbm>> -> memref<632x16xf32, #tpu.memory_space<hbm>>
      tpu.wait_dma2 semaphore(%run_scoped3A : memref<!tpu.dma_semaphore, #tpu.memory_space<semaphore_mem>>) src(%dma_wait3A_16 : memref<632x16xf32, #tpu.memory_space<hbm>>) dst(%dma_wait3A_14 : memref<632x16xf32, #tpu.memory_space<vmem_shared>>)
      tpu.yield
    }) : () -> ()
    %barrier3A = arith.constant 0 : index
    tpu.barrier barrier_id(%barrier3A)
    %scan3A = arith.constant 0 : i32
    %scan3A_5 = arith.constant 0 : i32
    %scan3A_6 = arith.constant 10 : i32
    %scan3A_7 = arith.addi %scan3A_5, %scan3A_6 : i32
    %scan3A_8 = arith.constant 1 : i32
    scf.for %scan3A_11 = %scan3A_5 to %scan3A_7 step %scan3A_8  : i32 {
      %mul3A_12 = arith.constant 8 : i32
      %mul3A_13 = arith.muli %scan3A_11, %mul3A_12 : i32
      %add3A_14 = arith.constant 0 : i32
      %add3A_15 = arith.addi %mul3A_13, %add3A_14 : i32
      %dma_start3A = arith.constant 0 : i32
      %dma_start3A_16 = tpu.memref_slice %arg6[%add3A_15, %dma_start3A] : memref<80x128xi32, #tpu.memory_space<vmem>> -> memref<1x128xi32, #tpu.memory_space<vmem>>
      %dma_start3A_17 = tpu.memref_squeeze %dma_start3A_16 : memref<1x128xi32, #tpu.memory_space<vmem>> -> memref<128xi32, #tpu.memory_space<vmem>>
      %dma_start3A_18 = arith.constant 0 : i32
      %dma_start3A_19 = arith.constant 0 : i32
      %dma_start3A_20 = tpu.memref_slice %arg8[%dma_start3A_18, %dma_start3A_19] : memref<10112x16xf32, #tpu.memory_space<vmem_shared>> -> memref<10112x16xf32, #tpu.memory_space<vmem_shared>>
      tpu.enqueue_indirect_dma source(%arg7 : memref<128x16xf32, #tpu.memory_space<vmem>>) target(%dma_start3A_20 : memref<10112x16xf32, #tpu.memory_space<vmem_shared>>) offsets(%dma_start3A_17 : memref<128xi32, #tpu.memory_space<vmem>>) semaphore(%arg9 : memref<!tpu.dma_semaphore, #tpu.memory_space<semaphore_mem>>) {add = true}
      %mul3A_21 = arith.constant 8 : i32
      %mul3A_22 = arith.muli %scan3A_11, %mul3A_21 : i32
      %add3A_23 = arith.constant 1 : i32
      %add3A_24 = arith.addi %mul3A_22, %add3A_23 : i32
      %dma_start3A_25 = arith.constant 0 : i32
      %dma_start3A_26 = tpu.memref_slice %arg6[%add3A_24, %dma_start3A_25] : memref<80x128xi32, #tpu.memory_space<vmem>> -> memref<1x128xi32, #tpu.memory_space<vmem>>
      %dma_start3A_27 = tpu.memref_squeeze %dma_start3A_26 : memref<1x128xi32, #tpu.memory_space<vmem>> -> memref<128xi32, #tpu.memory_space<vmem>>
      %dma_start3A_28 = arith.constant 0 : i32
      %dma_start3A_29 = arith.constant 0 : i32
      %dma_start3A_30 = tpu.memref_slice %arg8[%dma_start3A_28, %dma_start3A_29] : memref<10112x16xf32, #tpu.memory_space<vmem_shared>> -> memref<10112x16xf32, #tpu.memory_space<vmem_shared>>
      tpu.enqueue_indirect_dma source(%arg7 : memref<128x16xf32, #tpu.memory_space<vmem>>) target(%dma_start3A_30 : memref<10112x16xf32, #tpu.memory_space<vmem_shared>>) offsets(%dma_start3A_27 : memref<128xi32, #tpu.memory_space<vmem>>) semaphore(%arg9 : memref<!tpu.dma_semaphore, #tpu.memory_space<semaphore_mem>>) {add = true}
      %mul3A_31 = arith.constant 8 : i32
      %mul3A_32 = arith.muli %scan3A_11, %mul3A_31 : i32
      %add3A_33 = arith.constant 2 : i32
      %add3A_34 = arith.addi %mul3A_32, %add3A_33 : i32
      %dma_start3A_35 = arith.constant 0 : i32
      %dma_start3A_36 = tpu.memref_slice %arg6[%add3A_34, %dma_start3A_35] : memref<80x128xi32, #tpu.memory_space<vmem>> -> memref<1x128xi32, #tpu.memory_space<vmem>>
      %dma_start3A_37 = tpu.memref_squeeze %dma_start3A_36 : memref<1x128xi32, #tpu.memory_space<vmem>> -> memref<128xi32, #tpu.memory_space<vmem>>
      %dma_start3A_38 = arith.constant 0 : i32
      %dma_start3A_39 = arith.constant 0 : i32
      %dma_start3A_40 = tpu.memref_slice %arg8[%dma_start3A_38, %dma_start3A_39] : memref<10112x16xf32, #tpu.memory_space<vmem_shared>> -> memref<10112x16xf32, #tpu.memory_space<vmem_shared>>
      tpu.enqueue_indirect_dma source(%arg7 : memref<128x16xf32, #tpu.memory_space<vmem>>) target(%dma_start3A_40 : memref<10112x16xf32, #tpu.memory_space<vmem_shared>>) offsets(%dma_start3A_37 : memref<128xi32, #tpu.memory_space<vmem>>) semaphore(%arg9 : memref<!tpu.dma_semaphore, #tpu.memory_space<semaphore_mem>>) {add = true}
      %mul3A_41 = arith.constant 8 : i32
      %mul3A_42 = arith.muli %scan3A_11, %mul3A_41 : i32
      %add3A_43 = arith.constant 3 : i32
      %add3A_44 = arith.addi %mul3A_42, %add3A_43 : i32
      %dma_start3A_45 = arith.constant 0 : i32
      %dma_start3A_46 = tpu.memref_slice %arg6[%add3A_44, %dma_start3A_45] : memref<80x128xi32, #tpu.memory_space<vmem>> -> memref<1x128xi32, #tpu.memory_space<vmem>>
      %dma_start3A_47 = tpu.memref_squeeze %dma_start3A_46 : memref<1x128xi32, #tpu.memory_space<vmem>> -> memref<128xi32, #tpu.memory_space<vmem>>
      %dma_start3A_48 = arith.constant 0 : i32
      %dma_start3A_49 = arith.constant 0 : i32
      %dma_start3A_50 = tpu.memref_slice %arg8[%dma_start3A_48, %dma_start3A_49] : memref<10112x16xf32, #tpu.memory_space<vmem_shared>> -> memref<10112x16xf32, #tpu.memory_space<vmem_shared>>
      tpu.enqueue_indirect_dma source(%arg7 : memref<128x16xf32, #tpu.memory_space<vmem>>) target(%dma_start3A_50 : memref<10112x16xf32, #tpu.memory_space<vmem_shared>>) offsets(%dma_start3A_47 : memref<128xi32, #tpu.memory_space<vmem>>) semaphore(%arg9 : memref<!tpu.dma_semaphore, #tpu.memory_space<semaphore_mem>>) {add = true}
      %mul3A_51 = arith.constant 8 : i32
      %mul3A_52 = arith.muli %scan3A_11, %mul3A_51 : i32
      %add3A_53 = arith.constant 4 : i32
      %add3A_54 = arith.addi %mul3A_52, %add3A_53 : i32
      %dma_start3A_55 = arith.constant 0 : i32
      %dma_start3A_56 = tpu.memref_slice %arg6[%add3A_54, %dma_start3A_55] : memref<80x128xi32, #tpu.memory_space<vmem>> -> memref<1x128xi32, #tpu.memory_space<vmem>>
      %dma_start3A_57 = tpu.memref_squeeze %dma_start3A_56 : memref<1x128xi32, #tpu.memory_space<vmem>> -> memref<128xi32, #tpu.memory_space<vmem>>
      %dma_start3A_58 = arith.constant 0 : i32
      %dma_start3A_59 = arith.constant 0 : i32
      %dma_start3A_60 = tpu.memref_slice %arg8[%dma_start3A_58, %dma_start3A_59] : memref<10112x16xf32, #tpu.memory_space<vmem_shared>> -> memref<10112x16xf32, #tpu.memory_space<vmem_shared>>
      tpu.enqueue_indirect_dma source(%arg7 : memref<128x16xf32, #tpu.memory_space<vmem>>) target(%dma_start3A_60 : memref<10112x16xf32, #tpu.memory_space<vmem_shared>>) offsets(%dma_start3A_57 : memref<128xi32, #tpu.memory_space<vmem>>) semaphore(%arg9 : memref<!tpu.dma_semaphore, #tpu.memory_space<semaphore_mem>>) {add = true}
      %mul3A_61 = arith.constant 8 : i32
      %mul3A_62 = arith.muli %scan3A_11, %mul3A_61 : i32
      %add3A_63 = arith.constant 5 : i32
      %add3A_64 = arith.addi %mul3A_62, %add3A_63 : i32
      %dma_start3A_65 = arith.constant 0 : i32
      %dma_start3A_66 = tpu.memref_slice %arg6[%add3A_64, %dma_start3A_65] : memref<80x128xi32, #tpu.memory_space<vmem>> -> memref<1x128xi32, #tpu.memory_space<vmem>>
      %dma_start3A_67 = tpu.memref_squeeze %dma_start3A_66 : memref<1x128xi32, #tpu.memory_space<vmem>> -> memref<128xi32, #tpu.memory_space<vmem>>
      %dma_start3A_68 = arith.constant 0 : i32
      %dma_start3A_69 = arith.constant 0 : i32
      %dma_start3A_70 = tpu.memref_slice %arg8[%dma_start3A_68, %dma_start3A_69] : memref<10112x16xf32, #tpu.memory_space<vmem_shared>> -> memref<10112x16xf32, #tpu.memory_space<vmem_shared>>
      tpu.enqueue_indirect_dma source(%arg7 : memref<128x16xf32, #tpu.memory_space<vmem>>) target(%dma_start3A_70 : memref<10112x16xf32, #tpu.memory_space<vmem_shared>>) offsets(%dma_start3A_67 : memref<128xi32, #tpu.memory_space<vmem>>) semaphore(%arg9 : memref<!tpu.dma_semaphore, #tpu.memory_space<semaphore_mem>>) {add = true}
      %mul3A_71 = arith.constant 8 : i32
      %mul3A_72 = arith.muli %scan3A_11, %mul3A_71 : i32
      %add3A_73 = arith.constant 6 : i32
      %add3A_74 = arith.addi %mul3A_72, %add3A_73 : i32
      %dma_start3A_75 = arith.constant 0 : i32
      %dma_start3A_76 = tpu.memref_slice %arg6[%add3A_74, %dma_start3A_75] : memref<80x128xi32, #tpu.memory_space<vmem>> -> memref<1x128xi32, #tpu.memory_space<vmem>>
      %dma_start3A_77 = tpu.memref_squeeze %dma_start3A_76 : memref<1x128xi32, #tpu.memory_space<vmem>> -> memref<128xi32, #tpu.memory_space<vmem>>
      %dma_start3A_78 = arith.constant 0 : i32
      %dma_start3A_79 = arith.constant 0 : i32
      %dma_start3A_80 = tpu.memref_slice %arg8[%dma_start3A_78, %dma_start3A_79] : memref<10112x16xf32, #tpu.memory_space<vmem_shared>> -> memref<10112x16xf32, #tpu.memory_space<vmem_shared>>
      tpu.enqueue_indirect_dma source(%arg7 : memref<128x16xf32, #tpu.memory_space<vmem>>) target(%dma_start3A_80 : memref<10112x16xf32, #tpu.memory_space<vmem_shared>>) offsets(%dma_start3A_77 : memref<128xi32, #tpu.memory_space<vmem>>) semaphore(%arg9 : memref<!tpu.dma_semaphore, #tpu.memory_space<semaphore_mem>>) {add = true}
      %mul3A_81 = arith.constant 8 : i32
      %mul3A_82 = arith.muli %scan3A_11, %mul3A_81 : i32
      %add3A_83 = arith.constant 7 : i32
      %add3A_84 = arith.addi %mul3A_82, %add3A_83 : i32
      %dma_start3A_85 = arith.constant 0 : i32
      %dma_start3A_86 = tpu.memref_slice %arg6[%add3A_84, %dma_start3A_85] : memref<80x128xi32, #tpu.memory_space<vmem>> -> memref<1x128xi32, #tpu.memory_space<vmem>>
      %dma_start3A_87 = tpu.memref_squeeze %dma_start3A_86 : memref<1x128xi32, #tpu.memory_space<vmem>> -> memref<128xi32, #tpu.memory_space<vmem>>
      %dma_start3A_88 = arith.constant 0 : i32
      %dma_start3A_89 = arith.constant 0 : i32
      %dma_start3A_90 = tpu.memref_slice %arg8[%dma_start3A_88, %dma_start3A_89] : memref<10112x16xf32, #tpu.memory_space<vmem_shared>> -> memref<10112x16xf32, #tpu.memory_space<vmem_shared>>
      tpu.enqueue_indirect_dma source(%arg7 : memref<128x16xf32, #tpu.memory_space<vmem>>) target(%dma_start3A_90 : memref<10112x16xf32, #tpu.memory_space<vmem_shared>>) offsets(%dma_start3A_87 : memref<128xi32, #tpu.memory_space<vmem>>) semaphore(%arg9 : memref<!tpu.dma_semaphore, #tpu.memory_space<semaphore_mem>>) {add = true}
      %dma_wait3A = arith.constant 0 : i32
      %dma_wait3A_91 = tpu.memref_slice %arg6[%add3A_15, %dma_wait3A] : memref<80x128xi32, #tpu.memory_space<vmem>> -> memref<1x128xi32, #tpu.memory_space<vmem>>
      %dma_wait3A_92 = tpu.memref_squeeze %dma_wait3A_91 : memref<1x128xi32, #tpu.memory_space<vmem>> -> memref<128xi32, #tpu.memory_space<vmem>>
      %dma_wait3A_93 = arith.constant 0 : i32
      %dma_wait3A_94 = arith.constant 0 : i32
      %dma_wait3A_95 = tpu.memref_slice %arg8[%dma_wait3A_93, %dma_wait3A_94] : memref<10112x16xf32, #tpu.memory_space<vmem_shared>> -> memref<10112x16xf32, #tpu.memory_space<vmem_shared>>
      tpu.wait_indirect_dma semaphore(%arg9 : memref<!tpu.dma_semaphore, #tpu.memory_space<semaphore_mem>>) src(%arg7 : memref<128x16xf32, #tpu.memory_space<vmem>>) dst(%dma_wait3A_95 : memref<10112x16xf32, #tpu.memory_space<vmem_shared>>)
      %dma_wait3A_96 = arith.constant 0 : i32
      %dma_wait3A_97 = tpu.memref_slice %arg6[%add3A_24, %dma_wait3A_96] : memref<80x128xi32, #tpu.memory_space<vmem>> -> memref<1x128xi32, #tpu.memory_space<vmem>>
      %dma_wait3A_98 = tpu.memref_squeeze %dma_wait3A_97 : memref<1x128xi32, #tpu.memory_space<vmem>> -> memref<128xi32, #tpu.memory_space<vmem>>
      %dma_wait3A_99 = arith.constant 0 : i32
      %dma_wait3A_100 = arith.constant 0 : i32
      %dma_wait3A_101 = tpu.memref_slice %arg8[%dma_wait3A_99, %dma_wait3A_100] : memref<10112x16xf32, #tpu.memory_space<vmem_shared>> -> memref<10112x16xf32, #tpu.memory_space<vmem_shared>>
      tpu.wait_indirect_dma semaphore(%arg9 : memref<!tpu.dma_semaphore, #tpu.memory_space<semaphore_mem>>) src(%arg7 : memref<128x16xf32, #tpu.memory_space<vmem>>) dst(%dma_wait3A_101 : memref<10112x16xf32, #tpu.memory_space<vmem_shared>>)
      %dma_wait3A_102 = arith.constant 0 : i32
      %dma_wait3A_103 = tpu.memref_slice %arg6[%add3A_34, %dma_wait3A_102] : memref<80x128xi32, #tpu.memory_space<vmem>> -> memref<1x128xi32, #tpu.memory_space<vmem>>
      %dma_wait3A_104 = tpu.memref_squeeze %dma_wait3A_103 : memref<1x128xi32, #tpu.memory_space<vmem>> -> memref<128xi32, #tpu.memory_space<vmem>>
      %dma_wait3A_105 = arith.constant 0 : i32
      %dma_wait3A_106 = arith.constant 0 : i32
      %dma_wait3A_107 = tpu.memref_slice %arg8[%dma_wait3A_105, %dma_wait3A_106] : memref<10112x16xf32, #tpu.memory_space<vmem_shared>> -> memref<10112x16xf32, #tpu.memory_space<vmem_shared>>
      tpu.wait_indirect_dma semaphore(%arg9 : memref<!tpu.dma_semaphore, #tpu.memory_space<semaphore_mem>>) src(%arg7 : memref<128x16xf32, #tpu.memory_space<vmem>>) dst(%dma_wait3A_107 : memref<10112x16xf32, #tpu.memory_space<vmem_shared>>)
      %dma_wait3A_108 = arith.constant 0 : i32
      %dma_wait3A_109 = tpu.memref_slice %arg6[%add3A_44, %dma_wait3A_108] : memref<80x128xi32, #tpu.memory_space<vmem>> -> memref<1x128xi32, #tpu.memory_space<vmem>>
      %dma_wait3A_110 = tpu.memref_squeeze %dma_wait3A_109 : memref<1x128xi32, #tpu.memory_space<vmem>> -> memref<128xi32, #tpu.memory_space<vmem>>
      %dma_wait3A_111 = arith.constant 0 : i32
      %dma_wait3A_112 = arith.constant 0 : i32
      %dma_wait3A_113 = tpu.memref_slice %arg8[%dma_wait3A_111, %dma_wait3A_112] : memref<10112x16xf32, #tpu.memory_space<vmem_shared>> -> memref<10112x16xf32, #tpu.memory_space<vmem_shared>>
      tpu.wait_indirect_dma semaphore(%arg9 : memref<!tpu.dma_semaphore, #tpu.memory_space<semaphore_mem>>) src(%arg7 : memref<128x16xf32, #tpu.memory_space<vmem>>) dst(%dma_wait3A_113 : memref<10112x16xf32, #tpu.memory_space<vmem_shared>>)
      %dma_wait3A_114 = arith.constant 0 : i32
      %dma_wait3A_115 = tpu.memref_slice %arg6[%add3A_54, %dma_wait3A_114] : memref<80x128xi32, #tpu.memory_space<vmem>> -> memref<1x128xi32, #tpu.memory_space<vmem>>
      %dma_wait3A_116 = tpu.memref_squeeze %dma_wait3A_115 : memref<1x128xi32, #tpu.memory_space<vmem>> -> memref<128xi32, #tpu.memory_space<vmem>>
      %dma_wait3A_117 = arith.constant 0 : i32
      %dma_wait3A_118 = arith.constant 0 : i32
      %dma_wait3A_119 = tpu.memref_slice %arg8[%dma_wait3A_117, %dma_wait3A_118] : memref<10112x16xf32, #tpu.memory_space<vmem_shared>> -> memref<10112x16xf32, #tpu.memory_space<vmem_shared>>
      tpu.wait_indirect_dma semaphore(%arg9 : memref<!tpu.dma_semaphore, #tpu.memory_space<semaphore_mem>>) src(%arg7 : memref<128x16xf32, #tpu.memory_space<vmem>>) dst(%dma_wait3A_119 : memref<10112x16xf32, #tpu.memory_space<vmem_shared>>)
      %dma_wait3A_120 = arith.constant 0 : i32
      %dma_wait3A_121 = tpu.memref_slice %arg6[%add3A_64, %dma_wait3A_120] : memref<80x128xi32, #tpu.memory_space<vmem>> -> memref<1x128xi32, #tpu.memory_space<vmem>>
      %dma_wait3A_122 = tpu.memref_squeeze %dma_wait3A_121 : memref<1x128xi32, #tpu.memory_space<vmem>> -> memref<128xi32, #tpu.memory_space<vmem>>
      %dma_wait3A_123 = arith.constant 0 : i32
      %dma_wait3A_124 = arith.constant 0 : i32
      %dma_wait3A_125 = tpu.memref_slice %arg8[%dma_wait3A_123, %dma_wait3A_124] : memref<10112x16xf32, #tpu.memory_space<vmem_shared>> -> memref<10112x16xf32, #tpu.memory_space<vmem_shared>>
      tpu.wait_indirect_dma semaphore(%arg9 : memref<!tpu.dma_semaphore, #tpu.memory_space<semaphore_mem>>) src(%arg7 : memref<128x16xf32, #tpu.memory_space<vmem>>) dst(%dma_wait3A_125 : memref<10112x16xf32, #tpu.memory_space<vmem_shared>>)
      %dma_wait3A_126 = arith.constant 0 : i32
      %dma_wait3A_127 = tpu.memref_slice %arg6[%add3A_74, %dma_wait3A_126] : memref<80x128xi32, #tpu.memory_space<vmem>> -> memref<1x128xi32, #tpu.memory_space<vmem>>
      %dma_wait3A_128 = tpu.memref_squeeze %dma_wait3A_127 : memref<1x128xi32, #tpu.memory_space<vmem>> -> memref<128xi32, #tpu.memory_space<vmem>>
      %dma_wait3A_129 = arith.constant 0 : i32
      %dma_wait3A_130 = arith.constant 0 : i32
      %dma_wait3A_131 = tpu.memref_slice %arg8[%dma_wait3A_129, %dma_wait3A_130] : memref<10112x16xf32, #tpu.memory_space<vmem_shared>> -> memref<10112x16xf32, #tpu.memory_space<vmem_shared>>
      tpu.wait_indirect_dma semaphore(%arg9 : memref<!tpu.dma_semaphore, #tpu.memory_space<semaphore_mem>>) src(%arg7 : memref<128x16xf32, #tpu.memory_space<vmem>>) dst(%dma_wait3A_131 : memref<10112x16xf32, #tpu.memory_space<vmem_shared>>)
      %dma_wait3A_132 = arith.constant 0 : i32
      %dma_wait3A_133 = tpu.memref_slice %arg6[%add3A_84, %dma_wait3A_132] : memref<80x128xi32, #tpu.memory_space<vmem>> -> memref<1x128xi32, #tpu.memory_space<vmem>>
      %dma_wait3A_134 = tpu.memref_squeeze %dma_wait3A_133 : memref<1x128xi32, #tpu.memory_space<vmem>> -> memref<128xi32, #tpu.memory_space<vmem>>
      %dma_wait3A_135 = arith.constant 0 : i32
      %dma_wait3A_136 = arith.constant 0 : i32
      %dma_wait3A_137 = tpu.memref_slice %arg8[%dma_wait3A_135, %dma_wait3A_136] : memref<10112x16xf32, #tpu.memory_space<vmem_shared>> -> memref<10112x16xf32, #tpu.memory_space<vmem_shared>>
      tpu.wait_indirect_dma semaphore(%arg9 : memref<!tpu.dma_semaphore, #tpu.memory_space<semaphore_mem>>) src(%arg7 : memref<128x16xf32, #tpu.memory_space<vmem>>) dst(%dma_wait3A_137 : memref<10112x16xf32, #tpu.memory_space<vmem_shared>>)
    }
    %scan3A_9 = arith.constant 10 : i32
    %barrier3A_10 = arith.constant 0 : index
    tpu.barrier barrier_id(%barrier3A_10)
    "tpu.region"() ({
      %run_scoped3A = tpu.sem_alloc : memref<!tpu.dma_semaphore, #tpu.memory_space<semaphore_mem>>
      %dma_start3A = arith.constant 0 : i32
      %dma_start3A_11 = tpu.memref_slice %arg5[%arg0, %multiple_of3A, %dma_start3A] : memref<2x10112x16xf32, #tpu.memory_space<hbm>> -> memref<1x632x16xf32, #tpu.memory_space<hbm>>
      %dma_start3A_12 = tpu.memref_squeeze %dma_start3A_11 : memref<1x632x16xf32, #tpu.memory_space<hbm>> -> memref<632x16xf32, #tpu.memory_space<hbm>>
      %dma_start3A_13 = arith.constant 0 : i32
      %dma_start3A_14 = tpu.memref_slice %arg8[%multiple_of3A, %dma_start3A_13] : memref<10112x16xf32, #tpu.memory_space<vmem_shared>> -> memref<632x16xf32, #tpu.memory_space<vmem_shared>>
      tpu.enqueue_dma source(%dma_start3A_14 : memref<632x16xf32, #tpu.memory_space<vmem_shared>>) target(%dma_start3A_12 : memref<632x16xf32, #tpu.memory_space<hbm>>) target_semaphore(%run_scoped3A : memref<!tpu.dma_semaphore, #tpu.memory_space<semaphore_mem>>)
      %dma_wait3A = arith.constant 0 : i32
      %dma_wait3A_15 = tpu.memref_slice %arg5[%arg0, %multiple_of3A, %dma_wait3A] : memref<2x10112x16xf32, #tpu.memory_space<hbm>> -> memref<1x632x16xf32, #tpu.memory_space<hbm>>
      %dma_wait3A_16 = tpu.memref_squeeze %dma_wait3A_15 : memref<1x632x16xf32, #tpu.memory_space<hbm>> -> memref<632x16xf32, #tpu.memory_space<hbm>>
      %dma_wait3A_17 = arith.constant 0 : i32
      %dma_wait3A_18 = tpu.memref_slice %arg8[%multiple_of3A, %dma_wait3A_17] : memref<10112x16xf32, #tpu.memory_space<vmem_shared>> -> memref<632x16xf32, #tpu.memory_space<vmem_shared>>
      tpu.wait_dma2 semaphore(%run_scoped3A : memref<!tpu.dma_semaphore, #tpu.memory_space<semaphore_mem>>) src(%dma_wait3A_18 : memref<632x16xf32, #tpu.memory_space<vmem_shared>>) dst(%dma_wait3A_16 : memref<632x16xf32, #tpu.memory_space<hbm>>)
      tpu.yield
    }) : () -> ()
    return
  }
}

module attributes {stable_mosaic.version = 14 : i64} {
  func.func @body(%arg0: i32, %arg1: memref<400x128xf32, #tpu.memory_space<vmem>>, %arg2: memref<128x128xf32, #tpu.memory_space<vmem>>, %arg3: memref<2x400x16xf32, #tpu.memory_space<vmem>>, %arg4: memref<400x128xf32, #tpu.memory_space<vmem>>, %arg5: memref<400x1xf32, #tpu.memory_space<vmem>>) attributes {dimension_semantics = [#tpu.dimension_semantics<arbitrary>], iteration_bounds = array<i64: 25>, scalar_prefetch = 0 : i64, scratch_operands = 0 : i64, tpu.core_type = #tpu.core_type<tc>, window_params = [{transform_indices = @transform_0, window_bounds = array<i64: 400, 128>}, {pipeline_mode = #tpu.pipeline_mode<synchronous>, transform_indices = @transform_1, window_bounds = array<i64: 128, 128>}, {transform_indices = @transform_2, window_bounds = array<i64: 2, 400, 16>}, {transform_indices = @transform_3, window_bounds = array<i64: 400, 128>}, {transform_indices = @transform_4, window_bounds = array<i64: 400, 1>}]} {
    %get3A = arith.constant 0 : index
    %get3A_0 = arith.constant 0 : index
    %get3A_1 = arith.constant 0 : index
    %get3A_2 = vector.load %arg3[%get3A, %get3A_0, %get3A_1] : memref<2x400x16xf32, #tpu.memory_space<vmem>>, vector<1x400x1xf32>
    %get3A_3 = vector.shape_cast %get3A_2 : vector<1x400x1xf32> to vector<400x1xf32>
    %get3A_4 = arith.constant 1 : index
    %get3A_5 = arith.constant 0 : index
    %get3A_6 = arith.constant 0 : index
    %get3A_7 = vector.load %arg3[%get3A_4, %get3A_5, %get3A_6] : memref<2x400x16xf32, #tpu.memory_space<vmem>>, vector<1x400x1xf32>
    %get3A_8 = vector.shape_cast %get3A_7 : vector<1x400x1xf32> to vector<400x1xf32>
    %add3A = arith.addf %get3A_3, %get3A_8 : vector<400x1xf32>
    %add3A_9 = arith.constant 1.000000e+00 : f32
    %add3A_10 = vector.broadcast %add3A_9 : f32 to vector<400x1xf32>
    %add3A_11 = arith.addf %add3A, %add3A_10 : vector<400x1xf32>
    %rsqrt3A = math.rsqrt %add3A_11 : vector<400x1xf32>
    %get3A_12 = arith.constant 0 : index
    %get3A_13 = arith.constant 0 : index
    %get3A_14 = vector.load %arg1[%get3A_12, %get3A_13] : memref<400x128xf32, #tpu.memory_space<vmem>>, vector<400x128xf32>
    %get3A_15 = arith.constant 0 : index
    %get3A_16 = arith.constant 0 : index
    %get3A_17 = vector.load %arg2[%get3A_15, %get3A_16] : memref<128x128xf32, #tpu.memory_space<vmem>>, vector<128x128xf32>
    %dot_general3A = arith.constant dense<0.000000e+00> : vector<400x128xf32>
    %dot_general3A_18 = tpu.matmul %get3A_14, %get3A_17, %dot_general3A {dimension_numbers = #tpu.dot_dimension_numbers<[1], [0], [0], [1], [0, 0, 1, 1], [], []>, transpose_lhs_hint = false} : vector<400x128xf32>, vector<128x128xf32>, vector<400x128xf32> -> vector<400x128xf32>
    %mul3A = vector.broadcast %rsqrt3A : vector<400x1xf32> to vector<400x128xf32>
    %mul3A_19 = arith.mulf %dot_general3A_18, %mul3A : vector<400x128xf32>
    %swap3A = arith.constant 0 : index
    %swap3A_20 = arith.constant 0 : index
    %swap3A_21 = vector.load %arg4[%swap3A, %swap3A_20] : memref<400x128xf32, #tpu.memory_space<vmem>>, vector<400x128xf32>
    tpu.vector_store %arg4[%swap3A, %swap3A_20], %mul3A_19 {strides = array<i32>} : memref<400x128xf32, #tpu.memory_space<vmem>>, vector<400x128xf32>,
    %swap3A_22 = arith.constant 0 : index
    %swap3A_23 = arith.constant 0 : index
    %swap3A_24 = vector.load %arg5[%swap3A_22, %swap3A_23] : memref<400x1xf32, #tpu.memory_space<vmem>>, vector<400x1xf32>
    tpu.vector_store %arg5[%swap3A_22, %swap3A_23], %rsqrt3A {strides = array<i32>} : memref<400x1xf32, #tpu.memory_space<vmem>>, vector<400x1xf32>,
    return
  }
  func.func @transform_0(%arg0: i32) -> (i32, i32) {
    %c0_i32 = arith.constant 0 : i32
    %c0_i32_0 = arith.constant 0 : i32
    return %arg0, %c0_i32 : i32, i32
  }
  func.func @transform_1(%arg0: i32) -> (i32, i32) {
    %c0_i32 = arith.constant 0 : i32
    %c0_i32_0 = arith.constant 0 : i32
    %c0_i32_1 = arith.constant 0 : i32
    return %c0_i32, %c0_i32_0 : i32, i32
  }
  func.func @transform_2(%arg0: i32) -> (i32, i32, i32) {
    %c0_i32 = arith.constant 0 : i32
    %c0_i32_0 = arith.constant 0 : i32
    %c0_i32_1 = arith.constant 0 : i32
    return %c0_i32, %arg0, %c0_i32_0 : i32, i32, i32
  }
  func.func @transform_3(%arg0: i32) -> (i32, i32) {
    %c0_i32 = arith.constant 0 : i32
    %c0_i32_0 = arith.constant 0 : i32
    return %arg0, %c0_i32 : i32, i32
  }
  func.func @transform_4(%arg0: i32) -> (i32, i32) {
    %c0_i32 = arith.constant 0 : i32
    %c0_i32_0 = arith.constant 0 : i32
    return %arg0, %c0_i32 : i32, i32
  }
}

module attributes {stable_mosaic.version = 14 : i64} {
  func.func @body(%arg0: i32, %arg1: memref<2x400x128xf32, #tpu.memory_space<vmem>>, %arg2: memref<400x128xf32, #tpu.memory_space<vmem>>, %arg3: memref<400x1xf32, #tpu.memory_space<vmem>>, %arg4: memref<1x128xf32, #tpu.memory_space<vmem>>, %arg5: memref<128x64xf32, #tpu.memory_space<vmem>>, %arg6: memref<400x64xf32, #tpu.memory_space<vmem>>) attributes {dimension_semantics = [#tpu.dimension_semantics<arbitrary>], iteration_bounds = array<i64: 25>, scalar_prefetch = 0 : i64, scratch_operands = 0 : i64, tpu.core_type = #tpu.core_type<tc>, window_params = [{transform_indices = @transform_0, window_bounds = array<i64: 2, 400, 128>}, {transform_indices = @transform_1, window_bounds = array<i64: 400, 128>}, {transform_indices = @transform_2, window_bounds = array<i64: 400, 1>}, {pipeline_mode = #tpu.pipeline_mode<synchronous>, transform_indices = @transform_3, window_bounds = array<i64: 1, 128>}, {pipeline_mode = #tpu.pipeline_mode<synchronous>, transform_indices = @transform_4, window_bounds = array<i64: 128, 64>}, {transform_indices = @transform_5, window_bounds = array<i64: 400, 64>}]} {
    %get3A = arith.constant 0 : index
    %get3A_0 = arith.constant 0 : index
    %get3A_1 = arith.constant 0 : index
    %get3A_2 = vector.load %arg1[%get3A, %get3A_0, %get3A_1] : memref<2x400x128xf32, #tpu.memory_space<vmem>>, vector<1x400x128xf32>
    %get3A_3 = vector.shape_cast %get3A_2 : vector<1x400x128xf32> to vector<400x128xf32>
    %get3A_4 = arith.constant 1 : index
    %get3A_5 = arith.constant 0 : index
    %get3A_6 = arith.constant 0 : index
    %get3A_7 = vector.load %arg1[%get3A_4, %get3A_5, %get3A_6] : memref<2x400x128xf32, #tpu.memory_space<vmem>>, vector<1x400x128xf32>
    %get3A_8 = vector.shape_cast %get3A_7 : vector<1x400x128xf32> to vector<400x128xf32>
    %add3A = arith.addf %get3A_3, %get3A_8 : vector<400x128xf32>
    %get3A_9 = arith.constant 0 : index
    %get3A_10 = arith.constant 0 : index
    %get3A_11 = vector.load %arg2[%get3A_9, %get3A_10] : memref<400x128xf32, #tpu.memory_space<vmem>>, vector<400x128xf32>
    %add3A_12 = arith.addf %add3A, %get3A_11 : vector<400x128xf32>
    %get3A_13 = arith.constant 0 : index
    %get3A_14 = arith.constant 0 : index
    %get3A_15 = vector.load %arg3[%get3A_13, %get3A_14] : memref<400x1xf32, #tpu.memory_space<vmem>>, vector<400x1xf32>
    %mul3A = vector.broadcast %get3A_15 : vector<400x1xf32> to vector<400x128xf32>
    %mul3A_16 = arith.mulf %mul3A, %add3A_12 : vector<400x128xf32>
    %get3A_17 = arith.constant 0 : index
    %get3A_18 = arith.constant 0 : index
    %get3A_19 = vector.load %arg4[%get3A_17, %get3A_18] : memref<1x128xf32, #tpu.memory_space<vmem>>, vector<1x128xf32>
    %add3A_20 = vector.broadcast %get3A_19 : vector<1x128xf32> to vector<400x128xf32>
    %add3A_21 = arith.addf %mul3A_16, %add3A_20 : vector<400x128xf32>
    %max3A = arith.constant 0.000000e+00 : f32
    %max3A_22 = vector.broadcast %max3A : f32 to vector<400x128xf32>
    %max3A_23 = arith.maximumf %add3A_21, %max3A_22 : vector<400x128xf32>
    %get3A_24 = arith.constant 0 : index
    %get3A_25 = arith.constant 0 : index
    %get3A_26 = vector.load %arg5[%get3A_24, %get3A_25] : memref<128x64xf32, #tpu.memory_space<vmem>>, vector<128x64xf32>
    %dot_general3A = arith.constant dense<0.000000e+00> : vector<400x64xf32>
    %dot_general3A_27 = tpu.matmul %max3A_23, %get3A_26, %dot_general3A {dimension_numbers = #tpu.dot_dimension_numbers<[1], [0], [0], [1], [0, 0, 1, 1], [], []>, transpose_lhs_hint = false} : vector<400x128xf32>, vector<128x64xf32>, vector<400x64xf32> -> vector<400x64xf32>
    %get3A_28 = arith.constant 0 : index
    %get3A_29 = arith.constant 0 : index
    %get3A_30 = vector.load %arg3[%get3A_28, %get3A_29] : memref<400x1xf32, #tpu.memory_space<vmem>>, vector<400x1xf32>
    %mul3A_31 = vector.broadcast %get3A_30 : vector<400x1xf32> to vector<400x64xf32>
    %mul3A_32 = arith.mulf %dot_general3A_27, %mul3A_31 : vector<400x64xf32>
    %swap3A = arith.constant 0 : index
    %swap3A_33 = arith.constant 0 : index
    %swap3A_34 = vector.load %arg6[%swap3A, %swap3A_33] : memref<400x64xf32, #tpu.memory_space<vmem>>, vector<400x64xf32>
    tpu.vector_store %arg6[%swap3A, %swap3A_33], %mul3A_32 {strides = array<i32>} : memref<400x64xf32, #tpu.memory_space<vmem>>, vector<400x64xf32>,
    return
  }
  func.func @transform_0(%arg0: i32) -> (i32, i32, i32) {
    %c0_i32 = arith.constant 0 : i32
    %c0_i32_0 = arith.constant 0 : i32
    %c0_i32_1 = arith.constant 0 : i32
    return %c0_i32, %arg0, %c0_i32_0 : i32, i32, i32
  }
  func.func @transform_1(%arg0: i32) -> (i32, i32) {
    %c0_i32 = arith.constant 0 : i32
    %c0_i32_0 = arith.constant 0 : i32
    return %arg0, %c0_i32 : i32, i32
  }
  func.func @transform_2(%arg0: i32) -> (i32, i32) {
    %c0_i32 = arith.constant 0 : i32
    %c0_i32_0 = arith.constant 0 : i32
    return %arg0, %c0_i32 : i32, i32
  }
  func.func @transform_3(%arg0: i32) -> (i32, i32) {
    %c0_i32 = arith.constant 0 : i32
    %c0_i32_0 = arith.constant 0 : i32
    %c0_i32_1 = arith.constant 0 : i32
    return %c0_i32, %c0_i32_0 : i32, i32
  }
  func.func @transform_4(%arg0: i32) -> (i32, i32) {
    %c0_i32 = arith.constant 0 : i32
    %c0_i32_0 = arith.constant 0 : i32
    %c0_i32_1 = arith.constant 0 : i32
    return %c0_i32, %c0_i32_0 : i32, i32
  }
  func.func @transform_5(%arg0: i32) -> (i32, i32) {
    %c0_i32 = arith.constant 0 : i32
    %c0_i32_0 = arith.constant 0 : i32
    return %arg0, %c0_i32 : i32, i32
  }
}

module attributes {stable_mosaic.version = 14 : i64} {
  func.func @body(%arg0: i32, %arg1: memref<2x400x64xf32, #tpu.memory_space<vmem>>, %arg2: memref<400x64xf32, #tpu.memory_space<vmem>>, %arg3: memref<400x1xf32, #tpu.memory_space<vmem>>, %arg4: memref<1x64xf32, #tpu.memory_space<vmem>>, %arg5: memref<400x32xf32, #tpu.memory_space<vmem>>, %arg6: memref<400x32xf32, #tpu.memory_space<vmem>>) attributes {dimension_semantics = [#tpu.dimension_semantics<arbitrary>], iteration_bounds = array<i64: 25>, scalar_prefetch = 0 : i64, scratch_operands = 0 : i64, tpu.core_type = #tpu.core_type<tc>, window_params = [{transform_indices = @transform_0, window_bounds = array<i64: 2, 400, 64>}, {transform_indices = @transform_1, window_bounds = array<i64: 400, 64>}, {transform_indices = @transform_2, window_bounds = array<i64: 400, 1>}, {pipeline_mode = #tpu.pipeline_mode<synchronous>, transform_indices = @transform_3, window_bounds = array<i64: 1, 64>}, {transform_indices = @transform_4, window_bounds = array<i64: 400, 32>}, {transform_indices = @transform_5, window_bounds = array<i64: 400, 32>}]} {
    %get3A = arith.constant 0 : index
    %get3A_0 = arith.constant 0 : index
    %get3A_1 = vector.load %arg3[%get3A, %get3A_0] : memref<400x1xf32, #tpu.memory_space<vmem>>, vector<400x1xf32>
    %get3A_2 = arith.constant 0 : index
    %get3A_3 = arith.constant 0 : index
    %get3A_4 = arith.constant 0 : index
    %get3A_5 = vector.load %arg1[%get3A_2, %get3A_3, %get3A_4] : memref<2x400x64xf32, #tpu.memory_space<vmem>>, vector<1x400x64xf32>
    %get3A_6 = vector.shape_cast %get3A_5 : vector<1x400x64xf32> to vector<400x64xf32>
    %get3A_7 = arith.constant 1 : index
    %get3A_8 = arith.constant 0 : index
    %get3A_9 = arith.constant 0 : index
    %get3A_10 = vector.load %arg1[%get3A_7, %get3A_8, %get3A_9] : memref<2x400x64xf32, #tpu.memory_space<vmem>>, vector<1x400x64xf32>
    %get3A_11 = vector.shape_cast %get3A_10 : vector<1x400x64xf32> to vector<400x64xf32>
    %add3A = arith.addf %get3A_6, %get3A_11 : vector<400x64xf32>
    %get3A_12 = arith.constant 0 : index
    %get3A_13 = arith.constant 0 : index
    %get3A_14 = vector.load %arg2[%get3A_12, %get3A_13] : memref<400x64xf32, #tpu.memory_space<vmem>>, vector<400x64xf32>
    %add3A_15 = arith.addf %add3A, %get3A_14 : vector<400x64xf32>
    %mul3A = vector.broadcast %get3A_1 : vector<400x1xf32> to vector<400x64xf32>
    %mul3A_16 = arith.mulf %mul3A, %add3A_15 : vector<400x64xf32>
    %get3A_17 = arith.constant 0 : index
    %get3A_18 = arith.constant 0 : index
    %get3A_19 = vector.load %arg4[%get3A_17, %get3A_18] : memref<1x64xf32, #tpu.memory_space<vmem>>, vector<1x64xf32>
    %add3A_20 = vector.broadcast %get3A_19 : vector<1x64xf32> to vector<400x64xf32>
    %add3A_21 = arith.addf %mul3A_16, %add3A_20 : vector<400x64xf32>
    %slice3A = vector.extract_strided_slice %add3A_21 {offsets = [0, 0], sizes = [400, 32], strides = [1, 1]} : vector<400x64xf32> to vector<400x32xf32>
    %swap3A = arith.constant 0 : index
    %swap3A_22 = arith.constant 0 : index
    %swap3A_23 = vector.load %arg5[%swap3A, %swap3A_22] : memref<400x32xf32, #tpu.memory_space<vmem>>, vector<400x32xf32>
    tpu.vector_store %arg5[%swap3A, %swap3A_22], %slice3A {strides = array<i32>} : memref<400x32xf32, #tpu.memory_space<vmem>>, vector<400x32xf32>,
    %slice3A_24 = vector.extract_strided_slice %add3A_21 {offsets = [0, 32], sizes = [400, 32], strides = [1, 1]} : vector<400x64xf32> to vector<400x32xf32>
    %swap3A_25 = arith.constant 0 : index
    %swap3A_26 = arith.constant 0 : index
    %swap3A_27 = vector.load %arg6[%swap3A_25, %swap3A_26] : memref<400x32xf32, #tpu.memory_space<vmem>>, vector<400x32xf32>
    tpu.vector_store %arg6[%swap3A_25, %swap3A_26], %slice3A_24 {strides = array<i32>} : memref<400x32xf32, #tpu.memory_space<vmem>>, vector<400x32xf32>,
    return
  }
  func.func @transform_0(%arg0: i32) -> (i32, i32, i32) {
    %c0_i32 = arith.constant 0 : i32
    %c0_i32_0 = arith.constant 0 : i32
    %c0_i32_1 = arith.constant 0 : i32
    return %c0_i32, %arg0, %c0_i32_0 : i32, i32, i32
  }
  func.func @transform_1(%arg0: i32) -> (i32, i32) {
    %c0_i32 = arith.constant 0 : i32
    %c0_i32_0 = arith.constant 0 : i32
    return %arg0, %c0_i32 : i32, i32
  }
  func.func @transform_2(%arg0: i32) -> (i32, i32) {
    %c0_i32 = arith.constant 0 : i32
    %c0_i32_0 = arith.constant 0 : i32
    return %arg0, %c0_i32 : i32, i32
  }
  func.func @transform_3(%arg0: i32) -> (i32, i32) {
    %c0_i32 = arith.constant 0 : i32
    %c0_i32_0 = arith.constant 0 : i32
    %c0_i32_1 = arith.constant 0 : i32
    return %c0_i32, %c0_i32_0 : i32, i32
  }
  func.func @transform_4(%arg0: i32) -> (i32, i32) {
    %c0_i32 = arith.constant 0 : i32
    %c0_i32_0 = arith.constant 0 : i32
    return %arg0, %c0_i32 : i32, i32
  }
  func.func @transform_5(%arg0: i32) -> (i32, i32) {
    %c0_i32 = arith.constant 0 : i32
    %c0_i32_0 = arith.constant 0 : i32
    return %arg0, %c0_i32 : i32, i32
  }
}

</mosaic_0001>

<sc_bundles>
// kernel: kernel.11.cloned.1.call-start
scs
__scs_entry_jumppad:
0x0: {  	(pc) =	sbr.rel $0x88, $3  }
0x1: {  	(tag) =	ssettag $0x0;
	lr =	simm.s32 $0x1  }
0x2: {  	[smem:$0x3F99] =	sst lr;
	_ =	strace $0xD0000000  }
0x3: {  	_ = 	snop  }
0x4: {  	_ = 	snop  }
0x5: {  	_ = 	snop  }
0x6: {  	_ = 	snop  }
0x7: {  	_ = 	snop  }
__scs_overlays_trampoline_lowered:
0x8: {  	[smem:$0x3FA8] =	sst s0  }
0x9: {  	[smem:$0x3FA9] =	sst s1  }
0xa: {  	[smem:$0x3FAA] =	sst s2  }
0xb: {  	[smem:$0x3FAB] =	sst s3  }
0xc: {  	[smem:$0x3FAC] =	sst s4  }
0xd: {  	[smem:$0x3FAD] =	sst s5  }
0xe: {  	[smem:$0x3FAE] =	sst s6  }
0xf: {  	[smem:$0x3FAF] =	sst s7  }
0x10: {  	[smem:$0x3FB0] =	sst s8  }
0x11: {  	[smem:$0x3FB1] =	sst s9;
	s0 =	simm.s32 @!p0 $0x0  }
0x12: {  	s1 =	sld [smem:$0x3F97];
	s0 =	simm.s32 @p0 $0x1  }
0x13: {  	[smem:$0x3FB2] =	sst s0;
	s0 =	simm.s32 @!p1 $0x0  }
0x14: {  	s2 =	sld [smem:$0x3F96];
	s0 =	simm.s32 @p1 $0x1  }
0x15: {  	[smem:$0x3FB3] =	sst s0;
	s0 =	simm.s32 @!p2 $0x0  }
0x16: {  	s3 =	sld [smem:$0x3FDB];
	s0 =	simm.s32 @p2 $0x1  }
0x17: {  	s4 =	simm.s32 $0x1BF5;
	[smem:$0x3FB5] =	sst s0  }
0x18: {  	s0 =	sld [smem:$0x3F98];
	_ =	swait.ge [sflag:s4], $0x0  }
0x19: {  	s7 =	sld [smem:$0x3F99]  }
0x1a: {  	s8 =	sadd.s32 $0xFFFFE003, lr  }
0x1b: {  	s9 =	sadd.s32 $0xFFFFFEF7, lr;
	s5 =	simm.s32 $0xFFFFFFFF;
	p2 =	slt.u32 s8, $0xFFFFF086  }
0x1c: {  	p1 =	slt.u32 s9, $0xF7A;
	s5 =	simm.s32 @!p2 $0x0  }
0x1d: {  	s5 =	simm.s32 @p1 $0x1;
	p0 =	seq.s32 s7, s2  }
0x1e: {  	s7 =	smul.u32 @!p0 $0xF7A, s2;
	p2 =	seq.s32 @!p0 s5, $0x0  }
0x1f: {  	s9 =	smul.u32 $0xF7A, s1;
	s8 =	simm.s32 @!p0 $0x1BF5;
	p2 =	por !p2, p0  }
0x20: {  	[sflag:s8] =	ssyncset.s32 @!p0 $0xFFFFF086;
	s6 =	sadd.s32 @!p0 s3, s7;
	s7 =	simm.s32 @!p0 $0x108  }
0x21: {  	s3 =	sadd.s32 s3, s9;
	s6 =	sadd.s32 @!p0 $0x88, s6;
	s7 =	simm.s32 @p2 $0x1082  }
0x22: {  	[simem:s7], [sflag:s8] =	dma.local @!p0 [hbm:s6], $0xF7A  }
0x23: {  	s9 =	sor.u32 $0xD0000000, s2;
	s6 =	simm.s32 $0x108;
	_ =	swait.ge @!p0 [sflag:s8], $0x0  }
0x24: {  	s3 =	sadd.s32 $0x88, s3;
	s6 =	simm.s32 @!p1 $0x1082;
	[sflag:s4] =	ssyncset.s32 $0xFFFFF086  }
0x25: {  	[simem:s6], [sflag:s4] =	dma.local [hbm:s3], $0xF7A  }
0x26: {  	[smem:$0x3F99] =	sst s1;
	(tag) =	ssettag s2;
	_ =	strace s9  }
0x27: {  	s1 =	sld [smem:$0x3FA9]  }
0x28: {  	s2 =	sld [smem:$0x3FAA]  }
0x29: {  	s4 =	sld [smem:$0x3FAC]  }
0x2a: {  	p0 =	seq.s32 s5, $0x0;
	s5 =	sld [smem:$0x3FAD]  }
0x2b: {  	s6 =	sld [smem:$0x3FAE]  }
0x2c: {  	s7 =	sld [smem:$0x3FAF]  }
0x2d: {  	s3 =	simm.s32 $0x108;
	s8 =	sld [smem:$0x3FB0]  }
0x2e: {  	s3 =	simm.s32 @!p0 $0x1082;
	s9 =	sld [smem:$0x3FB1]  }
0x2f: {  	lr =	sadd.s32 s0, s3;
	s0 =	sld [smem:$0x3FA8]  }
0x30: {  	s3 =	sld [smem:$0x3FAB]  }
0x31: {  	[smem:$0x3FB4] =	sst s10  }
0x32: {  	s10 =	sld [smem:$0x3FB2];
	_ =	sdelay $0x3  }
0x33: {  	p0 =	seq.s32 s10, $0x1;
	s10 =	sld [smem:$0x3FB4];
	_ =	sdelay $0x3  }
0x34: {  	[smem:$0x3FB4] =	sst s10  }
0x35: {  	s10 =	sld [smem:$0x3FB3];
	_ =	sdelay $0x3  }
0x36: {  	p1 =	seq.s32 s10, $0x1;
	s10 =	sld [smem:$0x3FB4];
	_ =	sdelay $0x3  }
0x37: {  	[smem:$0x3FB4] =	sst s10  }
0x38: {  	s10 =	sld [smem:$0x3FB5]  }
0x39: {  	_ = 	snop;
	(pc) =	sbr.ind lr, $3  }
0x3a: {  	_ = 	snop  }
0x3b: {  	_ = 	snop  }
0x3c: {  	p2 =	seq.s32 s10, $0x1;
	s10 =	sld [smem:$0x3FB4]  }
0x3d: {  	_ =	shalt  }
0x3e: {  	_ =	shalt  }
0x3f: {  	_ =	shalt  }
0x40: {  	_ =	shalt  }
0x41: {  	_ =	shalt  }
0x42: {  	_ =	shalt  }
0x43: {  	_ =	shalt  }
0x44: {  	_ =	shalt  }
0x45: {  	_ =	shalt  }
0x46: {  	_ =	shalt  }
0x47: {  	_ =	shalt  }
0x48: {  	_ =	shalt  }
0x49: {  	_ =	shalt  }
0x4a: {  	_ =	shalt  }
0x4b: {  	_ =	shalt  }
0x4c: {  	_ =	shalt  }
0x4d: {  	_ =	shalt  }
0x4e: {  	_ =	shalt  }
0x4f: {  	_ =	shalt  }
0x50: {  	_ =	shalt  }
0x51: {  	_ =	shalt  }
0x52: {  	_ =	shalt  }
0x53: {  	_ =	shalt  }
0x54: {  	_ =	shalt  }
0x55: {  	_ =	shalt  }
0x56: {  	_ =	shalt  }
0x57: {  	_ =	shalt  }
0x58: {  	_ =	shalt  }
0x59: {  	_ =	shalt  }
0x5a: {  	_ =	shalt  }
0x5b: {  	_ =	shalt  }
0x5c: {  	_ =	shalt  }
0x5d: {  	_ =	shalt  }
0x5e: {  	_ =	shalt  }
0x5f: {  	_ =	shalt  }
0x60: {  	_ =	shalt  }
0x61: {  	_ =	shalt  }
0x62: {  	_ =	shalt  }
0x63: {  	_ =	shalt  }
0x64: {  	_ =	shalt  }
0x65: {  	_ =	shalt  }
0x66: {  	_ =	shalt  }
0x67: {  	_ =	shalt  }
0x68: {  	_ =	shalt  }
0x69: {  	_ =	shalt  }
0x6a: {  	_ =	shalt  }
0x6b: {  	_ =	shalt  }
0x6c: {  	_ =	shalt  }
0x6d: {  	_ =	shalt  }
0x6e: {  	_ =	shalt  }
0x6f: {  	_ =	shalt  }
0x70: {  	_ =	shalt  }
0x71: {  	_ =	shalt  }
0x72: {  	_ =	shalt  }
0x73: {  	_ =	shalt  }
0x74: {  	_ =	shalt  }
0x75: {  	_ =	shalt  }
0x76: {  	_ =	shalt  }
0x77: {  	_ =	shalt  }
0x78: {  	_ =	shalt  }
0x79: {  	_ =	shalt  }
0x7a: {  	_ =	shalt  }
0x7b: {  	_ =	shalt  }
0x7c: {  	_ =	shalt  }
0x7d: {  	_ =	shalt  }
0x7e: {  	_ =	shalt  }
0x7f: {  	_ =	shalt  }
0x80: {  	_ =	shalt  }
0x81: {  	_ =	shalt  }
0x82: {  	_ =	shalt  }
0x83: {  	_ =	shalt  }
0x84: {  	_ =	shalt  }
0x85: {  	_ =	shalt  }
0x86: {  	_ =	shalt  }
0x87: {  	_ =	shalt  }
.Lfunc_end0:
.L_simem_size_0:
called_computation.1_lowered:
.L_overlay_start_0:
0x88: {  	s2 =	sld [smem:$0x3FD9]  }
0x89: {  	s3 =	sld [smem:$0x3FFE];
	_ =	sdelay $0x1  }
0x8a: {  	s1 =	srdreg.scid  }
0x8b: {  	s0 =	sand.u32 $0x1, s1  }
0x8c: {  	s16 =	sshll.u32 s0, $0xA;
	s2 =	sadd.s32 s3, s2  }
0x8d: {  	s2 =	sadd.s32 s2, s16  }
0x8e: {  	[smem:$0x3FC0] =	sst s2  }
0x8f: {  	_ = 	snop  }
0x90: {  	(tm) =	ssettm $0x1  }
0x91: {  	s17 =	sld [smem:$0x3FFB];
	_ =	sdelay $0x3  }
0x92: {  	_ =	strace s17  }
0x93: {  	s2 =	sld [smem:$0x3FFC];
	_ =	sdelay $0x3  }
0x94: {  	_ =	strace s2  }
0x95: {  	s2 =	sld [smem:$0x3FFD];
	_ =	sdelay $0x3  }
0x96: {  	_ =	strace s2  }
0x97: {  	_ =	strace $0x8FFFFFFF  }
0x98: {  	s18 =	sld [smem:$0x3FDB];
	_ =	sdelay $0x1  }
0x99: {  	s19 =	simm.s32 $_scs_section_size  }
0x9a: {  	s4 =	simm.s32 $_size__tile_overlayer_lowered;
	s5 =	simm.s32 $_tile_overlayer_lowered  }
0x9b: {  	s22 =	simm.s32 $0x1BFF;
	s21 =	sshll.u32 s5, $0x1;
	s2 =	sadd.s32 s19, s18  }
0x9c: {  	s6 =	simm.s32 $0x0;
	s20 =	sshll.u32 s4, $0x1;
	s4 =	sadd.s32 s21, s2  }
0x9d: {  	[timem:s6], [sflag:s22] =	dma.local [hbm:s4], s20  }
0x9e: {  	_ =	swait.ge [sflag:s22], s20  }
0x9f: {  	s3 =	ssub.s32 $0x0, s20;
	[sflag:s22] =	ssyncset.done $0x0  }
0xa0: {  	[sflag:s22] =	ssyncadd.s32 s3;
	_ =	sdelay $0x1  }
0xa1: {  	s23 =	simm.s32 $0x1B8B  }
0xa2: {  	_ =	swait.ge [sflag:s23], $0x1  }
0xa3: {  	[sflag:s23] =	ssyncset.done $0x0  }
0xa4: {  	s25 =	simm.s32 $0x1B8E;
	s24 =	sld [smem:$0x3FFE];
	[sflag:s23] =	ssyncadd.s32 $0xFFFFFFFF  }
0xa5: {  	s26 =	simm.s32 $execute0_lowered;
	[smem:$0x3FD2] =	sst s25  }
0xa6: {  	s4 =	sshll.u32 s26, $0x1;
	_ =	strace $0x80000049;
	[dreg:$0x1] =	wrdreg $0xFFFFFFFF  }
0xa7: {  	s28 =	simm.s32 $_size_execute0_lowered;
	s2 =	sadd.s32 s2, s4;
	[dreg:$0x0] =	wrdreg $0x0  }
0xa8: {  	s4 =	sshll.u32 s28, $0x1;
	[dreg:$0x2] =	wrdreg s2  }
0xa9: {  	[dreg:$0x3] =	wrdreg s4  }
0xaa: {  	[dreg:$0x4] =	wrdreg $0xC0  }
0xab: {  	_ =	task [dreg:s6], $0x5FFFF  }
0xac: {  	[dreg:$0x1] =	wrdreg $0xFFFFFFFF  }
0xad: {  	[dreg:$0x0] =	wrdreg $0x60  }
0xae: {  	[dreg:$0x2] =	wrdreg s24  }
0xaf: {  	[dreg:$0x3] =	wrdreg $0xA6000  }
0xb0: {  	[dreg:$0x4] =	wrdreg $0x9  }
0xb1: {  	_ =	task.clear_ibuf [dreg:s6], $0x5FFFF;
	_ =	strace $0x90000049  }
0xb2: {  	s29 =	simm.s32 $0x9;
	_ =	strace $0x8000004B  }
0xb3: {  	_ =	swait.ge [sflag:s29], $0x1  }
0xb4: {  	[sflag:s29] =	ssyncadd.s32 $0xFFFFFFFF  }
0xb5: {  	_ =	strace $0x9000004B  }
0xb6: {  	_ =	sfence  }
0xb7: {  	s30 =	sld [smem:$0x0];
	_ =	sdelay $0x2  }
0xb8: {  	s31 =	sshll.u32 s1, $0xD;
	s1 =	sshrl.u32 s1, $0x2  }
0xb9: {  	s3 =	sand.u32 $0x4000, s31;
	s1 =	sadd.s32 s1, s30  }
0xba: {  	s0 =	sor.u32 s3, s0;
	s1 =	sshll.u32 s1, $0x11  }
0xbb: {  	s0 =	sor.u32 s1, s0  }
0xbc: {  	s0 =	sadd.s32 $0x8F2B, s0  }
0xbd: {  	[sflag:s0] =	ssyncadd.remote.s32 $0x1  }
0xbe: {  	_ =	sfence.sel $0xFFFF  }
0xbf: {  	[dreg:$0x0] =	wrdreg $0xFFFFFFFF;
	(pc) =	sbr.abs _section_cstart, $3  }
0xc0: {  	[dreg:$0x1] =	wrdreg $0xFFFFFFFF  }
0xc1: {  	_ =	task.clear_ibuf [dreg:s6], $0x2FFFF;
	_ =	strace $0x9FFFFFFF  }
0xc2: {  	(tm) =	ssettm $0x7FFFFFFF  }
0xc3: {  	_ =	shalt  }
tec
execute0_lowered:
.L_overlay_start_1:
0x0: {  	(tag) =	ssettag $0x1  }
0x1: {  	s0 =	srdreg.scid;
	s1 =	rddreg [dreg:$0x0]  }
0x2: {  	s13 =	stileid.u32;
	s2 =	rddreg [dreg:$0x1]  }
0x3: {  	s3 =	simm.s32 $0x0;
	s30 =	simm.s32 $0x2600;
	s4 =	smul.u32 $0x13C00, s13  }
0x4: {  	s31 =	simm.s32 $0x3;
	s0 =	sand.u32 $0x1, s0;
	s11 =	smul.u32 $0x980, s13  }
0x5: {  	s6 =	sadd.s32 $0xC800, s1;
	s7 =	sadd.s32 $0x2600, s1;
	s12 =	smul.u32 $0x4C00, s13  }
0x6: {  	s10 =	sshll.u32 s13, $0x7;
	[smem:$0x7FF] =	sst s3;
	s5 =	smul.u32 $0x13C000, s0  }
0x7: {  	s8 =	ssub.s32 $0x2, s0;
	s21 =	sor.u32 $0x9800, s10;
	p1 =	seq.s32 s0, $0x0  }
0x8: {  	s23 =	sor.u32 $0x9820, s10;
	s18 =	sor.u32 $0x9860, s10;
	p0 =	sne.s32 s0, $0x0  }
0x9: {  	s9 =	sshrl.u32 s8, $0x1;
	s14 =	sadd.s32 s6, s21;
	s22 =	sadd.s32 s6, s11  }
0xa: {  	s12 =	sshrl.u32 s12, $0x3;
	s11 =	sadd.s32 s7, s11;
	[dreg:$0x3] =	wrdreg s14  }
0xb: {  	s24 =	sadd.s32 s6, s23;
	s20 =	sadd.s32 s6, s18;
	[dreg:$0x5] =	wrdreg s22  }
0xc: {  	s5 =	sadd.s32 s4, s5;
	s8 =	ssub.s32 s8, s9;
	[dreg:$0x6] =	wrdreg s11  }
0xd: {  	s9 =	sadd.s32 s7, s21;
	[dreg:$0x7] =	wrdreg s24;
	s25 =	sadd.s32 $0x260, s12  }
0xe: {  	s14 =	sor.u32 $0x9840, s10;
	s16 =	sadd.s32 $0x4C0, s12;
	[dreg:$0xf] =	wrdreg s20  }
0xf: {  	s21 =	sadd.s32 $0x720, s12;
	[dreg:$0x4] =	wrdreg s9;
	s9 =	sadd.s32 s7, s23  }
0x10: {  	s20 =	simm.s32 $0x13;
	s26 =	sadd.s32 s6, s25;
	[dreg:$0x8] =	wrdreg s9  }
0x11: {  	s11 =	sadd.s32 s7, s25;
	s15 =	sadd.s32 s6, s14;
	[dreg:$0x9] =	wrdreg s26  }
0x12: {  	s17 =	sadd.s32 s6, s16;
	s19 =	sadd.s32 s7, s16;
	[dreg:$0xa] =	wrdreg s11  }
0x13: {  	s6 =	sadd.s32 s6, s21;
	s22 =	sadd.s32 s7, s21;
	[dreg:$0xb] =	wrdreg s15  }
0x14: {  	s23 =	smul.u32 $0x4F000, s13;
	s20 =	simm.s32 @!p1 $0x1;
	[dreg:$0xd] =	wrdreg s17  }
0x15: {  	s24 =	sshrl.u32 s5, $0x3;
	s21 =	sadd.s32 $0x16800, s1;
	[dreg:$0xe] =	wrdreg s19  }
0x16: {  	s29 =	smax.u32 s8, $0x1;
	s5 =	simm.s32 $0x2;
	[dreg:$0x11] =	wrdreg s6  }
0x17: {  	s9 =	sadd.s32 s7, s14;
	[dreg:$0x12] =	wrdreg s22;
	s0 =	sadd.s32 s24, s1  }
0x18: {  	s22 =	sadd.s32 s4, s2;
	s1 =	simm.s32 $0x80;
	s4 =	simm.s32 $0x1  }
0x19: {  	[dreg:$0xc] =	wrdreg s9;
	s9 =	sadd.s32 s7, s18;
	s25 =	sshrl.u32 s23, $0x2  }
0x1a: {  	s28 =	sadd.s32 $0x3DA00, s0;
	[dreg:$0x10] =	wrdreg s9;
	s26 =	sadd.s32 s25, s2  }
0x1b: {  	s0 =	simm.s32 $0x6600;
	_ =	strace $0x8000004A;
	s23 =	sadd.s32 $0x4000, s26  }
0x1c: {  	v0 =	vimm.f32 $0.0e+00;
	s24 =	sadd.s32 $0x8000, s26;
	s25 =	sadd.s32 $0xC000, s26;
	s26 =	sadd.s32 $0x10000, s26  }
.LBB2_1:
0x1d: {  	s6 =	simm.s32 $0x0;
	s7 =	simm.s32 $0x200  }
.LBB2_2:
0x1e: {  	p1 =	sne.s32 s7, $0xFE00;
	[tilespmem:s6+$0x2670] =	vst v0  }
0x1f: {  	[tilespmem:s6+$0x2600] =	vst v0  }
0x20: {  	[tilespmem:s6+$0x2610] =	vst v0  }
.Ltmp0:
0x21: {  	[tilespmem:s6+$0x2620] =	vst v0;
	(pc) =	sbr.rel @p1 .LBB2_2-.Ltmp0, $4  }
0x22: {  	[tilespmem:s6+$0x2630] =	vst v0  }
0x23: {  	[tilespmem:s6+$0x2640] =	vst v0  }
0x24: {  	[tilespmem:s6+$0x2650] =	vst v0  }
0x25: {  	[tilespmem:s6+$0x2660] =	vst v0;
	s6 =	sshra.s32 s7, $0x2;
	s7 =	sadd.s32 $0x200, s7  }
0x26: {  	[tilespmem:s6+$0x2670] =	vst v0  }
0x27: {  	[tilespmem:s6+$0x2600] =	vst v0  }
0x28: {  	[tilespmem:s6+$0x2610] =	vst v0  }
0x29: {  	[tilespmem:s6+$0x2620] =	vst v0  }
0x2a: {  	[tilespmem:s6+$0x2630] =	vst v0  }
0x2b: {  	[tilespmem:s6+$0x2640] =	vst v0  }
0x2c: {  	[tilespmem:s6+$0x2650] =	vst v0  }
0x2d: {  	[tilespmem:s6+$0x2660] =	vst v0  }
0x2e: {  	[spmem:s22] =	stream.linear.scatter [tilespmem:s30], [sflag:$0x3], $0x4000, $0x38;
	[tilespmem:$0x1E200] =	vst v63  }
0x2f: {  	_ =	swait.ge [sflag:s31], $0x4000  }
0x30: {  	[sflag:s31] =	ssyncset.done $0x0  }
0x31: {  	[sflag:s31] =	ssyncadd.s32 $0xFFFFC000  }
0x32: {  	[spmem:s23] =	stream.linear.scatter [tilespmem:s30], [sflag:$0x3], $0x4000, $0x38;
	[tilespmem:$0x1E200] =	vst v63  }
0x33: {  	_ =	swait.ge [sflag:s31], $0x4000  }
0x34: {  	[sflag:s31] =	ssyncset.done $0x0  }
0x35: {  	[sflag:s31] =	ssyncadd.s32 $0xFFFFC000  }
0x36: {  	[spmem:s24] =	stream.linear.scatter [tilespmem:s30], [sflag:$0x3], $0x4000, $0x38;
	[tilespmem:$0x1E200] =	vst v63  }
0x37: {  	_ =	swait.ge [sflag:s31], $0x4000  }
0x38: {  	[sflag:s31] =	ssyncset.done $0x0  }
0x39: {  	[sflag:s31] =	ssyncadd.s32 $0xFFFFC000  }
0x3a: {  	[spmem:s25] =	stream.linear.scatter [tilespmem:s30], [sflag:$0x3], $0x4000, $0x38;
	[tilespmem:$0x1E200] =	vst v63  }
0x3b: {  	_ =	swait.ge [sflag:s31], $0x4000  }
0x3c: {  	[sflag:s31] =	ssyncset.done $0x0  }
0x3d: {  	[sflag:s31] =	ssyncadd.s32 $0xFFFFC000  }
0x3e: {  	[spmem:s26] =	stream.linear.scatter [tilespmem:s30], [sflag:$0x3], $0x3C00, $0x38;
	[tilespmem:$0x1E200] =	vst v63  }
0x3f: {  	_ =	swait.ge [sflag:s31], $0x3C00  }
0x40: {  	[sflag:s31] =	ssyncset.done $0x0  }
0x41: {  	[sflag:s31] =	ssyncadd.s32 $0xFFFFC400  }
0x42: {  	[bflag:$0x0] =	sbarrier.arrive $0xFFFF  }
0x43: {  	s9 =	simm.s32 @p0 $0x0;
	s8 =	simm.s32 @p0 $0x3;
	s6 =	rddreg [dreg:$0x3]  }
0x44: {  	[tilespmem:s9], [sflag:$0x3] =	stream.linear.gather @p0 [hbm4b:s6+s9], $0x100, $0x38;
	[tilespmem:$0x1E200] =	vst v63  }
0x45: {  	_ =	swait.ge @p0 [sflag:s8], $0x100  }
0x46: {  	[sflag:s8] =	ssyncset.done @p0 $0x0  }
0x47: {  	s12 =	simm.s32 @p0 $0x1300;
	s6 =	rddreg [dreg:$0x4];
	[sflag:s8] =	ssyncadd.s32 @p0 $0xFFFFFF00  }
0x48: {  	[tilespmem:s12], [sflag:$0x3] =	stream.linear.gather @p0 [hbm4b:s6+s9], $0x100, $0x38;
	[tilespmem:$0x1E200] =	vst v63  }
0x49: {  	_ =	swait.ge @p0 [sflag:s8], $0x100  }
0x4a: {  	s11 =	simm.s32 @!p0 $0x0;
	[sflag:s8] =	ssyncset.done @p0 $0x0  }
0x4b: {  	s10 =	simm.s32 @!p0 $0x3;
	s6 =	rddreg [dreg:$0x5];
	[sflag:s8] =	ssyncadd.s32 @p0 $0xFFFFFF00  }
0x4c: {  	[tilespmem:s11], [sflag:$0x3] =	stream.linear.gather @!p0 [hbm4b:s6+s11], $0x1300, $0x38;
	[tilespmem:$0x1E200] =	vst v63  }
0x4d: {  	_ =	swait.ge @!p0 [sflag:s10], $0x1300  }
0x4e: {  	[sflag:s10] =	ssyncset.done @!p0 $0x0  }
0x4f: {  	s13 =	simm.s32 @!p0 $0x1300;
	s6 =	rddreg [dreg:$0x6];
	[sflag:s10] =	ssyncadd.s32 @!p0 $0xFFFFED00  }
0x50: {  	[tilespmem:s13], [sflag:$0x3] =	stream.linear.gather @!p0 [hbm4b:s6+s11], $0x1300, $0x38;
	[tilespmem:$0x1E200] =	vst v63  }
0x51: {  	_ =	swait.ge @!p0 [sflag:s10], $0x1300  }
0x52: {  	[sflag:s10] =	ssyncset.done @!p0 $0x0  }
0x53: {  	s6 =	simm.s32 $0x0;
	[sflag:s10] =	ssyncadd.s32 @!p0 $0xFFFFED00  }
0x54: {  	[tilespmem:s30], [sflag:$0x1] =	stream.indirect.gather [hbm4b:s21+s1], $0x80, s6, s1, $0xb8;
	[tilespmem:$0x1E200] =	vst v63  }
0x55: {  	s14 =	simm.s32 $0x80  }
0x56: {  	[tilespmem:s0], [sflag:$0x1] =	stream.indirect.gather [hbm4b:s21+s1], $0x80, s14, s1, $0xb8;
	[tilespmem:$0x1E200] =	vst v63  }
0x57: {  	_ =	swait.ge [sflag:s4], $0x4000  }
0x58: {  	[sflag:s4] =	ssyncset.done $0x0  }
0x59: {  	s7 =	simm.s32 $0x1300;
	[sflag:s4] =	ssyncadd.s32 $0xFFFFC000  }
0x5a: {  	[spmem:s2] =	stream.indirect.scatter.add.f32 [tilespmem:s30], [sflag:$0x2], $0x80, s7, s1, $0xb8;
	[tilespmem:$0x1E200] =	vst v63  }
0x5b: {  	_ =	swait.ge [sflag:s4], $0x4000  }
0x5c: {  	[sflag:s4] =	ssyncset.done $0x0  }
0x5d: {  	s15 =	simm.s32 $0x1380;
	p1 =	sne.s32 s20, $0x1;
	[sflag:s4] =	ssyncadd.s32 $0xFFFFC000  }
0x5e: {  	[spmem:s2] =	stream.indirect.scatter.add.f32 [tilespmem:s0], [sflag:$0x2], $0x80, s15, s1, $0xb8;
	[tilespmem:$0x1E200] =	vst v63  }
.Ltmp1:
0x5f: {  	_ =	swait.ge [sflag:s5], $0x4000;
	(pc) =	sbr.rel @!p1 .LBB2_5-.Ltmp1, $4  }
0x60: {  	[sflag:s5] =	ssyncset.done $0x0  }
0x61: {  	[sflag:s5] =	ssyncadd.s32 $0xFFFFC000  }
0x62: {  	s16 =	sadd.s32 $0xFFFFFFFF, s20;
	_ =	swait.ge [sflag:s5], $0x4000  }
0x63: {  	s17 =	simm.s32 $0x0;
	s18 =	simm.s32 $0x1300;
	[sflag:s5] =	ssyncset.done $0x0  }
.LBB2_4:
0x64: {  	[sflag:s5] =	ssyncadd.s32 $0xFFFFC000;
	s17 =	sadd.s32 $0x100, s17;
	s18 =	sadd.s32 $0x100, s18  }
0x65: {  	[tilespmem:s30], [sflag:$0x1] =	stream.indirect.gather [hbm4b:s21+s1], $0x80, s17, s1, $0xb8;
	[tilespmem:$0x1E200] =	vst v63  }
0x66: {  	p2 =	sne.s32 s16, $0x1;
	s16 =	sadd.s32 $0xFFFFFFFF, s16;
	s19 =	sadd.s32 $0x80, s17  }
0x67: {  	[tilespmem:s0], [sflag:$0x1] =	stream.indirect.gather [hbm4b:s21+s1], $0x80, s19, s1, $0xb8;
	[tilespmem:$0x1E200] =	vst v63  }
0x68: {  	_ =	swait.ge [sflag:s4], $0x4000  }
0x69: {  	[sflag:s4] =	ssyncset.done $0x0  }
0x6a: {  	[sflag:s4] =	ssyncadd.s32 $0xFFFFC000  }
0x6b: {  	[spmem:s2] =	stream.indirect.scatter.add.f32 [tilespmem:s30], [sflag:$0x2], $0x80, s18, s1, $0xb8;
	[tilespmem:$0x1E200] =	vst v63  }
0x6c: {  	_ =	swait.ge [sflag:s4], $0x4000  }
0x6d: {  	[sflag:s4] =	ssyncset.done $0x0  }
0x6e: {  	s19 =	sadd.s32 $0x80, s18;
	[sflag:s4] =	ssyncadd.s32 $0xFFFFC000  }
0x6f: {  	[spmem:s2] =	stream.indirect.scatter.add.f32 [tilespmem:s0], [sflag:$0x2], $0x80, s19, s1, $0xb8;
	[tilespmem:$0x1E200] =	vst v63  }
.Ltmp2:
0x70: {  	_ =	swait.ge [sflag:s5], $0x4000;
	(pc) =	sbr.rel @p2 .LBB2_4-.Ltmp2, $4  }
0x71: {  	[sflag:s5] =	ssyncset.done $0x0  }
0x72: {  	[sflag:s5] =	ssyncadd.s32 $0xFFFFC000  }
0x73: {  	_ =	swait.ge [sflag:s5], $0x4000  }
0x74: {  	[sflag:s5] =	ssyncset.done $0x0  }
.LBB2_5:
0x75: {  	[sflag:s5] =	ssyncadd.s32 $0xFFFFC000;
	s16 =	rddreg [dreg:$0x7]  }
0x76: {  	[tilespmem:s9], [sflag:$0x3] =	stream.linear.gather @p0 [hbm4b:s16+s9], $0x100, $0x38;
	[tilespmem:$0x1E200] =	vst v63  }
0x77: {  	_ =	swait.ge @p0 [sflag:s8], $0x100  }
0x78: {  	[sflag:s8] =	ssyncset.done @p0 $0x0  }
0x79: {  	s16 =	rddreg [dreg:$0x8];
	[sflag:s8] =	ssyncadd.s32 @p0 $0xFFFFFF00  }
0x7a: {  	[tilespmem:s12], [sflag:$0x3] =	stream.linear.gather @p0 [hbm4b:s16+s9], $0x100, $0x38;
	[tilespmem:$0x1E200] =	vst v63  }
0x7b: {  	_ =	swait.ge @p0 [sflag:s8], $0x100  }
0x7c: {  	[sflag:s8] =	ssyncset.done @p0 $0x0  }
0x7d: {  	[sflag:s8] =	ssyncadd.s32 @p0 $0xFFFFFF00;
	s8 =	rddreg [dreg:$0x9]  }
0x7e: {  	[tilespmem:s11], [sflag:$0x3] =	stream.linear.gather @!p0 [hbm4b:s8+s11], $0x1300, $0x38;
	[tilespmem:$0x1E200] =	vst v63  }
0x7f: {  	_ =	swait.ge @!p0 [sflag:s10], $0x1300  }
0x80: {  	[sflag:s10] =	ssyncset.done @!p0 $0x0  }
0x81: {  	s8 =	rddreg [dreg:$0xa];
	[sflag:s10] =	ssyncadd.s32 @!p0 $0xFFFFED00  }
0x82: {  	[tilespmem:s13], [sflag:$0x3] =	stream.linear.gather @!p0 [hbm4b:s8+s11], $0x1300, $0x38;
	[tilespmem:$0x1E200] =	vst v63  }
0x83: {  	_ =	swait.ge @!p0 [sflag:s10], $0x1300  }
0x84: {  	[sflag:s10] =	ssyncset.done @!p0 $0x0  }
0x85: {  	[sflag:s10] =	ssyncadd.s32 @!p0 $0xFFFFED00  }
0x86: {  	[tilespmem:s30], [sflag:$0x1] =	stream.indirect.gather [hbm4b:s21+s1], $0x80, s6, s1, $0xb8;
	[tilespmem:$0x1E200] =	vst v63  }
0x87: {  	_ = 	snop  }
0x88: {  	[tilespmem:s0], [sflag:$0x1] =	stream.indirect.gather [hbm4b:s21+s1], $0x80, s14, s1, $0xb8;
	[tilespmem:$0x1E200] =	vst v63  }
0x89: {  	_ =	swait.ge [sflag:s4], $0x4000  }
0x8a: {  	[sflag:s4] =	ssyncset.done $0x0  }
0x8b: {  	[sflag:s4] =	ssyncadd.s32 $0xFFFFC000  }
0x8c: {  	[spmem:s2] =	stream.indirect.scatter.add.f32 [tilespmem:s30], [sflag:$0x2], $0x80, s7, s1, $0xb8;
	[tilespmem:$0x1E200] =	vst v63  }
0x8d: {  	_ =	swait.ge [sflag:s4], $0x4000  }
0x8e: {  	[sflag:s4] =	ssyncset.done $0x0  }
0x8f: {  	[sflag:s4] =	ssyncadd.s32 $0xFFFFC000  }
0x90: {  	[spmem:s2] =	stream.indirect.scatter.add.f32 [tilespmem:s0], [sflag:$0x2], $0x80, s15, s1, $0xb8;
	[tilespmem:$0x1E200] =	vst v63  }
.Ltmp3:
0x91: {  	_ =	swait.ge [sflag:s5], $0x4000;
	(pc) =	sbr.rel @!p1 .LBB2_7-.Ltmp3, $4  }
0x92: {  	[sflag:s5] =	ssyncset.done $0x0  }
0x93: {  	[sflag:s5] =	ssyncadd.s32 $0xFFFFC000  }
0x94: {  	_ =	swait.ge [sflag:s5], $0x4000  }
0x95: {  	s8 =	sadd.s32 $0xFFFFFFFF, s20;
	[sflag:s5] =	ssyncset.done $0x0  }
.LBB2_6:
0x96: {  	[sflag:s5] =	ssyncadd.s32 $0xFFFFC000;
	s6 =	sadd.s32 $0x100, s6;
	s7 =	sadd.s32 $0x100, s7  }
0x97: {  	[tilespmem:s30], [sflag:$0x1] =	stream.indirect.gather [hbm4b:s21+s1], $0x80, s6, s1, $0xb8;
	[tilespmem:$0x1E200] =	vst v63  }
0x98: {  	p2 =	sne.s32 s8, $0x1;
	s8 =	sadd.s32 $0xFFFFFFFF, s8;
	s9 =	sadd.s32 $0x80, s6  }
0x99: {  	[tilespmem:s0], [sflag:$0x1] =	stream.indirect.gather [hbm4b:s21+s1], $0x80, s9, s1, $0xb8;
	[tilespmem:$0x1E200] =	vst v63  }
0x9a: {  	_ =	swait.ge [sflag:s4], $0x4000  }
0x9b: {  	[sflag:s4] =	ssyncset.done $0x0  }
0x9c: {  	[sflag:s4] =	ssyncadd.s32 $0xFFFFC000  }
0x9d: {  	[spmem:s2] =	stream.indirect.scatter.add.f32 [tilespmem:s30], [sflag:$0x2], $0x80, s7, s1, $0xb8;
	[tilespmem:$0x1E200] =	vst v63  }
0x9e: {  	_ =	swait.ge [sflag:s4], $0x4000  }
0x9f: {  	[sflag:s4] =	ssyncset.done $0x0  }
0xa0: {  	s9 =	sadd.s32 $0x80, s7;
	[sflag:s4] =	ssyncadd.s32 $0xFFFFC000  }
0xa1: {  	[spmem:s2] =	stream.indirect.scatter.add.f32 [tilespmem:s0], [sflag:$0x2], $0x80, s9, s1, $0xb8;
	[tilespmem:$0x1E200] =	vst v63  }
.Ltmp4:
0xa2: {  	_ =	swait.ge [sflag:s5], $0x4000;
	(pc) =	sbr.rel @p2 .LBB2_6-.Ltmp4, $4  }
0xa3: {  	[sflag:s5] =	ssyncset.done $0x0  }
0xa4: {  	[sflag:s5] =	ssyncadd.s32 $0xFFFFC000  }
0xa5: {  	_ =	swait.ge [sflag:s5], $0x4000  }
0xa6: {  	[sflag:s5] =	ssyncset.done $0x0  }
.LBB2_7:
0xa7: {  	[sflag:s5] =	ssyncadd.s32 $0xFFFFC000  }
0xa8: {  	s9 =	simm.s32 @p0 $0x0;
	s6 =	rddreg [dreg:$0xb];
	s8 =	simm.s32 @p0 $0x3  }
0xa9: {  	[tilespmem:s9], [sflag:$0x3] =	stream.linear.gather @p0 [hbm4b:s6+s9], $0x100, $0x38;
	[tilespmem:$0x1E200] =	vst v63  }
0xaa: {  	_ =	swait.ge @p0 [sflag:s8], $0x100  }
0xab: {  	[sflag:s8] =	ssyncset.done @p0 $0x0  }
0xac: {  	s12 =	simm.s32 @p0 $0x1300;
	s6 =	rddreg [dreg:$0xc];
	[sflag:s8] =	ssyncadd.s32 @p0 $0xFFFFFF00  }
0xad: {  	[tilespmem:s12], [sflag:$0x3] =	stream.linear.gather @p0 [hbm4b:s6+s9], $0x100, $0x38;
	[tilespmem:$0x1E200] =	vst v63  }
0xae: {  	_ =	swait.ge @p0 [sflag:s8], $0x100  }
0xaf: {  	s11 =	simm.s32 @!p0 $0x0;
	[sflag:s8] =	ssyncset.done @p0 $0x0  }
0xb0: {  	s10 =	simm.s32 @!p0 $0x3;
	s6 =	rddreg [dreg:$0xd];
	[sflag:s8] =	ssyncadd.s32 @p0 $0xFFFFFF00  }
0xb1: {  	[tilespmem:s11], [sflag:$0x3] =	stream.linear.gather @!p0 [hbm4b:s6+s11], $0x1300, $0x38;
	[tilespmem:$0x1E200] =	vst v63  }
0xb2: {  	_ =	swait.ge @!p0 [sflag:s10], $0x1300  }
0xb3: {  	[sflag:s10] =	ssyncset.done @!p0 $0x0  }
0xb4: {  	s13 =	simm.s32 @!p0 $0x1300;
	s6 =	rddreg [dreg:$0xe];
	[sflag:s10] =	ssyncadd.s32 @!p0 $0xFFFFED00  }
0xb5: {  	[tilespmem:s13], [sflag:$0x3] =	stream.linear.gather @!p0 [hbm4b:s6+s11], $0x1300, $0x38;
	[tilespmem:$0x1E200] =	vst v63  }
0xb6: {  	_ =	swait.ge @!p0 [sflag:s10], $0x1300  }
0xb7: {  	[sflag:s10] =	ssyncset.done @!p0 $0x0  }
0xb8: {  	s6 =	simm.s32 $0x0;
	[sflag:s10] =	ssyncadd.s32 @!p0 $0xFFFFED00  }
0xb9: {  	[tilespmem:s30], [sflag:$0x1] =	stream.indirect.gather [hbm4b:s21+s1], $0x80, s6, s1, $0xb8;
	[tilespmem:$0x1E200] =	vst v63  }
0xba: {  	s14 =	simm.s32 $0x80  }
0xbb: {  	[tilespmem:s0], [sflag:$0x1] =	stream.indirect.gather [hbm4b:s21+s1], $0x80, s14, s1, $0xb8;
	[tilespmem:$0x1E200] =	vst v63  }
0xbc: {  	_ =	swait.ge [sflag:s4], $0x4000  }
0xbd: {  	[sflag:s4] =	ssyncset.done $0x0  }
0xbe: {  	s7 =	simm.s32 $0x1300;
	[sflag:s4] =	ssyncadd.s32 $0xFFFFC000  }
0xbf: {  	[spmem:s2] =	stream.indirect.scatter.add.f32 [tilespmem:s30], [sflag:$0x2], $0x80, s7, s1, $0xb8;
	[tilespmem:$0x1E200] =	vst v63  }
0xc0: {  	_ =	swait.ge [sflag:s4], $0x4000  }
0xc1: {  	[sflag:s4] =	ssyncset.done $0x0  }
0xc2: {  	s15 =	simm.s32 $0x1380;
	[sflag:s4] =	ssyncadd.s32 $0xFFFFC000  }
0xc3: {  	[spmem:s2] =	stream.indirect.scatter.add.f32 [tilespmem:s0], [sflag:$0x2], $0x80, s15, s1, $0xb8;
	[tilespmem:$0x1E200] =	vst v63  }
.Ltmp5:
0xc4: {  	_ =	swait.ge [sflag:s5], $0x4000;
	(pc) =	sbr.rel @!p1 .LBB2_9-.Ltmp5, $4  }
0xc5: {  	[sflag:s5] =	ssyncset.done $0x0  }
0xc6: {  	[sflag:s5] =	ssyncadd.s32 $0xFFFFC000  }
0xc7: {  	s16 =	sadd.s32 $0xFFFFFFFF, s20;
	_ =	swait.ge [sflag:s5], $0x4000  }
0xc8: {  	s17 =	simm.s32 $0x0;
	s18 =	simm.s32 $0x1300;
	[sflag:s5] =	ssyncset.done $0x0  }
.LBB2_8:
0xc9: {  	[sflag:s5] =	ssyncadd.s32 $0xFFFFC000;
	s17 =	sadd.s32 $0x100, s17;
	s18 =	sadd.s32 $0x100, s18  }
0xca: {  	[tilespmem:s30], [sflag:$0x1] =	stream.indirect.gather [hbm4b:s21+s1], $0x80, s17, s1, $0xb8;
	[tilespmem:$0x1E200] =	vst v63  }
0xcb: {  	p2 =	sne.s32 s16, $0x1;
	s16 =	sadd.s32 $0xFFFFFFFF, s16;
	s19 =	sadd.s32 $0x80, s17  }
0xcc: {  	[tilespmem:s0], [sflag:$0x1] =	stream.indirect.gather [hbm4b:s21+s1], $0x80, s19, s1, $0xb8;
	[tilespmem:$0x1E200] =	vst v63  }
0xcd: {  	_ =	swait.ge [sflag:s4], $0x4000  }
0xce: {  	[sflag:s4] =	ssyncset.done $0x0  }
0xcf: {  	[sflag:s4] =	ssyncadd.s32 $0xFFFFC000  }
0xd0: {  	[spmem:s2] =	stream.indirect.scatter.add.f32 [tilespmem:s30], [sflag:$0x2], $0x80, s18, s1, $0xb8;
	[tilespmem:$0x1E200] =	vst v63  }
0xd1: {  	_ =	swait.ge [sflag:s4], $0x4000  }
0xd2: {  	[sflag:s4] =	ssyncset.done $0x0  }
0xd3: {  	s19 =	sadd.s32 $0x80, s18;
	[sflag:s4] =	ssyncadd.s32 $0xFFFFC000  }
0xd4: {  	[spmem:s2] =	stream.indirect.scatter.add.f32 [tilespmem:s0], [sflag:$0x2], $0x80, s19, s1, $0xb8;
	[tilespmem:$0x1E200] =	vst v63  }
.Ltmp6:
0xd5: {  	_ =	swait.ge [sflag:s5], $0x4000;
	(pc) =	sbr.rel @p2 .LBB2_8-.Ltmp6, $4  }
0xd6: {  	[sflag:s5] =	ssyncset.done $0x0  }
0xd7: {  	[sflag:s5] =	ssyncadd.s32 $0xFFFFC000  }
0xd8: {  	_ =	swait.ge [sflag:s5], $0x4000  }
0xd9: {  	[sflag:s5] =	ssyncset.done $0x0  }
.LBB2_9:
0xda: {  	[sflag:s5] =	ssyncadd.s32 $0xFFFFC000;
	s16 =	rddreg [dreg:$0xf]  }
0xdb: {  	[tilespmem:s9], [sflag:$0x3] =	stream.linear.gather @p0 [hbm4b:s16+s9], $0x100, $0x38;
	[tilespmem:$0x1E200] =	vst v63  }
0xdc: {  	_ =	swait.ge @p0 [sflag:s8], $0x100  }
0xdd: {  	[sflag:s8] =	ssyncset.done @p0 $0x0  }
0xde: {  	s16 =	rddreg [dreg:$0x10];
	[sflag:s8] =	ssyncadd.s32 @p0 $0xFFFFFF00  }
0xdf: {  	[tilespmem:s12], [sflag:$0x3] =	stream.linear.gather @p0 [hbm4b:s16+s9], $0x100, $0x38;
	[tilespmem:$0x1E200] =	vst v63  }
0xe0: {  	_ =	swait.ge @p0 [sflag:s8], $0x100  }
0xe1: {  	[sflag:s8] =	ssyncset.done @p0 $0x0  }
0xe2: {  	[sflag:s8] =	ssyncadd.s32 @p0 $0xFFFFFF00;
	s8 =	rddreg [dreg:$0x11]  }
0xe3: {  	[tilespmem:s11], [sflag:$0x3] =	stream.linear.gather @!p0 [hbm4b:s8+s11], $0x1300, $0x38;
	[tilespmem:$0x1E200] =	vst v63  }
0xe4: {  	_ =	swait.ge @!p0 [sflag:s10], $0x1300  }
0xe5: {  	[sflag:s10] =	ssyncset.done @!p0 $0x0  }
0xe6: {  	s8 =	rddreg [dreg:$0x12];
	[sflag:s10] =	ssyncadd.s32 @!p0 $0xFFFFED00  }
0xe7: {  	[tilespmem:s13], [sflag:$0x3] =	stream.linear.gather @!p0 [hbm4b:s8+s11], $0x1300, $0x38;
	[tilespmem:$0x1E200] =	vst v63  }
0xe8: {  	_ =	swait.ge @!p0 [sflag:s10], $0x1300  }
0xe9: {  	[sflag:s10] =	ssyncset.done @!p0 $0x0  }
0xea: {  	[sflag:s10] =	ssyncadd.s32 @!p0 $0xFFFFED00  }
0xeb: {  	[tilespmem:s30], [sflag:$0x1] =	stream.indirect.gather [hbm4b:s21+s1], $0x80, s6, s1, $0xb8;
	[tilespmem:$0x1E200] =	vst v63  }
0xec: {  	_ = 	snop  }
0xed: {  	[tilespmem:s0], [sflag:$0x1] =	stream.indirect.gather [hbm4b:s21+s1], $0x80, s14, s1, $0xb8;
	[tilespmem:$0x1E200] =	vst v63  }
0xee: {  	_ =	swait.ge [sflag:s4], $0x4000  }
0xef: {  	[sflag:s4] =	ssyncset.done $0x0  }
0xf0: {  	[sflag:s4] =	ssyncadd.s32 $0xFFFFC000  }
0xf1: {  	[spmem:s2] =	stream.indirect.scatter.add.f32 [tilespmem:s30], [sflag:$0x2], $0x80, s7, s1, $0xb8;
	[tilespmem:$0x1E200] =	vst v63  }
0xf2: {  	_ =	swait.ge [sflag:s4], $0x4000  }
0xf3: {  	[sflag:s4] =	ssyncset.done $0x0  }
0xf4: {  	[sflag:s4] =	ssyncadd.s32 $0xFFFFC000  }
0xf5: {  	[spmem:s2] =	stream.indirect.scatter.add.f32 [tilespmem:s0], [sflag:$0x2], $0x80, s15, s1, $0xb8;
	[tilespmem:$0x1E200] =	vst v63  }
.Ltmp7:
0xf6: {  	_ =	swait.ge [sflag:s5], $0x4000;
	(pc) =	sbr.rel @!p1 .LBB2_11-.Ltmp7, $4  }
0xf7: {  	[sflag:s5] =	ssyncset.done $0x0  }
0xf8: {  	[sflag:s5] =	ssyncadd.s32 $0xFFFFC000  }
0xf9: {  	_ =	swait.ge [sflag:s5], $0x4000  }
0xfa: {  	s8 =	sadd.s32 $0xFFFFFFFF, s20;
	[sflag:s5] =	ssyncset.done $0x0  }
.LBB2_10:
0xfb: {  	[sflag:s5] =	ssyncadd.s32 $0xFFFFC000;
	s6 =	sadd.s32 $0x100, s6;
	s7 =	sadd.s32 $0x100, s7  }
0xfc: {  	[tilespmem:s30], [sflag:$0x1] =	stream.indirect.gather [hbm4b:s21+s1], $0x80, s6, s1, $0xb8;
	[tilespmem:$0x1E200] =	vst v63  }
0xfd: {  	p1 =	sne.s32 s8, $0x1;
	s8 =	sadd.s32 $0xFFFFFFFF, s8;
	s9 =	sadd.s32 $0x80, s6  }
0xfe: {  	[tilespmem:s0], [sflag:$0x1] =	stream.indirect.gather [hbm4b:s21+s1], $0x80, s9, s1, $0xb8;
	[tilespmem:$0x1E200] =	vst v63  }
0xff: {  	_ =	swait.ge [sflag:s4], $0x4000  }
0x100: {  	[sflag:s4] =	ssyncset.done $0x0  }
0x101: {  	[sflag:s4] =	ssyncadd.s32 $0xFFFFC000  }
0x102: {  	[spmem:s2] =	stream.indirect.scatter.add.f32 [tilespmem:s30], [sflag:$0x2], $0x80, s7, s1, $0xb8;
	[tilespmem:$0x1E200] =	vst v63  }
0x103: {  	_ =	swait.ge [sflag:s4], $0x4000  }
0x104: {  	[sflag:s4] =	ssyncset.done $0x0  }
0x105: {  	s9 =	sadd.s32 $0x80, s7;
	[sflag:s4] =	ssyncadd.s32 $0xFFFFC000  }
0x106: {  	[spmem:s2] =	stream.indirect.scatter.add.f32 [tilespmem:s0], [sflag:$0x2], $0x80, s9, s1, $0xb8;
	[tilespmem:$0x1E200] =	vst v63  }
.Ltmp8:
0x107: {  	_ =	swait.ge [sflag:s5], $0x4000;
	(pc) =	sbr.rel @p1 .LBB2_10-.Ltmp8, $4  }
0x108: {  	[sflag:s5] =	ssyncset.done $0x0  }
0x109: {  	[sflag:s5] =	ssyncadd.s32 $0xFFFFC000  }
0x10a: {  	_ =	swait.ge [sflag:s5], $0x4000  }
0x10b: {  	[sflag:s5] =	ssyncset.done $0x0  }
.LBB2_11:
0x10c: {  	[sflag:s5] =	ssyncadd.s32 $0xFFFFC000;
	s6 =	stileid.u32;
	s3 =	sadd.s32 $0x1, s3  }
0x10d: {  	s7 =	sshrl.u32 s22, $0x3;
	s6 =	sshll.u32 s6, $0x6;
	p1 =	sne.s32 s3, s29  }
.Ltmp9:
0x10e: {  	[bflag:$0x0] =	sbarrier.arrive $0xFFFF;
	s6 =	sor.u32 $0x1C03, s6;
	(pc) =	sbr.rel @p1 .LBB2_1-.Ltmp9, $4  }
0x10f: {  	[hbm:s28], [sflag:s6] =	dma.local [spmem:s7], $0x2780  }
0x110: {  	_ =	swait.ge [sflag:s31], $0x2780  }
0x111: {  	[sflag:s31] =	ssyncset.done $0x0  }
0x112: {  	[sflag:s31] =	ssyncadd.s32 $0xFFFFD880  }
0x113: {  	_ =	sfence.sel $0x180000  }
0x114: {  	[bflag:$0x0] =	sbarrier.arrive $0xFFFF  }
0x115: {  	_ =	strace $0x9000004A  }
0x116: {  	s0 =	stileid.u32;
	[bflag:$0x2] =	sbarrier.arrive $0xFFFF  }
0x117: {  	p0 =	sne.s32 s0, $0x0;
	s0 =	rddreg [dreg:$0x2]  }
0x118: {  	s0 =	sadd.s32 @!p0 $0x100000, s0  }
0x119: {  	[sflag:s0] =	ssyncadd.tile.s32 @!p0 $0x1;
	_ =	shalt  }
.Lfunc_end2:
_tile_overlayer_lowered:
.L_overlay_start_2:
0x11a: {  	(tag) =	ssettag $0x2  }
0x11b: {  	s0 =	rddreg [dreg:$0x0];
	s2 =	stileid.u32  }
0x11c: {  	s1 =	rddreg [dreg:$0x1];
	p0 =	sne.s32 s2, $0x0  }
0x11d: {  	s3 =	rddreg [dreg:$0x2];
	[bflag:$0x3] =	sbarrier.arrive $0xFFFF;
	s2 =	simm.s32 @!p0 $0x1C03  }
0x11e: {  	[timem:s3], [sflag:s2] =	dma.local @!p0 [hbm:s0], s1  }
0x11f: {  	s0 =	simm.s32 @!p0 $0x3  }
0x120: {  	_ =	swait.ge @!p0 [sflag:s0], s1  }
0x121: {  	s1 =	ssub.s32 @!p0 $0x0, s1;
	[sflag:s0] =	ssyncset.done @!p0 $0x0  }
0x122: {  	[sflag:s0] =	ssyncadd.s32 @!p0 s1  }
0x123: {  	[bflag:$0x3] =	sbarrier.arrive $0xFFFF  }
0x124: {  	_ =	shalt  }

// kernel: kernel.14.cloned.1.call-start
scs
__scs_entry_jumppad:
0x0: {  	(pc) =	sbr.rel $0x88, $3  }
0x1: {  	(tag) =	ssettag $0x0;
	lr =	simm.s32 $0x1  }
0x2: {  	[smem:$0x3F99] =	sst lr;
	_ =	strace $0xD0000000  }
0x3: {  	_ = 	snop  }
0x4: {  	_ = 	snop  }
0x5: {  	_ = 	snop  }
0x6: {  	_ = 	snop  }
0x7: {  	_ = 	snop  }
__scs_overlays_trampoline_lowered:
0x8: {  	[smem:$0x3FA8] =	sst s0  }
0x9: {  	[smem:$0x3FA9] =	sst s1  }
0xa: {  	[smem:$0x3FAA] =	sst s2  }
0xb: {  	[smem:$0x3FAB] =	sst s3  }
0xc: {  	[smem:$0x3FAC] =	sst s4  }
0xd: {  	[smem:$0x3FAD] =	sst s5  }
0xe: {  	[smem:$0x3FAE] =	sst s6  }
0xf: {  	[smem:$0x3FAF] =	sst s7  }
0x10: {  	[smem:$0x3FB0] =	sst s8  }
0x11: {  	[smem:$0x3FB1] =	sst s9;
	s0 =	simm.s32 @!p0 $0x0  }
0x12: {  	s1 =	sld [smem:$0x3F97];
	s0 =	simm.s32 @p0 $0x1  }
0x13: {  	[smem:$0x3FB2] =	sst s0;
	s0 =	simm.s32 @!p1 $0x0  }
0x14: {  	s2 =	sld [smem:$0x3F96];
	s0 =	simm.s32 @p1 $0x1  }
0x15: {  	[smem:$0x3FB3] =	sst s0;
	s0 =	simm.s32 @!p2 $0x0  }
0x16: {  	s3 =	sld [smem:$0x3FDB];
	s0 =	simm.s32 @p2 $0x1  }
0x17: {  	s4 =	simm.s32 $0x1BF5;
	[smem:$0x3FB5] =	sst s0  }
0x18: {  	s0 =	sld [smem:$0x3F98];
	_ =	swait.ge [sflag:s4], $0x0  }
0x19: {  	s7 =	sld [smem:$0x3F99]  }
0x1a: {  	s8 =	sadd.s32 $0xFFFFE003, lr  }
0x1b: {  	s9 =	sadd.s32 $0xFFFFFEF7, lr;
	s5 =	simm.s32 $0xFFFFFFFF;
	p2 =	slt.u32 s8, $0xFFFFF086  }
0x1c: {  	p1 =	slt.u32 s9, $0xF7A;
	s5 =	simm.s32 @!p2 $0x0  }
0x1d: {  	s5 =	simm.s32 @p1 $0x1;
	p0 =	seq.s32 s7, s2  }
0x1e: {  	s7 =	smul.u32 @!p0 $0xF7A, s2;
	p2 =	seq.s32 @!p0 s5, $0x0  }
0x1f: {  	s9 =	smul.u32 $0xF7A, s1;
	s8 =	simm.s32 @!p0 $0x1BF5;
	p2 =	por !p2, p0  }
0x20: {  	[sflag:s8] =	ssyncset.s32 @!p0 $0xFFFFF086;
	s6 =	sadd.s32 @!p0 s3, s7;
	s7 =	simm.s32 @!p0 $0x108  }
0x21: {  	s3 =	sadd.s32 s3, s9;
	s6 =	sadd.s32 @!p0 $0x88, s6;
	s7 =	simm.s32 @p2 $0x1082  }
0x22: {  	[simem:s7], [sflag:s8] =	dma.local @!p0 [hbm:s6], $0xF7A  }
0x23: {  	s9 =	sor.u32 $0xD0000000, s2;
	s6 =	simm.s32 $0x108;
	_ =	swait.ge @!p0 [sflag:s8], $0x0  }
0x24: {  	s3 =	sadd.s32 $0x88, s3;
	s6 =	simm.s32 @!p1 $0x1082;
	[sflag:s4] =	ssyncset.s32 $0xFFFFF086  }
0x25: {  	[simem:s6], [sflag:s4] =	dma.local [hbm:s3], $0xF7A  }
0x26: {  	[smem:$0x3F99] =	sst s1;
	(tag) =	ssettag s2;
	_ =	strace s9  }
0x27: {  	s1 =	sld [smem:$0x3FA9]  }
0x28: {  	s2 =	sld [smem:$0x3FAA]  }
0x29: {  	s4 =	sld [smem:$0x3FAC]  }
0x2a: {  	p0 =	seq.s32 s5, $0x0;
	s5 =	sld [smem:$0x3FAD]  }
0x2b: {  	s6 =	sld [smem:$0x3FAE]  }
0x2c: {  	s7 =	sld [smem:$0x3FAF]  }
0x2d: {  	s3 =	simm.s32 $0x108;
	s8 =	sld [smem:$0x3FB0]  }
0x2e: {  	s3 =	simm.s32 @!p0 $0x1082;
	s9 =	sld [smem:$0x3FB1]  }
0x2f: {  	lr =	sadd.s32 s0, s3;
	s0 =	sld [smem:$0x3FA8]  }
0x30: {  	s3 =	sld [smem:$0x3FAB]  }
0x31: {  	[smem:$0x3FB4] =	sst s10  }
0x32: {  	s10 =	sld [smem:$0x3FB2];
	_ =	sdelay $0x3  }
0x33: {  	p0 =	seq.s32 s10, $0x1;
	s10 =	sld [smem:$0x3FB4];
	_ =	sdelay $0x3  }
0x34: {  	[smem:$0x3FB4] =	sst s10  }
0x35: {  	s10 =	sld [smem:$0x3FB3];
	_ =	sdelay $0x3  }
0x36: {  	p1 =	seq.s32 s10, $0x1;
	s10 =	sld [smem:$0x3FB4];
	_ =	sdelay $0x3  }
0x37: {  	[smem:$0x3FB4] =	sst s10  }
0x38: {  	s10 =	sld [smem:$0x3FB5]  }
0x39: {  	_ = 	snop;
	(pc) =	sbr.ind lr, $3  }
0x3a: {  	_ = 	snop  }
0x3b: {  	_ = 	snop  }
0x3c: {  	p2 =	seq.s32 s10, $0x1;
	s10 =	sld [smem:$0x3FB4]  }
0x3d: {  	_ =	shalt  }
0x3e: {  	_ =	shalt  }
0x3f: {  	_ =	shalt  }
0x40: {  	_ =	shalt  }
0x41: {  	_ =	shalt  }
0x42: {  	_ =	shalt  }
0x43: {  	_ =	shalt  }
0x44: {  	_ =	shalt  }
0x45: {  	_ =	shalt  }
0x46: {  	_ =	shalt  }
0x47: {  	_ =	shalt  }
0x48: {  	_ =	shalt  }
0x49: {  	_ =	shalt  }
0x4a: {  	_ =	shalt  }
0x4b: {  	_ =	shalt  }
0x4c: {  	_ =	shalt  }
0x4d: {  	_ =	shalt  }
0x4e: {  	_ =	shalt  }
0x4f: {  	_ =	shalt  }
0x50: {  	_ =	shalt  }
0x51: {  	_ =	shalt  }
0x52: {  	_ =	shalt  }
0x53: {  	_ =	shalt  }
0x54: {  	_ =	shalt  }
0x55: {  	_ =	shalt  }
0x56: {  	_ =	shalt  }
0x57: {  	_ =	shalt  }
0x58: {  	_ =	shalt  }
0x59: {  	_ =	shalt  }
0x5a: {  	_ =	shalt  }
0x5b: {  	_ =	shalt  }
0x5c: {  	_ =	shalt  }
0x5d: {  	_ =	shalt  }
0x5e: {  	_ =	shalt  }
0x5f: {  	_ =	shalt  }
0x60: {  	_ =	shalt  }
0x61: {  	_ =	shalt  }
0x62: {  	_ =	shalt  }
0x63: {  	_ =	shalt  }
0x64: {  	_ =	shalt  }
0x65: {  	_ =	shalt  }
0x66: {  	_ =	shalt  }
0x67: {  	_ =	shalt  }
0x68: {  	_ =	shalt  }
0x69: {  	_ =	shalt  }
0x6a: {  	_ =	shalt  }
0x6b: {  	_ =	shalt  }
0x6c: {  	_ =	shalt  }
0x6d: {  	_ =	shalt  }
0x6e: {  	_ =	shalt  }
0x6f: {  	_ =	shalt  }
0x70: {  	_ =	shalt  }
0x71: {  	_ =	shalt  }
0x72: {  	_ =	shalt  }
0x73: {  	_ =	shalt  }
0x74: {  	_ =	shalt  }
0x75: {  	_ =	shalt  }
0x76: {  	_ =	shalt  }
0x77: {  	_ =	shalt  }
0x78: {  	_ =	shalt  }
0x79: {  	_ =	shalt  }
0x7a: {  	_ =	shalt  }
0x7b: {  	_ =	shalt  }
0x7c: {  	_ =	shalt  }
0x7d: {  	_ =	shalt  }
0x7e: {  	_ =	shalt  }
0x7f: {  	_ =	shalt  }
0x80: {  	_ =	shalt  }
0x81: {  	_ =	shalt  }
0x82: {  	_ =	shalt  }
0x83: {  	_ =	shalt  }
0x84: {  	_ =	shalt  }
0x85: {  	_ =	shalt  }
0x86: {  	_ =	shalt  }
0x87: {  	_ =	shalt  }
.Lfunc_end0:
.L_simem_size_0:
called_computation.2_lowered:
.L_overlay_start_0:
0x88: {  	s2 =	sld [smem:$0x3FD9]  }
0x89: {  	s3 =	sld [smem:$0x3FFE];
	_ =	sdelay $0x1  }
0x8a: {  	s1 =	srdreg.scid  }
0x8b: {  	s0 =	sand.u32 $0x1, s1  }
0x8c: {  	s16 =	sshll.u32 s0, $0xA;
	s2 =	sadd.s32 s3, s2  }
0x8d: {  	s2 =	sadd.s32 s2, s16  }
0x8e: {  	[smem:$0x3FC0] =	sst s2  }
0x8f: {  	_ = 	snop  }
0x90: {  	(tm) =	ssettm $0x1  }
0x91: {  	s17 =	sld [smem:$0x3FFB];
	_ =	sdelay $0x3  }
0x92: {  	_ =	strace s17  }
0x93: {  	s2 =	sld [smem:$0x3FFC];
	_ =	sdelay $0x3  }
0x94: {  	_ =	strace s2  }
0x95: {  	s2 =	sld [smem:$0x3FFD];
	_ =	sdelay $0x3  }
0x96: {  	_ =	strace s2  }
0x97: {  	_ =	strace $0x8FFFFFFF  }
0x98: {  	s18 =	sld [smem:$0x3FDB];
	_ =	sdelay $0x1  }
0x99: {  	s19 =	simm.s32 $_scs_section_size  }
0x9a: {  	s4 =	simm.s32 $_size__tile_overlayer_lowered;
	s5 =	simm.s32 $_tile_overlayer_lowered  }
0x9b: {  	s22 =	simm.s32 $0x1BFF;
	s21 =	sshll.u32 s5, $0x1;
	s2 =	sadd.s32 s19, s18  }
0x9c: {  	s6 =	simm.s32 $0x0;
	s20 =	sshll.u32 s4, $0x1;
	s4 =	sadd.s32 s21, s2  }
0x9d: {  	[timem:s6], [sflag:s22] =	dma.local [hbm:s4], s20  }
0x9e: {  	_ =	swait.ge [sflag:s22], s20  }
0x9f: {  	s3 =	ssub.s32 $0x0, s20;
	[sflag:s22] =	ssyncset.done $0x0  }
0xa0: {  	[sflag:s22] =	ssyncadd.s32 s3;
	_ =	sdelay $0x1  }
0xa1: {  	s23 =	simm.s32 $0x1B8B  }
0xa2: {  	_ =	swait.ge [sflag:s23], $0x1  }
0xa3: {  	[sflag:s23] =	ssyncset.done $0x0  }
0xa4: {  	s25 =	simm.s32 $0x1B8E;
	s24 =	sld [smem:$0x3FFE];
	[sflag:s23] =	ssyncadd.s32 $0xFFFFFFFF  }
0xa5: {  	s26 =	simm.s32 $execute0_lowered;
	[smem:$0x3FD2] =	sst s25  }
0xa6: {  	s4 =	sshll.u32 s26, $0x1;
	_ =	strace $0x8000004C;
	[dreg:$0x1] =	wrdreg $0xFFFFFFFF  }
0xa7: {  	s28 =	simm.s32 $_size_execute0_lowered;
	s2 =	sadd.s32 s2, s4;
	[dreg:$0x0] =	wrdreg $0x0  }
0xa8: {  	s4 =	sshll.u32 s28, $0x1;
	[dreg:$0x2] =	wrdreg s2  }
0xa9: {  	[dreg:$0x3] =	wrdreg s4  }
0xaa: {  	[dreg:$0x4] =	wrdreg $0xC0  }
0xab: {  	_ =	task [dreg:s6], $0x5FFFF  }
0xac: {  	[dreg:$0x1] =	wrdreg $0xFFFFFFFF  }
0xad: {  	[dreg:$0x0] =	wrdreg $0x60  }
0xae: {  	[dreg:$0x2] =	wrdreg s24  }
0xaf: {  	[dreg:$0x3] =	wrdreg $0xCC000  }
0xb0: {  	[dreg:$0x4] =	wrdreg $0x9  }
0xb1: {  	_ =	task.clear_ibuf [dreg:s6], $0x5FFFF;
	_ =	strace $0x9000004C  }
0xb2: {  	s29 =	simm.s32 $0x9;
	_ =	strace $0x8000004E  }
0xb3: {  	_ =	swait.ge [sflag:s29], $0x1  }
0xb4: {  	[sflag:s29] =	ssyncadd.s32 $0xFFFFFFFF  }
0xb5: {  	_ =	strace $0x9000004E  }
0xb6: {  	_ =	sfence  }
0xb7: {  	s30 =	sld [smem:$0x0];
	_ =	sdelay $0x2  }
0xb8: {  	s31 =	sshll.u32 s1, $0xD;
	s1 =	sshrl.u32 s1, $0x2  }
0xb9: {  	s3 =	sand.u32 $0x4000, s31;
	s1 =	sadd.s32 s1, s30  }
0xba: {  	s0 =	sor.u32 s3, s0;
	s1 =	sshll.u32 s1, $0x11  }
0xbb: {  	s0 =	sor.u32 s1, s0  }
0xbc: {  	s0 =	sadd.s32 $0x8F2B, s0  }
0xbd: {  	[sflag:s0] =	ssyncadd.remote.s32 $0x1  }
0xbe: {  	_ =	sfence.sel $0xFFFF  }
0xbf: {  	[dreg:$0x0] =	wrdreg $0xFFFFFFFF;
	(pc) =	sbr.abs _section_cstart, $3  }
0xc0: {  	[dreg:$0x1] =	wrdreg $0xFFFFFFFF  }
0xc1: {  	_ =	task.clear_ibuf [dreg:s6], $0x2FFFF;
	_ =	strace $0x9FFFFFFF  }
0xc2: {  	(tm) =	ssettm $0x7FFFFFFF  }
0xc3: {  	_ =	shalt  }
tec
execute0_lowered:
.L_overlay_start_1:
0x0: {  	(tag) =	ssettag $0x1  }
0x1: {  	s0 =	rddreg [dreg:$0x0]  }
0x2: {  	s2 =	rddreg [dreg:$0x1]  }
0x3: {  	s1 =	srdreg.scid;
	s14 =	stileid.u32  }
0x4: {  	s3 =	simm.s32 $0x0;
	s28 =	simm.s32 $0x1;
	s5 =	smul.u32 $0x9E00, s14  }
0x5: {  	s29 =	simm.s32 $0x2;
	s1 =	sand.u32 $0x1, s1;
	s8 =	smul.u32 $0x27800, s14  }
0x6: {  	[smem:$0x7FF] =	sst s3;
	s4 =	sadd.s32 $0x16800, s0;
	s12 =	smul.u32 $0x980, s14  }
0x7: {  	s7 =	sadd.s32 $0xC800, s0;
	s11 =	sshll.u32 s14, $0x7;
	s14 =	smul.u32 $0x4C00, s14  }
0x8: {  	s10 =	sadd.s32 $0x2600, s0;
	s6 =	smul.u32 $0x9E000, s1;
	_ =	strace $0x8000004D  }
0x9: {  	s9 =	ssub.s32 $0x2, s1;
	p0 =	seq.s32 s1, $0x0;
	s13 =	sor.u32 $0x9800, s11  }
0xa: {  	s11 =	sor.u32 $0x9840, s11;
	s21 =	sshrl.u32 s9, $0x1;
	s8 =	sshrl.u32 s8, $0x2  }
0xb: {  	s25 =	sadd.s32 s7, s13;
	s26 =	sadd.s32 s10, s13;
	s30 =	sadd.s32 s7, s12  }
0xc: {  	s31 =	sshrl.u32 s14, $0x3;
	s12 =	sadd.s32 s10, s12;
	[dreg:$0x7] =	wrdreg s25  }
0xd: {  	s15 =	sadd.s32 s7, s11;
	s16 =	sadd.s32 s10, s11;
	[dreg:$0x8] =	wrdreg s26  }
0xe: {  	s6 =	sadd.s32 s5, s6;
	s8 =	sadd.s32 s8, s2;
	[dreg:$0x9] =	wrdreg s30  }
0xf: {  	s5 =	sadd.s32 s5, s2;
	[dreg:$0xa] =	wrdreg s12;
	s25 =	simm.s32 $0x8C00  }
0x10: {  	s26 =	simm.s32 $0xAC00;
	s6 =	sshrl.u32 s6, $0x3;
	s22 =	sadd.s32 $0x2000, s8  }
0x11: {  	s23 =	sadd.s32 $0x4000, s8;
	s24 =	sadd.s32 $0x6000, s8;
	[dreg:$0x3] =	wrdreg s22  }
0x12: {  	s8 =	sadd.s32 $0x8000, s8;
	s0 =	sadd.s32 s6, s0;
	[dreg:$0x4] =	wrdreg s23  }
0x13: {  	s6 =	ssub.s32 s9, s21;
	[dreg:$0x5] =	wrdreg s24;
	s9 =	simm.s32 $0x9800  }
0x14: {  	[dreg:$0x6] =	wrdreg s8;
	s8 =	sadd.s32 $0x4C0, s31;
	s21 =	simm.s32 $0x4C00  }
0x15: {  	s22 =	simm.s32 $0x3;
	s23 =	simm.s32 $0x80;
	s24 =	simm.s32 $0x6C00  }
0x16: {  	s9 =	simm.s32 @!p0 $0x800;
	s17 =	sadd.s32 s7, s8;
	s18 =	sadd.s32 s10, s8  }
0x17: {  	v0 =	vimm.f32 $0.0e+00;
	s19 =	sadd.s32 $0x2A200, s0;
	s20 =	smax.u32 s6, $0x1;
	p0 =	sne.s32 s1, $0x0  }
.LBB2_1:
0x18: {  	s1 =	simm.s32 $0x100;
	s0 =	simm.s32 $0x0  }
.LBB2_2:
0x19: {  	p1 =	sne.s32 s1, $0x7F00;
	[tilespmem:s0+$0x4C30] =	vst v0;
	s6 =	smov.u32 s1;
	s1 =	sadd.s32 $0x100, s1  }
.Ltmp0:
0x1a: {  	[tilespmem:s0+$0x4C20] =	vst v0;
	(pc) =	sbr.rel @p1 .LBB2_2-.Ltmp0, $3  }
0x1b: {  	[tilespmem:s0+$0x4C00] =	vst v0  }
0x1c: {  	[tilespmem:s0+$0x4C10] =	vst v0;
	_ =	sdelay $0x1  }
0x1d: {  	s0 =	sshra.s32 s6, $0x2  }
0x1e: {  	[tilespmem:s0+$0x4C30] =	vst v0  }
0x1f: {  	[tilespmem:s0+$0x4C20] =	vst v0  }
0x20: {  	[tilespmem:s0+$0x4C00] =	vst v0  }
0x21: {  	[tilespmem:s0+$0x4C10] =	vst v0  }
0x22: {  	[spmem:s5] =	stream.linear.scatter [tilespmem:s21], [sflag:$0x3], $0x2000, $0x38;
	[tilespmem:$0x16A00] =	vst v63  }
0x23: {  	_ =	swait.ge [sflag:s22], $0x2000  }
0x24: {  	[sflag:s22] =	ssyncset.done $0x0  }
0x25: {  	s11 =	rddreg [dreg:$0x3];
	[sflag:s22] =	ssyncadd.s32 $0xFFFFE000  }
0x26: {  	[spmem:s11] =	stream.linear.scatter [tilespmem:s21], [sflag:$0x3], $0x2000, $0x38;
	[tilespmem:$0x16A00] =	vst v63  }
0x27: {  	_ =	swait.ge [sflag:s22], $0x2000  }
0x28: {  	[sflag:s22] =	ssyncset.done $0x0  }
0x29: {  	s12 =	rddreg [dreg:$0x4];
	[sflag:s22] =	ssyncadd.s32 $0xFFFFE000  }
0x2a: {  	[spmem:s12] =	stream.linear.scatter [tilespmem:s21], [sflag:$0x3], $0x2000, $0x38;
	[tilespmem:$0x16A00] =	vst v63  }
0x2b: {  	_ =	swait.ge [sflag:s22], $0x2000  }
0x2c: {  	[sflag:s22] =	ssyncset.done $0x0  }
0x2d: {  	s13 =	rddreg [dreg:$0x5];
	[sflag:s22] =	ssyncadd.s32 $0xFFFFE000  }
0x2e: {  	[spmem:s13] =	stream.linear.scatter [tilespmem:s21], [sflag:$0x3], $0x2000, $0x38;
	[tilespmem:$0x16A00] =	vst v63  }
0x2f: {  	_ =	swait.ge [sflag:s22], $0x2000  }
0x30: {  	[sflag:s22] =	ssyncset.done $0x0  }
0x31: {  	s14 =	rddreg [dreg:$0x6];
	[sflag:s22] =	ssyncadd.s32 $0xFFFFE000  }
0x32: {  	[spmem:s14] =	stream.linear.scatter [tilespmem:s21], [sflag:$0x3], $0x1E00, $0x38;
	[tilespmem:$0x16A00] =	vst v63  }
0x33: {  	_ =	swait.ge [sflag:s22], $0x1E00  }
0x34: {  	[sflag:s22] =	ssyncset.done $0x0  }
0x35: {  	[sflag:s22] =	ssyncadd.s32 $0xFFFFE200  }
0x36: {  	[bflag:$0x0] =	sbarrier.arrive $0xFFFF  }
0x37: {  	s0 =	simm.s32 @p0 $0x0;
	s31 =	simm.s32 @p0 $0x3;
	s1 =	rddreg [dreg:$0x7]  }
0x38: {  	[tilespmem:s0], [sflag:$0x3] =	stream.linear.gather @p0 [hbm4b:s1+s0], $0x200, $0x38;
	[tilespmem:$0x16A00] =	vst v63  }
0x39: {  	_ =	swait.ge @p0 [sflag:s31], $0x200  }
0x3a: {  	[sflag:s31] =	ssyncset.done @p0 $0x0  }
0x3b: {  	s8 =	simm.s32 @p0 $0x2600;
	s1 =	rddreg [dreg:$0x8];
	[sflag:s31] =	ssyncadd.s32 @p0 $0xFFFFFE00  }
0x3c: {  	[tilespmem:s8], [sflag:$0x3] =	stream.linear.gather @p0 [hbm4b:s1+s0], $0x200, $0x38;
	[tilespmem:$0x16A00] =	vst v63  }
0x3d: {  	_ =	swait.ge @p0 [sflag:s31], $0x200  }
0x3e: {  	[sflag:s31] =	ssyncset.done @p0 $0x0  }
0x3f: {  	s6 =	simm.s32 @!p0 $0x0;
	s1 =	rddreg [dreg:$0x9];
	[sflag:s31] =	ssyncadd.s32 @p0 $0xFFFFFE00  }
0x40: {  	[tilespmem:s6], [sflag:$0x3] =	stream.linear.gather @!p0 [hbm4b:s1+s6], $0x2600, $0x38;
	[tilespmem:$0x16A00] =	vst v63  }
0x41: {  	s1 =	simm.s32 @!p0 $0x3  }
0x42: {  	_ =	swait.ge @!p0 [sflag:s1], $0x2600  }
0x43: {  	s10 =	simm.s32 @!p0 $0x2600;
	p2 =	sne.s32 s9, $0x800;
	[sflag:s1] =	ssyncset.done @!p0 $0x0  }
.Ltmp1:
0x44: {  	s7 =	rddreg [dreg:$0xa];
	[sflag:s1] =	ssyncadd.s32 @!p0 $0xFFFFDA00;
	(pc) =	sbr.rel @!p2 .LBB2_7-.Ltmp1, $4  }
0x45: {  	[tilespmem:s10], [sflag:$0x3] =	stream.linear.gather @!p0 [hbm4b:s7+s6], $0x2600, $0x38;
	[tilespmem:$0x16A00] =	vst v63  }
0x46: {  	s30 =	simm.s32 $0x800;
	_ =	swait.ge @!p0 [sflag:s1], $0x2600  }
0x47: {  	p1 =	por $0x0, $0x0;
	p3 =	por $0x0, $0x0;
	[sflag:s1] =	ssyncset.done @!p0 $0x0  }
0x48: {  	s11 =	simm.s32 $0x0;
	s7 =	simm.s32 $0x0;
	[sflag:s1] =	ssyncadd.s32 @!p0 $0xFFFFDA00  }
0x49: {  	s11 =	simm.s32 $0x0  }
0x4a: {  	[tilespmem:s21], [sflag:$0x1] =	stream.indirect.gather [hbm4b:s4+s23], $0x40, s11, s23, $0xb8;
	[tilespmem:$0x16A00] =	vst v63  }
0x4b: {  	s14 =	simm.s32 $0x80  }
0x4c: {  	[tilespmem:s24], [sflag:$0x1] =	stream.indirect.gather [hbm4b:s4+s23], $0x40, s14, s23, $0xb8;
	[tilespmem:$0x16A00] =	vst v63  }
0x4d: {  	s12 =	simm.s32 $0x100  }
0x4e: {  	[tilespmem:s25], [sflag:$0x1] =	stream.indirect.gather [hbm4b:s4+s23], $0x40, s12, s23, $0xb8;
	[tilespmem:$0x16A00] =	vst v63  }
0x4f: {  	s13 =	simm.s32 $0x180  }
0x50: {  	[tilespmem:s26], [sflag:$0x1] =	stream.indirect.gather [hbm4b:s4+s23], $0x40, s13, s23, $0xb8;
	[tilespmem:$0x16A00] =	vst v63  }
0x51: {  	_ =	swait.ge [sflag:s28], $0x2000  }
0x52: {  	[sflag:s28] =	ssyncset.done $0x0  }
0x53: {  	s14 =	simm.s32 $0x2600;
	[sflag:s28] =	ssyncadd.s32 $0xFFFFE000  }
0x54: {  	[spmem:s2] =	stream.indirect.scatter.add.f32 [tilespmem:s21], [sflag:$0x2], $0x40, s14, s23, $0xb8;
	[tilespmem:$0x16A00] =	vst v63  }
0x55: {  	_ =	swait.ge [sflag:s28], $0x2000  }
0x56: {  	[sflag:s28] =	ssyncset.done $0x0  }
0x57: {  	s12 =	simm.s32 $0x2680;
	[sflag:s28] =	ssyncadd.s32 $0xFFFFE000  }
0x58: {  	[spmem:s2] =	stream.indirect.scatter.add.f32 [tilespmem:s24], [sflag:$0x2], $0x40, s12, s23, $0xb8;
	[tilespmem:$0x16A00] =	vst v63  }
0x59: {  	_ =	swait.ge [sflag:s28], $0x2000  }
0x5a: {  	[sflag:s28] =	ssyncset.done $0x0  }
0x5b: {  	s13 =	simm.s32 $0x2700;
	[sflag:s28] =	ssyncadd.s32 $0xFFFFE000  }
0x5c: {  	[spmem:s2] =	stream.indirect.scatter.add.f32 [tilespmem:s25], [sflag:$0x2], $0x40, s13, s23, $0xb8;
	[tilespmem:$0x16A00] =	vst v63  }
0x5d: {  	_ =	swait.ge [sflag:s28], $0x2000  }
0x5e: {  	[sflag:s28] =	ssyncset.done $0x0  }
0x5f: {  	s14 =	simm.s32 $0x2780;
	[sflag:s28] =	ssyncadd.s32 $0xFFFFE000  }
0x60: {  	[spmem:s2] =	stream.indirect.scatter.add.f32 [tilespmem:s26], [sflag:$0x2], $0x40, s14, s23, $0xb8;
	[tilespmem:$0x16A00] =	vst v63  }
0x61: {  	_ =	swait.ge [sflag:s29], $0x2000  }
0x62: {  	[sflag:s29] =	ssyncset.done $0x0  }
0x63: {  	[sflag:s29] =	ssyncadd.s32 $0xFFFFE000  }
0x64: {  	_ =	swait.ge [sflag:s29], $0x2000  }
0x65: {  	[sflag:s29] =	ssyncset.done $0x0  }
0x66: {  	p4 =	sne.s32 s9, $0x1000;
	[sflag:s29] =	ssyncadd.s32 $0xFFFFE000  }
.Ltmp2:
0x67: {  	_ =	swait.ge [sflag:s29], $0x2000;
	(pc) =	sbr.rel @!p4 .LBB2_5-.Ltmp2, $4  }
0x68: {  	[sflag:s29] =	ssyncset.done $0x0  }
0x69: {  	[sflag:s29] =	ssyncadd.s32 $0xFFFFE000  }
0x6a: {  	p3 =	por $0x1, $0x1;
	_ =	swait.ge [sflag:s29], $0x2000  }
0x6b: {  	s11 =	simm.s32 $0x800;
	s12 =	simm.s32 $0x1000;
	[sflag:s29] =	ssyncset.done $0x0  }
.LBB2_6:
0x6c: {  	s13 =	sshra.s32 s11, $0x2  }
0x6d: {  	[sflag:s29] =	ssyncadd.s32 $0xFFFFE000;
	s11 =	smov.u32 s12;
	s12 =	sadd.s32 $0x800, s12  }
0x6e: {  	[tilespmem:s21], [sflag:$0x1] =	stream.indirect.gather [hbm4b:s4+s23], $0x40, s13, s23, $0xb8;
	[tilespmem:$0x16A00] =	vst v63  }
0x6f: {  	p4 =	sne.s32 s9, s12;
	s14 =	sadd.s32 $0x80, s13  }
0x70: {  	[tilespmem:s24], [sflag:$0x1] =	stream.indirect.gather [hbm4b:s4+s23], $0x40, s14, s23, $0xb8;
	[tilespmem:$0x16A00] =	vst v63  }
0x71: {  	s14 =	sadd.s32 $0x100, s13  }
0x72: {  	[tilespmem:s25], [sflag:$0x1] =	stream.indirect.gather [hbm4b:s4+s23], $0x40, s14, s23, $0xb8;
	[tilespmem:$0x16A00] =	vst v63  }
0x73: {  	s14 =	sadd.s32 $0x180, s13  }
0x74: {  	[tilespmem:s26], [sflag:$0x1] =	stream.indirect.gather [hbm4b:s4+s23], $0x40, s14, s23, $0xb8;
	[tilespmem:$0x16A00] =	vst v63  }
0x75: {  	_ =	swait.ge [sflag:s28], $0x2000  }
0x76: {  	[sflag:s28] =	ssyncset.done $0x0  }
0x77: {  	s14 =	sadd.s32 $0x2600, s13;
	[sflag:s28] =	ssyncadd.s32 $0xFFFFE000  }
0x78: {  	[spmem:s2] =	stream.indirect.scatter.add.f32 [tilespmem:s21], [sflag:$0x2], $0x40, s14, s23, $0xb8;
	[tilespmem:$0x16A00] =	vst v63  }
0x79: {  	_ =	swait.ge [sflag:s28], $0x2000  }
0x7a: {  	[sflag:s28] =	ssyncset.done $0x0  }
0x7b: {  	s14 =	sadd.s32 $0x2680, s13;
	[sflag:s28] =	ssyncadd.s32 $0xFFFFE000  }
0x7c: {  	[spmem:s2] =	stream.indirect.scatter.add.f32 [tilespmem:s24], [sflag:$0x2], $0x40, s14, s23, $0xb8;
	[tilespmem:$0x16A00] =	vst v63  }
0x7d: {  	_ =	swait.ge [sflag:s28], $0x2000  }
0x7e: {  	[sflag:s28] =	ssyncset.done $0x0  }
0x7f: {  	s14 =	sadd.s32 $0x2700, s13;
	[sflag:s28] =	ssyncadd.s32 $0xFFFFE000  }
0x80: {  	[spmem:s2] =	stream.indirect.scatter.add.f32 [tilespmem:s25], [sflag:$0x2], $0x40, s14, s23, $0xb8;
	[tilespmem:$0x16A00] =	vst v63  }
0x81: {  	_ =	swait.ge [sflag:s28], $0x2000  }
0x82: {  	[sflag:s28] =	ssyncset.done $0x0  }
0x83: {  	s13 =	sadd.s32 $0x2780, s13;
	[sflag:s28] =	ssyncadd.s32 $0xFFFFE000  }
0x84: {  	[spmem:s2] =	stream.indirect.scatter.add.f32 [tilespmem:s26], [sflag:$0x2], $0x40, s13, s23, $0xb8;
	[tilespmem:$0x16A00] =	vst v63  }
0x85: {  	_ =	swait.ge [sflag:s29], $0x2000  }
0x86: {  	[sflag:s29] =	ssyncset.done $0x0  }
0x87: {  	[sflag:s29] =	ssyncadd.s32 $0xFFFFE000  }
0x88: {  	_ =	swait.ge [sflag:s29], $0x2000  }
0x89: {  	[sflag:s29] =	ssyncset.done $0x0  }
0x8a: {  	[sflag:s29] =	ssyncadd.s32 $0xFFFFE000  }
.Ltmp3:
0x8b: {  	_ =	swait.ge [sflag:s29], $0x2000;
	(pc) =	sbr.rel @p4 .LBB2_6-.Ltmp3, $4  }
0x8c: {  	[sflag:s29] =	ssyncset.done $0x0  }
0x8d: {  	[sflag:s29] =	ssyncadd.s32 $0xFFFFE000  }
0x8e: {  	_ =	swait.ge [sflag:s29], $0x2000  }
0x8f: {  	[sflag:s29] =	ssyncset.done $0x0  }
.LBB2_7:
0x90: {  	s11 =	sshra.s32 s11, $0x2;
	[sflag:s29] =	ssyncadd.s32 @p3 $0xFFFFE000  }
0x91: {  	[tilespmem:s21], [sflag:$0x1] =	stream.indirect.gather [hbm4b:s4+s23], $0x40, s11, s23, $0xb8;
	[tilespmem:$0x16A00] =	vst v63  }
0x92: {  	s12 =	sadd.s32 $0x80, s11  }
0x93: {  	[tilespmem:s24], [sflag:$0x1] =	stream.indirect.gather [hbm4b:s4+s23], $0x40, s12, s23, $0xb8;
	[tilespmem:$0x16A00] =	vst v63  }
0x94: {  	s14 =	sadd.s32 $0x100, s11  }
0x95: {  	[tilespmem:s25], [sflag:$0x1] =	stream.indirect.gather [hbm4b:s4+s23], $0x40, s14, s23, $0xb8;
	[tilespmem:$0x16A00] =	vst v63  }
0x96: {  	s13 =	sadd.s32 $0x180, s11  }
0x97: {  	[tilespmem:s26], [sflag:$0x1] =	stream.indirect.gather [hbm4b:s4+s23], $0x40, s13, s23, $0xb8;
	[tilespmem:$0x16A00] =	vst v63  }
0x98: {  	_ =	swait.ge [sflag:s28], $0x2000  }
0x99: {  	[sflag:s28] =	ssyncset.done $0x0  }
0x9a: {  	s14 =	sadd.s32 $0x2600, s11;
	[sflag:s28] =	ssyncadd.s32 $0xFFFFE000  }
0x9b: {  	[spmem:s2] =	stream.indirect.scatter.add.f32 [tilespmem:s21], [sflag:$0x2], $0x40, s14, s23, $0xb8;
	[tilespmem:$0x16A00] =	vst v63  }
0x9c: {  	_ =	swait.ge [sflag:s28], $0x2000  }
0x9d: {  	[sflag:s28] =	ssyncset.done $0x0  }
0x9e: {  	s13 =	sadd.s32 $0x2680, s11;
	[sflag:s28] =	ssyncadd.s32 $0xFFFFE000  }
0x9f: {  	[spmem:s2] =	stream.indirect.scatter.add.f32 [tilespmem:s24], [sflag:$0x2], $0x40, s13, s23, $0xb8;
	[tilespmem:$0x16A00] =	vst v63  }
0xa0: {  	_ =	swait.ge [sflag:s28], $0x2000  }
0xa1: {  	[sflag:s28] =	ssyncset.done $0x0  }
0xa2: {  	s14 =	sadd.s32 $0x2700, s11;
	[sflag:s28] =	ssyncadd.s32 $0xFFFFE000  }
0xa3: {  	[spmem:s2] =	stream.indirect.scatter.add.f32 [tilespmem:s25], [sflag:$0x2], $0x40, s14, s23, $0xb8;
	[tilespmem:$0x16A00] =	vst v63  }
0xa4: {  	_ =	swait.ge [sflag:s28], $0x2000  }
0xa5: {  	[sflag:s28] =	ssyncset.done $0x0  }
0xa6: {  	s11 =	sadd.s32 $0x2780, s11;
	[sflag:s28] =	ssyncadd.s32 $0xFFFFE000  }
0xa7: {  	[spmem:s2] =	stream.indirect.scatter.add.f32 [tilespmem:s26], [sflag:$0x2], $0x40, s11, s23, $0xb8;
	[tilespmem:$0x16A00] =	vst v63  }
0xa8: {  	_ =	swait.ge [sflag:s29], $0x2000  }
0xa9: {  	[sflag:s29] =	ssyncset.done $0x0  }
0xaa: {  	[sflag:s29] =	ssyncadd.s32 $0xFFFFE000  }
0xab: {  	_ =	swait.ge [sflag:s29], $0x2000  }
0xac: {  	[sflag:s29] =	ssyncset.done $0x0  }
0xad: {  	[sflag:s29] =	ssyncadd.s32 $0xFFFFE000  }
0xae: {  	_ =	swait.ge [sflag:s29], $0x2000  }
0xaf: {  	[sflag:s29] =	ssyncset.done $0x0  }
0xb0: {  	[sflag:s29] =	ssyncadd.s32 $0xFFFFE000  }
0xb1: {  	_ =	swait.ge [sflag:s29], $0x2000  }
0xb2: {  	[sflag:s29] =	ssyncset.done $0x0  }
0xb3: {  	[sflag:s29] =	ssyncadd.s32 $0xFFFFE000  }
0xb4: {  	[tilespmem:s0], [sflag:$0x3] =	stream.linear.gather @p0 [hbm4b:s15+s0], $0x200, $0x38;
	[tilespmem:$0x16A00] =	vst v63  }
0xb5: {  	_ =	swait.ge @p0 [sflag:s31], $0x200  }
0xb6: {  	[sflag:s31] =	ssyncset.done @p0 $0x0  }
0xb7: {  	[sflag:s31] =	ssyncadd.s32 @p0 $0xFFFFFE00  }
0xb8: {  	[tilespmem:s8], [sflag:$0x3] =	stream.linear.gather @p0 [hbm4b:s16+s0], $0x200, $0x38;
	[tilespmem:$0x16A00] =	vst v63  }
0xb9: {  	_ =	swait.ge @p0 [sflag:s31], $0x200  }
0xba: {  	[sflag:s31] =	ssyncset.done @p0 $0x0  }
0xbb: {  	[sflag:s31] =	ssyncadd.s32 @p0 $0xFFFFFE00  }
0xbc: {  	[tilespmem:s6], [sflag:$0x3] =	stream.linear.gather @!p0 [hbm4b:s17+s6], $0x2600, $0x38;
	[tilespmem:$0x16A00] =	vst v63  }
0xbd: {  	_ =	swait.ge @!p0 [sflag:s1], $0x2600  }
0xbe: {  	[sflag:s1] =	ssyncset.done @!p0 $0x0  }
.Ltmp4:
0xbf: {  	[sflag:s1] =	ssyncadd.s32 @!p0 $0xFFFFDA00;
	(pc) =	sbr.rel @!p2 .LBB2_12-.Ltmp4, $4  }
0xc0: {  	[tilespmem:s10], [sflag:$0x3] =	stream.linear.gather @!p0 [hbm4b:s18+s6], $0x2600, $0x38;
	[tilespmem:$0x16A00] =	vst v63  }
0xc1: {  	_ =	swait.ge @!p0 [sflag:s1], $0x2600  }
0xc2: {  	[sflag:s1] =	ssyncset.done @!p0 $0x0  }
0xc3: {  	[sflag:s1] =	ssyncadd.s32 @!p0 $0xFFFFDA00  }
0xc4: {  	s0 =	simm.s32 $0x0  }
0xc5: {  	[tilespmem:s21], [sflag:$0x1] =	stream.indirect.gather [hbm4b:s4+s23], $0x40, s0, s23, $0xb8;
	[tilespmem:$0x16A00] =	vst v63  }
0xc6: {  	s8 =	simm.s32 $0x80  }
0xc7: {  	[tilespmem:s24], [sflag:$0x1] =	stream.indirect.gather [hbm4b:s4+s23], $0x40, s8, s23, $0xb8;
	[tilespmem:$0x16A00] =	vst v63  }
0xc8: {  	s10 =	simm.s32 $0x100  }
0xc9: {  	[tilespmem:s25], [sflag:$0x1] =	stream.indirect.gather [hbm4b:s4+s23], $0x40, s10, s23, $0xb8;
	[tilespmem:$0x16A00] =	vst v63  }
0xca: {  	s11 =	simm.s32 $0x180  }
0xcb: {  	[tilespmem:s26], [sflag:$0x1] =	stream.indirect.gather [hbm4b:s4+s23], $0x40, s11, s23, $0xb8;
	[tilespmem:$0x16A00] =	vst v63  }
0xcc: {  	_ =	swait.ge [sflag:s28], $0x2000  }
0xcd: {  	[sflag:s28] =	ssyncset.done $0x0  }
0xce: {  	s12 =	simm.s32 $0x2600;
	[sflag:s28] =	ssyncadd.s32 $0xFFFFE000  }
0xcf: {  	[spmem:s2] =	stream.indirect.scatter.add.f32 [tilespmem:s21], [sflag:$0x2], $0x40, s12, s23, $0xb8;
	[tilespmem:$0x16A00] =	vst v63  }
0xd0: {  	_ =	swait.ge [sflag:s28], $0x2000  }
0xd1: {  	[sflag:s28] =	ssyncset.done $0x0  }
0xd2: {  	s13 =	simm.s32 $0x2680;
	[sflag:s28] =	ssyncadd.s32 $0xFFFFE000  }
0xd3: {  	[spmem:s2] =	stream.indirect.scatter.add.f32 [tilespmem:s24], [sflag:$0x2], $0x40, s13, s23, $0xb8;
	[tilespmem:$0x16A00] =	vst v63  }
0xd4: {  	_ =	swait.ge [sflag:s28], $0x2000  }
0xd5: {  	[sflag:s28] =	ssyncset.done $0x0  }
0xd6: {  	s14 =	simm.s32 $0x2700;
	[sflag:s28] =	ssyncadd.s32 $0xFFFFE000  }
0xd7: {  	[spmem:s2] =	stream.indirect.scatter.add.f32 [tilespmem:s25], [sflag:$0x2], $0x40, s14, s23, $0xb8;
	[tilespmem:$0x16A00] =	vst v63  }
0xd8: {  	_ =	swait.ge [sflag:s28], $0x2000  }
0xd9: {  	[sflag:s28] =	ssyncset.done $0x0  }
0xda: {  	s31 =	simm.s32 $0x2780;
	[sflag:s28] =	ssyncadd.s32 $0xFFFFE000  }
0xdb: {  	[spmem:s2] =	stream.indirect.scatter.add.f32 [tilespmem:s26], [sflag:$0x2], $0x40, s31, s23, $0xb8;
	[tilespmem:$0x16A00] =	vst v63  }
0xdc: {  	_ =	swait.ge [sflag:s29], $0x2000  }
0xdd: {  	[sflag:s29] =	ssyncset.done $0x0  }
0xde: {  	[sflag:s29] =	ssyncadd.s32 $0xFFFFE000  }
0xdf: {  	_ =	swait.ge [sflag:s29], $0x2000  }
0xe0: {  	[sflag:s29] =	ssyncset.done $0x0  }
0xe1: {  	p2 =	sne.s32 s9, $0x1000;
	[sflag:s29] =	ssyncadd.s32 $0xFFFFE000  }
.Ltmp5:
0xe2: {  	_ =	swait.ge [sflag:s29], $0x2000;
	(pc) =	sbr.rel @!p2 .LBB2_9-.Ltmp5, $4  }
0xe3: {  	[sflag:s29] =	ssyncset.done $0x0  }
0xe4: {  	[sflag:s29] =	ssyncadd.s32 $0xFFFFE000  }
0xe5: {  	_ =	swait.ge [sflag:s29], $0x2000  }
0xe6: {  	p1 =	por $0x1, $0x1;
	s0 =	simm.s32 $0x1000;
	[sflag:s29] =	ssyncset.done $0x0  }
.LBB2_10:
0xe7: {  	s1 =	sshra.s32 s30, $0x2  }
0xe8: {  	[sflag:s29] =	ssyncadd.s32 $0xFFFFE000;
	s30 =	smov.u32 s0;
	s0 =	sadd.s32 $0x800, s0  }
0xe9: {  	[tilespmem:s21], [sflag:$0x1] =	stream.indirect.gather [hbm4b:s4+s23], $0x40, s1, s23, $0xb8;
	[tilespmem:$0x16A00] =	vst v63  }
0xea: {  	p2 =	sne.s32 s9, s0;
	s6 =	sadd.s32 $0x80, s1  }
0xeb: {  	[tilespmem:s24], [sflag:$0x1] =	stream.indirect.gather [hbm4b:s4+s23], $0x40, s6, s23, $0xb8;
	[tilespmem:$0x16A00] =	vst v63  }
0xec: {  	s6 =	sadd.s32 $0x100, s1  }
0xed: {  	[tilespmem:s25], [sflag:$0x1] =	stream.indirect.gather [hbm4b:s4+s23], $0x40, s6, s23, $0xb8;
	[tilespmem:$0x16A00] =	vst v63  }
0xee: {  	s6 =	sadd.s32 $0x180, s1  }
0xef: {  	[tilespmem:s26], [sflag:$0x1] =	stream.indirect.gather [hbm4b:s4+s23], $0x40, s6, s23, $0xb8;
	[tilespmem:$0x16A00] =	vst v63  }
0xf0: {  	_ =	swait.ge [sflag:s28], $0x2000  }
0xf1: {  	[sflag:s28] =	ssyncset.done $0x0  }
0xf2: {  	s6 =	sadd.s32 $0x2600, s1;
	[sflag:s28] =	ssyncadd.s32 $0xFFFFE000  }
0xf3: {  	[spmem:s2] =	stream.indirect.scatter.add.f32 [tilespmem:s21], [sflag:$0x2], $0x40, s6, s23, $0xb8;
	[tilespmem:$0x16A00] =	vst v63  }
0xf4: {  	_ =	swait.ge [sflag:s28], $0x2000  }
0xf5: {  	[sflag:s28] =	ssyncset.done $0x0  }
0xf6: {  	s6 =	sadd.s32 $0x2680, s1;
	[sflag:s28] =	ssyncadd.s32 $0xFFFFE000  }
0xf7: {  	[spmem:s2] =	stream.indirect.scatter.add.f32 [tilespmem:s24], [sflag:$0x2], $0x40, s6, s23, $0xb8;
	[tilespmem:$0x16A00] =	vst v63  }
0xf8: {  	_ =	swait.ge [sflag:s28], $0x2000  }
0xf9: {  	[sflag:s28] =	ssyncset.done $0x0  }
0xfa: {  	s6 =	sadd.s32 $0x2700, s1;
	[sflag:s28] =	ssyncadd.s32 $0xFFFFE000  }
0xfb: {  	[spmem:s2] =	stream.indirect.scatter.add.f32 [tilespmem:s25], [sflag:$0x2], $0x40, s6, s23, $0xb8;
	[tilespmem:$0x16A00] =	vst v63  }
0xfc: {  	_ =	swait.ge [sflag:s28], $0x2000  }
0xfd: {  	[sflag:s28] =	ssyncset.done $0x0  }
0xfe: {  	s1 =	sadd.s32 $0x2780, s1;
	[sflag:s28] =	ssyncadd.s32 $0xFFFFE000  }
0xff: {  	[spmem:s2] =	stream.indirect.scatter.add.f32 [tilespmem:s26], [sflag:$0x2], $0x40, s1, s23, $0xb8;
	[tilespmem:$0x16A00] =	vst v63  }
0x100: {  	_ =	swait.ge [sflag:s29], $0x2000  }
0x101: {  	[sflag:s29] =	ssyncset.done $0x0  }
0x102: {  	[sflag:s29] =	ssyncadd.s32 $0xFFFFE000  }
0x103: {  	_ =	swait.ge [sflag:s29], $0x2000  }
0x104: {  	[sflag:s29] =	ssyncset.done $0x0  }
0x105: {  	[sflag:s29] =	ssyncadd.s32 $0xFFFFE000  }
.Ltmp6:
0x106: {  	_ =	swait.ge [sflag:s29], $0x2000;
	(pc) =	sbr.rel @p2 .LBB2_10-.Ltmp6, $4  }
0x107: {  	[sflag:s29] =	ssyncset.done $0x0  }
0x108: {  	[sflag:s29] =	ssyncadd.s32 $0xFFFFE000  }
0x109: {  	_ =	swait.ge [sflag:s29], $0x2000  }
0x10a: {  	[sflag:s29] =	ssyncset.done $0x0  }
0x10b: {  	s7 =	smov.u32 s30  }
.LBB2_12:
0x10c: {  	s0 =	sshra.s32 s7, $0x2;
	[sflag:s29] =	ssyncadd.s32 @p1 $0xFFFFE000  }
0x10d: {  	[tilespmem:s21], [sflag:$0x1] =	stream.indirect.gather [hbm4b:s4+s23], $0x40, s0, s23, $0xb8;
	[tilespmem:$0x16A00] =	vst v63  }
0x10e: {  	s1 =	sadd.s32 $0x80, s0  }
0x10f: {  	[tilespmem:s24], [sflag:$0x1] =	stream.indirect.gather [hbm4b:s4+s23], $0x40, s1, s23, $0xb8;
	[tilespmem:$0x16A00] =	vst v63  }
0x110: {  	s10 =	sadd.s32 $0x100, s0  }
0x111: {  	[tilespmem:s25], [sflag:$0x1] =	stream.indirect.gather [hbm4b:s4+s23], $0x40, s10, s23, $0xb8;
	[tilespmem:$0x16A00] =	vst v63  }
0x112: {  	s11 =	sadd.s32 $0x180, s0  }
0x113: {  	[tilespmem:s26], [sflag:$0x1] =	stream.indirect.gather [hbm4b:s4+s23], $0x40, s11, s23, $0xb8;
	[tilespmem:$0x16A00] =	vst v63  }
0x114: {  	_ =	swait.ge [sflag:s28], $0x2000  }
0x115: {  	[sflag:s28] =	ssyncset.done $0x0  }
0x116: {  	s12 =	sadd.s32 $0x2600, s0;
	[sflag:s28] =	ssyncadd.s32 $0xFFFFE000  }
0x117: {  	[spmem:s2] =	stream.indirect.scatter.add.f32 [tilespmem:s21], [sflag:$0x2], $0x40, s12, s23, $0xb8;
	[tilespmem:$0x16A00] =	vst v63  }
0x118: {  	_ =	swait.ge [sflag:s28], $0x2000  }
0x119: {  	[sflag:s28] =	ssyncset.done $0x0  }
0x11a: {  	s13 =	sadd.s32 $0x2680, s0;
	[sflag:s28] =	ssyncadd.s32 $0xFFFFE000  }
0x11b: {  	[spmem:s2] =	stream.indirect.scatter.add.f32 [tilespmem:s24], [sflag:$0x2], $0x40, s13, s23, $0xb8;
	[tilespmem:$0x16A00] =	vst v63  }
0x11c: {  	_ =	swait.ge [sflag:s28], $0x2000  }
0x11d: {  	[sflag:s28] =	ssyncset.done $0x0  }
0x11e: {  	s14 =	sadd.s32 $0x2700, s0;
	[sflag:s28] =	ssyncadd.s32 $0xFFFFE000  }
0x11f: {  	[spmem:s2] =	stream.indirect.scatter.add.f32 [tilespmem:s25], [sflag:$0x2], $0x40, s14, s23, $0xb8;
	[tilespmem:$0x16A00] =	vst v63  }
0x120: {  	_ =	swait.ge [sflag:s28], $0x2000  }
0x121: {  	[sflag:s28] =	ssyncset.done $0x0  }
0x122: {  	s0 =	sadd.s32 $0x2780, s0;
	[sflag:s28] =	ssyncadd.s32 $0xFFFFE000  }
0x123: {  	[spmem:s2] =	stream.indirect.scatter.add.f32 [tilespmem:s26], [sflag:$0x2], $0x40, s0, s23, $0xb8;
	[tilespmem:$0x16A00] =	vst v63  }
0x124: {  	_ =	swait.ge [sflag:s29], $0x2000  }
0x125: {  	[sflag:s29] =	ssyncset.done $0x0  }
0x126: {  	[sflag:s29] =	ssyncadd.s32 $0xFFFFE000  }
0x127: {  	_ =	swait.ge [sflag:s29], $0x2000  }
0x128: {  	[sflag:s29] =	ssyncset.done $0x0  }
0x129: {  	[sflag:s29] =	ssyncadd.s32 $0xFFFFE000  }
0x12a: {  	_ =	swait.ge [sflag:s29], $0x2000  }
0x12b: {  	[sflag:s29] =	ssyncset.done $0x0  }
0x12c: {  	[sflag:s29] =	ssyncadd.s32 $0xFFFFE000  }
0x12d: {  	_ =	swait.ge [sflag:s29], $0x2000  }
0x12e: {  	s30 =	stileid.u32;
	s31 =	sshrl.u32 s5, $0x3;
	[sflag:s29] =	ssyncset.done $0x0  }
0x12f: {  	s3 =	sadd.s32 $0x1, s3;
	s0 =	sshll.u32 s30, $0x6;
	[sflag:s29] =	ssyncadd.s32 $0xFFFFE000  }
0x130: {  	p1 =	sne.s32 s3, s20;
	s0 =	sor.u32 $0x1C03, s0;
	[bflag:$0x0] =	sbarrier.arrive $0xFFFF  }
0x131: {  	[hbm:s19], [sflag:s0] =	dma.local [spmem:s31], $0x13C0  }
.Ltmp7:
0x132: {  	_ = 	snop;
	(pc) =	sbr.rel @p1 .LBB2_1-.Ltmp7, $4  }
.Ltmp8:
0x133: {  	_ = 	snop;
	(pc) =	sbr.rel @!p1 .LBB2_13-.Ltmp8, $4  }
0x134: {  	_ =	swait.ge [sflag:s22], $0x13C0  }
0x135: {  	[sflag:s22] =	ssyncset.done $0x0  }
0x136: {  	[sflag:s22] =	ssyncadd.s32 $0xFFFFEC40  }
0x137: {  	_ = 	snop  }
.LBB2_5:
.Ltmp9:
0x138: {  	(pc) =	sbr.rel .LBB2_7-.Ltmp9, $2  }
0x139: {  	_ =	sdelay $0x2  }
0x13a: {  	s11 =	simm.s32 $0x800  }
.LBB2_9:
.Ltmp10:
0x13b: {  	(pc) =	sbr.rel .LBB2_12-.Ltmp10, $2  }
0x13c: {  	_ =	sdelay $0x2  }
0x13d: {  	s7 =	simm.s32 $0x800  }
.LBB2_13:
0x13e: {  	_ =	sfence.sel $0x180000  }
0x13f: {  	[bflag:$0x0] =	sbarrier.arrive $0xFFFF  }
0x140: {  	_ =	strace $0x9000004D  }
0x141: {  	s0 =	stileid.u32;
	[bflag:$0x2] =	sbarrier.arrive $0xFFFF  }
0x142: {  	p0 =	sne.s32 s0, $0x0;
	s0 =	rddreg [dreg:$0x2]  }
0x143: {  	s0 =	sadd.s32 @!p0 $0x100000, s0  }
0x144: {  	[sflag:s0] =	ssyncadd.tile.s32 @!p0 $0x1;
	_ =	shalt  }
.Lfunc_end2:
_tile_overlayer_lowered:
.L_overlay_start_2:
0x145: {  	(tag) =	ssettag $0x2  }
0x146: {  	s0 =	rddreg [dreg:$0x0];
	s2 =	stileid.u32  }
0x147: {  	s1 =	rddreg [dreg:$0x1];
	p0 =	sne.s32 s2, $0x0  }
0x148: {  	s3 =	rddreg [dreg:$0x2];
	[bflag:$0x3] =	sbarrier.arrive $0xFFFF;
	s2 =	simm.s32 @!p0 $0x1C03  }
0x149: {  	[timem:s3], [sflag:s2] =	dma.local @!p0 [hbm:s0], s1  }
0x14a: {  	s0 =	simm.s32 @!p0 $0x3  }
0x14b: {  	_ =	swait.ge @!p0 [sflag:s0], s1  }
0x14c: {  	s1 =	ssub.s32 @!p0 $0x0, s1;
	[sflag:s0] =	ssyncset.done @!p0 $0x0  }
0x14d: {  	[sflag:s0] =	ssyncadd.s32 @!p0 s1  }
0x14e: {  	[bflag:$0x3] =	sbarrier.arrive $0xFFFF  }
0x14f: {  	_ =	shalt  }

// kernel: kernel.8.cloned.1.call-start
scs
__scs_entry_jumppad:
0x0: {  	(pc) =	sbr.rel $0x88, $3  }
0x1: {  	(tag) =	ssettag $0x0;
	lr =	simm.s32 $0x1  }
0x2: {  	[smem:$0x3F99] =	sst lr;
	_ =	strace $0xD0000000  }
0x3: {  	_ = 	snop  }
0x4: {  	_ = 	snop  }
0x5: {  	_ = 	snop  }
0x6: {  	_ = 	snop  }
0x7: {  	_ = 	snop  }
__scs_overlays_trampoline_lowered:
0x8: {  	[smem:$0x3FA8] =	sst s0  }
0x9: {  	[smem:$0x3FA9] =	sst s1  }
0xa: {  	[smem:$0x3FAA] =	sst s2  }
0xb: {  	[smem:$0x3FAB] =	sst s3  }
0xc: {  	[smem:$0x3FAC] =	sst s4  }
0xd: {  	[smem:$0x3FAD] =	sst s5  }
0xe: {  	[smem:$0x3FAE] =	sst s6  }
0xf: {  	[smem:$0x3FAF] =	sst s7  }
0x10: {  	[smem:$0x3FB0] =	sst s8  }
0x11: {  	[smem:$0x3FB1] =	sst s9;
	s0 =	simm.s32 @!p0 $0x0  }
0x12: {  	s1 =	sld [smem:$0x3F97];
	s0 =	simm.s32 @p0 $0x1  }
0x13: {  	[smem:$0x3FB2] =	sst s0;
	s0 =	simm.s32 @!p1 $0x0  }
0x14: {  	s2 =	sld [smem:$0x3F96];
	s0 =	simm.s32 @p1 $0x1  }
0x15: {  	[smem:$0x3FB3] =	sst s0;
	s0 =	simm.s32 @!p2 $0x0  }
0x16: {  	s3 =	sld [smem:$0x3FDB];
	s0 =	simm.s32 @p2 $0x1  }
0x17: {  	s4 =	simm.s32 $0x1BF5;
	[smem:$0x3FB5] =	sst s0  }
0x18: {  	s0 =	sld [smem:$0x3F98];
	_ =	swait.ge [sflag:s4], $0x0  }
0x19: {  	s7 =	sld [smem:$0x3F99]  }
0x1a: {  	s8 =	sadd.s32 $0xFFFFE003, lr  }
0x1b: {  	s9 =	sadd.s32 $0xFFFFFEF7, lr;
	s5 =	simm.s32 $0xFFFFFFFF;
	p2 =	slt.u32 s8, $0xFFFFF086  }
0x1c: {  	p1 =	slt.u32 s9, $0xF7A;
	s5 =	simm.s32 @!p2 $0x0  }
0x1d: {  	s5 =	simm.s32 @p1 $0x1;
	p0 =	seq.s32 s7, s2  }
0x1e: {  	s7 =	smul.u32 @!p0 $0xF7A, s2;
	p2 =	seq.s32 @!p0 s5, $0x0  }
0x1f: {  	s9 =	smul.u32 $0xF7A, s1;
	s8 =	simm.s32 @!p0 $0x1BF5;
	p2 =	por !p2, p0  }
0x20: {  	[sflag:s8] =	ssyncset.s32 @!p0 $0xFFFFF086;
	s6 =	sadd.s32 @!p0 s3, s7;
	s7 =	simm.s32 @!p0 $0x108  }
0x21: {  	s3 =	sadd.s32 s3, s9;
	s6 =	sadd.s32 @!p0 $0x88, s6;
	s7 =	simm.s32 @p2 $0x1082  }
0x22: {  	[simem:s7], [sflag:s8] =	dma.local @!p0 [hbm:s6], $0xF7A  }
0x23: {  	s9 =	sor.u32 $0xD0000000, s2;
	s6 =	simm.s32 $0x108;
	_ =	swait.ge @!p0 [sflag:s8], $0x0  }
0x24: {  	s3 =	sadd.s32 $0x88, s3;
	s6 =	simm.s32 @!p1 $0x1082;
	[sflag:s4] =	ssyncset.s32 $0xFFFFF086  }
0x25: {  	[simem:s6], [sflag:s4] =	dma.local [hbm:s3], $0xF7A  }
0x26: {  	[smem:$0x3F99] =	sst s1;
	(tag) =	ssettag s2;
	_ =	strace s9  }
0x27: {  	s1 =	sld [smem:$0x3FA9]  }
0x28: {  	s2 =	sld [smem:$0x3FAA]  }
0x29: {  	s4 =	sld [smem:$0x3FAC]  }
0x2a: {  	p0 =	seq.s32 s5, $0x0;
	s5 =	sld [smem:$0x3FAD]  }
0x2b: {  	s6 =	sld [smem:$0x3FAE]  }
0x2c: {  	s7 =	sld [smem:$0x3FAF]  }
0x2d: {  	s3 =	simm.s32 $0x108;
	s8 =	sld [smem:$0x3FB0]  }
0x2e: {  	s3 =	simm.s32 @!p0 $0x1082;
	s9 =	sld [smem:$0x3FB1]  }
0x2f: {  	lr =	sadd.s32 s0, s3;
	s0 =	sld [smem:$0x3FA8]  }
0x30: {  	s3 =	sld [smem:$0x3FAB]  }
0x31: {  	[smem:$0x3FB4] =	sst s10  }
0x32: {  	s10 =	sld [smem:$0x3FB2];
	_ =	sdelay $0x3  }
0x33: {  	p0 =	seq.s32 s10, $0x1;
	s10 =	sld [smem:$0x3FB4];
	_ =	sdelay $0x3  }
0x34: {  	[smem:$0x3FB4] =	sst s10  }
0x35: {  	s10 =	sld [smem:$0x3FB3];
	_ =	sdelay $0x3  }
0x36: {  	p1 =	seq.s32 s10, $0x1;
	s10 =	sld [smem:$0x3FB4];
	_ =	sdelay $0x3  }
0x37: {  	[smem:$0x3FB4] =	sst s10  }
0x38: {  	s10 =	sld [smem:$0x3FB5]  }
0x39: {  	_ = 	snop;
	(pc) =	sbr.ind lr, $3  }
0x3a: {  	_ = 	snop  }
0x3b: {  	_ = 	snop  }
0x3c: {  	p2 =	seq.s32 s10, $0x1;
	s10 =	sld [smem:$0x3FB4]  }
0x3d: {  	_ =	shalt  }
0x3e: {  	_ =	shalt  }
0x3f: {  	_ =	shalt  }
0x40: {  	_ =	shalt  }
0x41: {  	_ =	shalt  }
0x42: {  	_ =	shalt  }
0x43: {  	_ =	shalt  }
0x44: {  	_ =	shalt  }
0x45: {  	_ =	shalt  }
0x46: {  	_ =	shalt  }
0x47: {  	_ =	shalt  }
0x48: {  	_ =	shalt  }
0x49: {  	_ =	shalt  }
0x4a: {  	_ =	shalt  }
0x4b: {  	_ =	shalt  }
0x4c: {  	_ =	shalt  }
0x4d: {  	_ =	shalt  }
0x4e: {  	_ =	shalt  }
0x4f: {  	_ =	shalt  }
0x50: {  	_ =	shalt  }
0x51: {  	_ =	shalt  }
0x52: {  	_ =	shalt  }
0x53: {  	_ =	shalt  }
0x54: {  	_ =	shalt  }
0x55: {  	_ =	shalt  }
0x56: {  	_ =	shalt  }
0x57: {  	_ =	shalt  }
0x58: {  	_ =	shalt  }
0x59: {  	_ =	shalt  }
0x5a: {  	_ =	shalt  }
0x5b: {  	_ =	shalt  }
0x5c: {  	_ =	shalt  }
0x5d: {  	_ =	shalt  }
0x5e: {  	_ =	shalt  }
0x5f: {  	_ =	shalt  }
0x60: {  	_ =	shalt  }
0x61: {  	_ =	shalt  }
0x62: {  	_ =	shalt  }
0x63: {  	_ =	shalt  }
0x64: {  	_ =	shalt  }
0x65: {  	_ =	shalt  }
0x66: {  	_ =	shalt  }
0x67: {  	_ =	shalt  }
0x68: {  	_ =	shalt  }
0x69: {  	_ =	shalt  }
0x6a: {  	_ =	shalt  }
0x6b: {  	_ =	shalt  }
0x6c: {  	_ =	shalt  }
0x6d: {  	_ =	shalt  }
0x6e: {  	_ =	shalt  }
0x6f: {  	_ =	shalt  }
0x70: {  	_ =	shalt  }
0x71: {  	_ =	shalt  }
0x72: {  	_ =	shalt  }
0x73: {  	_ =	shalt  }
0x74: {  	_ =	shalt  }
0x75: {  	_ =	shalt  }
0x76: {  	_ =	shalt  }
0x77: {  	_ =	shalt  }
0x78: {  	_ =	shalt  }
0x79: {  	_ =	shalt  }
0x7a: {  	_ =	shalt  }
0x7b: {  	_ =	shalt  }
0x7c: {  	_ =	shalt  }
0x7d: {  	_ =	shalt  }
0x7e: {  	_ =	shalt  }
0x7f: {  	_ =	shalt  }
0x80: {  	_ =	shalt  }
0x81: {  	_ =	shalt  }
0x82: {  	_ =	shalt  }
0x83: {  	_ =	shalt  }
0x84: {  	_ =	shalt  }
0x85: {  	_ =	shalt  }
0x86: {  	_ =	shalt  }
0x87: {  	_ =	shalt  }
.Lfunc_end0:
.L_simem_size_0:
called_computation_lowered:
.L_overlay_start_0:
0x88: {  	s2 =	sld [smem:$0x3FD9]  }
0x89: {  	s3 =	sld [smem:$0x3FFE];
	_ =	sdelay $0x1  }
0x8a: {  	s1 =	srdreg.scid  }
0x8b: {  	s0 =	sand.u32 $0x1, s1  }
0x8c: {  	s14 =	sshll.u32 s0, $0xA;
	s2 =	sadd.s32 s3, s2  }
0x8d: {  	s2 =	sadd.s32 s2, s14  }
0x8e: {  	[smem:$0x3FC0] =	sst s2  }
0x8f: {  	_ = 	snop  }
0x90: {  	s2 =	sld [smem:$0x3FD0];
	_ =	sdelay $0x2  }
0x91: {  	s15 =	simm.s32 $0xA;
	s4 =	simm.s32 $0x10  }
0x92: {  	[smem:s4], [sflag:s15] =	dma.local [hbm:s2], $0x1  }
0x93: {  	_ =	swait.eq [sflag:s15], $0x1  }
0x94: {  	[sflag:s15] =	ssyncset.done $0x0  }
0x95: {  	s16 =	sld [smem:$0x10];
	[sflag:s15] =	ssyncadd.s32 $0xFFFFFFFF  }
0x96: {  	s17 =	sld [smem:$0x11];
	(tm) =	ssettm $0x1  }
0x97: {  	s18 =	sld [smem:$0x3FFB];
	_ =	sdelay $0x3  }
0x98: {  	_ =	strace s18  }
0x99: {  	s4 =	sld [smem:$0x3FFC];
	_ =	sdelay $0x3  }
0x9a: {  	_ =	strace s4  }
0x9b: {  	s4 =	sld [smem:$0x3FFD];
	_ =	sdelay $0x3  }
0x9c: {  	_ =	strace s4  }
0x9d: {  	_ =	strace $0x8FFFFFFF  }
0x9e: {  	s19 =	sld [smem:$0x3FDB];
	_ =	sdelay $0x1  }
0x9f: {  	s5 =	simm.s32 $_scs_section_size  }
0xa0: {  	s6 =	simm.s32 $_size__tile_overlayer_lowered;
	s7 =	simm.s32 $_tile_overlayer_lowered  }
0xa1: {  	s22 =	simm.s32 $0x1BFF;
	s21 =	sshll.u32 s7, $0x1;
	s4 =	sadd.s32 s5, s19  }
0xa2: {  	s8 =	simm.s32 $0x0;
	s20 =	sshll.u32 s6, $0x1;
	s6 =	sadd.s32 s21, s4  }
0xa3: {  	[timem:s8], [sflag:s22] =	dma.local [hbm:s6], s20  }
0xa4: {  	_ =	swait.ge [sflag:s22], s20  }
0xa5: {  	s5 =	ssub.s32 $0x0, s20;
	[sflag:s22] =	ssyncset.done $0x0  }
0xa6: {  	[sflag:s22] =	ssyncadd.s32 s5;
	_ =	sdelay $0x1  }
0xa7: {  	s23 =	simm.s32 $0x1B8B  }
0xa8: {  	_ =	swait.ge [sflag:s23], $0x1  }
0xa9: {  	[sflag:s23] =	ssyncset.done $0x0  }
0xaa: {  	s25 =	simm.s32 $0x1B8E;
	s24 =	sld [smem:$0x3FFE];
	[sflag:s23] =	ssyncadd.s32 $0xFFFFFFFF  }
0xab: {  	s26 =	simm.s32 $execute0_lowered;
	[smem:$0x3FD2] =	sst s25  }
0xac: {  	s6 =	sshll.u32 s26, $0x1;
	_ =	strace $0x80000046;
	[dreg:$0x1] =	wrdreg $0xFFFFFFFF  }
0xad: {  	s28 =	simm.s32 $_size_execute0_lowered;
	s4 =	sadd.s32 s4, s6;
	[dreg:$0x0] =	wrdreg $0x0  }
0xae: {  	s6 =	sshll.u32 s28, $0x1;
	[dreg:$0x2] =	wrdreg s4  }
0xaf: {  	[dreg:$0x3] =	wrdreg s6  }
0xb0: {  	[dreg:$0x4] =	wrdreg $0xC0  }
0xb1: {  	_ =	task [dreg:s8], $0x5FFFF  }
0xb2: {  	[dreg:$0x1] =	wrdreg $0xFFFFFFFF  }
0xb3: {  	[dreg:$0x0] =	wrdreg $0x60  }
0xb4: {  	[dreg:$0x2] =	wrdreg s24  }
0xb5: {  	[dreg:$0x3] =	wrdreg s16  }
0xb6: {  	[dreg:$0x4] =	wrdreg s17  }
0xb7: {  	[dreg:$0x5] =	wrdreg $0x30000  }
0xb8: {  	[dreg:$0x6] =	wrdreg $0x9  }
0xb9: {  	_ =	task.clear_ibuf [dreg:s8], $0x7FFFF;
	_ =	strace $0x90000046  }
0xba: {  	s29 =	simm.s32 $0x9;
	_ =	strace $0x80000048  }
0xbb: {  	_ =	swait.ge [sflag:s29], $0x1  }
0xbc: {  	[sflag:s29] =	ssyncadd.s32 $0xFFFFFFFF  }
0xbd: {  	_ =	strace $0x90000048  }
0xbe: {  	_ =	sfence  }
0xbf: {  	s30 =	sld [smem:$0x0];
	_ =	sdelay $0x2  }
0xc0: {  	s31 =	sshll.u32 s1, $0xD;
	s1 =	sshrl.u32 s1, $0x2  }
0xc1: {  	s3 =	sand.u32 $0x4000, s31;
	s1 =	sadd.s32 s1, s30  }
0xc2: {  	s0 =	sor.u32 s3, s0;
	s1 =	sshll.u32 s1, $0x11  }
0xc3: {  	s0 =	sor.u32 s1, s0  }
0xc4: {  	s0 =	sadd.s32 $0x8F2B, s0  }
0xc5: {  	[sflag:s0] =	ssyncadd.remote.s32 $0x1  }
0xc6: {  	_ =	sfence.sel $0xFFFF  }
0xc7: {  	[dreg:$0x0] =	wrdreg $0xFFFFFFFF;
	(pc) =	sbr.abs _section_cstart, $3  }
0xc8: {  	[dreg:$0x1] =	wrdreg $0xFFFFFFFF  }
0xc9: {  	_ =	task.clear_ibuf [dreg:s8], $0x2FFFF;
	_ =	strace $0x9FFFFFFF  }
0xca: {  	(tm) =	ssettm $0x7FFFFFFF  }
0xcb: {  	_ =	shalt  }
tec
execute0_lowered:
.L_overlay_start_1:
0x0: {  	(tag) =	ssettag $0x1  }
0x1: {  	s4 =	rddreg [dreg:$0x0]  }
0x2: {  	s6 =	rddreg [dreg:$0x1]  }
0x3: {  	s0 =	srdreg.scid;
	s7 =	rddreg [dreg:$0x2]  }
0x4: {  	s2 =	rddreg [dreg:$0x3];
	s3 =	simm.s32 $0x0;
	s13 =	simm.s32 $0x80  }
0x5: {  	s14 =	simm.s32 $0x1;
	s5 =	sand.u32 $0x1, s0;
	s0 =	stileid.u32  }
0x6: {  	s15 =	simm.s32 $0x0;
	[smem:$0x7FF] =	sst s3;
	s9 =	smul.u32 $0x2780, s0  }
0x7: {  	s1 =	sshll.u32 s5, $0x4;
	s10 =	ssub.s32 $0x2, s5;
	s5 =	smul.u32 $0x27800, s5  }
0x8: {  	s31 =	sshll.u32 s0, $0x6;
	s1 =	sor.u32 s0, s1;
	s11 =	sshrl.u32 s10, $0x1  }
0x9: {  	s8 =	smul.u32 $0x500, s1;
	s1 =	rddreg [dreg:$0x4];
	_ =	strace $0x80000047  }
0xa: {  	s10 =	ssub.s32 s10, s11;
	s29 =	sadd.s32 s9, s5;
	s30 =	sshrl.u32 s9, $0x3  }
0xb: {  	s12 =	sadd.s32 s9, s2;
	s9 =	simm.s32 $0x2;
	s11 =	sshrl.u32 s29, $0x3  }
0xc: {  	s6 =	sadd.s32 s6, s30;
	s12 =	sshrl.u32 s12, $0x3;
	s8 =	sadd.s32 s8, s4  }
0xd: {  	s4 =	sadd.s32 $0xC600, s4;
	s7 =	sadd.s32 s7, s11;
	s11 =	sor.u32 $0x1C02, s31  }
0xe: {  	s5 =	sadd.s32 $0x2600, s8;
	s8 =	smax.u32 s10, $0x1;
	s10 =	simm.s32 $0x2800  }
.LBB2_1:
0xf: {  	[tilespmem:s3], [sflag:$0x2] =	stream.linear.gather [hbm4b:s5+s3], $0x2800, $0x38;
	[tilespmem:$0x5780] =	vst v63  }
0x10: {  	_ =	swait.ge [sflag:s9], $0x2800  }
0x11: {  	[sflag:s9] =	ssyncset.done $0x0  }
0x12: {  	[sflag:s9] =	ssyncadd.s32 $0xFFFFD800  }
0x13: {  	[tilespmem:s10], [sflag:$0x2] =	stream.linear.gather [hbm4b:s4+s3], $0x800, $0x38;
	[tilespmem:$0x5780] =	vst v63  }
0x14: {  	_ =	swait.ge [sflag:s9], $0x800  }
0x15: {  	[sflag:s9] =	ssyncset.done $0x0  }
0x16: {  	[sflag:s9] =	ssyncadd.s32 $0xFFFFF800  }
0x17: {  	[spmem:s12], [sflag:s11] =	dma.local [hbm:s6], $0x4F0  }
0x18: {  	_ =	swait.ge [sflag:s9], $0x4F0  }
0x19: {  	[sflag:s9] =	ssyncset.done $0x0  }
0x1a: {  	[sflag:s9] =	ssyncadd.s32 $0xFFFFFB10  }
0x1b: {  	s16 =	simm.s32 $0x0;
	[bflag:$0x0] =	sbarrier.arrive $0xFFFF  }
0x1c: {  	[spmem:s2] =	stream.indirect.scatter.add.f32 [tilespmem:s10], [sflag:$0x1], $0x10, s16, s13, $0xb8;
	[tilespmem:$0x5780] =	vst v63  }
0x1d: {  	s24 =	simm.s32 $0x80  }
0x1e: {  	[spmem:s2] =	stream.indirect.scatter.add.f32 [tilespmem:s10], [sflag:$0x1], $0x10, s24, s13, $0xb8;
	[tilespmem:$0x5780] =	vst v63  }
0x1f: {  	s25 =	simm.s32 $0x100  }
0x20: {  	[spmem:s2] =	stream.indirect.scatter.add.f32 [tilespmem:s10], [sflag:$0x1], $0x10, s25, s13, $0xb8;
	[tilespmem:$0x5780] =	vst v63  }
0x21: {  	s26 =	simm.s32 $0x180  }
0x22: {  	[spmem:s2] =	stream.indirect.scatter.add.f32 [tilespmem:s10], [sflag:$0x1], $0x10, s26, s13, $0xb8;
	[tilespmem:$0x5780] =	vst v63  }
0x23: {  	s28 =	simm.s32 $0x200  }
0x24: {  	[spmem:s2] =	stream.indirect.scatter.add.f32 [tilespmem:s10], [sflag:$0x1], $0x10, s28, s13, $0xb8;
	[tilespmem:$0x5780] =	vst v63  }
0x25: {  	s29 =	simm.s32 $0x280  }
0x26: {  	[spmem:s2] =	stream.indirect.scatter.add.f32 [tilespmem:s10], [sflag:$0x1], $0x10, s29, s13, $0xb8;
	[tilespmem:$0x5780] =	vst v63  }
0x27: {  	s30 =	simm.s32 $0x300  }
0x28: {  	[spmem:s2] =	stream.indirect.scatter.add.f32 [tilespmem:s10], [sflag:$0x1], $0x10, s30, s13, $0xb8;
	[tilespmem:$0x5780] =	vst v63  }
0x29: {  	s31 =	simm.s32 $0x380  }
0x2a: {  	[spmem:s2] =	stream.indirect.scatter.add.f32 [tilespmem:s10], [sflag:$0x1], $0x10, s31, s13, $0xb8;
	[tilespmem:$0x5780] =	vst v63  }
0x2b: {  	_ =	swait.ge [sflag:s14], $0x800  }
0x2c: {  	[sflag:s14] =	ssyncset.done $0x0  }
0x2d: {  	[sflag:s14] =	ssyncadd.s32 $0xFFFFF800  }
0x2e: {  	_ =	swait.ge [sflag:s14], $0x800  }
0x2f: {  	[sflag:s14] =	ssyncset.done $0x0  }
0x30: {  	[sflag:s14] =	ssyncadd.s32 $0xFFFFF800  }
0x31: {  	_ =	swait.ge [sflag:s14], $0x800  }
0x32: {  	[sflag:s14] =	ssyncset.done $0x0  }
0x33: {  	[sflag:s14] =	ssyncadd.s32 $0xFFFFF800  }
0x34: {  	_ =	swait.ge [sflag:s14], $0x800  }
0x35: {  	[sflag:s14] =	ssyncset.done $0x0  }
0x36: {  	[sflag:s14] =	ssyncadd.s32 $0xFFFFF800  }
0x37: {  	_ =	swait.ge [sflag:s14], $0x800  }
0x38: {  	[sflag:s14] =	ssyncset.done $0x0  }
0x39: {  	[sflag:s14] =	ssyncadd.s32 $0xFFFFF800  }
0x3a: {  	_ =	swait.ge [sflag:s14], $0x800  }
0x3b: {  	[sflag:s14] =	ssyncset.done $0x0  }
0x3c: {  	[sflag:s14] =	ssyncadd.s32 $0xFFFFF800  }
0x3d: {  	_ =	swait.ge [sflag:s14], $0x800  }
0x3e: {  	[sflag:s14] =	ssyncset.done $0x0  }
0x3f: {  	[sflag:s14] =	ssyncadd.s32 $0xFFFFF800  }
0x40: {  	_ =	swait.ge [sflag:s14], $0x800  }
0x41: {  	s18 =	simm.s32 $0x2000;
	s16 =	simm.s32 $0x1000;
	[sflag:s14] =	ssyncset.done $0x0  }
.LBB2_2:
0x42: {  	s19 =	sshra.s32 s16, $0x2  }
0x43: {  	[sflag:s14] =	ssyncadd.s32 $0xFFFFF800;
	s16 =	smov.u32 s18;
	s17 =	sadd.s32 $0x1000, s18  }
0x44: {  	[spmem:s2] =	stream.indirect.scatter.add.f32 [tilespmem:s10], [sflag:$0x1], $0x10, s19, s13, $0xb8;
	[tilespmem:$0x5780] =	vst v63  }
0x45: {  	p0 =	sne.s32 s18, $0x9000;
	s18 =	sadd.s32 $0x80, s19  }
0x46: {  	[spmem:s2] =	stream.indirect.scatter.add.f32 [tilespmem:s10], [sflag:$0x1], $0x10, s18, s13, $0xb8;
	[tilespmem:$0x5780] =	vst v63  }
0x47: {  	s18 =	sadd.s32 $0x100, s19  }
0x48: {  	[spmem:s2] =	stream.indirect.scatter.add.f32 [tilespmem:s10], [sflag:$0x1], $0x10, s18, s13, $0xb8;
	[tilespmem:$0x5780] =	vst v63  }
0x49: {  	s18 =	sadd.s32 $0x180, s19  }
0x4a: {  	[spmem:s2] =	stream.indirect.scatter.add.f32 [tilespmem:s10], [sflag:$0x1], $0x10, s18, s13, $0xb8;
	[tilespmem:$0x5780] =	vst v63  }
0x4b: {  	s18 =	sadd.s32 $0x200, s19  }
0x4c: {  	[spmem:s2] =	stream.indirect.scatter.add.f32 [tilespmem:s10], [sflag:$0x1], $0x10, s18, s13, $0xb8;
	[tilespmem:$0x5780] =	vst v63  }
0x4d: {  	s18 =	sadd.s32 $0x280, s19  }
0x4e: {  	[spmem:s2] =	stream.indirect.scatter.add.f32 [tilespmem:s10], [sflag:$0x1], $0x10, s18, s13, $0xb8;
	[tilespmem:$0x5780] =	vst v63  }
0x4f: {  	s18 =	sadd.s32 $0x300, s19  }
0x50: {  	[spmem:s2] =	stream.indirect.scatter.add.f32 [tilespmem:s10], [sflag:$0x1], $0x10, s18, s13, $0xb8;
	[tilespmem:$0x5780] =	vst v63  }
0x51: {  	s18 =	sadd.s32 $0x380, s19  }
0x52: {  	[spmem:s2] =	stream.indirect.scatter.add.f32 [tilespmem:s10], [sflag:$0x1], $0x10, s18, s13, $0xb8;
	[tilespmem:$0x5780] =	vst v63  }
0x53: {  	_ =	swait.ge [sflag:s14], $0x800  }
0x54: {  	[sflag:s14] =	ssyncset.done $0x0  }
0x55: {  	[sflag:s14] =	ssyncadd.s32 $0xFFFFF800  }
0x56: {  	_ =	swait.ge [sflag:s14], $0x800  }
0x57: {  	[sflag:s14] =	ssyncset.done $0x0  }
0x58: {  	[sflag:s14] =	ssyncadd.s32 $0xFFFFF800  }
0x59: {  	_ =	swait.ge [sflag:s14], $0x800  }
0x5a: {  	[sflag:s14] =	ssyncset.done $0x0  }
0x5b: {  	[sflag:s14] =	ssyncadd.s32 $0xFFFFF800  }
0x5c: {  	_ =	swait.ge [sflag:s14], $0x800  }
0x5d: {  	[sflag:s14] =	ssyncset.done $0x0  }
0x5e: {  	[sflag:s14] =	ssyncadd.s32 $0xFFFFF800  }
0x5f: {  	_ =	swait.ge [sflag:s14], $0x800  }
0x60: {  	[sflag:s14] =	ssyncset.done $0x0  }
0x61: {  	[sflag:s14] =	ssyncadd.s32 $0xFFFFF800  }
0x62: {  	_ =	swait.ge [sflag:s14], $0x800  }
0x63: {  	[sflag:s14] =	ssyncset.done $0x0  }
0x64: {  	[sflag:s14] =	ssyncadd.s32 $0xFFFFF800  }
.Ltmp0:
0x65: {  	_ =	swait.ge [sflag:s14], $0x800;
	(pc) =	sbr.rel @p0 .LBB2_2-.Ltmp0, $4  }
0x66: {  	[sflag:s14] =	ssyncset.done $0x0  }
0x67: {  	[sflag:s14] =	ssyncadd.s32 $0xFFFFF800  }
0x68: {  	_ =	swait.ge [sflag:s14], $0x800  }
0x69: {  	s18 =	smov.u32 s17;
	[sflag:s14] =	ssyncset.done $0x0  }
0x6a: {  	s16 =	sshra.s32 s16, $0x2;
	[sflag:s14] =	ssyncadd.s32 $0xFFFFF800  }
0x6b: {  	[spmem:s2] =	stream.indirect.scatter.add.f32 [tilespmem:s10], [sflag:$0x1], $0x10, s16, s13, $0xb8;
	[tilespmem:$0x5780] =	vst v63  }
0x6c: {  	s17 =	sadd.s32 $0x80, s16  }
0x6d: {  	[spmem:s2] =	stream.indirect.scatter.add.f32 [tilespmem:s10], [sflag:$0x1], $0x10, s17, s13, $0xb8;
	[tilespmem:$0x5780] =	vst v63  }
0x6e: {  	s26 =	sadd.s32 $0x100, s16  }
0x6f: {  	[spmem:s2] =	stream.indirect.scatter.add.f32 [tilespmem:s10], [sflag:$0x1], $0x10, s26, s13, $0xb8;
	[tilespmem:$0x5780] =	vst v63  }
0x70: {  	s28 =	sadd.s32 $0x180, s16  }
0x71: {  	[spmem:s2] =	stream.indirect.scatter.add.f32 [tilespmem:s10], [sflag:$0x1], $0x10, s28, s13, $0xb8;
	[tilespmem:$0x5780] =	vst v63  }
0x72: {  	s29 =	sadd.s32 $0x200, s16  }
0x73: {  	[spmem:s2] =	stream.indirect.scatter.add.f32 [tilespmem:s10], [sflag:$0x1], $0x10, s29, s13, $0xb8;
	[tilespmem:$0x5780] =	vst v63  }
0x74: {  	s30 =	sadd.s32 $0x280, s16  }
0x75: {  	[spmem:s2] =	stream.indirect.scatter.add.f32 [tilespmem:s10], [sflag:$0x1], $0x10, s30, s13, $0xb8;
	[tilespmem:$0x5780] =	vst v63  }
0x76: {  	s31 =	sadd.s32 $0x300, s16  }
0x77: {  	[spmem:s2] =	stream.indirect.scatter.add.f32 [tilespmem:s10], [sflag:$0x1], $0x10, s31, s13, $0xb8;
	[tilespmem:$0x5780] =	vst v63  }
0x78: {  	s16 =	sadd.s32 $0x380, s16  }
0x79: {  	[spmem:s2] =	stream.indirect.scatter.add.f32 [tilespmem:s10], [sflag:$0x1], $0x10, s16, s13, $0xb8;
	[tilespmem:$0x5780] =	vst v63  }
0x7a: {  	_ =	swait.ge [sflag:s14], $0x800  }
0x7b: {  	[sflag:s14] =	ssyncset.done $0x0  }
0x7c: {  	[sflag:s14] =	ssyncadd.s32 $0xFFFFF800  }
0x7d: {  	_ =	swait.ge [sflag:s14], $0x800  }
0x7e: {  	[sflag:s14] =	ssyncset.done $0x0  }
0x7f: {  	[sflag:s14] =	ssyncadd.s32 $0xFFFFF800  }
0x80: {  	_ =	swait.ge [sflag:s14], $0x800  }
0x81: {  	[sflag:s14] =	ssyncset.done $0x0  }
0x82: {  	[sflag:s14] =	ssyncadd.s32 $0xFFFFF800  }
0x83: {  	_ =	swait.ge [sflag:s14], $0x800  }
0x84: {  	[sflag:s14] =	ssyncset.done $0x0  }
0x85: {  	[sflag:s14] =	ssyncadd.s32 $0xFFFFF800  }
0x86: {  	_ =	swait.ge [sflag:s14], $0x800  }
0x87: {  	[sflag:s14] =	ssyncset.done $0x0  }
0x88: {  	[sflag:s14] =	ssyncadd.s32 $0xFFFFF800  }
0x89: {  	_ =	swait.ge [sflag:s14], $0x800  }
0x8a: {  	[sflag:s14] =	ssyncset.done $0x0  }
0x8b: {  	[sflag:s14] =	ssyncadd.s32 $0xFFFFF800  }
0x8c: {  	_ =	swait.ge [sflag:s14], $0x800  }
0x8d: {  	[sflag:s14] =	ssyncset.done $0x0  }
0x8e: {  	[sflag:s14] =	ssyncadd.s32 $0xFFFFF800  }
0x8f: {  	_ =	swait.ge [sflag:s14], $0x800  }
0x90: {  	s15 =	sadd.s32 $0x1, s15;
	[sflag:s14] =	ssyncset.done $0x0  }
0x91: {  	p0 =	sne.s32 s15, s8;
	[sflag:s14] =	ssyncadd.s32 $0xFFFFF800  }
.Ltmp1:
0x92: {  	[bflag:$0x0] =	sbarrier.arrive $0xFFFF;
	(pc) =	sbr.rel @p0 .LBB2_1-.Ltmp1, $4  }
0x93: {  	[hbm:s7], [sflag:s11] =	dma.local [spmem:s12], $0x4F0  }
0x94: {  	_ =	swait.ge [sflag:s9], $0x4F0  }
0x95: {  	[sflag:s9] =	ssyncset.done $0x0  }
0x96: {  	[sflag:s9] =	ssyncadd.s32 $0xFFFFFB10  }
0x97: {  	_ =	sfence.sel $0x180000  }
0x98: {  	[bflag:$0x0] =	sbarrier.arrive $0xFFFF  }
0x99: {  	p0 =	sne.s32 s0, $0x0;
	_ =	strace $0x90000047  }
0x9a: {  	s0 =	sadd.s32 @!p0 $0x100000, s1;
	[bflag:$0x2] =	sbarrier.arrive $0xFFFF  }
0x9b: {  	[sflag:s0] =	ssyncadd.tile.s32 @!p0 $0x1;
	_ =	shalt  }
.Lfunc_end2:
_tile_overlayer_lowered:
.L_overlay_start_2:
0x9c: {  	(tag) =	ssettag $0x2  }
0x9d: {  	s0 =	rddreg [dreg:$0x0];
	s2 =	stileid.u32  }
0x9e: {  	s1 =	rddreg [dreg:$0x1];
	p0 =	sne.s32 s2, $0x0  }
0x9f: {  	s3 =	rddreg [dreg:$0x2];
	[bflag:$0x3] =	sbarrier.arrive $0xFFFF;
	s2 =	simm.s32 @!p0 $0x1C02  }
0xa0: {  	[timem:s3], [sflag:s2] =	dma.local @!p0 [hbm:s0], s1  }
0xa1: {  	s0 =	simm.s32 @!p0 $0x2  }
0xa2: {  	_ =	swait.ge @!p0 [sflag:s0], s1  }
0xa3: {  	s1 =	ssub.s32 @!p0 $0x0, s1;
	[sflag:s0] =	ssyncset.done @!p0 $0x0  }
0xa4: {  	[sflag:s0] =	ssyncadd.s32 @!p0 s1  }
0xa5: {  	[bflag:$0x3] =	sbarrier.arrive $0xFFFF  }
0xa6: {  	_ =	shalt  }

</sc_bundles>
